<compile_context>
chip_gen: v7x
topology: tpu7x:2x2x1
jax: 0.10.2.dev20260603
libtpu: 0.0.44.dev20260713+nightly
codegen_flags: <defaults>
</compile_context>

<pallas_src>
import functools

import jax
import jax.numpy as jnp
from jax import lax
from jax.experimental import pallas as pl
from jax.experimental.pallas import tpu as pltpu
from jax.experimental.pallas import tpu_sc as plsc
from jax._src.pallas import mpmd as pl_mpmd

BATCH = 1024
SEQ = 200
EMBED_DIM = 64
N = BATCH * SEQ

NC, NS = 2, 16
NW = NC * NS
ROWS_PER_W = N // NW
GROUP_ROWS = 640
NGROUPS = ROWS_PER_W // GROUP_ROWS
IDX_W = 128


def _half_lookup(ids_hbm, tab_hbm, out_hbm, col0,
                 idx_v, rows_a, rows_b, sem_a, sem_b, sem_oa, sem_ob):
    c = lax.axis_index("c")
    s = lax.axis_index("s")
    wid = s * NC + c
    pltpu.sync_copy(ids_hbm.at[pl.ds(wid * ROWS_PER_W, ROWS_PER_W)], idx_v)
    row_base = wid * ROWS_PER_W

    bufs = (rows_a, rows_b)
    sems = (sem_a, sem_b)
    gathers = [None] * NGROUPS
    out_pending = [None, None]

    def _issue(g):
        buf, sem = bufs[g % 2], sems[g % 2]
        gathers[g] = [
            pltpu.async_copy(
                tab_hbm.at[idx_v.at[pl.ds(g * GROUP_ROWS + j * IDX_W, IDX_W)]],
                buf.at[pl.ds(j * IDX_W, IDX_W)], sem)
            for j in range(GROUP_ROWS // IDX_W)
        ]

    def _drain_and_write(g):
        for cp in gathers[g]:
            cp.wait()
        dst = pl.ds(row_base + g * GROUP_ROWS, GROUP_ROWS)
        out_pending[g % 2] = pltpu.async_copy(
            bufs[g % 2], out_hbm.at[dst, pl.ds(col0, EMBED_DIM)],
            (sem_oa, sem_ob)[g % 2])

    for g in range(NGROUPS):
        if out_pending[g % 2] is not None:
            out_pending[g % 2].wait()
        _issue(g)
        if g >= 1:
            _drain_and_write(g - 1)
    _drain_and_write(NGROUPS - 1)
    out_pending[0].wait()
    out_pending[1].wait()


def _pos_body(pids_hbm, ptab_hbm, out_hbm, ptab_sh, pidx_v,
              rows_a, rows_b, sem_a, sem_b, sem_oa, sem_ob):
    s = lax.axis_index("s")

    @pl.when(s == 0)
    def _load():
        pltpu.sync_copy(ptab_hbm, ptab_sh)

    plsc.subcore_barrier()
    _half_lookup(pids_hbm, ptab_sh, out_hbm, EMBED_DIM, pidx_v,
                 rows_a, rows_b, sem_a, sem_b, sem_oa, sem_ob)


def _word_body(wids_hbm, wtab_hbm, prior_hbm, out_hbm, widx_v,
               rows_a, rows_b, sem_a, sem_b, sem_oa, sem_ob):
    del prior_hbm
    _half_lookup(wids_hbm, wtab_hbm, out_hbm, 0, widx_v,
                 rows_a, rows_b, sem_a, sem_b, sem_oa, sem_ob)


_MESH = plsc.VectorSubcoreMesh(core_axis_name="c", subcore_axis_name="s")
_CPARAMS = pltpu.CompilerParams(use_tc_tiling_on_sc=False)
_SCRATCH = [
    pltpu.VMEM((ROWS_PER_W,), jnp.int32),
    pltpu.VMEM((GROUP_ROWS, EMBED_DIM), jnp.float32),
    pltpu.VMEM((GROUP_ROWS, EMBED_DIM), jnp.float32),
    pltpu.SemaphoreType.DMA,
    pltpu.SemaphoreType.DMA,
    pltpu.SemaphoreType.DMA,
    pltpu.SemaphoreType.DMA,
]

_pos_call = functools.partial(
    pl.kernel,
    out_type=jax.ShapeDtypeStruct((N, 2 * EMBED_DIM), jnp.float32),
    mesh=_MESH,
    compiler_params=_CPARAMS,
    scratch_types=[pltpu.VMEM_SHARED((512, EMBED_DIM), jnp.float32)] + _SCRATCH,
)(_pos_body)

_word_call = pl_mpmd._mpmd_map(
    [(_MESH, _word_body)],
    out_types=jax.ShapeDtypeStruct((N, 2 * EMBED_DIM), jnp.float32),
    input_output_aliases={2: 0},
    scratch_types=_SCRATCH,
    compiler_params=_CPARAMS,
    name="word_half",
)


def kernel(input_ids, position_ids, word_table, pos_table):
    wids = input_ids.astype(jnp.int32).reshape(N) * 2
    pids = position_ids.astype(jnp.int32).reshape(N)
    proj = jnp.concatenate(
        [jnp.eye(EMBED_DIM, dtype=jnp.float32),
         jnp.zeros((EMBED_DIM, EMBED_DIM), dtype=jnp.float32)], axis=1)
    wt128 = jax.lax.dot(word_table, proj)
    wt2 = wt128.reshape(2 * word_table.shape[0], EMBED_DIM)
    out_pos = _pos_call(pids, pos_table)
    out = _word_call(wids, wt2, out_pos)
    return out.reshape(BATCH, SEQ, 2 * EMBED_DIM)

# --- scband reference (transcript-rebuilt; emitter-appended) ---
"""Pipeline reference for scband-word-embedding-20581483282953 (READ-ONLY COPY).

The authoritative reference and input builder live on the scoring server;
editing this copy changes nothing except your own understanding.
"""

import jax, jax.numpy as jnp
import numpy as np

VOCAB = 1000000
EMBED_DIM = 64
NUM_POS = 512
POS_DIM = 64
BATCH = 1024
SEQ = 200

def setup_inputs(seed: int = 0) -> dict:
    key = jax.random.key(seed)
    k1, k2, k3, k4 = jax.random.split(key, 4)
    input_ids = jax.random.randint(k1, (BATCH, SEQ), 0, VOCAB, dtype=jnp.int64 if jax.config.jax_enable_x64 else jnp.int32)
    position_ids = jax.random.randint(k2, (BATCH, SEQ), 0, NUM_POS, dtype=jnp.int64 if jax.config.jax_enable_x64 else jnp.int32)
    word_table = jax.random.normal(k3, (VOCAB, EMBED_DIM), dtype=jnp.float32) * 0.02
    # padding_idx=0 -> row 0 zeroed like nn.Embedding(padding_idx=0)
    word_table = word_table.at[0].set(0.0)
    pos_table = jax.random.normal(k4, (NUM_POS, POS_DIM), dtype=jnp.float32) * 0.02
    return {"input_ids": input_ids, "position_ids": position_ids, "word_table": word_table, "pos_table": pos_table}

def reference(input_ids, position_ids, word_table, pos_table):
    # Faithful translation of WordEmbedding.forward (dropout is identity at inference)
    inputs_embeds = jnp.take(word_table, input_ids, axis=0)       # [B, S, EMBED_DIM]
    position_embeds = jnp.take(pos_table, position_ids, axis=0)   # [B, S, POS_DIM]
    embeds = jnp.concatenate((inputs_embeds, position_embeds), axis=-1)  # [B, S, EMBED_DIM+POS_DIM]
    return embeds

if __name__ == "__main__":
    import jax
    _d = setup_inputs()
    print(jax.jit(kernel)(*tuple(_d.values())))

</pallas_src>

<mosaic_0001>
#map = affine_map<(d0, d1) -> (0)>
#map1 = affine_map<(d0, d1) -> (0, 0)>
module attributes {stable_mosaic.version = 14 : i64} {
  func.func @word_half(%arg0: i32, %arg1: i32, %arg2: memref<204800xi32, #tpu.memory_space<hbm>>, %arg3: memref<2000000x64xf32, #tpu.memory_space<hbm>>, %arg4: memref<204800x128xf32, #tpu.memory_space<hbm>>, %arg5: memref<204800x128xf32, #tpu.memory_space<hbm>>, %arg6: memref<6400xi32, #tpu.memory_space<vmem>>, %arg7: memref<640x64xf32, #tpu.memory_space<vmem>>, %arg8: memref<640x64xf32, #tpu.memory_space<vmem>>, %arg9: memref<!tpu.dma_semaphore, #tpu.memory_space<semaphore_mem>>, %arg10: memref<!tpu.dma_semaphore, #tpu.memory_space<semaphore_mem>>, %arg11: memref<!tpu.dma_semaphore, #tpu.memory_space<semaphore_mem>>, %arg12: memref<!tpu.dma_semaphore, #tpu.memory_space<semaphore_mem>>) attributes {dimension_semantics = [#tpu.dimension_semantics<core_parallel>, #tpu.dimension_semantics<subcore_parallel>], iteration_bounds = array<i64: 2, 16>, scalar_prefetch = 0 : i64, scratch_operands = 7 : i64, tpu.core_type = #tpu.core_type<sc_vector_subcore>, window_params = [{transform_indices = #map}, {transform_indices = #map1}, {transform_indices = #map1}, {transform_indices = #map1}]} {
    %mul3A = arith.constant 2 : i32
    %mul3A_0 = arith.muli %arg1, %mul3A : i32
    %add3A = arith.addi %mul3A_0, %arg0 : i32
    %mul3A_1 = arith.constant 6400 : i32
    %mul3A_2 = arith.muli %add3A, %mul3A_1 : i32
    "tpu.region"() ({
      %run_scoped3A = tpu.sem_alloc : memref<!tpu.dma_semaphore, #tpu.memory_space<semaphore_mem>>
      %dma_start3A_903 = tpu.memref_slice %arg2[%mul3A_2] : memref<204800xi32, #tpu.memory_space<hbm>> -> memref<6400xi32, #tpu.memory_space<hbm>>
      %dma_start3A_904 = tpu.memref_slice %arg2[%mul3A_2] : memref<204800xi32, #tpu.memory_space<hbm>> -> memref<6400xi32, #tpu.memory_space<hbm>>
      tpu.enqueue_dma source(%dma_start3A_904 : memref<6400xi32, #tpu.memory_space<hbm>>) target(%arg6 : memref<6400xi32, #tpu.memory_space<vmem>>) target_semaphore(%run_scoped3A : memref<!tpu.dma_semaphore, #tpu.memory_space<semaphore_mem>>)
      %dma_wait3A_905 = tpu.memref_slice %arg2[%mul3A_2] : memref<204800xi32, #tpu.memory_space<hbm>> -> memref<6400xi32, #tpu.memory_space<hbm>>
      %dma_wait3A_906 = tpu.memref_slice %arg2[%mul3A_2] : memref<204800xi32, #tpu.memory_space<hbm>> -> memref<6400xi32, #tpu.memory_space<hbm>>
      tpu.wait_dma2 semaphore(%run_scoped3A : memref<!tpu.dma_semaphore, #tpu.memory_space<semaphore_mem>>) src(%dma_wait3A_906 : memref<6400xi32, #tpu.memory_space<hbm>>) dst(%arg6 : memref<6400xi32, #tpu.memory_space<vmem>>)
      tpu.yield
    }) : () -> ()
    %mul3A_3 = arith.constant 6400 : i32
    %mul3A_4 = arith.muli %add3A, %mul3A_3 : i32
    %dma_start3A = arith.constant 0 : i32
    %dma_start3A_5 = arith.constant 0 : i32
    %dma_start3A_6 = tpu.memref_slice %arg7[%dma_start3A, %dma_start3A_5] : memref<640x64xf32, #tpu.memory_space<vmem>> -> memref<128x64xf32, #tpu.memory_space<vmem>>
    %dma_start3A_7 = arith.constant 0 : i32
    %dma_start3A_8 = tpu.memref_slice %arg6[%dma_start3A_7] : memref<6400xi32, #tpu.memory_space<vmem>> -> memref<128xi32, #tpu.memory_space<vmem>>
    %dma_start3A_9 = arith.constant 0 : i32
    %dma_start3A_10 = arith.constant 0 : i32
    %dma_start3A_11 = tpu.memref_slice %arg3[%dma_start3A_9, %dma_start3A_10] : memref<2000000x64xf32, #tpu.memory_space<hbm>> -> memref<2000000x64xf32, #tpu.memory_space<hbm>>
    tpu.enqueue_indirect_dma source(%dma_start3A_11 : memref<2000000x64xf32, #tpu.memory_space<hbm>>) target(%dma_start3A_6 : memref<128x64xf32, #tpu.memory_space<vmem>>) offsets(%dma_start3A_8 : memref<128xi32, #tpu.memory_space<vmem>>) semaphore(%arg9 : memref<!tpu.dma_semaphore, #tpu.memory_space<semaphore_mem>>)
    %dma_start3A_12 = arith.constant 128 : i32
    %dma_start3A_13 = arith.constant 0 : i32
    %dma_start3A_14 = tpu.memref_slice %arg7[%dma_start3A_12, %dma_start3A_13] : memref<640x64xf32, #tpu.memory_space<vmem>> -> memref<128x64xf32, #tpu.memory_space<vmem>>
    %dma_start3A_15 = arith.constant 128 : i32
    %dma_start3A_16 = tpu.memref_slice %arg6[%dma_start3A_15] : memref<6400xi32, #tpu.memory_space<vmem>> -> memref<128xi32, #tpu.memory_space<vmem>>
    %dma_start3A_17 = arith.constant 0 : i32
    %dma_start3A_18 = arith.constant 0 : i32
    %dma_start3A_19 = tpu.memref_slice %arg3[%dma_start3A_17, %dma_start3A_18] : memref<2000000x64xf32, #tpu.memory_space<hbm>> -> memref<2000000x64xf32, #tpu.memory_space<hbm>>
    tpu.enqueue_indirect_dma source(%dma_start3A_19 : memref<2000000x64xf32, #tpu.memory_space<hbm>>) target(%dma_start3A_14 : memref<128x64xf32, #tpu.memory_space<vmem>>) offsets(%dma_start3A_16 : memref<128xi32, #tpu.memory_space<vmem>>) semaphore(%arg9 : memref<!tpu.dma_semaphore, #tpu.memory_space<semaphore_mem>>)
    %dma_start3A_20 = arith.constant 256 : i32
    %dma_start3A_21 = arith.constant 0 : i32
    %dma_start3A_22 = tpu.memref_slice %arg7[%dma_start3A_20, %dma_start3A_21] : memref<640x64xf32, #tpu.memory_space<vmem>> -> memref<128x64xf32, #tpu.memory_space<vmem>>
    %dma_start3A_23 = arith.constant 256 : i32
    %dma_start3A_24 = tpu.memref_slice %arg6[%dma_start3A_23] : memref<6400xi32, #tpu.memory_space<vmem>> -> memref<128xi32, #tpu.memory_space<vmem>>
    %dma_start3A_25 = arith.constant 0 : i32
    %dma_start3A_26 = arith.constant 0 : i32
    %dma_start3A_27 = tpu.memref_slice %arg3[%dma_start3A_25, %dma_start3A_26] : memref<2000000x64xf32, #tpu.memory_space<hbm>> -> memref<2000000x64xf32, #tpu.memory_space<hbm>>
    tpu.enqueue_indirect_dma source(%dma_start3A_27 : memref<2000000x64xf32, #tpu.memory_space<hbm>>) target(%dma_start3A_22 : memref<128x64xf32, #tpu.memory_space<vmem>>) offsets(%dma_start3A_24 : memref<128xi32, #tpu.memory_space<vmem>>) semaphore(%arg9 : memref<!tpu.dma_semaphore, #tpu.memory_space<semaphore_mem>>)
    %dma_start3A_28 = arith.constant 384 : i32
    %dma_start3A_29 = arith.constant 0 : i32
    %dma_start3A_30 = tpu.memref_slice %arg7[%dma_start3A_28, %dma_start3A_29] : memref<640x64xf32, #tpu.memory_space<vmem>> -> memref<128x64xf32, #tpu.memory_space<vmem>>
    %dma_start3A_31 = arith.constant 384 : i32
    %dma_start3A_32 = tpu.memref_slice %arg6[%dma_start3A_31] : memref<6400xi32, #tpu.memory_space<vmem>> -> memref<128xi32, #tpu.memory_space<vmem>>
    %dma_start3A_33 = arith.constant 0 : i32
    %dma_start3A_34 = arith.constant 0 : i32
    %dma_start3A_35 = tpu.memref_slice %arg3[%dma_start3A_33, %dma_start3A_34] : memref<2000000x64xf32, #tpu.memory_space<hbm>> -> memref<2000000x64xf32, #tpu.memory_space<hbm>>
    tpu.enqueue_indirect_dma source(%dma_start3A_35 : memref<2000000x64xf32, #tpu.memory_space<hbm>>) target(%dma_start3A_30 : memref<128x64xf32, #tpu.memory_space<vmem>>) offsets(%dma_start3A_32 : memref<128xi32, #tpu.memory_space<vmem>>) semaphore(%arg9 : memref<!tpu.dma_semaphore, #tpu.memory_space<semaphore_mem>>)
    %dma_start3A_36 = arith.constant 512 : i32
    %dma_start3A_37 = arith.constant 0 : i32
    %dma_start3A_38 = tpu.memref_slice %arg7[%dma_start3A_36, %dma_start3A_37] : memref<640x64xf32, #tpu.memory_space<vmem>> -> memref<128x64xf32, #tpu.memory_space<vmem>>
    %dma_start3A_39 = arith.constant 512 : i32
    %dma_start3A_40 = tpu.memref_slice %arg6[%dma_start3A_39] : memref<6400xi32, #tpu.memory_space<vmem>> -> memref<128xi32, #tpu.memory_space<vmem>>
    %dma_start3A_41 = arith.constant 0 : i32
    %dma_start3A_42 = arith.constant 0 : i32
    %dma_start3A_43 = tpu.memref_slice %arg3[%dma_start3A_41, %dma_start3A_42] : memref<2000000x64xf32, #tpu.memory_space<hbm>> -> memref<2000000x64xf32, #tpu.memory_space<hbm>>
    tpu.enqueue_indirect_dma source(%dma_start3A_43 : memref<2000000x64xf32, #tpu.memory_space<hbm>>) target(%dma_start3A_38 : memref<128x64xf32, #tpu.memory_space<vmem>>) offsets(%dma_start3A_40 : memref<128xi32, #tpu.memory_space<vmem>>) semaphore(%arg9 : memref<!tpu.dma_semaphore, #tpu.memory_space<semaphore_mem>>)
    %dma_start3A_44 = arith.constant 0 : i32
    %dma_start3A_45 = arith.constant 0 : i32
    %dma_start3A_46 = tpu.memref_slice %arg8[%dma_start3A_44, %dma_start3A_45] : memref<640x64xf32, #tpu.memory_space<vmem>> -> memref<128x64xf32, #tpu.memory_space<vmem>>
    %dma_start3A_47 = arith.constant 640 : i32
    %dma_start3A_48 = tpu.memref_slice %arg6[%dma_start3A_47] : memref<6400xi32, #tpu.memory_space<vmem>> -> memref<128xi32, #tpu.memory_space<vmem>>
    %dma_start3A_49 = arith.constant 0 : i32
    %dma_start3A_50 = arith.constant 0 : i32
    %dma_start3A_51 = tpu.memref_slice %arg3[%dma_start3A_49, %dma_start3A_50] : memref<2000000x64xf32, #tpu.memory_space<hbm>> -> memref<2000000x64xf32, #tpu.memory_space<hbm>>
    tpu.enqueue_indirect_dma source(%dma_start3A_51 : memref<2000000x64xf32, #tpu.memory_space<hbm>>) target(%dma_start3A_46 : memref<128x64xf32, #tpu.memory_space<vmem>>) offsets(%dma_start3A_48 : memref<128xi32, #tpu.memory_space<vmem>>) semaphore(%arg10 : memref<!tpu.dma_semaphore, #tpu.memory_space<semaphore_mem>>)
    %dma_start3A_52 = arith.constant 128 : i32
    %dma_start3A_53 = arith.constant 0 : i32
    %dma_start3A_54 = tpu.memref_slice %arg8[%dma_start3A_52, %dma_start3A_53] : memref<640x64xf32, #tpu.memory_space<vmem>> -> memref<128x64xf32, #tpu.memory_space<vmem>>
    %dma_start3A_55 = arith.constant 768 : i32
    %dma_start3A_56 = tpu.memref_slice %arg6[%dma_start3A_55] : memref<6400xi32, #tpu.memory_space<vmem>> -> memref<128xi32, #tpu.memory_space<vmem>>
    %dma_start3A_57 = arith.constant 0 : i32
    %dma_start3A_58 = arith.constant 0 : i32
    %dma_start3A_59 = tpu.memref_slice %arg3[%dma_start3A_57, %dma_start3A_58] : memref<2000000x64xf32, #tpu.memory_space<hbm>> -> memref<2000000x64xf32, #tpu.memory_space<hbm>>
    tpu.enqueue_indirect_dma source(%dma_start3A_59 : memref<2000000x64xf32, #tpu.memory_space<hbm>>) target(%dma_start3A_54 : memref<128x64xf32, #tpu.memory_space<vmem>>) offsets(%dma_start3A_56 : memref<128xi32, #tpu.memory_space<vmem>>) semaphore(%arg10 : memref<!tpu.dma_semaphore, #tpu.memory_space<semaphore_mem>>)
    %dma_start3A_60 = arith.constant 256 : i32
    %dma_start3A_61 = arith.constant 0 : i32
    %dma_start3A_62 = tpu.memref_slice %arg8[%dma_start3A_60, %dma_start3A_61] : memref<640x64xf32, #tpu.memory_space<vmem>> -> memref<128x64xf32, #tpu.memory_space<vmem>>
    %dma_start3A_63 = arith.constant 896 : i32
    %dma_start3A_64 = tpu.memref_slice %arg6[%dma_start3A_63] : memref<6400xi32, #tpu.memory_space<vmem>> -> memref<128xi32, #tpu.memory_space<vmem>>
    %dma_start3A_65 = arith.constant 0 : i32
    %dma_start3A_66 = arith.constant 0 : i32
    %dma_start3A_67 = tpu.memref_slice %arg3[%dma_start3A_65, %dma_start3A_66] : memref<2000000x64xf32, #tpu.memory_space<hbm>> -> memref<2000000x64xf32, #tpu.memory_space<hbm>>
    tpu.enqueue_indirect_dma source(%dma_start3A_67 : memref<2000000x64xf32, #tpu.memory_space<hbm>>) target(%dma_start3A_62 : memref<128x64xf32, #tpu.memory_space<vmem>>) offsets(%dma_start3A_64 : memref<128xi32, #tpu.memory_space<vmem>>) semaphore(%arg10 : memref<!tpu.dma_semaphore, #tpu.memory_space<semaphore_mem>>)
    %dma_start3A_68 = arith.constant 384 : i32
    %dma_start3A_69 = arith.constant 0 : i32
    %dma_start3A_70 = tpu.memref_slice %arg8[%dma_start3A_68, %dma_start3A_69] : memref<640x64xf32, #tpu.memory_space<vmem>> -> memref<128x64xf32, #tpu.memory_space<vmem>>
    %dma_start3A_71 = arith.constant 1024 : i32
    %dma_start3A_72 = tpu.memref_slice %arg6[%dma_start3A_71] : memref<6400xi32, #tpu.memory_space<vmem>> -> memref<128xi32, #tpu.memory_space<vmem>>
    %dma_start3A_73 = arith.constant 0 : i32
    %dma_start3A_74 = arith.constant 0 : i32
    %dma_start3A_75 = tpu.memref_slice %arg3[%dma_start3A_73, %dma_start3A_74] : memref<2000000x64xf32, #tpu.memory_space<hbm>> -> memref<2000000x64xf32, #tpu.memory_space<hbm>>
    tpu.enqueue_indirect_dma source(%dma_start3A_75 : memref<2000000x64xf32, #tpu.memory_space<hbm>>) target(%dma_start3A_70 : memref<128x64xf32, #tpu.memory_space<vmem>>) offsets(%dma_start3A_72 : memref<128xi32, #tpu.memory_space<vmem>>) semaphore(%arg10 : memref<!tpu.dma_semaphore, #tpu.memory_space<semaphore_mem>>)
    %dma_start3A_76 = arith.constant 512 : i32
    %dma_start3A_77 = arith.constant 0 : i32
    %dma_start3A_78 = tpu.memref_slice %arg8[%dma_start3A_76, %dma_start3A_77] : memref<640x64xf32, #tpu.memory_space<vmem>> -> memref<128x64xf32, #tpu.memory_space<vmem>>
    %dma_start3A_79 = arith.constant 1152 : i32
    %dma_start3A_80 = tpu.memref_slice %arg6[%dma_start3A_79] : memref<6400xi32, #tpu.memory_space<vmem>> -> memref<128xi32, #tpu.memory_space<vmem>>
    %dma_start3A_81 = arith.constant 0 : i32
    %dma_start3A_82 = arith.constant 0 : i32
    %dma_start3A_83 = tpu.memref_slice %arg3[%dma_start3A_81, %dma_start3A_82] : memref<2000000x64xf32, #tpu.memory_space<hbm>> -> memref<2000000x64xf32, #tpu.memory_space<hbm>>
    tpu.enqueue_indirect_dma source(%dma_start3A_83 : memref<2000000x64xf32, #tpu.memory_space<hbm>>) target(%dma_start3A_78 : memref<128x64xf32, #tpu.memory_space<vmem>>) offsets(%dma_start3A_80 : memref<128xi32, #tpu.memory_space<vmem>>) semaphore(%arg10 : memref<!tpu.dma_semaphore, #tpu.memory_space<semaphore_mem>>)
    %dma_wait3A = arith.constant 0 : i32
    %dma_wait3A_84 = arith.constant 0 : i32
    %dma_wait3A_85 = tpu.memref_slice %arg7[%dma_wait3A, %dma_wait3A_84] : memref<640x64xf32, #tpu.memory_space<vmem>> -> memref<128x64xf32, #tpu.memory_space<vmem>>
    %dma_wait3A_86 = arith.constant 0 : i32
    %dma_wait3A_87 = tpu.memref_slice %arg6[%dma_wait3A_86] : memref<6400xi32, #tpu.memory_space<vmem>> -> memref<128xi32, #tpu.memory_space<vmem>>
    %dma_wait3A_88 = arith.constant 0 : i32
    %dma_wait3A_89 = arith.constant 0 : i32
    %dma_wait3A_90 = tpu.memref_slice %arg3[%dma_wait3A_88, %dma_wait3A_89] : memref<2000000x64xf32, #tpu.memory_space<hbm>> -> memref<2000000x64xf32, #tpu.memory_space<hbm>>
    tpu.wait_indirect_dma semaphore(%arg9 : memref<!tpu.dma_semaphore, #tpu.memory_space<semaphore_mem>>) src(%dma_wait3A_90 : memref<2000000x64xf32, #tpu.memory_space<hbm>>) dst(%dma_wait3A_85 : memref<128x64xf32, #tpu.memory_space<vmem>>)
    %dma_wait3A_91 = arith.constant 128 : i32
    %dma_wait3A_92 = arith.constant 0 : i32
    %dma_wait3A_93 = tpu.memref_slice %arg7[%dma_wait3A_91, %dma_wait3A_92] : memref<640x64xf32, #tpu.memory_space<vmem>> -> memref<128x64xf32, #tpu.memory_space<vmem>>
    %dma_wait3A_94 = arith.constant 128 : i32
    %dma_wait3A_95 = tpu.memref_slice %arg6[%dma_wait3A_94] : memref<6400xi32, #tpu.memory_space<vmem>> -> memref<128xi32, #tpu.memory_space<vmem>>
    %dma_wait3A_96 = arith.constant 0 : i32
    %dma_wait3A_97 = arith.constant 0 : i32
    %dma_wait3A_98 = tpu.memref_slice %arg3[%dma_wait3A_96, %dma_wait3A_97] : memref<2000000x64xf32, #tpu.memory_space<hbm>> -> memref<2000000x64xf32, #tpu.memory_space<hbm>>
    tpu.wait_indirect_dma semaphore(%arg9 : memref<!tpu.dma_semaphore, #tpu.memory_space<semaphore_mem>>) src(%dma_wait3A_98 : memref<2000000x64xf32, #tpu.memory_space<hbm>>) dst(%dma_wait3A_93 : memref<128x64xf32, #tpu.memory_space<vmem>>)
    %dma_wait3A_99 = arith.constant 256 : i32
    %dma_wait3A_100 = arith.constant 0 : i32
    %dma_wait3A_101 = tpu.memref_slice %arg7[%dma_wait3A_99, %dma_wait3A_100] : memref<640x64xf32, #tpu.memory_space<vmem>> -> memref<128x64xf32, #tpu.memory_space<vmem>>
    %dma_wait3A_102 = arith.constant 256 : i32
    %dma_wait3A_103 = tpu.memref_slice %arg6[%dma_wait3A_102] : memref<6400xi32, #tpu.memory_space<vmem>> -> memref<128xi32, #tpu.memory_space<vmem>>
    %dma_wait3A_104 = arith.constant 0 : i32
    %dma_wait3A_105 = arith.constant 0 : i32
    %dma_wait3A_106 = tpu.memref_slice %arg3[%dma_wait3A_104, %dma_wait3A_105] : memref<2000000x64xf32, #tpu.memory_space<hbm>> -> memref<2000000x64xf32, #tpu.memory_space<hbm>>
    tpu.wait_indirect_dma semaphore(%arg9 : memref<!tpu.dma_semaphore, #tpu.memory_space<semaphore_mem>>) src(%dma_wait3A_106 : memref<2000000x64xf32, #tpu.memory_space<hbm>>) dst(%dma_wait3A_101 : memref<128x64xf32, #tpu.memory_space<vmem>>)
    %dma_wait3A_107 = arith.constant 384 : i32
    %dma_wait3A_108 = arith.constant 0 : i32
    %dma_wait3A_109 = tpu.memref_slice %arg7[%dma_wait3A_107, %dma_wait3A_108] : memref<640x64xf32, #tpu.memory_space<vmem>> -> memref<128x64xf32, #tpu.memory_space<vmem>>
    %dma_wait3A_110 = arith.constant 384 : i32
    %dma_wait3A_111 = tpu.memref_slice %arg6[%dma_wait3A_110] : memref<6400xi32, #tpu.memory_space<vmem>> -> memref<128xi32, #tpu.memory_space<vmem>>
    %dma_wait3A_112 = arith.constant 0 : i32
    %dma_wait3A_113 = arith.constant 0 : i32
    %dma_wait3A_114 = tpu.memref_slice %arg3[%dma_wait3A_112, %dma_wait3A_113] : memref<2000000x64xf32, #tpu.memory_space<hbm>> -> memref<2000000x64xf32, #tpu.memory_space<hbm>>
    tpu.wait_indirect_dma semaphore(%arg9 : memref<!tpu.dma_semaphore, #tpu.memory_space<semaphore_mem>>) src(%dma_wait3A_114 : memref<2000000x64xf32, #tpu.memory_space<hbm>>) dst(%dma_wait3A_109 : memref<128x64xf32, #tpu.memory_space<vmem>>)
    %dma_wait3A_115 = arith.constant 512 : i32
    %dma_wait3A_116 = arith.constant 0 : i32
    %dma_wait3A_117 = tpu.memref_slice %arg7[%dma_wait3A_115, %dma_wait3A_116] : memref<640x64xf32, #tpu.memory_space<vmem>> -> memref<128x64xf32, #tpu.memory_space<vmem>>
    %dma_wait3A_118 = arith.constant 512 : i32
    %dma_wait3A_119 = tpu.memref_slice %arg6[%dma_wait3A_118] : memref<6400xi32, #tpu.memory_space<vmem>> -> memref<128xi32, #tpu.memory_space<vmem>>
    %dma_wait3A_120 = arith.constant 0 : i32
    %dma_wait3A_121 = arith.constant 0 : i32
    %dma_wait3A_122 = tpu.memref_slice %arg3[%dma_wait3A_120, %dma_wait3A_121] : memref<2000000x64xf32, #tpu.memory_space<hbm>> -> memref<2000000x64xf32, #tpu.memory_space<hbm>>
    tpu.wait_indirect_dma semaphore(%arg9 : memref<!tpu.dma_semaphore, #tpu.memory_space<semaphore_mem>>) src(%dma_wait3A_122 : memref<2000000x64xf32, #tpu.memory_space<hbm>>) dst(%dma_wait3A_117 : memref<128x64xf32, #tpu.memory_space<vmem>>)
    %add3A_123 = arith.constant 0 : i32
    %add3A_124 = arith.addi %mul3A_4, %add3A_123 : i32
    %dma_start3A_125 = arith.constant 0 : i32
    %dma_start3A_126 = tpu.memref_slice %arg5[%add3A_124, %dma_start3A_125] : memref<204800x128xf32, #tpu.memory_space<hbm>> -> memref<640x64xf32, #tpu.memory_space<hbm>>
    %dma_start3A_127 = arith.constant 0 : i32
    %dma_start3A_128 = tpu.memref_slice %arg5[%add3A_124, %dma_start3A_127] : memref<204800x128xf32, #tpu.memory_space<hbm>> -> memref<640x64xf32, #tpu.memory_space<hbm>>
    tpu.enqueue_dma source(%arg7 : memref<640x64xf32, #tpu.memory_space<vmem>>) target(%dma_start3A_128 : memref<640x64xf32, #tpu.memory_space<hbm>>) target_semaphore(%arg11 : memref<!tpu.dma_semaphore, #tpu.memory_space<semaphore_mem>>)
    %dma_wait3A_129 = arith.constant 0 : i32
    %dma_wait3A_130 = tpu.memref_slice %arg5[%add3A_124, %dma_wait3A_129] : memref<204800x128xf32, #tpu.memory_space<hbm>> -> memref<640x64xf32, #tpu.memory_space<hbm>>
    %dma_wait3A_131 = arith.constant 0 : i32
    %dma_wait3A_132 = tpu.memref_slice %arg5[%add3A_124, %dma_wait3A_131] : memref<204800x128xf32, #tpu.memory_space<hbm>> -> memref<640x64xf32, #tpu.memory_space<hbm>>
    tpu.wait_dma2 semaphore(%arg11 : memref<!tpu.dma_semaphore, #tpu.memory_space<semaphore_mem>>) src(%arg7 : memref<640x64xf32, #tpu.memory_space<vmem>>) dst(%dma_wait3A_132 : memref<640x64xf32, #tpu.memory_space<hbm>>)
    %dma_start3A_133 = arith.constant 0 : i32
    %dma_start3A_134 = arith.constant 0 : i32
    %dma_start3A_135 = tpu.memref_slice %arg7[%dma_start3A_133, %dma_start3A_134] : memref<640x64xf32, #tpu.memory_space<vmem>> -> memref<128x64xf32, #tpu.memory_space<vmem>>
    %dma_start3A_136 = arith.constant 1280 : i32
    %dma_start3A_137 = tpu.memref_slice %arg6[%dma_start3A_136] : memref<6400xi32, #tpu.memory_space<vmem>> -> memref<128xi32, #tpu.memory_space<vmem>>
    %dma_start3A_138 = arith.constant 0 : i32
    %dma_start3A_139 = arith.constant 0 : i32
    %dma_start3A_140 = tpu.memref_slice %arg3[%dma_start3A_138, %dma_start3A_139] : memref<2000000x64xf32, #tpu.memory_space<hbm>> -> memref<2000000x64xf32, #tpu.memory_space<hbm>>
    tpu.enqueue_indirect_dma source(%dma_start3A_140 : memref<2000000x64xf32, #tpu.memory_space<hbm>>) target(%dma_start3A_135 : memref<128x64xf32, #tpu.memory_space<vmem>>) offsets(%dma_start3A_137 : memref<128xi32, #tpu.memory_space<vmem>>) semaphore(%arg9 : memref<!tpu.dma_semaphore, #tpu.memory_space<semaphore_mem>>)
    %dma_start3A_141 = arith.constant 128 : i32
    %dma_start3A_142 = arith.constant 0 : i32
    %dma_start3A_143 = tpu.memref_slice %arg7[%dma_start3A_141, %dma_start3A_142] : memref<640x64xf32, #tpu.memory_space<vmem>> -> memref<128x64xf32, #tpu.memory_space<vmem>>
    %dma_start3A_144 = arith.constant 1408 : i32
    %dma_start3A_145 = tpu.memref_slice %arg6[%dma_start3A_144] : memref<6400xi32, #tpu.memory_space<vmem>> -> memref<128xi32, #tpu.memory_space<vmem>>
    %dma_start3A_146 = arith.constant 0 : i32
    %dma_start3A_147 = arith.constant 0 : i32
    %dma_start3A_148 = tpu.memref_slice %arg3[%dma_start3A_146, %dma_start3A_147] : memref<2000000x64xf32, #tpu.memory_space<hbm>> -> memref<2000000x64xf32, #tpu.memory_space<hbm>>
    tpu.enqueue_indirect_dma source(%dma_start3A_148 : memref<2000000x64xf32, #tpu.memory_space<hbm>>) target(%dma_start3A_143 : memref<128x64xf32, #tpu.memory_space<vmem>>) offsets(%dma_start3A_145 : memref<128xi32, #tpu.memory_space<vmem>>) semaphore(%arg9 : memref<!tpu.dma_semaphore, #tpu.memory_space<semaphore_mem>>)
    %dma_start3A_149 = arith.constant 256 : i32
    %dma_start3A_150 = arith.constant 0 : i32
    %dma_start3A_151 = tpu.memref_slice %arg7[%dma_start3A_149, %dma_start3A_150] : memref<640x64xf32, #tpu.memory_space<vmem>> -> memref<128x64xf32, #tpu.memory_space<vmem>>
    %dma_start3A_152 = arith.constant 1536 : i32
    %dma_start3A_153 = tpu.memref_slice %arg6[%dma_start3A_152] : memref<6400xi32, #tpu.memory_space<vmem>> -> memref<128xi32, #tpu.memory_space<vmem>>
    %dma_start3A_154 = arith.constant 0 : i32
    %dma_start3A_155 = arith.constant 0 : i32
    %dma_start3A_156 = tpu.memref_slice %arg3[%dma_start3A_154, %dma_start3A_155] : memref<2000000x64xf32, #tpu.memory_space<hbm>> -> memref<2000000x64xf32, #tpu.memory_space<hbm>>
    tpu.enqueue_indirect_dma source(%dma_start3A_156 : memref<2000000x64xf32, #tpu.memory_space<hbm>>) target(%dma_start3A_151 : memref<128x64xf32, #tpu.memory_space<vmem>>) offsets(%dma_start3A_153 : memref<128xi32, #tpu.memory_space<vmem>>) semaphore(%arg9 : memref<!tpu.dma_semaphore, #tpu.memory_space<semaphore_mem>>)
    %dma_start3A_157 = arith.constant 384 : i32
    %dma_start3A_158 = arith.constant 0 : i32
    %dma_start3A_159 = tpu.memref_slice %arg7[%dma_start3A_157, %dma_start3A_158] : memref<640x64xf32, #tpu.memory_space<vmem>> -> memref<128x64xf32, #tpu.memory_space<vmem>>
    %dma_start3A_160 = arith.constant 1664 : i32
    %dma_start3A_161 = tpu.memref_slice %arg6[%dma_start3A_160] : memref<6400xi32, #tpu.memory_space<vmem>> -> memref<128xi32, #tpu.memory_space<vmem>>
    %dma_start3A_162 = arith.constant 0 : i32
    %dma_start3A_163 = arith.constant 0 : i32
    %dma_start3A_164 = tpu.memref_slice %arg3[%dma_start3A_162, %dma_start3A_163] : memref<2000000x64xf32, #tpu.memory_space<hbm>> -> memref<2000000x64xf32, #tpu.memory_space<hbm>>
    tpu.enqueue_indirect_dma source(%dma_start3A_164 : memref<2000000x64xf32, #tpu.memory_space<hbm>>) target(%dma_start3A_159 : memref<128x64xf32, #tpu.memory_space<vmem>>) offsets(%dma_start3A_161 : memref<128xi32, #tpu.memory_space<vmem>>) semaphore(%arg9 : memref<!tpu.dma_semaphore, #tpu.memory_space<semaphore_mem>>)
    %dma_start3A_165 = arith.constant 512 : i32
    %dma_start3A_166 = arith.constant 0 : i32
    %dma_start3A_167 = tpu.memref_slice %arg7[%dma_start3A_165, %dma_start3A_166] : memref<640x64xf32, #tpu.memory_space<vmem>> -> memref<128x64xf32, #tpu.memory_space<vmem>>
    %dma_start3A_168 = arith.constant 1792 : i32
    %dma_start3A_169 = tpu.memref_slice %arg6[%dma_start3A_168] : memref<6400xi32, #tpu.memory_space<vmem>> -> memref<128xi32, #tpu.memory_space<vmem>>
    %dma_start3A_170 = arith.constant 0 : i32
    %dma_start3A_171 = arith.constant 0 : i32
    %dma_start3A_172 = tpu.memref_slice %arg3[%dma_start3A_170, %dma_start3A_171] : memref<2000000x64xf32, #tpu.memory_space<hbm>> -> memref<2000000x64xf32, #tpu.memory_space<hbm>>
    tpu.enqueue_indirect_dma source(%dma_start3A_172 : memref<2000000x64xf32, #tpu.memory_space<hbm>>) target(%dma_start3A_167 : memref<128x64xf32, #tpu.memory_space<vmem>>) offsets(%dma_start3A_169 : memref<128xi32, #tpu.memory_space<vmem>>) semaphore(%arg9 : memref<!tpu.dma_semaphore, #tpu.memory_space<semaphore_mem>>)
    %dma_wait3A_173 = arith.constant 0 : i32
    %dma_wait3A_174 = arith.constant 0 : i32
    %dma_wait3A_175 = tpu.memref_slice %arg8[%dma_wait3A_173, %dma_wait3A_174] : memref<640x64xf32, #tpu.memory_space<vmem>> -> memref<128x64xf32, #tpu.memory_space<vmem>>
    %dma_wait3A_176 = arith.constant 640 : i32
    %dma_wait3A_177 = tpu.memref_slice %arg6[%dma_wait3A_176] : memref<6400xi32, #tpu.memory_space<vmem>> -> memref<128xi32, #tpu.memory_space<vmem>>
    %dma_wait3A_178 = arith.constant 0 : i32
    %dma_wait3A_179 = arith.constant 0 : i32
    %dma_wait3A_180 = tpu.memref_slice %arg3[%dma_wait3A_178, %dma_wait3A_179] : memref<2000000x64xf32, #tpu.memory_space<hbm>> -> memref<2000000x64xf32, #tpu.memory_space<hbm>>
    tpu.wait_indirect_dma semaphore(%arg10 : memref<!tpu.dma_semaphore, #tpu.memory_space<semaphore_mem>>) src(%dma_wait3A_180 : memref<2000000x64xf32, #tpu.memory_space<hbm>>) dst(%dma_wait3A_175 : memref<128x64xf32, #tpu.memory_space<vmem>>)
    %dma_wait3A_181 = arith.constant 128 : i32
    %dma_wait3A_182 = arith.constant 0 : i32
    %dma_wait3A_183 = tpu.memref_slice %arg8[%dma_wait3A_181, %dma_wait3A_182] : memref<640x64xf32, #tpu.memory_space<vmem>> -> memref<128x64xf32, #tpu.memory_space<vmem>>
    %dma_wait3A_184 = arith.constant 768 : i32
    %dma_wait3A_185 = tpu.memref_slice %arg6[%dma_wait3A_184] : memref<6400xi32, #tpu.memory_space<vmem>> -> memref<128xi32, #tpu.memory_space<vmem>>
    %dma_wait3A_186 = arith.constant 0 : i32
    %dma_wait3A_187 = arith.constant 0 : i32
    %dma_wait3A_188 = tpu.memref_slice %arg3[%dma_wait3A_186, %dma_wait3A_187] : memref<2000000x64xf32, #tpu.memory_space<hbm>> -> memref<2000000x64xf32, #tpu.memory_space<hbm>>
    tpu.wait_indirect_dma semaphore(%arg10 : memref<!tpu.dma_semaphore, #tpu.memory_space<semaphore_mem>>) src(%dma_wait3A_188 : memref<2000000x64xf32, #tpu.memory_space<hbm>>) dst(%dma_wait3A_183 : memref<128x64xf32, #tpu.memory_space<vmem>>)
    %dma_wait3A_189 = arith.constant 256 : i32
    %dma_wait3A_190 = arith.constant 0 : i32
    %dma_wait3A_191 = tpu.memref_slice %arg8[%dma_wait3A_189, %dma_wait3A_190] : memref<640x64xf32, #tpu.memory_space<vmem>> -> memref<128x64xf32, #tpu.memory_space<vmem>>
    %dma_wait3A_192 = arith.constant 896 : i32
    %dma_wait3A_193 = tpu.memref_slice %arg6[%dma_wait3A_192] : memref<6400xi32, #tpu.memory_space<vmem>> -> memref<128xi32, #tpu.memory_space<vmem>>
    %dma_wait3A_194 = arith.constant 0 : i32
    %dma_wait3A_195 = arith.constant 0 : i32
    %dma_wait3A_196 = tpu.memref_slice %arg3[%dma_wait3A_194, %dma_wait3A_195] : memref<2000000x64xf32, #tpu.memory_space<hbm>> -> memref<2000000x64xf32, #tpu.memory_space<hbm>>
    tpu.wait_indirect_dma semaphore(%arg10 : memref<!tpu.dma_semaphore, #tpu.memory_space<semaphore_mem>>) src(%dma_wait3A_196 : memref<2000000x64xf32, #tpu.memory_space<hbm>>) dst(%dma_wait3A_191 : memref<128x64xf32, #tpu.memory_space<vmem>>)
    %dma_wait3A_197 = arith.constant 384 : i32
    %dma_wait3A_198 = arith.constant 0 : i32
    %dma_wait3A_199 = tpu.memref_slice %arg8[%dma_wait3A_197, %dma_wait3A_198] : memref<640x64xf32, #tpu.memory_space<vmem>> -> memref<128x64xf32, #tpu.memory_space<vmem>>
    %dma_wait3A_200 = arith.constant 1024 : i32
    %dma_wait3A_201 = tpu.memref_slice %arg6[%dma_wait3A_200] : memref<6400xi32, #tpu.memory_space<vmem>> -> memref<128xi32, #tpu.memory_space<vmem>>
    %dma_wait3A_202 = arith.constant 0 : i32
    %dma_wait3A_203 = arith.constant 0 : i32
    %dma_wait3A_204 = tpu.memref_slice %arg3[%dma_wait3A_202, %dma_wait3A_203] : memref<2000000x64xf32, #tpu.memory_space<hbm>> -> memref<2000000x64xf32, #tpu.memory_space<hbm>>
    tpu.wait_indirect_dma semaphore(%arg10 : memref<!tpu.dma_semaphore, #tpu.memory_space<semaphore_mem>>) src(%dma_wait3A_204 : memref<2000000x64xf32, #tpu.memory_space<hbm>>) dst(%dma_wait3A_199 : memref<128x64xf32, #tpu.memory_space<vmem>>)
    %dma_wait3A_205 = arith.constant 512 : i32
    %dma_wait3A_206 = arith.constant 0 : i32
    %dma_wait3A_207 = tpu.memref_slice %arg8[%dma_wait3A_205, %dma_wait3A_206] : memref<640x64xf32, #tpu.memory_space<vmem>> -> memref<128x64xf32, #tpu.memory_space<vmem>>
    %dma_wait3A_208 = arith.constant 1152 : i32
    %dma_wait3A_209 = tpu.memref_slice %arg6[%dma_wait3A_208] : memref<6400xi32, #tpu.memory_space<vmem>> -> memref<128xi32, #tpu.memory_space<vmem>>
    %dma_wait3A_210 = arith.constant 0 : i32
    %dma_wait3A_211 = arith.constant 0 : i32
    %dma_wait3A_212 = tpu.memref_slice %arg3[%dma_wait3A_210, %dma_wait3A_211] : memref<2000000x64xf32, #tpu.memory_space<hbm>> -> memref<2000000x64xf32, #tpu.memory_space<hbm>>
    tpu.wait_indirect_dma semaphore(%arg10 : memref<!tpu.dma_semaphore, #tpu.memory_space<semaphore_mem>>) src(%dma_wait3A_212 : memref<2000000x64xf32, #tpu.memory_space<hbm>>) dst(%dma_wait3A_207 : memref<128x64xf32, #tpu.memory_space<vmem>>)
    %add3A_213 = arith.constant 640 : i32
    %add3A_214 = arith.addi %mul3A_4, %add3A_213 : i32
    %dma_start3A_215 = arith.constant 0 : i32
    %dma_start3A_216 = tpu.memref_slice %arg5[%add3A_214, %dma_start3A_215] : memref<204800x128xf32, #tpu.memory_space<hbm>> -> memref<640x64xf32, #tpu.memory_space<hbm>>
    %dma_start3A_217 = arith.constant 0 : i32
    %dma_start3A_218 = tpu.memref_slice %arg5[%add3A_214, %dma_start3A_217] : memref<204800x128xf32, #tpu.memory_space<hbm>> -> memref<640x64xf32, #tpu.memory_space<hbm>>
    tpu.enqueue_dma source(%arg8 : memref<640x64xf32, #tpu.memory_space<vmem>>) target(%dma_start3A_218 : memref<640x64xf32, #tpu.memory_space<hbm>>) target_semaphore(%arg12 : memref<!tpu.dma_semaphore, #tpu.memory_space<semaphore_mem>>)
    %dma_wait3A_219 = arith.constant 0 : i32
    %dma_wait3A_220 = tpu.memref_slice %arg5[%add3A_214, %dma_wait3A_219] : memref<204800x128xf32, #tpu.memory_space<hbm>> -> memref<640x64xf32, #tpu.memory_space<hbm>>
    %dma_wait3A_221 = arith.constant 0 : i32
    %dma_wait3A_222 = tpu.memref_slice %arg5[%add3A_214, %dma_wait3A_221] : memref<204800x128xf32, #tpu.memory_space<hbm>> -> memref<640x64xf32, #tpu.memory_space<hbm>>
    tpu.wait_dma2 semaphore(%arg12 : memref<!tpu.dma_semaphore, #tpu.memory_space<semaphore_mem>>) src(%arg8 : memref<640x64xf32, #tpu.memory_space<vmem>>) dst(%dma_wait3A_222 : memref<640x64xf32, #tpu.memory_space<hbm>>)
    %dma_start3A_223 = arith.constant 0 : i32
    %dma_start3A_224 = arith.constant 0 : i32
    %dma_start3A_225 = tpu.memref_slice %arg8[%dma_start3A_223, %dma_start3A_224] : memref<640x64xf32, #tpu.memory_space<vmem>> -> memref<128x64xf32, #tpu.memory_space<vmem>>
    %dma_start3A_226 = arith.constant 1920 : i32
    %dma_start3A_227 = tpu.memref_slice %arg6[%dma_start3A_226] : memref<6400xi32, #tpu.memory_space<vmem>> -> memref<128xi32, #tpu.memory_space<vmem>>
    %dma_start3A_228 = arith.constant 0 : i32
    %dma_start3A_229 = arith.constant 0 : i32
    %dma_start3A_230 = tpu.memref_slice %arg3[%dma_start3A_228, %dma_start3A_229] : memref<2000000x64xf32, #tpu.memory_space<hbm>> -> memref<2000000x64xf32, #tpu.memory_space<hbm>>
    tpu.enqueue_indirect_dma source(%dma_start3A_230 : memref<2000000x64xf32, #tpu.memory_space<hbm>>) target(%dma_start3A_225 : memref<128x64xf32, #tpu.memory_space<vmem>>) offsets(%dma_start3A_227 : memref<128xi32, #tpu.memory_space<vmem>>) semaphore(%arg10 : memref<!tpu.dma_semaphore, #tpu.memory_space<semaphore_mem>>)
    %dma_start3A_231 = arith.constant 128 : i32
    %dma_start3A_232 = arith.constant 0 : i32
    %dma_start3A_233 = tpu.memref_slice %arg8[%dma_start3A_231, %dma_start3A_232] : memref<640x64xf32, #tpu.memory_space<vmem>> -> memref<128x64xf32, #tpu.memory_space<vmem>>
    %dma_start3A_234 = arith.constant 2048 : i32
    %dma_start3A_235 = tpu.memref_slice %arg6[%dma_start3A_234] : memref<6400xi32, #tpu.memory_space<vmem>> -> memref<128xi32, #tpu.memory_space<vmem>>
    %dma_start3A_236 = arith.constant 0 : i32
    %dma_start3A_237 = arith.constant 0 : i32
    %dma_start3A_238 = tpu.memref_slice %arg3[%dma_start3A_236, %dma_start3A_237] : memref<2000000x64xf32, #tpu.memory_space<hbm>> -> memref<2000000x64xf32, #tpu.memory_space<hbm>>
    tpu.enqueue_indirect_dma source(%dma_start3A_238 : memref<2000000x64xf32, #tpu.memory_space<hbm>>) target(%dma_start3A_233 : memref<128x64xf32, #tpu.memory_space<vmem>>) offsets(%dma_start3A_235 : memref<128xi32, #tpu.memory_space<vmem>>) semaphore(%arg10 : memref<!tpu.dma_semaphore, #tpu.memory_space<semaphore_mem>>)
    %dma_start3A_239 = arith.constant 256 : i32
    %dma_start3A_240 = arith.constant 0 : i32
    %dma_start3A_241 = tpu.memref_slice %arg8[%dma_start3A_239, %dma_start3A_240] : memref<640x64xf32, #tpu.memory_space<vmem>> -> memref<128x64xf32, #tpu.memory_space<vmem>>
    %dma_start3A_242 = arith.constant 2176 : i32
    %dma_start3A_243 = tpu.memref_slice %arg6[%dma_start3A_242] : memref<6400xi32, #tpu.memory_space<vmem>> -> memref<128xi32, #tpu.memory_space<vmem>>
    %dma_start3A_244 = arith.constant 0 : i32
    %dma_start3A_245 = arith.constant 0 : i32
    %dma_start3A_246 = tpu.memref_slice %arg3[%dma_start3A_244, %dma_start3A_245] : memref<2000000x64xf32, #tpu.memory_space<hbm>> -> memref<2000000x64xf32, #tpu.memory_space<hbm>>
    tpu.enqueue_indirect_dma source(%dma_start3A_246 : memref<2000000x64xf32, #tpu.memory_space<hbm>>) target(%dma_start3A_241 : memref<128x64xf32, #tpu.memory_space<vmem>>) offsets(%dma_start3A_243 : memref<128xi32, #tpu.memory_space<vmem>>) semaphore(%arg10 : memref<!tpu.dma_semaphore, #tpu.memory_space<semaphore_mem>>)
    %dma_start3A_247 = arith.constant 384 : i32
    %dma_start3A_248 = arith.constant 0 : i32
    %dma_start3A_249 = tpu.memref_slice %arg8[%dma_start3A_247, %dma_start3A_248] : memref<640x64xf32, #tpu.memory_space<vmem>> -> memref<128x64xf32, #tpu.memory_space<vmem>>
    %dma_start3A_250 = arith.constant 2304 : i32
    %dma_start3A_251 = tpu.memref_slice %arg6[%dma_start3A_250] : memref<6400xi32, #tpu.memory_space<vmem>> -> memref<128xi32, #tpu.memory_space<vmem>>
    %dma_start3A_252 = arith.constant 0 : i32
    %dma_start3A_253 = arith.constant 0 : i32
    %dma_start3A_254 = tpu.memref_slice %arg3[%dma_start3A_252, %dma_start3A_253] : memref<2000000x64xf32, #tpu.memory_space<hbm>> -> memref<2000000x64xf32, #tpu.memory_space<hbm>>
    tpu.enqueue_indirect_dma source(%dma_start3A_254 : memref<2000000x64xf32, #tpu.memory_space<hbm>>) target(%dma_start3A_249 : memref<128x64xf32, #tpu.memory_space<vmem>>) offsets(%dma_start3A_251 : memref<128xi32, #tpu.memory_space<vmem>>) semaphore(%arg10 : memref<!tpu.dma_semaphore, #tpu.memory_space<semaphore_mem>>)
    %dma_start3A_255 = arith.constant 512 : i32
    %dma_start3A_256 = arith.constant 0 : i32
    %dma_start3A_257 = tpu.memref_slice %arg8[%dma_start3A_255, %dma_start3A_256] : memref<640x64xf32, #tpu.memory_space<vmem>> -> memref<128x64xf32, #tpu.memory_space<vmem>>
    %dma_start3A_258 = arith.constant 2432 : i32
    %dma_start3A_259 = tpu.memref_slice %arg6[%dma_start3A_258] : memref<6400xi32, #tpu.memory_space<vmem>> -> memref<128xi32, #tpu.memory_space<vmem>>
    %dma_start3A_260 = arith.constant 0 : i32
    %dma_start3A_261 = arith.constant 0 : i32
    %dma_start3A_262 = tpu.memref_slice %arg3[%dma_start3A_260, %dma_start3A_261] : memref<2000000x64xf32, #tpu.memory_space<hbm>> -> memref<2000000x64xf32, #tpu.memory_space<hbm>>
    tpu.enqueue_indirect_dma source(%dma_start3A_262 : memref<2000000x64xf32, #tpu.memory_space<hbm>>) target(%dma_start3A_257 : memref<128x64xf32, #tpu.memory_space<vmem>>) offsets(%dma_start3A_259 : memref<128xi32, #tpu.memory_space<vmem>>) semaphore(%arg10 : memref<!tpu.dma_semaphore, #tpu.memory_space<semaphore_mem>>)
    %dma_wait3A_263 = arith.constant 0 : i32
    %dma_wait3A_264 = arith.constant 0 : i32
    %dma_wait3A_265 = tpu.memref_slice %arg7[%dma_wait3A_263, %dma_wait3A_264] : memref<640x64xf32, #tpu.memory_space<vmem>> -> memref<128x64xf32, #tpu.memory_space<vmem>>
    %dma_wait3A_266 = arith.constant 1280 : i32
    %dma_wait3A_267 = tpu.memref_slice %arg6[%dma_wait3A_266] : memref<6400xi32, #tpu.memory_space<vmem>> -> memref<128xi32, #tpu.memory_space<vmem>>
    %dma_wait3A_268 = arith.constant 0 : i32
    %dma_wait3A_269 = arith.constant 0 : i32
    %dma_wait3A_270 = tpu.memref_slice %arg3[%dma_wait3A_268, %dma_wait3A_269] : memref<2000000x64xf32, #tpu.memory_space<hbm>> -> memref<2000000x64xf32, #tpu.memory_space<hbm>>
    tpu.wait_indirect_dma semaphore(%arg9 : memref<!tpu.dma_semaphore, #tpu.memory_space<semaphore_mem>>) src(%dma_wait3A_270 : memref<2000000x64xf32, #tpu.memory_space<hbm>>) dst(%dma_wait3A_265 : memref<128x64xf32, #tpu.memory_space<vmem>>)
    %dma_wait3A_271 = arith.constant 128 : i32
    %dma_wait3A_272 = arith.constant 0 : i32
    %dma_wait3A_273 = tpu.memref_slice %arg7[%dma_wait3A_271, %dma_wait3A_272] : memref<640x64xf32, #tpu.memory_space<vmem>> -> memref<128x64xf32, #tpu.memory_space<vmem>>
    %dma_wait3A_274 = arith.constant 1408 : i32
    %dma_wait3A_275 = tpu.memref_slice %arg6[%dma_wait3A_274] : memref<6400xi32, #tpu.memory_space<vmem>> -> memref<128xi32, #tpu.memory_space<vmem>>
    %dma_wait3A_276 = arith.constant 0 : i32
    %dma_wait3A_277 = arith.constant 0 : i32
    %dma_wait3A_278 = tpu.memref_slice %arg3[%dma_wait3A_276, %dma_wait3A_277] : memref<2000000x64xf32, #tpu.memory_space<hbm>> -> memref<2000000x64xf32, #tpu.memory_space<hbm>>
    tpu.wait_indirect_dma semaphore(%arg9 : memref<!tpu.dma_semaphore, #tpu.memory_space<semaphore_mem>>) src(%dma_wait3A_278 : memref<2000000x64xf32, #tpu.memory_space<hbm>>) dst(%dma_wait3A_273 : memref<128x64xf32, #tpu.memory_space<vmem>>)
    %dma_wait3A_279 = arith.constant 256 : i32
    %dma_wait3A_280 = arith.constant 0 : i32
    %dma_wait3A_281 = tpu.memref_slice %arg7[%dma_wait3A_279, %dma_wait3A_280] : memref<640x64xf32, #tpu.memory_space<vmem>> -> memref<128x64xf32, #tpu.memory_space<vmem>>
    %dma_wait3A_282 = arith.constant 1536 : i32
    %dma_wait3A_283 = tpu.memref_slice %arg6[%dma_wait3A_282] : memref<6400xi32, #tpu.memory_space<vmem>> -> memref<128xi32, #tpu.memory_space<vmem>>
    %dma_wait3A_284 = arith.constant 0 : i32
    %dma_wait3A_285 = arith.constant 0 : i32
    %dma_wait3A_286 = tpu.memref_slice %arg3[%dma_wait3A_284, %dma_wait3A_285] : memref<2000000x64xf32, #tpu.memory_space<hbm>> -> memref<2000000x64xf32, #tpu.memory_space<hbm>>
    tpu.wait_indirect_dma semaphore(%arg9 : memref<!tpu.dma_semaphore, #tpu.memory_space<semaphore_mem>>) src(%dma_wait3A_286 : memref<2000000x64xf32, #tpu.memory_space<hbm>>) dst(%dma_wait3A_281 : memref<128x64xf32, #tpu.memory_space<vmem>>)
    %dma_wait3A_287 = arith.constant 384 : i32
    %dma_wait3A_288 = arith.constant 0 : i32
    %dma_wait3A_289 = tpu.memref_slice %arg7[%dma_wait3A_287, %dma_wait3A_288] : memref<640x64xf32, #tpu.memory_space<vmem>> -> memref<128x64xf32, #tpu.memory_space<vmem>>
    %dma_wait3A_290 = arith.constant 1664 : i32
    %dma_wait3A_291 = tpu.memref_slice %arg6[%dma_wait3A_290] : memref<6400xi32, #tpu.memory_space<vmem>> -> memref<128xi32, #tpu.memory_space<vmem>>
    %dma_wait3A_292 = arith.constant 0 : i32
    %dma_wait3A_293 = arith.constant 0 : i32
    %dma_wait3A_294 = tpu.memref_slice %arg3[%dma_wait3A_292, %dma_wait3A_293] : memref<2000000x64xf32, #tpu.memory_space<hbm>> -> memref<2000000x64xf32, #tpu.memory_space<hbm>>
    tpu.wait_indirect_dma semaphore(%arg9 : memref<!tpu.dma_semaphore, #tpu.memory_space<semaphore_mem>>) src(%dma_wait3A_294 : memref<2000000x64xf32, #tpu.memory_space<hbm>>) dst(%dma_wait3A_289 : memref<128x64xf32, #tpu.memory_space<vmem>>)
    %dma_wait3A_295 = arith.constant 512 : i32
    %dma_wait3A_296 = arith.constant 0 : i32
    %dma_wait3A_297 = tpu.memref_slice %arg7[%dma_wait3A_295, %dma_wait3A_296] : memref<640x64xf32, #tpu.memory_space<vmem>> -> memref<128x64xf32, #tpu.memory_space<vmem>>
    %dma_wait3A_298 = arith.constant 1792 : i32
    %dma_wait3A_299 = tpu.memref_slice %arg6[%dma_wait3A_298] : memref<6400xi32, #tpu.memory_space<vmem>> -> memref<128xi32, #tpu.memory_space<vmem>>
    %dma_wait3A_300 = arith.constant 0 : i32
    %dma_wait3A_301 = arith.constant 0 : i32
    %dma_wait3A_302 = tpu.memref_slice %arg3[%dma_wait3A_300, %dma_wait3A_301] : memref<2000000x64xf32, #tpu.memory_space<hbm>> -> memref<2000000x64xf32, #tpu.memory_space<hbm>>
    tpu.wait_indirect_dma semaphore(%arg9 : memref<!tpu.dma_semaphore, #tpu.memory_space<semaphore_mem>>) src(%dma_wait3A_302 : memref<2000000x64xf32, #tpu.memory_space<hbm>>) dst(%dma_wait3A_297 : memref<128x64xf32, #tpu.memory_space<vmem>>)
    %add3A_303 = arith.constant 1280 : i32
    %add3A_304 = arith.addi %mul3A_4, %add3A_303 : i32
    %dma_start3A_305 = arith.constant 0 : i32
    %dma_start3A_306 = tpu.memref_slice %arg5[%add3A_304, %dma_start3A_305] : memref<204800x128xf32, #tpu.memory_space<hbm>> -> memref<640x64xf32, #tpu.memory_space<hbm>>
    %dma_start3A_307 = arith.constant 0 : i32
    %dma_start3A_308 = tpu.memref_slice %arg5[%add3A_304, %dma_start3A_307] : memref<204800x128xf32, #tpu.memory_space<hbm>> -> memref<640x64xf32, #tpu.memory_space<hbm>>
    tpu.enqueue_dma source(%arg7 : memref<640x64xf32, #tpu.memory_space<vmem>>) target(%dma_start3A_308 : memref<640x64xf32, #tpu.memory_space<hbm>>) target_semaphore(%arg11 : memref<!tpu.dma_semaphore, #tpu.memory_space<semaphore_mem>>)
    %dma_wait3A_309 = arith.constant 0 : i32
    %dma_wait3A_310 = tpu.memref_slice %arg5[%add3A_304, %dma_wait3A_309] : memref<204800x128xf32, #tpu.memory_space<hbm>> -> memref<640x64xf32, #tpu.memory_space<hbm>>
    %dma_wait3A_311 = arith.constant 0 : i32
    %dma_wait3A_312 = tpu.memref_slice %arg5[%add3A_304, %dma_wait3A_311] : memref<204800x128xf32, #tpu.memory_space<hbm>> -> memref<640x64xf32, #tpu.memory_space<hbm>>
    tpu.wait_dma2 semaphore(%arg11 : memref<!tpu.dma_semaphore, #tpu.memory_space<semaphore_mem>>) src(%arg7 : memref<640x64xf32, #tpu.memory_space<vmem>>) dst(%dma_wait3A_312 : memref<640x64xf32, #tpu.memory_space<hbm>>)
    %dma_start3A_313 = arith.constant 0 : i32
    %dma_start3A_314 = arith.constant 0 : i32
    %dma_start3A_315 = tpu.memref_slice %arg7[%dma_start3A_313, %dma_start3A_314] : memref<640x64xf32, #tpu.memory_space<vmem>> -> memref<128x64xf32, #tpu.memory_space<vmem>>
    %dma_start3A_316 = arith.constant 2560 : i32
    %dma_start3A_317 = tpu.memref_slice %arg6[%dma_start3A_316] : memref<6400xi32, #tpu.memory_space<vmem>> -> memref<128xi32, #tpu.memory_space<vmem>>
    %dma_start3A_318 = arith.constant 0 : i32
    %dma_start3A_319 = arith.constant 0 : i32
    %dma_start3A_320 = tpu.memref_slice %arg3[%dma_start3A_318, %dma_start3A_319] : memref<2000000x64xf32, #tpu.memory_space<hbm>> -> memref<2000000x64xf32, #tpu.memory_space<hbm>>
    tpu.enqueue_indirect_dma source(%dma_start3A_320 : memref<2000000x64xf32, #tpu.memory_space<hbm>>) target(%dma_start3A_315 : memref<128x64xf32, #tpu.memory_space<vmem>>) offsets(%dma_start3A_317 : memref<128xi32, #tpu.memory_space<vmem>>) semaphore(%arg9 : memref<!tpu.dma_semaphore, #tpu.memory_space<semaphore_mem>>)
    %dma_start3A_321 = arith.constant 128 : i32
    %dma_start3A_322 = arith.constant 0 : i32
    %dma_start3A_323 = tpu.memref_slice %arg7[%dma_start3A_321, %dma_start3A_322] : memref<640x64xf32, #tpu.memory_space<vmem>> -> memref<128x64xf32, #tpu.memory_space<vmem>>
    %dma_start3A_324 = arith.constant 2688 : i32
    %dma_start3A_325 = tpu.memref_slice %arg6[%dma_start3A_324] : memref<6400xi32, #tpu.memory_space<vmem>> -> memref<128xi32, #tpu.memory_space<vmem>>
    %dma_start3A_326 = arith.constant 0 : i32
    %dma_start3A_327 = arith.constant 0 : i32
    %dma_start3A_328 = tpu.memref_slice %arg3[%dma_start3A_326, %dma_start3A_327] : memref<2000000x64xf32, #tpu.memory_space<hbm>> -> memref<2000000x64xf32, #tpu.memory_space<hbm>>
    tpu.enqueue_indirect_dma source(%dma_start3A_328 : memref<2000000x64xf32, #tpu.memory_space<hbm>>) target(%dma_start3A_323 : memref<128x64xf32, #tpu.memory_space<vmem>>) offsets(%dma_start3A_325 : memref<128xi32, #tpu.memory_space<vmem>>) semaphore(%arg9 : memref<!tpu.dma_semaphore, #tpu.memory_space<semaphore_mem>>)
    %dma_start3A_329 = arith.constant 256 : i32
    %dma_start3A_330 = arith.constant 0 : i32
    %dma_start3A_331 = tpu.memref_slice %arg7[%dma_start3A_329, %dma_start3A_330] : memref<640x64xf32, #tpu.memory_space<vmem>> -> memref<128x64xf32, #tpu.memory_space<vmem>>
    %dma_start3A_332 = arith.constant 2816 : i32
    %dma_start3A_333 = tpu.memref_slice %arg6[%dma_start3A_332] : memref<6400xi32, #tpu.memory_space<vmem>> -> memref<128xi32, #tpu.memory_space<vmem>>
    %dma_start3A_334 = arith.constant 0 : i32
    %dma_start3A_335 = arith.constant 0 : i32
    %dma_start3A_336 = tpu.memref_slice %arg3[%dma_start3A_334, %dma_start3A_335] : memref<2000000x64xf32, #tpu.memory_space<hbm>> -> memref<2000000x64xf32, #tpu.memory_space<hbm>>
    tpu.enqueue_indirect_dma source(%dma_start3A_336 : memref<2000000x64xf32, #tpu.memory_space<hbm>>) target(%dma_start3A_331 : memref<128x64xf32, #tpu.memory_space<vmem>>) offsets(%dma_start3A_333 : memref<128xi32, #tpu.memory_space<vmem>>) semaphore(%arg9 : memref<!tpu.dma_semaphore, #tpu.memory_space<semaphore_mem>>)
    %dma_start3A_337 = arith.constant 384 : i32
    %dma_start3A_338 = arith.constant 0 : i32
    %dma_start3A_339 = tpu.memref_slice %arg7[%dma_start3A_337, %dma_start3A_338] : memref<640x64xf32, #tpu.memory_space<vmem>> -> memref<128x64xf32, #tpu.memory_space<vmem>>
    %dma_start3A_340 = arith.constant 2944 : i32
    %dma_start3A_341 = tpu.memref_slice %arg6[%dma_start3A_340] : memref<6400xi32, #tpu.memory_space<vmem>> -> memref<128xi32, #tpu.memory_space<vmem>>
    %dma_start3A_342 = arith.constant 0 : i32
    %dma_start3A_343 = arith.constant 0 : i32
    %dma_start3A_344 = tpu.memref_slice %arg3[%dma_start3A_342, %dma_start3A_343] : memref<2000000x64xf32, #tpu.memory_space<hbm>> -> memref<2000000x64xf32, #tpu.memory_space<hbm>>
    tpu.enqueue_indirect_dma source(%dma_start3A_344 : memref<2000000x64xf32, #tpu.memory_space<hbm>>) target(%dma_start3A_339 : memref<128x64xf32, #tpu.memory_space<vmem>>) offsets(%dma_start3A_341 : memref<128xi32, #tpu.memory_space<vmem>>) semaphore(%arg9 : memref<!tpu.dma_semaphore, #tpu.memory_space<semaphore_mem>>)
    %dma_start3A_345 = arith.constant 512 : i32
    %dma_start3A_346 = arith.constant 0 : i32
    %dma_start3A_347 = tpu.memref_slice %arg7[%dma_start3A_345, %dma_start3A_346] : memref<640x64xf32, #tpu.memory_space<vmem>> -> memref<128x64xf32, #tpu.memory_space<vmem>>
    %dma_start3A_348 = arith.constant 3072 : i32
    %dma_start3A_349 = tpu.memref_slice %arg6[%dma_start3A_348] : memref<6400xi32, #tpu.memory_space<vmem>> -> memref<128xi32, #tpu.memory_space<vmem>>
    %dma_start3A_350 = arith.constant 0 : i32
    %dma_start3A_351 = arith.constant 0 : i32
    %dma_start3A_352 = tpu.memref_slice %arg3[%dma_start3A_350, %dma_start3A_351] : memref<2000000x64xf32, #tpu.memory_space<hbm>> -> memref<2000000x64xf32, #tpu.memory_space<hbm>>
    tpu.enqueue_indirect_dma source(%dma_start3A_352 : memref<2000000x64xf32, #tpu.memory_space<hbm>>) target(%dma_start3A_347 : memref<128x64xf32, #tpu.memory_space<vmem>>) offsets(%dma_start3A_349 : memref<128xi32, #tpu.memory_space<vmem>>) semaphore(%arg9 : memref<!tpu.dma_semaphore, #tpu.memory_space<semaphore_mem>>)
    %dma_wait3A_353 = arith.constant 0 : i32
    %dma_wait3A_354 = arith.constant 0 : i32
    %dma_wait3A_355 = tpu.memref_slice %arg8[%dma_wait3A_353, %dma_wait3A_354] : memref<640x64xf32, #tpu.memory_space<vmem>> -> memref<128x64xf32, #tpu.memory_space<vmem>>
    %dma_wait3A_356 = arith.constant 1920 : i32
    %dma_wait3A_357 = tpu.memref_slice %arg6[%dma_wait3A_356] : memref<6400xi32, #tpu.memory_space<vmem>> -> memref<128xi32, #tpu.memory_space<vmem>>
    %dma_wait3A_358 = arith.constant 0 : i32
    %dma_wait3A_359 = arith.constant 0 : i32
    %dma_wait3A_360 = tpu.memref_slice %arg3[%dma_wait3A_358, %dma_wait3A_359] : memref<2000000x64xf32, #tpu.memory_space<hbm>> -> memref<2000000x64xf32, #tpu.memory_space<hbm>>
    tpu.wait_indirect_dma semaphore(%arg10 : memref<!tpu.dma_semaphore, #tpu.memory_space<semaphore_mem>>) src(%dma_wait3A_360 : memref<2000000x64xf32, #tpu.memory_space<hbm>>) dst(%dma_wait3A_355 : memref<128x64xf32, #tpu.memory_space<vmem>>)
    %dma_wait3A_361 = arith.constant 128 : i32
    %dma_wait3A_362 = arith.constant 0 : i32
    %dma_wait3A_363 = tpu.memref_slice %arg8[%dma_wait3A_361, %dma_wait3A_362] : memref<640x64xf32, #tpu.memory_space<vmem>> -> memref<128x64xf32, #tpu.memory_space<vmem>>
    %dma_wait3A_364 = arith.constant 2048 : i32
    %dma_wait3A_365 = tpu.memref_slice %arg6[%dma_wait3A_364] : memref<6400xi32, #tpu.memory_space<vmem>> -> memref<128xi32, #tpu.memory_space<vmem>>
    %dma_wait3A_366 = arith.constant 0 : i32
    %dma_wait3A_367 = arith.constant 0 : i32
    %dma_wait3A_368 = tpu.memref_slice %arg3[%dma_wait3A_366, %dma_wait3A_367] : memref<2000000x64xf32, #tpu.memory_space<hbm>> -> memref<2000000x64xf32, #tpu.memory_space<hbm>>
    tpu.wait_indirect_dma semaphore(%arg10 : memref<!tpu.dma_semaphore, #tpu.memory_space<semaphore_mem>>) src(%dma_wait3A_368 : memref<2000000x64xf32, #tpu.memory_space<hbm>>) dst(%dma_wait3A_363 : memref<128x64xf32, #tpu.memory_space<vmem>>)
    %dma_wait3A_369 = arith.constant 256 : i32
    %dma_wait3A_370 = arith.constant 0 : i32
    %dma_wait3A_371 = tpu.memref_slice %arg8[%dma_wait3A_369, %dma_wait3A_370] : memref<640x64xf32, #tpu.memory_space<vmem>> -> memref<128x64xf32, #tpu.memory_space<vmem>>
    %dma_wait3A_372 = arith.constant 2176 : i32
    %dma_wait3A_373 = tpu.memref_slice %arg6[%dma_wait3A_372] : memref<6400xi32, #tpu.memory_space<vmem>> -> memref<128xi32, #tpu.memory_space<vmem>>
    %dma_wait3A_374 = arith.constant 0 : i32
    %dma_wait3A_375 = arith.constant 0 : i32
    %dma_wait3A_376 = tpu.memref_slice %arg3[%dma_wait3A_374, %dma_wait3A_375] : memref<2000000x64xf32, #tpu.memory_space<hbm>> -> memref<2000000x64xf32, #tpu.memory_space<hbm>>
    tpu.wait_indirect_dma semaphore(%arg10 : memref<!tpu.dma_semaphore, #tpu.memory_space<semaphore_mem>>) src(%dma_wait3A_376 : memref<2000000x64xf32, #tpu.memory_space<hbm>>) dst(%dma_wait3A_371 : memref<128x64xf32, #tpu.memory_space<vmem>>)
    %dma_wait3A_377 = arith.constant 384 : i32
    %dma_wait3A_378 = arith.constant 0 : i32
    %dma_wait3A_379 = tpu.memref_slice %arg8[%dma_wait3A_377, %dma_wait3A_378] : memref<640x64xf32, #tpu.memory_space<vmem>> -> memref<128x64xf32, #tpu.memory_space<vmem>>
    %dma_wait3A_380 = arith.constant 2304 : i32
    %dma_wait3A_381 = tpu.memref_slice %arg6[%dma_wait3A_380] : memref<6400xi32, #tpu.memory_space<vmem>> -> memref<128xi32, #tpu.memory_space<vmem>>
    %dma_wait3A_382 = arith.constant 0 : i32
    %dma_wait3A_383 = arith.constant 0 : i32
    %dma_wait3A_384 = tpu.memref_slice %arg3[%dma_wait3A_382, %dma_wait3A_383] : memref<2000000x64xf32, #tpu.memory_space<hbm>> -> memref<2000000x64xf32, #tpu.memory_space<hbm>>
    tpu.wait_indirect_dma semaphore(%arg10 : memref<!tpu.dma_semaphore, #tpu.memory_space<semaphore_mem>>) src(%dma_wait3A_384 : memref<2000000x64xf32, #tpu.memory_space<hbm>>) dst(%dma_wait3A_379 : memref<128x64xf32, #tpu.memory_space<vmem>>)
    %dma_wait3A_385 = arith.constant 512 : i32
    %dma_wait3A_386 = arith.constant 0 : i32
    %dma_wait3A_387 = tpu.memref_slice %arg8[%dma_wait3A_385, %dma_wait3A_386] : memref<640x64xf32, #tpu.memory_space<vmem>> -> memref<128x64xf32, #tpu.memory_space<vmem>>
    %dma_wait3A_388 = arith.constant 2432 : i32
    %dma_wait3A_389 = tpu.memref_slice %arg6[%dma_wait3A_388] : memref<6400xi32, #tpu.memory_space<vmem>> -> memref<128xi32, #tpu.memory_space<vmem>>
    %dma_wait3A_390 = arith.constant 0 : i32
    %dma_wait3A_391 = arith.constant 0 : i32
    %dma_wait3A_392 = tpu.memref_slice %arg3[%dma_wait3A_390, %dma_wait3A_391] : memref<2000000x64xf32, #tpu.memory_space<hbm>> -> memref<2000000x64xf32, #tpu.memory_space<hbm>>
    tpu.wait_indirect_dma semaphore(%arg10 : memref<!tpu.dma_semaphore, #tpu.memory_space<semaphore_mem>>) src(%dma_wait3A_392 : memref<2000000x64xf32, #tpu.memory_space<hbm>>) dst(%dma_wait3A_387 : memref<128x64xf32, #tpu.memory_space<vmem>>)
    %add3A_393 = arith.constant 1920 : i32
    %add3A_394 = arith.addi %mul3A_4, %add3A_393 : i32
    %dma_start3A_395 = arith.constant 0 : i32
    %dma_start3A_396 = tpu.memref_slice %arg5[%add3A_394, %dma_start3A_395] : memref<204800x128xf32, #tpu.memory_space<hbm>> -> memref<640x64xf32, #tpu.memory_space<hbm>>
    %dma_start3A_397 = arith.constant 0 : i32
    %dma_start3A_398 = tpu.memref_slice %arg5[%add3A_394, %dma_start3A_397] : memref<204800x128xf32, #tpu.memory_space<hbm>> -> memref<640x64xf32, #tpu.memory_space<hbm>>
    tpu.enqueue_dma source(%arg8 : memref<640x64xf32, #tpu.memory_space<vmem>>) target(%dma_start3A_398 : memref<640x64xf32, #tpu.memory_space<hbm>>) target_semaphore(%arg12 : memref<!tpu.dma_semaphore, #tpu.memory_space<semaphore_mem>>)
    %dma_wait3A_399 = arith.constant 0 : i32
    %dma_wait3A_400 = tpu.memref_slice %arg5[%add3A_394, %dma_wait3A_399] : memref<204800x128xf32, #tpu.memory_space<hbm>> -> memref<640x64xf32, #tpu.memory_space<hbm>>
    %dma_wait3A_401 = arith.constant 0 : i32
    %dma_wait3A_402 = tpu.memref_slice %arg5[%add3A_394, %dma_wait3A_401] : memref<204800x128xf32, #tpu.memory_space<hbm>> -> memref<640x64xf32, #tpu.memory_space<hbm>>
    tpu.wait_dma2 semaphore(%arg12 : memref<!tpu.dma_semaphore, #tpu.memory_space<semaphore_mem>>) src(%arg8 : memref<640x64xf32, #tpu.memory_space<vmem>>) dst(%dma_wait3A_402 : memref<640x64xf32, #tpu.memory_space<hbm>>)
    %dma_start3A_403 = arith.constant 0 : i32
    %dma_start3A_404 = arith.constant 0 : i32
    %dma_start3A_405 = tpu.memref_slice %arg8[%dma_start3A_403, %dma_start3A_404] : memref<640x64xf32, #tpu.memory_space<vmem>> -> memref<128x64xf32, #tpu.memory_space<vmem>>
    %dma_start3A_406 = arith.constant 3200 : i32
    %dma_start3A_407 = tpu.memref_slice %arg6[%dma_start3A_406] : memref<6400xi32, #tpu.memory_space<vmem>> -> memref<128xi32, #tpu.memory_space<vmem>>
    %dma_start3A_408 = arith.constant 0 : i32
    %dma_start3A_409 = arith.constant 0 : i32
    %dma_start3A_410 = tpu.memref_slice %arg3[%dma_start3A_408, %dma_start3A_409] : memref<2000000x64xf32, #tpu.memory_space<hbm>> -> memref<2000000x64xf32, #tpu.memory_space<hbm>>
    tpu.enqueue_indirect_dma source(%dma_start3A_410 : memref<2000000x64xf32, #tpu.memory_space<hbm>>) target(%dma_start3A_405 : memref<128x64xf32, #tpu.memory_space<vmem>>) offsets(%dma_start3A_407 : memref<128xi32, #tpu.memory_space<vmem>>) semaphore(%arg10 : memref<!tpu.dma_semaphore, #tpu.memory_space<semaphore_mem>>)
    %dma_start3A_411 = arith.constant 128 : i32
    %dma_start3A_412 = arith.constant 0 : i32
    %dma_start3A_413 = tpu.memref_slice %arg8[%dma_start3A_411, %dma_start3A_412] : memref<640x64xf32, #tpu.memory_space<vmem>> -> memref<128x64xf32, #tpu.memory_space<vmem>>
    %dma_start3A_414 = arith.constant 3328 : i32
    %dma_start3A_415 = tpu.memref_slice %arg6[%dma_start3A_414] : memref<6400xi32, #tpu.memory_space<vmem>> -> memref<128xi32, #tpu.memory_space<vmem>>
    %dma_start3A_416 = arith.constant 0 : i32
    %dma_start3A_417 = arith.constant 0 : i32
    %dma_start3A_418 = tpu.memref_slice %arg3[%dma_start3A_416, %dma_start3A_417] : memref<2000000x64xf32, #tpu.memory_space<hbm>> -> memref<2000000x64xf32, #tpu.memory_space<hbm>>
    tpu.enqueue_indirect_dma source(%dma_start3A_418 : memref<2000000x64xf32, #tpu.memory_space<hbm>>) target(%dma_start3A_413 : memref<128x64xf32, #tpu.memory_space<vmem>>) offsets(%dma_start3A_415 : memref<128xi32, #tpu.memory_space<vmem>>) semaphore(%arg10 : memref<!tpu.dma_semaphore, #tpu.memory_space<semaphore_mem>>)
    %dma_start3A_419 = arith.constant 256 : i32
    %dma_start3A_420 = arith.constant 0 : i32
    %dma_start3A_421 = tpu.memref_slice %arg8[%dma_start3A_419, %dma_start3A_420] : memref<640x64xf32, #tpu.memory_space<vmem>> -> memref<128x64xf32, #tpu.memory_space<vmem>>
    %dma_start3A_422 = arith.constant 3456 : i32
    %dma_start3A_423 = tpu.memref_slice %arg6[%dma_start3A_422] : memref<6400xi32, #tpu.memory_space<vmem>> -> memref<128xi32, #tpu.memory_space<vmem>>
    %dma_start3A_424 = arith.constant 0 : i32
    %dma_start3A_425 = arith.constant 0 : i32
    %dma_start3A_426 = tpu.memref_slice %arg3[%dma_start3A_424, %dma_start3A_425] : memref<2000000x64xf32, #tpu.memory_space<hbm>> -> memref<2000000x64xf32, #tpu.memory_space<hbm>>
    tpu.enqueue_indirect_dma source(%dma_start3A_426 : memref<2000000x64xf32, #tpu.memory_space<hbm>>) target(%dma_start3A_421 : memref<128x64xf32, #tpu.memory_space<vmem>>) offsets(%dma_start3A_423 : memref<128xi32, #tpu.memory_space<vmem>>) semaphore(%arg10 : memref<!tpu.dma_semaphore, #tpu.memory_space<semaphore_mem>>)
    %dma_start3A_427 = arith.constant 384 : i32
    %dma_start3A_428 = arith.constant 0 : i32
    %dma_start3A_429 = tpu.memref_slice %arg8[%dma_start3A_427, %dma_start3A_428] : memref<640x64xf32, #tpu.memory_space<vmem>> -> memref<128x64xf32, #tpu.memory_space<vmem>>
    %dma_start3A_430 = arith.constant 3584 : i32
    %dma_start3A_431 = tpu.memref_slice %arg6[%dma_start3A_430] : memref<6400xi32, #tpu.memory_space<vmem>> -> memref<128xi32, #tpu.memory_space<vmem>>
    %dma_start3A_432 = arith.constant 0 : i32
    %dma_start3A_433 = arith.constant 0 : i32
    %dma_start3A_434 = tpu.memref_slice %arg3[%dma_start3A_432, %dma_start3A_433] : memref<2000000x64xf32, #tpu.memory_space<hbm>> -> memref<2000000x64xf32, #tpu.memory_space<hbm>>
    tpu.enqueue_indirect_dma source(%dma_start3A_434 : memref<2000000x64xf32, #tpu.memory_space<hbm>>) target(%dma_start3A_429 : memref<128x64xf32, #tpu.memory_space<vmem>>) offsets(%dma_start3A_431 : memref<128xi32, #tpu.memory_space<vmem>>) semaphore(%arg10 : memref<!tpu.dma_semaphore, #tpu.memory_space<semaphore_mem>>)
    %dma_start3A_435 = arith.constant 512 : i32
    %dma_start3A_436 = arith.constant 0 : i32
    %dma_start3A_437 = tpu.memref_slice %arg8[%dma_start3A_435, %dma_start3A_436] : memref<640x64xf32, #tpu.memory_space<vmem>> -> memref<128x64xf32, #tpu.memory_space<vmem>>
    %dma_start3A_438 = arith.constant 3712 : i32
    %dma_start3A_439 = tpu.memref_slice %arg6[%dma_start3A_438] : memref<6400xi32, #tpu.memory_space<vmem>> -> memref<128xi32, #tpu.memory_space<vmem>>
    %dma_start3A_440 = arith.constant 0 : i32
    %dma_start3A_441 = arith.constant 0 : i32
    %dma_start3A_442 = tpu.memref_slice %arg3[%dma_start3A_440, %dma_start3A_441] : memref<2000000x64xf32, #tpu.memory_space<hbm>> -> memref<2000000x64xf32, #tpu.memory_space<hbm>>
    tpu.enqueue_indirect_dma source(%dma_start3A_442 : memref<2000000x64xf32, #tpu.memory_space<hbm>>) target(%dma_start3A_437 : memref<128x64xf32, #tpu.memory_space<vmem>>) offsets(%dma_start3A_439 : memref<128xi32, #tpu.memory_space<vmem>>) semaphore(%arg10 : memref<!tpu.dma_semaphore, #tpu.memory_space<semaphore_mem>>)
    %dma_wait3A_443 = arith.constant 0 : i32
    %dma_wait3A_444 = arith.constant 0 : i32
    %dma_wait3A_445 = tpu.memref_slice %arg7[%dma_wait3A_443, %dma_wait3A_444] : memref<640x64xf32, #tpu.memory_space<vmem>> -> memref<128x64xf32, #tpu.memory_space<vmem>>
    %dma_wait3A_446 = arith.constant 2560 : i32
    %dma_wait3A_447 = tpu.memref_slice %arg6[%dma_wait3A_446] : memref<6400xi32, #tpu.memory_space<vmem>> -> memref<128xi32, #tpu.memory_space<vmem>>
    %dma_wait3A_448 = arith.constant 0 : i32
    %dma_wait3A_449 = arith.constant 0 : i32
    %dma_wait3A_450 = tpu.memref_slice %arg3[%dma_wait3A_448, %dma_wait3A_449] : memref<2000000x64xf32, #tpu.memory_space<hbm>> -> memref<2000000x64xf32, #tpu.memory_space<hbm>>
    tpu.wait_indirect_dma semaphore(%arg9 : memref<!tpu.dma_semaphore, #tpu.memory_space<semaphore_mem>>) src(%dma_wait3A_450 : memref<2000000x64xf32, #tpu.memory_space<hbm>>) dst(%dma_wait3A_445 : memref<128x64xf32, #tpu.memory_space<vmem>>)
    %dma_wait3A_451 = arith.constant 128 : i32
    %dma_wait3A_452 = arith.constant 0 : i32
    %dma_wait3A_453 = tpu.memref_slice %arg7[%dma_wait3A_451, %dma_wait3A_452] : memref<640x64xf32, #tpu.memory_space<vmem>> -> memref<128x64xf32, #tpu.memory_space<vmem>>
    %dma_wait3A_454 = arith.constant 2688 : i32
    %dma_wait3A_455 = tpu.memref_slice %arg6[%dma_wait3A_454] : memref<6400xi32, #tpu.memory_space<vmem>> -> memref<128xi32, #tpu.memory_space<vmem>>
    %dma_wait3A_456 = arith.constant 0 : i32
    %dma_wait3A_457 = arith.constant 0 : i32
    %dma_wait3A_458 = tpu.memref_slice %arg3[%dma_wait3A_456, %dma_wait3A_457] : memref<2000000x64xf32, #tpu.memory_space<hbm>> -> memref<2000000x64xf32, #tpu.memory_space<hbm>>
    tpu.wait_indirect_dma semaphore(%arg9 : memref<!tpu.dma_semaphore, #tpu.memory_space<semaphore_mem>>) src(%dma_wait3A_458 : memref<2000000x64xf32, #tpu.memory_space<hbm>>) dst(%dma_wait3A_453 : memref<128x64xf32, #tpu.memory_space<vmem>>)
    %dma_wait3A_459 = arith.constant 256 : i32
    %dma_wait3A_460 = arith.constant 0 : i32
    %dma_wait3A_461 = tpu.memref_slice %arg7[%dma_wait3A_459, %dma_wait3A_460] : memref<640x64xf32, #tpu.memory_space<vmem>> -> memref<128x64xf32, #tpu.memory_space<vmem>>
    %dma_wait3A_462 = arith.constant 2816 : i32
    %dma_wait3A_463 = tpu.memref_slice %arg6[%dma_wait3A_462] : memref<6400xi32, #tpu.memory_space<vmem>> -> memref<128xi32, #tpu.memory_space<vmem>>
    %dma_wait3A_464 = arith.constant 0 : i32
    %dma_wait3A_465 = arith.constant 0 : i32
    %dma_wait3A_466 = tpu.memref_slice %arg3[%dma_wait3A_464, %dma_wait3A_465] : memref<2000000x64xf32, #tpu.memory_space<hbm>> -> memref<2000000x64xf32, #tpu.memory_space<hbm>>
    tpu.wait_indirect_dma semaphore(%arg9 : memref<!tpu.dma_semaphore, #tpu.memory_space<semaphore_mem>>) src(%dma_wait3A_466 : memref<2000000x64xf32, #tpu.memory_space<hbm>>) dst(%dma_wait3A_461 : memref<128x64xf32, #tpu.memory_space<vmem>>)
    %dma_wait3A_467 = arith.constant 384 : i32
    %dma_wait3A_468 = arith.constant 0 : i32
    %dma_wait3A_469 = tpu.memref_slice %arg7[%dma_wait3A_467, %dma_wait3A_468] : memref<640x64xf32, #tpu.memory_space<vmem>> -> memref<128x64xf32, #tpu.memory_space<vmem>>
    %dma_wait3A_470 = arith.constant 2944 : i32
    %dma_wait3A_471 = tpu.memref_slice %arg6[%dma_wait3A_470] : memref<6400xi32, #tpu.memory_space<vmem>> -> memref<128xi32, #tpu.memory_space<vmem>>
    %dma_wait3A_472 = arith.constant 0 : i32
    %dma_wait3A_473 = arith.constant 0 : i32
    %dma_wait3A_474 = tpu.memref_slice %arg3[%dma_wait3A_472, %dma_wait3A_473] : memref<2000000x64xf32, #tpu.memory_space<hbm>> -> memref<2000000x64xf32, #tpu.memory_space<hbm>>
    tpu.wait_indirect_dma semaphore(%arg9 : memref<!tpu.dma_semaphore, #tpu.memory_space<semaphore_mem>>) src(%dma_wait3A_474 : memref<2000000x64xf32, #tpu.memory_space<hbm>>) dst(%dma_wait3A_469 : memref<128x64xf32, #tpu.memory_space<vmem>>)
    %dma_wait3A_475 = arith.constant 512 : i32
    %dma_wait3A_476 = arith.constant 0 : i32
    %dma_wait3A_477 = tpu.memref_slice %arg7[%dma_wait3A_475, %dma_wait3A_476] : memref<640x64xf32, #tpu.memory_space<vmem>> -> memref<128x64xf32, #tpu.memory_space<vmem>>
    %dma_wait3A_478 = arith.constant 3072 : i32
    %dma_wait3A_479 = tpu.memref_slice %arg6[%dma_wait3A_478] : memref<6400xi32, #tpu.memory_space<vmem>> -> memref<128xi32, #tpu.memory_space<vmem>>
    %dma_wait3A_480 = arith.constant 0 : i32
    %dma_wait3A_481 = arith.constant 0 : i32
    %dma_wait3A_482 = tpu.memref_slice %arg3[%dma_wait3A_480, %dma_wait3A_481] : memref<2000000x64xf32, #tpu.memory_space<hbm>> -> memref<2000000x64xf32, #tpu.memory_space<hbm>>
    tpu.wait_indirect_dma semaphore(%arg9 : memref<!tpu.dma_semaphore, #tpu.memory_space<semaphore_mem>>) src(%dma_wait3A_482 : memref<2000000x64xf32, #tpu.memory_space<hbm>>) dst(%dma_wait3A_477 : memref<128x64xf32, #tpu.memory_space<vmem>>)
    %add3A_483 = arith.constant 2560 : i32
    %add3A_484 = arith.addi %mul3A_4, %add3A_483 : i32
    %dma_start3A_485 = arith.constant 0 : i32
    %dma_start3A_486 = tpu.memref_slice %arg5[%add3A_484, %dma_start3A_485] : memref<204800x128xf32, #tpu.memory_space<hbm>> -> memref<640x64xf32, #tpu.memory_space<hbm>>
    %dma_start3A_487 = arith.constant 0 : i32
    %dma_start3A_488 = tpu.memref_slice %arg5[%add3A_484, %dma_start3A_487] : memref<204800x128xf32, #tpu.memory_space<hbm>> -> memref<640x64xf32, #tpu.memory_space<hbm>>
    tpu.enqueue_dma source(%arg7 : memref<640x64xf32, #tpu.memory_space<vmem>>) target(%dma_start3A_488 : memref<640x64xf32, #tpu.memory_space<hbm>>) target_semaphore(%arg11 : memref<!tpu.dma_semaphore, #tpu.memory_space<semaphore_mem>>)
    %dma_wait3A_489 = arith.constant 0 : i32
    %dma_wait3A_490 = tpu.memref_slice %arg5[%add3A_484, %dma_wait3A_489] : memref<204800x128xf32, #tpu.memory_space<hbm>> -> memref<640x64xf32, #tpu.memory_space<hbm>>
    %dma_wait3A_491 = arith.constant 0 : i32
    %dma_wait3A_492 = tpu.memref_slice %arg5[%add3A_484, %dma_wait3A_491] : memref<204800x128xf32, #tpu.memory_space<hbm>> -> memref<640x64xf32, #tpu.memory_space<hbm>>
    tpu.wait_dma2 semaphore(%arg11 : memref<!tpu.dma_semaphore, #tpu.memory_space<semaphore_mem>>) src(%arg7 : memref<640x64xf32, #tpu.memory_space<vmem>>) dst(%dma_wait3A_492 : memref<640x64xf32, #tpu.memory_space<hbm>>)
    %dma_start3A_493 = arith.constant 0 : i32
    %dma_start3A_494 = arith.constant 0 : i32
    %dma_start3A_495 = tpu.memref_slice %arg7[%dma_start3A_493, %dma_start3A_494] : memref<640x64xf32, #tpu.memory_space<vmem>> -> memref<128x64xf32, #tpu.memory_space<vmem>>
    %dma_start3A_496 = arith.constant 3840 : i32
    %dma_start3A_497 = tpu.memref_slice %arg6[%dma_start3A_496] : memref<6400xi32, #tpu.memory_space<vmem>> -> memref<128xi32, #tpu.memory_space<vmem>>
    %dma_start3A_498 = arith.constant 0 : i32
    %dma_start3A_499 = arith.constant 0 : i32
    %dma_start3A_500 = tpu.memref_slice %arg3[%dma_start3A_498, %dma_start3A_499] : memref<2000000x64xf32, #tpu.memory_space<hbm>> -> memref<2000000x64xf32, #tpu.memory_space<hbm>>
    tpu.enqueue_indirect_dma source(%dma_start3A_500 : memref<2000000x64xf32, #tpu.memory_space<hbm>>) target(%dma_start3A_495 : memref<128x64xf32, #tpu.memory_space<vmem>>) offsets(%dma_start3A_497 : memref<128xi32, #tpu.memory_space<vmem>>) semaphore(%arg9 : memref<!tpu.dma_semaphore, #tpu.memory_space<semaphore_mem>>)
    %dma_start3A_501 = arith.constant 128 : i32
    %dma_start3A_502 = arith.constant 0 : i32
    %dma_start3A_503 = tpu.memref_slice %arg7[%dma_start3A_501, %dma_start3A_502] : memref<640x64xf32, #tpu.memory_space<vmem>> -> memref<128x64xf32, #tpu.memory_space<vmem>>
    %dma_start3A_504 = arith.constant 3968 : i32
    %dma_start3A_505 = tpu.memref_slice %arg6[%dma_start3A_504] : memref<6400xi32, #tpu.memory_space<vmem>> -> memref<128xi32, #tpu.memory_space<vmem>>
    %dma_start3A_506 = arith.constant 0 : i32
    %dma_start3A_507 = arith.constant 0 : i32
    %dma_start3A_508 = tpu.memref_slice %arg3[%dma_start3A_506, %dma_start3A_507] : memref<2000000x64xf32, #tpu.memory_space<hbm>> -> memref<2000000x64xf32, #tpu.memory_space<hbm>>
    tpu.enqueue_indirect_dma source(%dma_start3A_508 : memref<2000000x64xf32, #tpu.memory_space<hbm>>) target(%dma_start3A_503 : memref<128x64xf32, #tpu.memory_space<vmem>>) offsets(%dma_start3A_505 : memref<128xi32, #tpu.memory_space<vmem>>) semaphore(%arg9 : memref<!tpu.dma_semaphore, #tpu.memory_space<semaphore_mem>>)
    %dma_start3A_509 = arith.constant 256 : i32
    %dma_start3A_510 = arith.constant 0 : i32
    %dma_start3A_511 = tpu.memref_slice %arg7[%dma_start3A_509, %dma_start3A_510] : memref<640x64xf32, #tpu.memory_space<vmem>> -> memref<128x64xf32, #tpu.memory_space<vmem>>
    %dma_start3A_512 = arith.constant 4096 : i32
    %dma_start3A_513 = tpu.memref_slice %arg6[%dma_start3A_512] : memref<6400xi32, #tpu.memory_space<vmem>> -> memref<128xi32, #tpu.memory_space<vmem>>
    %dma_start3A_514 = arith.constant 0 : i32
    %dma_start3A_515 = arith.constant 0 : i32
    %dma_start3A_516 = tpu.memref_slice %arg3[%dma_start3A_514, %dma_start3A_515] : memref<2000000x64xf32, #tpu.memory_space<hbm>> -> memref<2000000x64xf32, #tpu.memory_space<hbm>>
    tpu.enqueue_indirect_dma source(%dma_start3A_516 : memref<2000000x64xf32, #tpu.memory_space<hbm>>) target(%dma_start3A_511 : memref<128x64xf32, #tpu.memory_space<vmem>>) offsets(%dma_start3A_513 : memref<128xi32, #tpu.memory_space<vmem>>) semaphore(%arg9 : memref<!tpu.dma_semaphore, #tpu.memory_space<semaphore_mem>>)
    %dma_start3A_517 = arith.constant 384 : i32
    %dma_start3A_518 = arith.constant 0 : i32
    %dma_start3A_519 = tpu.memref_slice %arg7[%dma_start3A_517, %dma_start3A_518] : memref<640x64xf32, #tpu.memory_space<vmem>> -> memref<128x64xf32, #tpu.memory_space<vmem>>
    %dma_start3A_520 = arith.constant 4224 : i32
    %dma_start3A_521 = tpu.memref_slice %arg6[%dma_start3A_520] : memref<6400xi32, #tpu.memory_space<vmem>> -> memref<128xi32, #tpu.memory_space<vmem>>
    %dma_start3A_522 = arith.constant 0 : i32
    %dma_start3A_523 = arith.constant 0 : i32
    %dma_start3A_524 = tpu.memref_slice %arg3[%dma_start3A_522, %dma_start3A_523] : memref<2000000x64xf32, #tpu.memory_space<hbm>> -> memref<2000000x64xf32, #tpu.memory_space<hbm>>
    tpu.enqueue_indirect_dma source(%dma_start3A_524 : memref<2000000x64xf32, #tpu.memory_space<hbm>>) target(%dma_start3A_519 : memref<128x64xf32, #tpu.memory_space<vmem>>) offsets(%dma_start3A_521 : memref<128xi32, #tpu.memory_space<vmem>>) semaphore(%arg9 : memref<!tpu.dma_semaphore, #tpu.memory_space<semaphore_mem>>)
    %dma_start3A_525 = arith.constant 512 : i32
    %dma_start3A_526 = arith.constant 0 : i32
    %dma_start3A_527 = tpu.memref_slice %arg7[%dma_start3A_525, %dma_start3A_526] : memref<640x64xf32, #tpu.memory_space<vmem>> -> memref<128x64xf32, #tpu.memory_space<vmem>>
    %dma_start3A_528 = arith.constant 4352 : i32
    %dma_start3A_529 = tpu.memref_slice %arg6[%dma_start3A_528] : memref<6400xi32, #tpu.memory_space<vmem>> -> memref<128xi32, #tpu.memory_space<vmem>>
    %dma_start3A_530 = arith.constant 0 : i32
    %dma_start3A_531 = arith.constant 0 : i32
    %dma_start3A_532 = tpu.memref_slice %arg3[%dma_start3A_530, %dma_start3A_531] : memref<2000000x64xf32, #tpu.memory_space<hbm>> -> memref<2000000x64xf32, #tpu.memory_space<hbm>>
    tpu.enqueue_indirect_dma source(%dma_start3A_532 : memref<2000000x64xf32, #tpu.memory_space<hbm>>) target(%dma_start3A_527 : memref<128x64xf32, #tpu.memory_space<vmem>>) offsets(%dma_start3A_529 : memref<128xi32, #tpu.memory_space<vmem>>) semaphore(%arg9 : memref<!tpu.dma_semaphore, #tpu.memory_space<semaphore_mem>>)
    %dma_wait3A_533 = arith.constant 0 : i32
    %dma_wait3A_534 = arith.constant 0 : i32
    %dma_wait3A_535 = tpu.memref_slice %arg8[%dma_wait3A_533, %dma_wait3A_534] : memref<640x64xf32, #tpu.memory_space<vmem>> -> memref<128x64xf32, #tpu.memory_space<vmem>>
    %dma_wait3A_536 = arith.constant 3200 : i32
    %dma_wait3A_537 = tpu.memref_slice %arg6[%dma_wait3A_536] : memref<6400xi32, #tpu.memory_space<vmem>> -> memref<128xi32, #tpu.memory_space<vmem>>
    %dma_wait3A_538 = arith.constant 0 : i32
    %dma_wait3A_539 = arith.constant 0 : i32
    %dma_wait3A_540 = tpu.memref_slice %arg3[%dma_wait3A_538, %dma_wait3A_539] : memref<2000000x64xf32, #tpu.memory_space<hbm>> -> memref<2000000x64xf32, #tpu.memory_space<hbm>>
    tpu.wait_indirect_dma semaphore(%arg10 : memref<!tpu.dma_semaphore, #tpu.memory_space<semaphore_mem>>) src(%dma_wait3A_540 : memref<2000000x64xf32, #tpu.memory_space<hbm>>) dst(%dma_wait3A_535 : memref<128x64xf32, #tpu.memory_space<vmem>>)
    %dma_wait3A_541 = arith.constant 128 : i32
    %dma_wait3A_542 = arith.constant 0 : i32
    %dma_wait3A_543 = tpu.memref_slice %arg8[%dma_wait3A_541, %dma_wait3A_542] : memref<640x64xf32, #tpu.memory_space<vmem>> -> memref<128x64xf32, #tpu.memory_space<vmem>>
    %dma_wait3A_544 = arith.constant 3328 : i32
    %dma_wait3A_545 = tpu.memref_slice %arg6[%dma_wait3A_544] : memref<6400xi32, #tpu.memory_space<vmem>> -> memref<128xi32, #tpu.memory_space<vmem>>
    %dma_wait3A_546 = arith.constant 0 : i32
    %dma_wait3A_547 = arith.constant 0 : i32
    %dma_wait3A_548 = tpu.memref_slice %arg3[%dma_wait3A_546, %dma_wait3A_547] : memref<2000000x64xf32, #tpu.memory_space<hbm>> -> memref<2000000x64xf32, #tpu.memory_space<hbm>>
    tpu.wait_indirect_dma semaphore(%arg10 : memref<!tpu.dma_semaphore, #tpu.memory_space<semaphore_mem>>) src(%dma_wait3A_548 : memref<2000000x64xf32, #tpu.memory_space<hbm>>) dst(%dma_wait3A_543 : memref<128x64xf32, #tpu.memory_space<vmem>>)
    %dma_wait3A_549 = arith.constant 256 : i32
    %dma_wait3A_550 = arith.constant 0 : i32
    %dma_wait3A_551 = tpu.memref_slice %arg8[%dma_wait3A_549, %dma_wait3A_550] : memref<640x64xf32, #tpu.memory_space<vmem>> -> memref<128x64xf32, #tpu.memory_space<vmem>>
    %dma_wait3A_552 = arith.constant 3456 : i32
    %dma_wait3A_553 = tpu.memref_slice %arg6[%dma_wait3A_552] : memref<6400xi32, #tpu.memory_space<vmem>> -> memref<128xi32, #tpu.memory_space<vmem>>
    %dma_wait3A_554 = arith.constant 0 : i32
    %dma_wait3A_555 = arith.constant 0 : i32
    %dma_wait3A_556 = tpu.memref_slice %arg3[%dma_wait3A_554, %dma_wait3A_555] : memref<2000000x64xf32, #tpu.memory_space<hbm>> -> memref<2000000x64xf32, #tpu.memory_space<hbm>>
    tpu.wait_indirect_dma semaphore(%arg10 : memref<!tpu.dma_semaphore, #tpu.memory_space<semaphore_mem>>) src(%dma_wait3A_556 : memref<2000000x64xf32, #tpu.memory_space<hbm>>) dst(%dma_wait3A_551 : memref<128x64xf32, #tpu.memory_space<vmem>>)
    %dma_wait3A_557 = arith.constant 384 : i32
    %dma_wait3A_558 = arith.constant 0 : i32
    %dma_wait3A_559 = tpu.memref_slice %arg8[%dma_wait3A_557, %dma_wait3A_558] : memref<640x64xf32, #tpu.memory_space<vmem>> -> memref<128x64xf32, #tpu.memory_space<vmem>>
    %dma_wait3A_560 = arith.constant 3584 : i32
    %dma_wait3A_561 = tpu.memref_slice %arg6[%dma_wait3A_560] : memref<6400xi32, #tpu.memory_space<vmem>> -> memref<128xi32, #tpu.memory_space<vmem>>
    %dma_wait3A_562 = arith.constant 0 : i32
    %dma_wait3A_563 = arith.constant 0 : i32
    %dma_wait3A_564 = tpu.memref_slice %arg3[%dma_wait3A_562, %dma_wait3A_563] : memref<2000000x64xf32, #tpu.memory_space<hbm>> -> memref<2000000x64xf32, #tpu.memory_space<hbm>>
    tpu.wait_indirect_dma semaphore(%arg10 : memref<!tpu.dma_semaphore, #tpu.memory_space<semaphore_mem>>) src(%dma_wait3A_564 : memref<2000000x64xf32, #tpu.memory_space<hbm>>) dst(%dma_wait3A_559 : memref<128x64xf32, #tpu.memory_space<vmem>>)
    %dma_wait3A_565 = arith.constant 512 : i32
    %dma_wait3A_566 = arith.constant 0 : i32
    %dma_wait3A_567 = tpu.memref_slice %arg8[%dma_wait3A_565, %dma_wait3A_566] : memref<640x64xf32, #tpu.memory_space<vmem>> -> memref<128x64xf32, #tpu.memory_space<vmem>>
    %dma_wait3A_568 = arith.constant 3712 : i32
    %dma_wait3A_569 = tpu.memref_slice %arg6[%dma_wait3A_568] : memref<6400xi32, #tpu.memory_space<vmem>> -> memref<128xi32, #tpu.memory_space<vmem>>
    %dma_wait3A_570 = arith.constant 0 : i32
    %dma_wait3A_571 = arith.constant 0 : i32
    %dma_wait3A_572 = tpu.memref_slice %arg3[%dma_wait3A_570, %dma_wait3A_571] : memref<2000000x64xf32, #tpu.memory_space<hbm>> -> memref<2000000x64xf32, #tpu.memory_space<hbm>>
    tpu.wait_indirect_dma semaphore(%arg10 : memref<!tpu.dma_semaphore, #tpu.memory_space<semaphore_mem>>) src(%dma_wait3A_572 : memref<2000000x64xf32, #tpu.memory_space<hbm>>) dst(%dma_wait3A_567 : memref<128x64xf32, #tpu.memory_space<vmem>>)
    %add3A_573 = arith.constant 3200 : i32
    %add3A_574 = arith.addi %mul3A_4, %add3A_573 : i32
    %dma_start3A_575 = arith.constant 0 : i32
    %dma_start3A_576 = tpu.memref_slice %arg5[%add3A_574, %dma_start3A_575] : memref<204800x128xf32, #tpu.memory_space<hbm>> -> memref<640x64xf32, #tpu.memory_space<hbm>>
    %dma_start3A_577 = arith.constant 0 : i32
    %dma_start3A_578 = tpu.memref_slice %arg5[%add3A_574, %dma_start3A_577] : memref<204800x128xf32, #tpu.memory_space<hbm>> -> memref<640x64xf32, #tpu.memory_space<hbm>>
    tpu.enqueue_dma source(%arg8 : memref<640x64xf32, #tpu.memory_space<vmem>>) target(%dma_start3A_578 : memref<640x64xf32, #tpu.memory_space<hbm>>) target_semaphore(%arg12 : memref<!tpu.dma_semaphore, #tpu.memory_space<semaphore_mem>>)
    %dma_wait3A_579 = arith.constant 0 : i32
    %dma_wait3A_580 = tpu.memref_slice %arg5[%add3A_574, %dma_wait3A_579] : memref<204800x128xf32, #tpu.memory_space<hbm>> -> memref<640x64xf32, #tpu.memory_space<hbm>>
    %dma_wait3A_581 = arith.constant 0 : i32
    %dma_wait3A_582 = tpu.memref_slice %arg5[%add3A_574, %dma_wait3A_581] : memref<204800x128xf32, #tpu.memory_space<hbm>> -> memref<640x64xf32, #tpu.memory_space<hbm>>
    tpu.wait_dma2 semaphore(%arg12 : memref<!tpu.dma_semaphore, #tpu.memory_space<semaphore_mem>>) src(%arg8 : memref<640x64xf32, #tpu.memory_space<vmem>>) dst(%dma_wait3A_582 : memref<640x64xf32, #tpu.memory_space<hbm>>)
    %dma_start3A_583 = arith.constant 0 : i32
    %dma_start3A_584 = arith.constant 0 : i32
    %dma_start3A_585 = tpu.memref_slice %arg8[%dma_start3A_583, %dma_start3A_584] : memref<640x64xf32, #tpu.memory_space<vmem>> -> memref<128x64xf32, #tpu.memory_space<vmem>>
    %dma_start3A_586 = arith.constant 4480 : i32
    %dma_start3A_587 = tpu.memref_slice %arg6[%dma_start3A_586] : memref<6400xi32, #tpu.memory_space<vmem>> -> memref<128xi32, #tpu.memory_space<vmem>>
    %dma_start3A_588 = arith.constant 0 : i32
    %dma_start3A_589 = arith.constant 0 : i32
    %dma_start3A_590 = tpu.memref_slice %arg3[%dma_start3A_588, %dma_start3A_589] : memref<2000000x64xf32, #tpu.memory_space<hbm>> -> memref<2000000x64xf32, #tpu.memory_space<hbm>>
    tpu.enqueue_indirect_dma source(%dma_start3A_590 : memref<2000000x64xf32, #tpu.memory_space<hbm>>) target(%dma_start3A_585 : memref<128x64xf32, #tpu.memory_space<vmem>>) offsets(%dma_start3A_587 : memref<128xi32, #tpu.memory_space<vmem>>) semaphore(%arg10 : memref<!tpu.dma_semaphore, #tpu.memory_space<semaphore_mem>>)
    %dma_start3A_591 = arith.constant 128 : i32
    %dma_start3A_592 = arith.constant 0 : i32
    %dma_start3A_593 = tpu.memref_slice %arg8[%dma_start3A_591, %dma_start3A_592] : memref<640x64xf32, #tpu.memory_space<vmem>> -> memref<128x64xf32, #tpu.memory_space<vmem>>
    %dma_start3A_594 = arith.constant 4608 : i32
    %dma_start3A_595 = tpu.memref_slice %arg6[%dma_start3A_594] : memref<6400xi32, #tpu.memory_space<vmem>> -> memref<128xi32, #tpu.memory_space<vmem>>
    %dma_start3A_596 = arith.constant 0 : i32
    %dma_start3A_597 = arith.constant 0 : i32
    %dma_start3A_598 = tpu.memref_slice %arg3[%dma_start3A_596, %dma_start3A_597] : memref<2000000x64xf32, #tpu.memory_space<hbm>> -> memref<2000000x64xf32, #tpu.memory_space<hbm>>
    tpu.enqueue_indirect_dma source(%dma_start3A_598 : memref<2000000x64xf32, #tpu.memory_space<hbm>>) target(%dma_start3A_593 : memref<128x64xf32, #tpu.memory_space<vmem>>) offsets(%dma_start3A_595 : memref<128xi32, #tpu.memory_space<vmem>>) semaphore(%arg10 : memref<!tpu.dma_semaphore, #tpu.memory_space<semaphore_mem>>)
    %dma_start3A_599 = arith.constant 256 : i32
    %dma_start3A_600 = arith.constant 0 : i32
    %dma_start3A_601 = tpu.memref_slice %arg8[%dma_start3A_599, %dma_start3A_600] : memref<640x64xf32, #tpu.memory_space<vmem>> -> memref<128x64xf32, #tpu.memory_space<vmem>>
    %dma_start3A_602 = arith.constant 4736 : i32
    %dma_start3A_603 = tpu.memref_slice %arg6[%dma_start3A_602] : memref<6400xi32, #tpu.memory_space<vmem>> -> memref<128xi32, #tpu.memory_space<vmem>>
    %dma_start3A_604 = arith.constant 0 : i32
    %dma_start3A_605 = arith.constant 0 : i32
    %dma_start3A_606 = tpu.memref_slice %arg3[%dma_start3A_604, %dma_start3A_605] : memref<2000000x64xf32, #tpu.memory_space<hbm>> -> memref<2000000x64xf32, #tpu.memory_space<hbm>>
    tpu.enqueue_indirect_dma source(%dma_start3A_606 : memref<2000000x64xf32, #tpu.memory_space<hbm>>) target(%dma_start3A_601 : memref<128x64xf32, #tpu.memory_space<vmem>>) offsets(%dma_start3A_603 : memref<128xi32, #tpu.memory_space<vmem>>) semaphore(%arg10 : memref<!tpu.dma_semaphore, #tpu.memory_space<semaphore_mem>>)
    %dma_start3A_607 = arith.constant 384 : i32
    %dma_start3A_608 = arith.constant 0 : i32
    %dma_start3A_609 = tpu.memref_slice %arg8[%dma_start3A_607, %dma_start3A_608] : memref<640x64xf32, #tpu.memory_space<vmem>> -> memref<128x64xf32, #tpu.memory_space<vmem>>
    %dma_start3A_610 = arith.constant 4864 : i32
    %dma_start3A_611 = tpu.memref_slice %arg6[%dma_start3A_610] : memref<6400xi32, #tpu.memory_space<vmem>> -> memref<128xi32, #tpu.memory_space<vmem>>
    %dma_start3A_612 = arith.constant 0 : i32
    %dma_start3A_613 = arith.constant 0 : i32
    %dma_start3A_614 = tpu.memref_slice %arg3[%dma_start3A_612, %dma_start3A_613] : memref<2000000x64xf32, #tpu.memory_space<hbm>> -> memref<2000000x64xf32, #tpu.memory_space<hbm>>
    tpu.enqueue_indirect_dma source(%dma_start3A_614 : memref<2000000x64xf32, #tpu.memory_space<hbm>>) target(%dma_start3A_609 : memref<128x64xf32, #tpu.memory_space<vmem>>) offsets(%dma_start3A_611 : memref<128xi32, #tpu.memory_space<vmem>>) semaphore(%arg10 : memref<!tpu.dma_semaphore, #tpu.memory_space<semaphore_mem>>)
    %dma_start3A_615 = arith.constant 512 : i32
    %dma_start3A_616 = arith.constant 0 : i32
    %dma_start3A_617 = tpu.memref_slice %arg8[%dma_start3A_615, %dma_start3A_616] : memref<640x64xf32, #tpu.memory_space<vmem>> -> memref<128x64xf32, #tpu.memory_space<vmem>>
    %dma_start3A_618 = arith.constant 4992 : i32
    %dma_start3A_619 = tpu.memref_slice %arg6[%dma_start3A_618] : memref<6400xi32, #tpu.memory_space<vmem>> -> memref<128xi32, #tpu.memory_space<vmem>>
    %dma_start3A_620 = arith.constant 0 : i32
    %dma_start3A_621 = arith.constant 0 : i32
    %dma_start3A_622 = tpu.memref_slice %arg3[%dma_start3A_620, %dma_start3A_621] : memref<2000000x64xf32, #tpu.memory_space<hbm>> -> memref<2000000x64xf32, #tpu.memory_space<hbm>>
    tpu.enqueue_indirect_dma source(%dma_start3A_622 : memref<2000000x64xf32, #tpu.memory_space<hbm>>) target(%dma_start3A_617 : memref<128x64xf32, #tpu.memory_space<vmem>>) offsets(%dma_start3A_619 : memref<128xi32, #tpu.memory_space<vmem>>) semaphore(%arg10 : memref<!tpu.dma_semaphore, #tpu.memory_space<semaphore_mem>>)
    %dma_wait3A_623 = arith.constant 0 : i32
    %dma_wait3A_624 = arith.constant 0 : i32
    %dma_wait3A_625 = tpu.memref_slice %arg7[%dma_wait3A_623, %dma_wait3A_624] : memref<640x64xf32, #tpu.memory_space<vmem>> -> memref<128x64xf32, #tpu.memory_space<vmem>>
    %dma_wait3A_626 = arith.constant 3840 : i32
    %dma_wait3A_627 = tpu.memref_slice %arg6[%dma_wait3A_626] : memref<6400xi32, #tpu.memory_space<vmem>> -> memref<128xi32, #tpu.memory_space<vmem>>
    %dma_wait3A_628 = arith.constant 0 : i32
    %dma_wait3A_629 = arith.constant 0 : i32
    %dma_wait3A_630 = tpu.memref_slice %arg3[%dma_wait3A_628, %dma_wait3A_629] : memref<2000000x64xf32, #tpu.memory_space<hbm>> -> memref<2000000x64xf32, #tpu.memory_space<hbm>>
    tpu.wait_indirect_dma semaphore(%arg9 : memref<!tpu.dma_semaphore, #tpu.memory_space<semaphore_mem>>) src(%dma_wait3A_630 : memref<2000000x64xf32, #tpu.memory_space<hbm>>) dst(%dma_wait3A_625 : memref<128x64xf32, #tpu.memory_space<vmem>>)
    %dma_wait3A_631 = arith.constant 128 : i32
    %dma_wait3A_632 = arith.constant 0 : i32
    %dma_wait3A_633 = tpu.memref_slice %arg7[%dma_wait3A_631, %dma_wait3A_632] : memref<640x64xf32, #tpu.memory_space<vmem>> -> memref<128x64xf32, #tpu.memory_space<vmem>>
    %dma_wait3A_634 = arith.constant 3968 : i32
    %dma_wait3A_635 = tpu.memref_slice %arg6[%dma_wait3A_634] : memref<6400xi32, #tpu.memory_space<vmem>> -> memref<128xi32, #tpu.memory_space<vmem>>
    %dma_wait3A_636 = arith.constant 0 : i32
    %dma_wait3A_637 = arith.constant 0 : i32
    %dma_wait3A_638 = tpu.memref_slice %arg3[%dma_wait3A_636, %dma_wait3A_637] : memref<2000000x64xf32, #tpu.memory_space<hbm>> -> memref<2000000x64xf32, #tpu.memory_space<hbm>>
    tpu.wait_indirect_dma semaphore(%arg9 : memref<!tpu.dma_semaphore, #tpu.memory_space<semaphore_mem>>) src(%dma_wait3A_638 : memref<2000000x64xf32, #tpu.memory_space<hbm>>) dst(%dma_wait3A_633 : memref<128x64xf32, #tpu.memory_space<vmem>>)
    %dma_wait3A_639 = arith.constant 256 : i32
    %dma_wait3A_640 = arith.constant 0 : i32
    %dma_wait3A_641 = tpu.memref_slice %arg7[%dma_wait3A_639, %dma_wait3A_640] : memref<640x64xf32, #tpu.memory_space<vmem>> -> memref<128x64xf32, #tpu.memory_space<vmem>>
    %dma_wait3A_642 = arith.constant 4096 : i32
    %dma_wait3A_643 = tpu.memref_slice %arg6[%dma_wait3A_642] : memref<6400xi32, #tpu.memory_space<vmem>> -> memref<128xi32, #tpu.memory_space<vmem>>
    %dma_wait3A_644 = arith.constant 0 : i32
    %dma_wait3A_645 = arith.constant 0 : i32
    %dma_wait3A_646 = tpu.memref_slice %arg3[%dma_wait3A_644, %dma_wait3A_645] : memref<2000000x64xf32, #tpu.memory_space<hbm>> -> memref<2000000x64xf32, #tpu.memory_space<hbm>>
    tpu.wait_indirect_dma semaphore(%arg9 : memref<!tpu.dma_semaphore, #tpu.memory_space<semaphore_mem>>) src(%dma_wait3A_646 : memref<2000000x64xf32, #tpu.memory_space<hbm>>) dst(%dma_wait3A_641 : memref<128x64xf32, #tpu.memory_space<vmem>>)
    %dma_wait3A_647 = arith.constant 384 : i32
    %dma_wait3A_648 = arith.constant 0 : i32
    %dma_wait3A_649 = tpu.memref_slice %arg7[%dma_wait3A_647, %dma_wait3A_648] : memref<640x64xf32, #tpu.memory_space<vmem>> -> memref<128x64xf32, #tpu.memory_space<vmem>>
    %dma_wait3A_650 = arith.constant 4224 : i32
    %dma_wait3A_651 = tpu.memref_slice %arg6[%dma_wait3A_650] : memref<6400xi32, #tpu.memory_space<vmem>> -> memref<128xi32, #tpu.memory_space<vmem>>
    %dma_wait3A_652 = arith.constant 0 : i32
    %dma_wait3A_653 = arith.constant 0 : i32
    %dma_wait3A_654 = tpu.memref_slice %arg3[%dma_wait3A_652, %dma_wait3A_653] : memref<2000000x64xf32, #tpu.memory_space<hbm>> -> memref<2000000x64xf32, #tpu.memory_space<hbm>>
    tpu.wait_indirect_dma semaphore(%arg9 : memref<!tpu.dma_semaphore, #tpu.memory_space<semaphore_mem>>) src(%dma_wait3A_654 : memref<2000000x64xf32, #tpu.memory_space<hbm>>) dst(%dma_wait3A_649 : memref<128x64xf32, #tpu.memory_space<vmem>>)
    %dma_wait3A_655 = arith.constant 512 : i32
    %dma_wait3A_656 = arith.constant 0 : i32
    %dma_wait3A_657 = tpu.memref_slice %arg7[%dma_wait3A_655, %dma_wait3A_656] : memref<640x64xf32, #tpu.memory_space<vmem>> -> memref<128x64xf32, #tpu.memory_space<vmem>>
    %dma_wait3A_658 = arith.constant 4352 : i32
    %dma_wait3A_659 = tpu.memref_slice %arg6[%dma_wait3A_658] : memref<6400xi32, #tpu.memory_space<vmem>> -> memref<128xi32, #tpu.memory_space<vmem>>
    %dma_wait3A_660 = arith.constant 0 : i32
    %dma_wait3A_661 = arith.constant 0 : i32
    %dma_wait3A_662 = tpu.memref_slice %arg3[%dma_wait3A_660, %dma_wait3A_661] : memref<2000000x64xf32, #tpu.memory_space<hbm>> -> memref<2000000x64xf32, #tpu.memory_space<hbm>>
    tpu.wait_indirect_dma semaphore(%arg9 : memref<!tpu.dma_semaphore, #tpu.memory_space<semaphore_mem>>) src(%dma_wait3A_662 : memref<2000000x64xf32, #tpu.memory_space<hbm>>) dst(%dma_wait3A_657 : memref<128x64xf32, #tpu.memory_space<vmem>>)
    %add3A_663 = arith.constant 3840 : i32
    %add3A_664 = arith.addi %mul3A_4, %add3A_663 : i32
    %dma_start3A_665 = arith.constant 0 : i32
    %dma_start3A_666 = tpu.memref_slice %arg5[%add3A_664, %dma_start3A_665] : memref<204800x128xf32, #tpu.memory_space<hbm>> -> memref<640x64xf32, #tpu.memory_space<hbm>>
    %dma_start3A_667 = arith.constant 0 : i32
    %dma_start3A_668 = tpu.memref_slice %arg5[%add3A_664, %dma_start3A_667] : memref<204800x128xf32, #tpu.memory_space<hbm>> -> memref<640x64xf32, #tpu.memory_space<hbm>>
    tpu.enqueue_dma source(%arg7 : memref<640x64xf32, #tpu.memory_space<vmem>>) target(%dma_start3A_668 : memref<640x64xf32, #tpu.memory_space<hbm>>) target_semaphore(%arg11 : memref<!tpu.dma_semaphore, #tpu.memory_space<semaphore_mem>>)
    %dma_wait3A_669 = arith.constant 0 : i32
    %dma_wait3A_670 = tpu.memref_slice %arg5[%add3A_664, %dma_wait3A_669] : memref<204800x128xf32, #tpu.memory_space<hbm>> -> memref<640x64xf32, #tpu.memory_space<hbm>>
    %dma_wait3A_671 = arith.constant 0 : i32
    %dma_wait3A_672 = tpu.memref_slice %arg5[%add3A_664, %dma_wait3A_671] : memref<204800x128xf32, #tpu.memory_space<hbm>> -> memref<640x64xf32, #tpu.memory_space<hbm>>
    tpu.wait_dma2 semaphore(%arg11 : memref<!tpu.dma_semaphore, #tpu.memory_space<semaphore_mem>>) src(%arg7 : memref<640x64xf32, #tpu.memory_space<vmem>>) dst(%dma_wait3A_672 : memref<640x64xf32, #tpu.memory_space<hbm>>)
    %dma_start3A_673 = arith.constant 0 : i32
    %dma_start3A_674 = arith.constant 0 : i32
    %dma_start3A_675 = tpu.memref_slice %arg7[%dma_start3A_673, %dma_start3A_674] : memref<640x64xf32, #tpu.memory_space<vmem>> -> memref<128x64xf32, #tpu.memory_space<vmem>>
    %dma_start3A_676 = arith.constant 5120 : i32
    %dma_start3A_677 = tpu.memref_slice %arg6[%dma_start3A_676] : memref<6400xi32, #tpu.memory_space<vmem>> -> memref<128xi32, #tpu.memory_space<vmem>>
    %dma_start3A_678 = arith.constant 0 : i32
    %dma_start3A_679 = arith.constant 0 : i32
    %dma_start3A_680 = tpu.memref_slice %arg3[%dma_start3A_678, %dma_start3A_679] : memref<2000000x64xf32, #tpu.memory_space<hbm>> -> memref<2000000x64xf32, #tpu.memory_space<hbm>>
    tpu.enqueue_indirect_dma source(%dma_start3A_680 : memref<2000000x64xf32, #tpu.memory_space<hbm>>) target(%dma_start3A_675 : memref<128x64xf32, #tpu.memory_space<vmem>>) offsets(%dma_start3A_677 : memref<128xi32, #tpu.memory_space<vmem>>) semaphore(%arg9 : memref<!tpu.dma_semaphore, #tpu.memory_space<semaphore_mem>>)
    %dma_start3A_681 = arith.constant 128 : i32
    %dma_start3A_682 = arith.constant 0 : i32
    %dma_start3A_683 = tpu.memref_slice %arg7[%dma_start3A_681, %dma_start3A_682] : memref<640x64xf32, #tpu.memory_space<vmem>> -> memref<128x64xf32, #tpu.memory_space<vmem>>
    %dma_start3A_684 = arith.constant 5248 : i32
    %dma_start3A_685 = tpu.memref_slice %arg6[%dma_start3A_684] : memref<6400xi32, #tpu.memory_space<vmem>> -> memref<128xi32, #tpu.memory_space<vmem>>
    %dma_start3A_686 = arith.constant 0 : i32
    %dma_start3A_687 = arith.constant 0 : i32
    %dma_start3A_688 = tpu.memref_slice %arg3[%dma_start3A_686, %dma_start3A_687] : memref<2000000x64xf32, #tpu.memory_space<hbm>> -> memref<2000000x64xf32, #tpu.memory_space<hbm>>
    tpu.enqueue_indirect_dma source(%dma_start3A_688 : memref<2000000x64xf32, #tpu.memory_space<hbm>>) target(%dma_start3A_683 : memref<128x64xf32, #tpu.memory_space<vmem>>) offsets(%dma_start3A_685 : memref<128xi32, #tpu.memory_space<vmem>>) semaphore(%arg9 : memref<!tpu.dma_semaphore, #tpu.memory_space<semaphore_mem>>)
    %dma_start3A_689 = arith.constant 256 : i32
    %dma_start3A_690 = arith.constant 0 : i32
    %dma_start3A_691 = tpu.memref_slice %arg7[%dma_start3A_689, %dma_start3A_690] : memref<640x64xf32, #tpu.memory_space<vmem>> -> memref<128x64xf32, #tpu.memory_space<vmem>>
    %dma_start3A_692 = arith.constant 5376 : i32
    %dma_start3A_693 = tpu.memref_slice %arg6[%dma_start3A_692] : memref<6400xi32, #tpu.memory_space<vmem>> -> memref<128xi32, #tpu.memory_space<vmem>>
    %dma_start3A_694 = arith.constant 0 : i32
    %dma_start3A_695 = arith.constant 0 : i32
    %dma_start3A_696 = tpu.memref_slice %arg3[%dma_start3A_694, %dma_start3A_695] : memref<2000000x64xf32, #tpu.memory_space<hbm>> -> memref<2000000x64xf32, #tpu.memory_space<hbm>>
    tpu.enqueue_indirect_dma source(%dma_start3A_696 : memref<2000000x64xf32, #tpu.memory_space<hbm>>) target(%dma_start3A_691 : memref<128x64xf32, #tpu.memory_space<vmem>>) offsets(%dma_start3A_693 : memref<128xi32, #tpu.memory_space<vmem>>) semaphore(%arg9 : memref<!tpu.dma_semaphore, #tpu.memory_space<semaphore_mem>>)
    %dma_start3A_697 = arith.constant 384 : i32
    %dma_start3A_698 = arith.constant 0 : i32
    %dma_start3A_699 = tpu.memref_slice %arg7[%dma_start3A_697, %dma_start3A_698] : memref<640x64xf32, #tpu.memory_space<vmem>> -> memref<128x64xf32, #tpu.memory_space<vmem>>
    %dma_start3A_700 = arith.constant 5504 : i32
    %dma_start3A_701 = tpu.memref_slice %arg6[%dma_start3A_700] : memref<6400xi32, #tpu.memory_space<vmem>> -> memref<128xi32, #tpu.memory_space<vmem>>
    %dma_start3A_702 = arith.constant 0 : i32
    %dma_start3A_703 = arith.constant 0 : i32
    %dma_start3A_704 = tpu.memref_slice %arg3[%dma_start3A_702, %dma_start3A_703] : memref<2000000x64xf32, #tpu.memory_space<hbm>> -> memref<2000000x64xf32, #tpu.memory_space<hbm>>
    tpu.enqueue_indirect_dma source(%dma_start3A_704 : memref<2000000x64xf32, #tpu.memory_space<hbm>>) target(%dma_start3A_699 : memref<128x64xf32, #tpu.memory_space<vmem>>) offsets(%dma_start3A_701 : memref<128xi32, #tpu.memory_space<vmem>>) semaphore(%arg9 : memref<!tpu.dma_semaphore, #tpu.memory_space<semaphore_mem>>)
    %dma_start3A_705 = arith.constant 512 : i32
    %dma_start3A_706 = arith.constant 0 : i32
    %dma_start3A_707 = tpu.memref_slice %arg7[%dma_start3A_705, %dma_start3A_706] : memref<640x64xf32, #tpu.memory_space<vmem>> -> memref<128x64xf32, #tpu.memory_space<vmem>>
    %dma_start3A_708 = arith.constant 5632 : i32
    %dma_start3A_709 = tpu.memref_slice %arg6[%dma_start3A_708] : memref<6400xi32, #tpu.memory_space<vmem>> -> memref<128xi32, #tpu.memory_space<vmem>>
    %dma_start3A_710 = arith.constant 0 : i32
    %dma_start3A_711 = arith.constant 0 : i32
    %dma_start3A_712 = tpu.memref_slice %arg3[%dma_start3A_710, %dma_start3A_711] : memref<2000000x64xf32, #tpu.memory_space<hbm>> -> memref<2000000x64xf32, #tpu.memory_space<hbm>>
    tpu.enqueue_indirect_dma source(%dma_start3A_712 : memref<2000000x64xf32, #tpu.memory_space<hbm>>) target(%dma_start3A_707 : memref<128x64xf32, #tpu.memory_space<vmem>>) offsets(%dma_start3A_709 : memref<128xi32, #tpu.memory_space<vmem>>) semaphore(%arg9 : memref<!tpu.dma_semaphore, #tpu.memory_space<semaphore_mem>>)
    %dma_wait3A_713 = arith.constant 0 : i32
    %dma_wait3A_714 = arith.constant 0 : i32
    %dma_wait3A_715 = tpu.memref_slice %arg8[%dma_wait3A_713, %dma_wait3A_714] : memref<640x64xf32, #tpu.memory_space<vmem>> -> memref<128x64xf32, #tpu.memory_space<vmem>>
    %dma_wait3A_716 = arith.constant 4480 : i32
    %dma_wait3A_717 = tpu.memref_slice %arg6[%dma_wait3A_716] : memref<6400xi32, #tpu.memory_space<vmem>> -> memref<128xi32, #tpu.memory_space<vmem>>
    %dma_wait3A_718 = arith.constant 0 : i32
    %dma_wait3A_719 = arith.constant 0 : i32
    %dma_wait3A_720 = tpu.memref_slice %arg3[%dma_wait3A_718, %dma_wait3A_719] : memref<2000000x64xf32, #tpu.memory_space<hbm>> -> memref<2000000x64xf32, #tpu.memory_space<hbm>>
    tpu.wait_indirect_dma semaphore(%arg10 : memref<!tpu.dma_semaphore, #tpu.memory_space<semaphore_mem>>) src(%dma_wait3A_720 : memref<2000000x64xf32, #tpu.memory_space<hbm>>) dst(%dma_wait3A_715 : memref<128x64xf32, #tpu.memory_space<vmem>>)
    %dma_wait3A_721 = arith.constant 128 : i32
    %dma_wait3A_722 = arith.constant 0 : i32
    %dma_wait3A_723 = tpu.memref_slice %arg8[%dma_wait3A_721, %dma_wait3A_722] : memref<640x64xf32, #tpu.memory_space<vmem>> -> memref<128x64xf32, #tpu.memory_space<vmem>>
    %dma_wait3A_724 = arith.constant 4608 : i32
    %dma_wait3A_725 = tpu.memref_slice %arg6[%dma_wait3A_724] : memref<6400xi32, #tpu.memory_space<vmem>> -> memref<128xi32, #tpu.memory_space<vmem>>
    %dma_wait3A_726 = arith.constant 0 : i32
    %dma_wait3A_727 = arith.constant 0 : i32
    %dma_wait3A_728 = tpu.memref_slice %arg3[%dma_wait3A_726, %dma_wait3A_727] : memref<2000000x64xf32, #tpu.memory_space<hbm>> -> memref<2000000x64xf32, #tpu.memory_space<hbm>>
    tpu.wait_indirect_dma semaphore(%arg10 : memref<!tpu.dma_semaphore, #tpu.memory_space<semaphore_mem>>) src(%dma_wait3A_728 : memref<2000000x64xf32, #tpu.memory_space<hbm>>) dst(%dma_wait3A_723 : memref<128x64xf32, #tpu.memory_space<vmem>>)
    %dma_wait3A_729 = arith.constant 256 : i32
    %dma_wait3A_730 = arith.constant 0 : i32
    %dma_wait3A_731 = tpu.memref_slice %arg8[%dma_wait3A_729, %dma_wait3A_730] : memref<640x64xf32, #tpu.memory_space<vmem>> -> memref<128x64xf32, #tpu.memory_space<vmem>>
    %dma_wait3A_732 = arith.constant 4736 : i32
    %dma_wait3A_733 = tpu.memref_slice %arg6[%dma_wait3A_732] : memref<6400xi32, #tpu.memory_space<vmem>> -> memref<128xi32, #tpu.memory_space<vmem>>
    %dma_wait3A_734 = arith.constant 0 : i32
    %dma_wait3A_735 = arith.constant 0 : i32
    %dma_wait3A_736 = tpu.memref_slice %arg3[%dma_wait3A_734, %dma_wait3A_735] : memref<2000000x64xf32, #tpu.memory_space<hbm>> -> memref<2000000x64xf32, #tpu.memory_space<hbm>>
    tpu.wait_indirect_dma semaphore(%arg10 : memref<!tpu.dma_semaphore, #tpu.memory_space<semaphore_mem>>) src(%dma_wait3A_736 : memref<2000000x64xf32, #tpu.memory_space<hbm>>) dst(%dma_wait3A_731 : memref<128x64xf32, #tpu.memory_space<vmem>>)
    %dma_wait3A_737 = arith.constant 384 : i32
    %dma_wait3A_738 = arith.constant 0 : i32
    %dma_wait3A_739 = tpu.memref_slice %arg8[%dma_wait3A_737, %dma_wait3A_738] : memref<640x64xf32, #tpu.memory_space<vmem>> -> memref<128x64xf32, #tpu.memory_space<vmem>>
    %dma_wait3A_740 = arith.constant 4864 : i32
    %dma_wait3A_741 = tpu.memref_slice %arg6[%dma_wait3A_740] : memref<6400xi32, #tpu.memory_space<vmem>> -> memref<128xi32, #tpu.memory_space<vmem>>
    %dma_wait3A_742 = arith.constant 0 : i32
    %dma_wait3A_743 = arith.constant 0 : i32
    %dma_wait3A_744 = tpu.memref_slice %arg3[%dma_wait3A_742, %dma_wait3A_743] : memref<2000000x64xf32, #tpu.memory_space<hbm>> -> memref<2000000x64xf32, #tpu.memory_space<hbm>>
    tpu.wait_indirect_dma semaphore(%arg10 : memref<!tpu.dma_semaphore, #tpu.memory_space<semaphore_mem>>) src(%dma_wait3A_744 : memref<2000000x64xf32, #tpu.memory_space<hbm>>) dst(%dma_wait3A_739 : memref<128x64xf32, #tpu.memory_space<vmem>>)
    %dma_wait3A_745 = arith.constant 512 : i32
    %dma_wait3A_746 = arith.constant 0 : i32
    %dma_wait3A_747 = tpu.memref_slice %arg8[%dma_wait3A_745, %dma_wait3A_746] : memref<640x64xf32, #tpu.memory_space<vmem>> -> memref<128x64xf32, #tpu.memory_space<vmem>>
    %dma_wait3A_748 = arith.constant 4992 : i32
    %dma_wait3A_749 = tpu.memref_slice %arg6[%dma_wait3A_748] : memref<6400xi32, #tpu.memory_space<vmem>> -> memref<128xi32, #tpu.memory_space<vmem>>
    %dma_wait3A_750 = arith.constant 0 : i32
    %dma_wait3A_751 = arith.constant 0 : i32
    %dma_wait3A_752 = tpu.memref_slice %arg3[%dma_wait3A_750, %dma_wait3A_751] : memref<2000000x64xf32, #tpu.memory_space<hbm>> -> memref<2000000x64xf32, #tpu.memory_space<hbm>>
    tpu.wait_indirect_dma semaphore(%arg10 : memref<!tpu.dma_semaphore, #tpu.memory_space<semaphore_mem>>) src(%dma_wait3A_752 : memref<2000000x64xf32, #tpu.memory_space<hbm>>) dst(%dma_wait3A_747 : memref<128x64xf32, #tpu.memory_space<vmem>>)
    %add3A_753 = arith.constant 4480 : i32
    %add3A_754 = arith.addi %mul3A_4, %add3A_753 : i32
    %dma_start3A_755 = arith.constant 0 : i32
    %dma_start3A_756 = tpu.memref_slice %arg5[%add3A_754, %dma_start3A_755] : memref<204800x128xf32, #tpu.memory_space<hbm>> -> memref<640x64xf32, #tpu.memory_space<hbm>>
    %dma_start3A_757 = arith.constant 0 : i32
    %dma_start3A_758 = tpu.memref_slice %arg5[%add3A_754, %dma_start3A_757] : memref<204800x128xf32, #tpu.memory_space<hbm>> -> memref<640x64xf32, #tpu.memory_space<hbm>>
    tpu.enqueue_dma source(%arg8 : memref<640x64xf32, #tpu.memory_space<vmem>>) target(%dma_start3A_758 : memref<640x64xf32, #tpu.memory_space<hbm>>) target_semaphore(%arg12 : memref<!tpu.dma_semaphore, #tpu.memory_space<semaphore_mem>>)
    %dma_wait3A_759 = arith.constant 0 : i32
    %dma_wait3A_760 = tpu.memref_slice %arg5[%add3A_754, %dma_wait3A_759] : memref<204800x128xf32, #tpu.memory_space<hbm>> -> memref<640x64xf32, #tpu.memory_space<hbm>>
    %dma_wait3A_761 = arith.constant 0 : i32
    %dma_wait3A_762 = tpu.memref_slice %arg5[%add3A_754, %dma_wait3A_761] : memref<204800x128xf32, #tpu.memory_space<hbm>> -> memref<640x64xf32, #tpu.memory_space<hbm>>
    tpu.wait_dma2 semaphore(%arg12 : memref<!tpu.dma_semaphore, #tpu.memory_space<semaphore_mem>>) src(%arg8 : memref<640x64xf32, #tpu.memory_space<vmem>>) dst(%dma_wait3A_762 : memref<640x64xf32, #tpu.memory_space<hbm>>)
    %dma_start3A_763 = arith.constant 0 : i32
    %dma_start3A_764 = arith.constant 0 : i32
    %dma_start3A_765 = tpu.memref_slice %arg8[%dma_start3A_763, %dma_start3A_764] : memref<640x64xf32, #tpu.memory_space<vmem>> -> memref<128x64xf32, #tpu.memory_space<vmem>>
    %dma_start3A_766 = arith.constant 5760 : i32
    %dma_start3A_767 = tpu.memref_slice %arg6[%dma_start3A_766] : memref<6400xi32, #tpu.memory_space<vmem>> -> memref<128xi32, #tpu.memory_space<vmem>>
    %dma_start3A_768 = arith.constant 0 : i32
    %dma_start3A_769 = arith.constant 0 : i32
    %dma_start3A_770 = tpu.memref_slice %arg3[%dma_start3A_768, %dma_start3A_769] : memref<2000000x64xf32, #tpu.memory_space<hbm>> -> memref<2000000x64xf32, #tpu.memory_space<hbm>>
    tpu.enqueue_indirect_dma source(%dma_start3A_770 : memref<2000000x64xf32, #tpu.memory_space<hbm>>) target(%dma_start3A_765 : memref<128x64xf32, #tpu.memory_space<vmem>>) offsets(%dma_start3A_767 : memref<128xi32, #tpu.memory_space<vmem>>) semaphore(%arg10 : memref<!tpu.dma_semaphore, #tpu.memory_space<semaphore_mem>>)
    %dma_start3A_771 = arith.constant 128 : i32
    %dma_start3A_772 = arith.constant 0 : i32
    %dma_start3A_773 = tpu.memref_slice %arg8[%dma_start3A_771, %dma_start3A_772] : memref<640x64xf32, #tpu.memory_space<vmem>> -> memref<128x64xf32, #tpu.memory_space<vmem>>
    %dma_start3A_774 = arith.constant 5888 : i32
    %dma_start3A_775 = tpu.memref_slice %arg6[%dma_start3A_774] : memref<6400xi32, #tpu.memory_space<vmem>> -> memref<128xi32, #tpu.memory_space<vmem>>
    %dma_start3A_776 = arith.constant 0 : i32
    %dma_start3A_777 = arith.constant 0 : i32
    %dma_start3A_778 = tpu.memref_slice %arg3[%dma_start3A_776, %dma_start3A_777] : memref<2000000x64xf32, #tpu.memory_space<hbm>> -> memref<2000000x64xf32, #tpu.memory_space<hbm>>
    tpu.enqueue_indirect_dma source(%dma_start3A_778 : memref<2000000x64xf32, #tpu.memory_space<hbm>>) target(%dma_start3A_773 : memref<128x64xf32, #tpu.memory_space<vmem>>) offsets(%dma_start3A_775 : memref<128xi32, #tpu.memory_space<vmem>>) semaphore(%arg10 : memref<!tpu.dma_semaphore, #tpu.memory_space<semaphore_mem>>)
    %dma_start3A_779 = arith.constant 256 : i32
    %dma_start3A_780 = arith.constant 0 : i32
    %dma_start3A_781 = tpu.memref_slice %arg8[%dma_start3A_779, %dma_start3A_780] : memref<640x64xf32, #tpu.memory_space<vmem>> -> memref<128x64xf32, #tpu.memory_space<vmem>>
    %dma_start3A_782 = arith.constant 6016 : i32
    %dma_start3A_783 = tpu.memref_slice %arg6[%dma_start3A_782] : memref<6400xi32, #tpu.memory_space<vmem>> -> memref<128xi32, #tpu.memory_space<vmem>>
    %dma_start3A_784 = arith.constant 0 : i32
    %dma_start3A_785 = arith.constant 0 : i32
    %dma_start3A_786 = tpu.memref_slice %arg3[%dma_start3A_784, %dma_start3A_785] : memref<2000000x64xf32, #tpu.memory_space<hbm>> -> memref<2000000x64xf32, #tpu.memory_space<hbm>>
    tpu.enqueue_indirect_dma source(%dma_start3A_786 : memref<2000000x64xf32, #tpu.memory_space<hbm>>) target(%dma_start3A_781 : memref<128x64xf32, #tpu.memory_space<vmem>>) offsets(%dma_start3A_783 : memref<128xi32, #tpu.memory_space<vmem>>) semaphore(%arg10 : memref<!tpu.dma_semaphore, #tpu.memory_space<semaphore_mem>>)
    %dma_start3A_787 = arith.constant 384 : i32
    %dma_start3A_788 = arith.constant 0 : i32
    %dma_start3A_789 = tpu.memref_slice %arg8[%dma_start3A_787, %dma_start3A_788] : memref<640x64xf32, #tpu.memory_space<vmem>> -> memref<128x64xf32, #tpu.memory_space<vmem>>
    %dma_start3A_790 = arith.constant 6144 : i32
    %dma_start3A_791 = tpu.memref_slice %arg6[%dma_start3A_790] : memref<6400xi32, #tpu.memory_space<vmem>> -> memref<128xi32, #tpu.memory_space<vmem>>
    %dma_start3A_792 = arith.constant 0 : i32
    %dma_start3A_793 = arith.constant 0 : i32
    %dma_start3A_794 = tpu.memref_slice %arg3[%dma_start3A_792, %dma_start3A_793] : memref<2000000x64xf32, #tpu.memory_space<hbm>> -> memref<2000000x64xf32, #tpu.memory_space<hbm>>
    tpu.enqueue_indirect_dma source(%dma_start3A_794 : memref<2000000x64xf32, #tpu.memory_space<hbm>>) target(%dma_start3A_789 : memref<128x64xf32, #tpu.memory_space<vmem>>) offsets(%dma_start3A_791 : memref<128xi32, #tpu.memory_space<vmem>>) semaphore(%arg10 : memref<!tpu.dma_semaphore, #tpu.memory_space<semaphore_mem>>)
    %dma_start3A_795 = arith.constant 512 : i32
    %dma_start3A_796 = arith.constant 0 : i32
    %dma_start3A_797 = tpu.memref_slice %arg8[%dma_start3A_795, %dma_start3A_796] : memref<640x64xf32, #tpu.memory_space<vmem>> -> memref<128x64xf32, #tpu.memory_space<vmem>>
    %dma_start3A_798 = arith.constant 6272 : i32
    %dma_start3A_799 = tpu.memref_slice %arg6[%dma_start3A_798] : memref<6400xi32, #tpu.memory_space<vmem>> -> memref<128xi32, #tpu.memory_space<vmem>>
    %dma_start3A_800 = arith.constant 0 : i32
    %dma_start3A_801 = arith.constant 0 : i32
    %dma_start3A_802 = tpu.memref_slice %arg3[%dma_start3A_800, %dma_start3A_801] : memref<2000000x64xf32, #tpu.memory_space<hbm>> -> memref<2000000x64xf32, #tpu.memory_space<hbm>>
    tpu.enqueue_indirect_dma source(%dma_start3A_802 : memref<2000000x64xf32, #tpu.memory_space<hbm>>) target(%dma_start3A_797 : memref<128x64xf32, #tpu.memory_space<vmem>>) offsets(%dma_start3A_799 : memref<128xi32, #tpu.memory_space<vmem>>) semaphore(%arg10 : memref<!tpu.dma_semaphore, #tpu.memory_space<semaphore_mem>>)
    %dma_wait3A_803 = arith.constant 0 : i32
    %dma_wait3A_804 = arith.constant 0 : i32
    %dma_wait3A_805 = tpu.memref_slice %arg7[%dma_wait3A_803, %dma_wait3A_804] : memref<640x64xf32, #tpu.memory_space<vmem>> -> memref<128x64xf32, #tpu.memory_space<vmem>>
    %dma_wait3A_806 = arith.constant 5120 : i32
    %dma_wait3A_807 = tpu.memref_slice %arg6[%dma_wait3A_806] : memref<6400xi32, #tpu.memory_space<vmem>> -> memref<128xi32, #tpu.memory_space<vmem>>
    %dma_wait3A_808 = arith.constant 0 : i32
    %dma_wait3A_809 = arith.constant 0 : i32
    %dma_wait3A_810 = tpu.memref_slice %arg3[%dma_wait3A_808, %dma_wait3A_809] : memref<2000000x64xf32, #tpu.memory_space<hbm>> -> memref<2000000x64xf32, #tpu.memory_space<hbm>>
    tpu.wait_indirect_dma semaphore(%arg9 : memref<!tpu.dma_semaphore, #tpu.memory_space<semaphore_mem>>) src(%dma_wait3A_810 : memref<2000000x64xf32, #tpu.memory_space<hbm>>) dst(%dma_wait3A_805 : memref<128x64xf32, #tpu.memory_space<vmem>>)
    %dma_wait3A_811 = arith.constant 128 : i32
    %dma_wait3A_812 = arith.constant 0 : i32
    %dma_wait3A_813 = tpu.memref_slice %arg7[%dma_wait3A_811, %dma_wait3A_812] : memref<640x64xf32, #tpu.memory_space<vmem>> -> memref<128x64xf32, #tpu.memory_space<vmem>>
    %dma_wait3A_814 = arith.constant 5248 : i32
    %dma_wait3A_815 = tpu.memref_slice %arg6[%dma_wait3A_814] : memref<6400xi32, #tpu.memory_space<vmem>> -> memref<128xi32, #tpu.memory_space<vmem>>
    %dma_wait3A_816 = arith.constant 0 : i32
    %dma_wait3A_817 = arith.constant 0 : i32
    %dma_wait3A_818 = tpu.memref_slice %arg3[%dma_wait3A_816, %dma_wait3A_817] : memref<2000000x64xf32, #tpu.memory_space<hbm>> -> memref<2000000x64xf32, #tpu.memory_space<hbm>>
    tpu.wait_indirect_dma semaphore(%arg9 : memref<!tpu.dma_semaphore, #tpu.memory_space<semaphore_mem>>) src(%dma_wait3A_818 : memref<2000000x64xf32, #tpu.memory_space<hbm>>) dst(%dma_wait3A_813 : memref<128x64xf32, #tpu.memory_space<vmem>>)
    %dma_wait3A_819 = arith.constant 256 : i32
    %dma_wait3A_820 = arith.constant 0 : i32
    %dma_wait3A_821 = tpu.memref_slice %arg7[%dma_wait3A_819, %dma_wait3A_820] : memref<640x64xf32, #tpu.memory_space<vmem>> -> memref<128x64xf32, #tpu.memory_space<vmem>>
    %dma_wait3A_822 = arith.constant 5376 : i32
    %dma_wait3A_823 = tpu.memref_slice %arg6[%dma_wait3A_822] : memref<6400xi32, #tpu.memory_space<vmem>> -> memref<128xi32, #tpu.memory_space<vmem>>
    %dma_wait3A_824 = arith.constant 0 : i32
    %dma_wait3A_825 = arith.constant 0 : i32
    %dma_wait3A_826 = tpu.memref_slice %arg3[%dma_wait3A_824, %dma_wait3A_825] : memref<2000000x64xf32, #tpu.memory_space<hbm>> -> memref<2000000x64xf32, #tpu.memory_space<hbm>>
    tpu.wait_indirect_dma semaphore(%arg9 : memref<!tpu.dma_semaphore, #tpu.memory_space<semaphore_mem>>) src(%dma_wait3A_826 : memref<2000000x64xf32, #tpu.memory_space<hbm>>) dst(%dma_wait3A_821 : memref<128x64xf32, #tpu.memory_space<vmem>>)
    %dma_wait3A_827 = arith.constant 384 : i32
    %dma_wait3A_828 = arith.constant 0 : i32
    %dma_wait3A_829 = tpu.memref_slice %arg7[%dma_wait3A_827, %dma_wait3A_828] : memref<640x64xf32, #tpu.memory_space<vmem>> -> memref<128x64xf32, #tpu.memory_space<vmem>>
    %dma_wait3A_830 = arith.constant 5504 : i32
    %dma_wait3A_831 = tpu.memref_slice %arg6[%dma_wait3A_830] : memref<6400xi32, #tpu.memory_space<vmem>> -> memref<128xi32, #tpu.memory_space<vmem>>
    %dma_wait3A_832 = arith.constant 0 : i32
    %dma_wait3A_833 = arith.constant 0 : i32
    %dma_wait3A_834 = tpu.memref_slice %arg3[%dma_wait3A_832, %dma_wait3A_833] : memref<2000000x64xf32, #tpu.memory_space<hbm>> -> memref<2000000x64xf32, #tpu.memory_space<hbm>>
    tpu.wait_indirect_dma semaphore(%arg9 : memref<!tpu.dma_semaphore, #tpu.memory_space<semaphore_mem>>) src(%dma_wait3A_834 : memref<2000000x64xf32, #tpu.memory_space<hbm>>) dst(%dma_wait3A_829 : memref<128x64xf32, #tpu.memory_space<vmem>>)
    %dma_wait3A_835 = arith.constant 512 : i32
    %dma_wait3A_836 = arith.constant 0 : i32
    %dma_wait3A_837 = tpu.memref_slice %arg7[%dma_wait3A_835, %dma_wait3A_836] : memref<640x64xf32, #tpu.memory_space<vmem>> -> memref<128x64xf32, #tpu.memory_space<vmem>>
    %dma_wait3A_838 = arith.constant 5632 : i32
    %dma_wait3A_839 = tpu.memref_slice %arg6[%dma_wait3A_838] : memref<6400xi32, #tpu.memory_space<vmem>> -> memref<128xi32, #tpu.memory_space<vmem>>
    %dma_wait3A_840 = arith.constant 0 : i32
    %dma_wait3A_841 = arith.constant 0 : i32
    %dma_wait3A_842 = tpu.memref_slice %arg3[%dma_wait3A_840, %dma_wait3A_841] : memref<2000000x64xf32, #tpu.memory_space<hbm>> -> memref<2000000x64xf32, #tpu.memory_space<hbm>>
    tpu.wait_indirect_dma semaphore(%arg9 : memref<!tpu.dma_semaphore, #tpu.memory_space<semaphore_mem>>) src(%dma_wait3A_842 : memref<2000000x64xf32, #tpu.memory_space<hbm>>) dst(%dma_wait3A_837 : memref<128x64xf32, #tpu.memory_space<vmem>>)
    %add3A_843 = arith.constant 5120 : i32
    %add3A_844 = arith.addi %mul3A_4, %add3A_843 : i32
    %dma_start3A_845 = arith.constant 0 : i32
    %dma_start3A_846 = tpu.memref_slice %arg5[%add3A_844, %dma_start3A_845] : memref<204800x128xf32, #tpu.memory_space<hbm>> -> memref<640x64xf32, #tpu.memory_space<hbm>>
    %dma_start3A_847 = arith.constant 0 : i32
    %dma_start3A_848 = tpu.memref_slice %arg5[%add3A_844, %dma_start3A_847] : memref<204800x128xf32, #tpu.memory_space<hbm>> -> memref<640x64xf32, #tpu.memory_space<hbm>>
    tpu.enqueue_dma source(%arg7 : memref<640x64xf32, #tpu.memory_space<vmem>>) target(%dma_start3A_848 : memref<640x64xf32, #tpu.memory_space<hbm>>) target_semaphore(%arg11 : memref<!tpu.dma_semaphore, #tpu.memory_space<semaphore_mem>>)
    %dma_wait3A_849 = arith.constant 0 : i32
    %dma_wait3A_850 = arith.constant 0 : i32
    %dma_wait3A_851 = tpu.memref_slice %arg8[%dma_wait3A_849, %dma_wait3A_850] : memref<640x64xf32, #tpu.memory_space<vmem>> -> memref<128x64xf32, #tpu.memory_space<vmem>>
    %dma_wait3A_852 = arith.constant 5760 : i32
    %dma_wait3A_853 = tpu.memref_slice %arg6[%dma_wait3A_852] : memref<6400xi32, #tpu.memory_space<vmem>> -> memref<128xi32, #tpu.memory_space<vmem>>
    %dma_wait3A_854 = arith.constant 0 : i32
    %dma_wait3A_855 = arith.constant 0 : i32
    %dma_wait3A_856 = tpu.memref_slice %arg3[%dma_wait3A_854, %dma_wait3A_855] : memref<2000000x64xf32, #tpu.memory_space<hbm>> -> memref<2000000x64xf32, #tpu.memory_space<hbm>>
    tpu.wait_indirect_dma semaphore(%arg10 : memref<!tpu.dma_semaphore, #tpu.memory_space<semaphore_mem>>) src(%dma_wait3A_856 : memref<2000000x64xf32, #tpu.memory_space<hbm>>) dst(%dma_wait3A_851 : memref<128x64xf32, #tpu.memory_space<vmem>>)
    %dma_wait3A_857 = arith.constant 128 : i32
    %dma_wait3A_858 = arith.constant 0 : i32
    %dma_wait3A_859 = tpu.memref_slice %arg8[%dma_wait3A_857, %dma_wait3A_858] : memref<640x64xf32, #tpu.memory_space<vmem>> -> memref<128x64xf32, #tpu.memory_space<vmem>>
    %dma_wait3A_860 = arith.constant 5888 : i32
    %dma_wait3A_861 = tpu.memref_slice %arg6[%dma_wait3A_860] : memref<6400xi32, #tpu.memory_space<vmem>> -> memref<128xi32, #tpu.memory_space<vmem>>
    %dma_wait3A_862 = arith.constant 0 : i32
    %dma_wait3A_863 = arith.constant 0 : i32
    %dma_wait3A_864 = tpu.memref_slice %arg3[%dma_wait3A_862, %dma_wait3A_863] : memref<2000000x64xf32, #tpu.memory_space<hbm>> -> memref<2000000x64xf32, #tpu.memory_space<hbm>>
    tpu.wait_indirect_dma semaphore(%arg10 : memref<!tpu.dma_semaphore, #tpu.memory_space<semaphore_mem>>) src(%dma_wait3A_864 : memref<2000000x64xf32, #tpu.memory_space<hbm>>) dst(%dma_wait3A_859 : memref<128x64xf32, #tpu.memory_space<vmem>>)
    %dma_wait3A_865 = arith.constant 256 : i32
    %dma_wait3A_866 = arith.constant 0 : i32
    %dma_wait3A_867 = tpu.memref_slice %arg8[%dma_wait3A_865, %dma_wait3A_866] : memref<640x64xf32, #tpu.memory_space<vmem>> -> memref<128x64xf32, #tpu.memory_space<vmem>>
    %dma_wait3A_868 = arith.constant 6016 : i32
    %dma_wait3A_869 = tpu.memref_slice %arg6[%dma_wait3A_868] : memref<6400xi32, #tpu.memory_space<vmem>> -> memref<128xi32, #tpu.memory_space<vmem>>
    %dma_wait3A_870 = arith.constant 0 : i32
    %dma_wait3A_871 = arith.constant 0 : i32
    %dma_wait3A_872 = tpu.memref_slice %arg3[%dma_wait3A_870, %dma_wait3A_871] : memref<2000000x64xf32, #tpu.memory_space<hbm>> -> memref<2000000x64xf32, #tpu.memory_space<hbm>>
    tpu.wait_indirect_dma semaphore(%arg10 : memref<!tpu.dma_semaphore, #tpu.memory_space<semaphore_mem>>) src(%dma_wait3A_872 : memref<2000000x64xf32, #tpu.memory_space<hbm>>) dst(%dma_wait3A_867 : memref<128x64xf32, #tpu.memory_space<vmem>>)
    %dma_wait3A_873 = arith.constant 384 : i32
    %dma_wait3A_874 = arith.constant 0 : i32
    %dma_wait3A_875 = tpu.memref_slice %arg8[%dma_wait3A_873, %dma_wait3A_874] : memref<640x64xf32, #tpu.memory_space<vmem>> -> memref<128x64xf32, #tpu.memory_space<vmem>>
    %dma_wait3A_876 = arith.constant 6144 : i32
    %dma_wait3A_877 = tpu.memref_slice %arg6[%dma_wait3A_876] : memref<6400xi32, #tpu.memory_space<vmem>> -> memref<128xi32, #tpu.memory_space<vmem>>
    %dma_wait3A_878 = arith.constant 0 : i32
    %dma_wait3A_879 = arith.constant 0 : i32
    %dma_wait3A_880 = tpu.memref_slice %arg3[%dma_wait3A_878, %dma_wait3A_879] : memref<2000000x64xf32, #tpu.memory_space<hbm>> -> memref<2000000x64xf32, #tpu.memory_space<hbm>>
    tpu.wait_indirect_dma semaphore(%arg10 : memref<!tpu.dma_semaphore, #tpu.memory_space<semaphore_mem>>) src(%dma_wait3A_880 : memref<2000000x64xf32, #tpu.memory_space<hbm>>) dst(%dma_wait3A_875 : memref<128x64xf32, #tpu.memory_space<vmem>>)
    %dma_wait3A_881 = arith.constant 512 : i32
    %dma_wait3A_882 = arith.constant 0 : i32
    %dma_wait3A_883 = tpu.memref_slice %arg8[%dma_wait3A_881, %dma_wait3A_882] : memref<640x64xf32, #tpu.memory_space<vmem>> -> memref<128x64xf32, #tpu.memory_space<vmem>>
    %dma_wait3A_884 = arith.constant 6272 : i32
    %dma_wait3A_885 = tpu.memref_slice %arg6[%dma_wait3A_884] : memref<6400xi32, #tpu.memory_space<vmem>> -> memref<128xi32, #tpu.memory_space<vmem>>
    %dma_wait3A_886 = arith.constant 0 : i32
    %dma_wait3A_887 = arith.constant 0 : i32
    %dma_wait3A_888 = tpu.memref_slice %arg3[%dma_wait3A_886, %dma_wait3A_887] : memref<2000000x64xf32, #tpu.memory_space<hbm>> -> memref<2000000x64xf32, #tpu.memory_space<hbm>>
    tpu.wait_indirect_dma semaphore(%arg10 : memref<!tpu.dma_semaphore, #tpu.memory_space<semaphore_mem>>) src(%dma_wait3A_888 : memref<2000000x64xf32, #tpu.memory_space<hbm>>) dst(%dma_wait3A_883 : memref<128x64xf32, #tpu.memory_space<vmem>>)
    %add3A_889 = arith.constant 5760 : i32
    %add3A_890 = arith.addi %mul3A_4, %add3A_889 : i32
    %dma_start3A_891 = arith.constant 0 : i32
    %dma_start3A_892 = tpu.memref_slice %arg5[%add3A_890, %dma_start3A_891] : memref<204800x128xf32, #tpu.memory_space<hbm>> -> memref<640x64xf32, #tpu.memory_space<hbm>>
    %dma_start3A_893 = arith.constant 0 : i32
    %dma_start3A_894 = tpu.memref_slice %arg5[%add3A_890, %dma_start3A_893] : memref<204800x128xf32, #tpu.memory_space<hbm>> -> memref<640x64xf32, #tpu.memory_space<hbm>>
    tpu.enqueue_dma source(%arg8 : memref<640x64xf32, #tpu.memory_space<vmem>>) target(%dma_start3A_894 : memref<640x64xf32, #tpu.memory_space<hbm>>) target_semaphore(%arg12 : memref<!tpu.dma_semaphore, #tpu.memory_space<semaphore_mem>>)
    %dma_wait3A_895 = arith.constant 0 : i32
    %dma_wait3A_896 = tpu.memref_slice %arg5[%add3A_844, %dma_wait3A_895] : memref<204800x128xf32, #tpu.memory_space<hbm>> -> memref<640x64xf32, #tpu.memory_space<hbm>>
    %dma_wait3A_897 = arith.constant 0 : i32
    %dma_wait3A_898 = tpu.memref_slice %arg5[%add3A_844, %dma_wait3A_897] : memref<204800x128xf32, #tpu.memory_space<hbm>> -> memref<640x64xf32, #tpu.memory_space<hbm>>
    tpu.wait_dma2 semaphore(%arg11 : memref<!tpu.dma_semaphore, #tpu.memory_space<semaphore_mem>>) src(%arg7 : memref<640x64xf32, #tpu.memory_space<vmem>>) dst(%dma_wait3A_898 : memref<640x64xf32, #tpu.memory_space<hbm>>)
    %dma_wait3A_899 = arith.constant 0 : i32
    %dma_wait3A_900 = tpu.memref_slice %arg5[%add3A_890, %dma_wait3A_899] : memref<204800x128xf32, #tpu.memory_space<hbm>> -> memref<640x64xf32, #tpu.memory_space<hbm>>
    %dma_wait3A_901 = arith.constant 0 : i32
    %dma_wait3A_902 = tpu.memref_slice %arg5[%add3A_890, %dma_wait3A_901] : memref<204800x128xf32, #tpu.memory_space<hbm>> -> memref<640x64xf32, #tpu.memory_space<hbm>>
    tpu.wait_dma2 semaphore(%arg12 : memref<!tpu.dma_semaphore, #tpu.memory_space<semaphore_mem>>) src(%arg8 : memref<640x64xf32, #tpu.memory_space<vmem>>) dst(%dma_wait3A_902 : memref<640x64xf32, #tpu.memory_space<hbm>>)
    return
  }
}

#map = affine_map<(d0, d1) -> (0)>
#map1 = affine_map<(d0, d1) -> (0, 0)>
module attributes {stable_mosaic.version = 14 : i64} {
  func.func @_pos_body(%arg0: i32, %arg1: i32, %arg2: memref<204800xi32, #tpu.memory_space<hbm>>, %arg3: memref<512x64xf32, #tpu.memory_space<hbm>>, %arg4: memref<204800x128xf32, #tpu.memory_space<hbm>>, %arg5: memref<512x64xf32, #tpu.memory_space<vmem_shared>>, %arg6: memref<6400xi32, #tpu.memory_space<vmem>>, %arg7: memref<640x64xf32, #tpu.memory_space<vmem>>, %arg8: memref<640x64xf32, #tpu.memory_space<vmem>>, %arg9: memref<!tpu.dma_semaphore, #tpu.memory_space<semaphore_mem>>, %arg10: memref<!tpu.dma_semaphore, #tpu.memory_space<semaphore_mem>>, %arg11: memref<!tpu.dma_semaphore, #tpu.memory_space<semaphore_mem>>, %arg12: memref<!tpu.dma_semaphore, #tpu.memory_space<semaphore_mem>>) attributes {dimension_semantics = [#tpu.dimension_semantics<core_parallel>, #tpu.dimension_semantics<subcore_parallel>], iteration_bounds = array<i64: 2, 16>, scalar_prefetch = 0 : i64, scratch_operands = 8 : i64, tpu.core_type = #tpu.core_type<sc_vector_subcore>, window_params = [{transform_indices = #map}, {transform_indices = #map1}, {transform_indices = #map1}]} {
    %eq3A = arith.constant 0 : i32
    %eq3A_0 = arith.cmpi eq, %arg1, %eq3A : i32
    %convert_element_type3A = arith.extui %eq3A_0 : i1 to i32
    %cond3A = arith.constant 0 : i32
    %cond3A_1 = arith.cmpi ne, %convert_element_type3A, %cond3A : i32
    scf.if %cond3A_1 {
      "tpu.region"() ({
        %run_scoped3A = tpu.sem_alloc : memref<!tpu.dma_semaphore, #tpu.memory_space<semaphore_mem>>
        tpu.enqueue_dma source(%arg3 : memref<512x64xf32, #tpu.memory_space<hbm>>) target(%arg5 : memref<512x64xf32, #tpu.memory_space<vmem_shared>>) target_semaphore(%run_scoped3A : memref<!tpu.dma_semaphore, #tpu.memory_space<semaphore_mem>>)
        tpu.wait_dma2 semaphore(%run_scoped3A : memref<!tpu.dma_semaphore, #tpu.memory_space<semaphore_mem>>) src(%arg3 : memref<512x64xf32, #tpu.memory_space<hbm>>) dst(%arg5 : memref<512x64xf32, #tpu.memory_space<vmem_shared>>)
        tpu.yield
      }) : () -> ()
    } else {
    }
    %barrier3A = arith.constant 0 : index
    tpu.barrier barrier_id(%barrier3A)
    %mul3A = arith.constant 2 : i32
    %mul3A_2 = arith.muli %arg1, %mul3A : i32
    %add3A = arith.addi %mul3A_2, %arg0 : i32
    %mul3A_3 = arith.constant 6400 : i32
    %mul3A_4 = arith.muli %add3A, %mul3A_3 : i32
    "tpu.region"() ({
      %run_scoped3A = tpu.sem_alloc : memref<!tpu.dma_semaphore, #tpu.memory_space<semaphore_mem>>
      %dma_start3A_905 = tpu.memref_slice %arg2[%mul3A_4] : memref<204800xi32, #tpu.memory_space<hbm>> -> memref<6400xi32, #tpu.memory_space<hbm>>
      %dma_start3A_906 = tpu.memref_slice %arg2[%mul3A_4] : memref<204800xi32, #tpu.memory_space<hbm>> -> memref<6400xi32, #tpu.memory_space<hbm>>
      tpu.enqueue_dma source(%dma_start3A_906 : memref<6400xi32, #tpu.memory_space<hbm>>) target(%arg6 : memref<6400xi32, #tpu.memory_space<vmem>>) target_semaphore(%run_scoped3A : memref<!tpu.dma_semaphore, #tpu.memory_space<semaphore_mem>>)
      %dma_wait3A_907 = tpu.memref_slice %arg2[%mul3A_4] : memref<204800xi32, #tpu.memory_space<hbm>> -> memref<6400xi32, #tpu.memory_space<hbm>>
      %dma_wait3A_908 = tpu.memref_slice %arg2[%mul3A_4] : memref<204800xi32, #tpu.memory_space<hbm>> -> memref<6400xi32, #tpu.memory_space<hbm>>
      tpu.wait_dma2 semaphore(%run_scoped3A : memref<!tpu.dma_semaphore, #tpu.memory_space<semaphore_mem>>) src(%dma_wait3A_908 : memref<6400xi32, #tpu.memory_space<hbm>>) dst(%arg6 : memref<6400xi32, #tpu.memory_space<vmem>>)
      tpu.yield
    }) : () -> ()
    %mul3A_5 = arith.constant 6400 : i32
    %mul3A_6 = arith.muli %add3A, %mul3A_5 : i32
    %dma_start3A = arith.constant 0 : i32
    %dma_start3A_7 = arith.constant 0 : i32
    %dma_start3A_8 = tpu.memref_slice %arg7[%dma_start3A, %dma_start3A_7] : memref<640x64xf32, #tpu.memory_space<vmem>> -> memref<128x64xf32, #tpu.memory_space<vmem>>
    %dma_start3A_9 = arith.constant 0 : i32
    %dma_start3A_10 = tpu.memref_slice %arg6[%dma_start3A_9] : memref<6400xi32, #tpu.memory_space<vmem>> -> memref<128xi32, #tpu.memory_space<vmem>>
    %dma_start3A_11 = arith.constant 0 : i32
    %dma_start3A_12 = arith.constant 0 : i32
    %dma_start3A_13 = tpu.memref_slice %arg5[%dma_start3A_11, %dma_start3A_12] : memref<512x64xf32, #tpu.memory_space<vmem_shared>> -> memref<512x64xf32, #tpu.memory_space<vmem_shared>>
    tpu.enqueue_indirect_dma source(%dma_start3A_13 : memref<512x64xf32, #tpu.memory_space<vmem_shared>>) target(%dma_start3A_8 : memref<128x64xf32, #tpu.memory_space<vmem>>) offsets(%dma_start3A_10 : memref<128xi32, #tpu.memory_space<vmem>>) semaphore(%arg9 : memref<!tpu.dma_semaphore, #tpu.memory_space<semaphore_mem>>)
    %dma_start3A_14 = arith.constant 128 : i32
    %dma_start3A_15 = arith.constant 0 : i32
    %dma_start3A_16 = tpu.memref_slice %arg7[%dma_start3A_14, %dma_start3A_15] : memref<640x64xf32, #tpu.memory_space<vmem>> -> memref<128x64xf32, #tpu.memory_space<vmem>>
    %dma_start3A_17 = arith.constant 128 : i32
    %dma_start3A_18 = tpu.memref_slice %arg6[%dma_start3A_17] : memref<6400xi32, #tpu.memory_space<vmem>> -> memref<128xi32, #tpu.memory_space<vmem>>
    %dma_start3A_19 = arith.constant 0 : i32
    %dma_start3A_20 = arith.constant 0 : i32
    %dma_start3A_21 = tpu.memref_slice %arg5[%dma_start3A_19, %dma_start3A_20] : memref<512x64xf32, #tpu.memory_space<vmem_shared>> -> memref<512x64xf32, #tpu.memory_space<vmem_shared>>
    tpu.enqueue_indirect_dma source(%dma_start3A_21 : memref<512x64xf32, #tpu.memory_space<vmem_shared>>) target(%dma_start3A_16 : memref<128x64xf32, #tpu.memory_space<vmem>>) offsets(%dma_start3A_18 : memref<128xi32, #tpu.memory_space<vmem>>) semaphore(%arg9 : memref<!tpu.dma_semaphore, #tpu.memory_space<semaphore_mem>>)
    %dma_start3A_22 = arith.constant 256 : i32
    %dma_start3A_23 = arith.constant 0 : i32
    %dma_start3A_24 = tpu.memref_slice %arg7[%dma_start3A_22, %dma_start3A_23] : memref<640x64xf32, #tpu.memory_space<vmem>> -> memref<128x64xf32, #tpu.memory_space<vmem>>
    %dma_start3A_25 = arith.constant 256 : i32
    %dma_start3A_26 = tpu.memref_slice %arg6[%dma_start3A_25] : memref<6400xi32, #tpu.memory_space<vmem>> -> memref<128xi32, #tpu.memory_space<vmem>>
    %dma_start3A_27 = arith.constant 0 : i32
    %dma_start3A_28 = arith.constant 0 : i32
    %dma_start3A_29 = tpu.memref_slice %arg5[%dma_start3A_27, %dma_start3A_28] : memref<512x64xf32, #tpu.memory_space<vmem_shared>> -> memref<512x64xf32, #tpu.memory_space<vmem_shared>>
    tpu.enqueue_indirect_dma source(%dma_start3A_29 : memref<512x64xf32, #tpu.memory_space<vmem_shared>>) target(%dma_start3A_24 : memref<128x64xf32, #tpu.memory_space<vmem>>) offsets(%dma_start3A_26 : memref<128xi32, #tpu.memory_space<vmem>>) semaphore(%arg9 : memref<!tpu.dma_semaphore, #tpu.memory_space<semaphore_mem>>)
    %dma_start3A_30 = arith.constant 384 : i32
    %dma_start3A_31 = arith.constant 0 : i32
    %dma_start3A_32 = tpu.memref_slice %arg7[%dma_start3A_30, %dma_start3A_31] : memref<640x64xf32, #tpu.memory_space<vmem>> -> memref<128x64xf32, #tpu.memory_space<vmem>>
    %dma_start3A_33 = arith.constant 384 : i32
    %dma_start3A_34 = tpu.memref_slice %arg6[%dma_start3A_33] : memref<6400xi32, #tpu.memory_space<vmem>> -> memref<128xi32, #tpu.memory_space<vmem>>
    %dma_start3A_35 = arith.constant 0 : i32
    %dma_start3A_36 = arith.constant 0 : i32
    %dma_start3A_37 = tpu.memref_slice %arg5[%dma_start3A_35, %dma_start3A_36] : memref<512x64xf32, #tpu.memory_space<vmem_shared>> -> memref<512x64xf32, #tpu.memory_space<vmem_shared>>
    tpu.enqueue_indirect_dma source(%dma_start3A_37 : memref<512x64xf32, #tpu.memory_space<vmem_shared>>) target(%dma_start3A_32 : memref<128x64xf32, #tpu.memory_space<vmem>>) offsets(%dma_start3A_34 : memref<128xi32, #tpu.memory_space<vmem>>) semaphore(%arg9 : memref<!tpu.dma_semaphore, #tpu.memory_space<semaphore_mem>>)
    %dma_start3A_38 = arith.constant 512 : i32
    %dma_start3A_39 = arith.constant 0 : i32
    %dma_start3A_40 = tpu.memref_slice %arg7[%dma_start3A_38, %dma_start3A_39] : memref<640x64xf32, #tpu.memory_space<vmem>> -> memref<128x64xf32, #tpu.memory_space<vmem>>
    %dma_start3A_41 = arith.constant 512 : i32
    %dma_start3A_42 = tpu.memref_slice %arg6[%dma_start3A_41] : memref<6400xi32, #tpu.memory_space<vmem>> -> memref<128xi32, #tpu.memory_space<vmem>>
    %dma_start3A_43 = arith.constant 0 : i32
    %dma_start3A_44 = arith.constant 0 : i32
    %dma_start3A_45 = tpu.memref_slice %arg5[%dma_start3A_43, %dma_start3A_44] : memref<512x64xf32, #tpu.memory_space<vmem_shared>> -> memref<512x64xf32, #tpu.memory_space<vmem_shared>>
    tpu.enqueue_indirect_dma source(%dma_start3A_45 : memref<512x64xf32, #tpu.memory_space<vmem_shared>>) target(%dma_start3A_40 : memref<128x64xf32, #tpu.memory_space<vmem>>) offsets(%dma_start3A_42 : memref<128xi32, #tpu.memory_space<vmem>>) semaphore(%arg9 : memref<!tpu.dma_semaphore, #tpu.memory_space<semaphore_mem>>)
    %dma_start3A_46 = arith.constant 0 : i32
    %dma_start3A_47 = arith.constant 0 : i32
    %dma_start3A_48 = tpu.memref_slice %arg8[%dma_start3A_46, %dma_start3A_47] : memref<640x64xf32, #tpu.memory_space<vmem>> -> memref<128x64xf32, #tpu.memory_space<vmem>>
    %dma_start3A_49 = arith.constant 640 : i32
    %dma_start3A_50 = tpu.memref_slice %arg6[%dma_start3A_49] : memref<6400xi32, #tpu.memory_space<vmem>> -> memref<128xi32, #tpu.memory_space<vmem>>
    %dma_start3A_51 = arith.constant 0 : i32
    %dma_start3A_52 = arith.constant 0 : i32
    %dma_start3A_53 = tpu.memref_slice %arg5[%dma_start3A_51, %dma_start3A_52] : memref<512x64xf32, #tpu.memory_space<vmem_shared>> -> memref<512x64xf32, #tpu.memory_space<vmem_shared>>
    tpu.enqueue_indirect_dma source(%dma_start3A_53 : memref<512x64xf32, #tpu.memory_space<vmem_shared>>) target(%dma_start3A_48 : memref<128x64xf32, #tpu.memory_space<vmem>>) offsets(%dma_start3A_50 : memref<128xi32, #tpu.memory_space<vmem>>) semaphore(%arg10 : memref<!tpu.dma_semaphore, #tpu.memory_space<semaphore_mem>>)
    %dma_start3A_54 = arith.constant 128 : i32
    %dma_start3A_55 = arith.constant 0 : i32
    %dma_start3A_56 = tpu.memref_slice %arg8[%dma_start3A_54, %dma_start3A_55] : memref<640x64xf32, #tpu.memory_space<vmem>> -> memref<128x64xf32, #tpu.memory_space<vmem>>
    %dma_start3A_57 = arith.constant 768 : i32
    %dma_start3A_58 = tpu.memref_slice %arg6[%dma_start3A_57] : memref<6400xi32, #tpu.memory_space<vmem>> -> memref<128xi32, #tpu.memory_space<vmem>>
    %dma_start3A_59 = arith.constant 0 : i32
    %dma_start3A_60 = arith.constant 0 : i32
    %dma_start3A_61 = tpu.memref_slice %arg5[%dma_start3A_59, %dma_start3A_60] : memref<512x64xf32, #tpu.memory_space<vmem_shared>> -> memref<512x64xf32, #tpu.memory_space<vmem_shared>>
    tpu.enqueue_indirect_dma source(%dma_start3A_61 : memref<512x64xf32, #tpu.memory_space<vmem_shared>>) target(%dma_start3A_56 : memref<128x64xf32, #tpu.memory_space<vmem>>) offsets(%dma_start3A_58 : memref<128xi32, #tpu.memory_space<vmem>>) semaphore(%arg10 : memref<!tpu.dma_semaphore, #tpu.memory_space<semaphore_mem>>)
    %dma_start3A_62 = arith.constant 256 : i32
    %dma_start3A_63 = arith.constant 0 : i32
    %dma_start3A_64 = tpu.memref_slice %arg8[%dma_start3A_62, %dma_start3A_63] : memref<640x64xf32, #tpu.memory_space<vmem>> -> memref<128x64xf32, #tpu.memory_space<vmem>>
    %dma_start3A_65 = arith.constant 896 : i32
    %dma_start3A_66 = tpu.memref_slice %arg6[%dma_start3A_65] : memref<6400xi32, #tpu.memory_space<vmem>> -> memref<128xi32, #tpu.memory_space<vmem>>
    %dma_start3A_67 = arith.constant 0 : i32
    %dma_start3A_68 = arith.constant 0 : i32
    %dma_start3A_69 = tpu.memref_slice %arg5[%dma_start3A_67, %dma_start3A_68] : memref<512x64xf32, #tpu.memory_space<vmem_shared>> -> memref<512x64xf32, #tpu.memory_space<vmem_shared>>
    tpu.enqueue_indirect_dma source(%dma_start3A_69 : memref<512x64xf32, #tpu.memory_space<vmem_shared>>) target(%dma_start3A_64 : memref<128x64xf32, #tpu.memory_space<vmem>>) offsets(%dma_start3A_66 : memref<128xi32, #tpu.memory_space<vmem>>) semaphore(%arg10 : memref<!tpu.dma_semaphore, #tpu.memory_space<semaphore_mem>>)
    %dma_start3A_70 = arith.constant 384 : i32
    %dma_start3A_71 = arith.constant 0 : i32
    %dma_start3A_72 = tpu.memref_slice %arg8[%dma_start3A_70, %dma_start3A_71] : memref<640x64xf32, #tpu.memory_space<vmem>> -> memref<128x64xf32, #tpu.memory_space<vmem>>
    %dma_start3A_73 = arith.constant 1024 : i32
    %dma_start3A_74 = tpu.memref_slice %arg6[%dma_start3A_73] : memref<6400xi32, #tpu.memory_space<vmem>> -> memref<128xi32, #tpu.memory_space<vmem>>
    %dma_start3A_75 = arith.constant 0 : i32
    %dma_start3A_76 = arith.constant 0 : i32
    %dma_start3A_77 = tpu.memref_slice %arg5[%dma_start3A_75, %dma_start3A_76] : memref<512x64xf32, #tpu.memory_space<vmem_shared>> -> memref<512x64xf32, #tpu.memory_space<vmem_shared>>
    tpu.enqueue_indirect_dma source(%dma_start3A_77 : memref<512x64xf32, #tpu.memory_space<vmem_shared>>) target(%dma_start3A_72 : memref<128x64xf32, #tpu.memory_space<vmem>>) offsets(%dma_start3A_74 : memref<128xi32, #tpu.memory_space<vmem>>) semaphore(%arg10 : memref<!tpu.dma_semaphore, #tpu.memory_space<semaphore_mem>>)
    %dma_start3A_78 = arith.constant 512 : i32
    %dma_start3A_79 = arith.constant 0 : i32
    %dma_start3A_80 = tpu.memref_slice %arg8[%dma_start3A_78, %dma_start3A_79] : memref<640x64xf32, #tpu.memory_space<vmem>> -> memref<128x64xf32, #tpu.memory_space<vmem>>
    %dma_start3A_81 = arith.constant 1152 : i32
    %dma_start3A_82 = tpu.memref_slice %arg6[%dma_start3A_81] : memref<6400xi32, #tpu.memory_space<vmem>> -> memref<128xi32, #tpu.memory_space<vmem>>
    %dma_start3A_83 = arith.constant 0 : i32
    %dma_start3A_84 = arith.constant 0 : i32
    %dma_start3A_85 = tpu.memref_slice %arg5[%dma_start3A_83, %dma_start3A_84] : memref<512x64xf32, #tpu.memory_space<vmem_shared>> -> memref<512x64xf32, #tpu.memory_space<vmem_shared>>
    tpu.enqueue_indirect_dma source(%dma_start3A_85 : memref<512x64xf32, #tpu.memory_space<vmem_shared>>) target(%dma_start3A_80 : memref<128x64xf32, #tpu.memory_space<vmem>>) offsets(%dma_start3A_82 : memref<128xi32, #tpu.memory_space<vmem>>) semaphore(%arg10 : memref<!tpu.dma_semaphore, #tpu.memory_space<semaphore_mem>>)
    %dma_wait3A = arith.constant 0 : i32
    %dma_wait3A_86 = arith.constant 0 : i32
    %dma_wait3A_87 = tpu.memref_slice %arg7[%dma_wait3A, %dma_wait3A_86] : memref<640x64xf32, #tpu.memory_space<vmem>> -> memref<128x64xf32, #tpu.memory_space<vmem>>
    %dma_wait3A_88 = arith.constant 0 : i32
    %dma_wait3A_89 = tpu.memref_slice %arg6[%dma_wait3A_88] : memref<6400xi32, #tpu.memory_space<vmem>> -> memref<128xi32, #tpu.memory_space<vmem>>
    %dma_wait3A_90 = arith.constant 0 : i32
    %dma_wait3A_91 = arith.constant 0 : i32
    %dma_wait3A_92 = tpu.memref_slice %arg5[%dma_wait3A_90, %dma_wait3A_91] : memref<512x64xf32, #tpu.memory_space<vmem_shared>> -> memref<512x64xf32, #tpu.memory_space<vmem_shared>>
    tpu.wait_indirect_dma semaphore(%arg9 : memref<!tpu.dma_semaphore, #tpu.memory_space<semaphore_mem>>) src(%dma_wait3A_92 : memref<512x64xf32, #tpu.memory_space<vmem_shared>>) dst(%dma_wait3A_87 : memref<128x64xf32, #tpu.memory_space<vmem>>)
    %dma_wait3A_93 = arith.constant 128 : i32
    %dma_wait3A_94 = arith.constant 0 : i32
    %dma_wait3A_95 = tpu.memref_slice %arg7[%dma_wait3A_93, %dma_wait3A_94] : memref<640x64xf32, #tpu.memory_space<vmem>> -> memref<128x64xf32, #tpu.memory_space<vmem>>
    %dma_wait3A_96 = arith.constant 128 : i32
    %dma_wait3A_97 = tpu.memref_slice %arg6[%dma_wait3A_96] : memref<6400xi32, #tpu.memory_space<vmem>> -> memref<128xi32, #tpu.memory_space<vmem>>
    %dma_wait3A_98 = arith.constant 0 : i32
    %dma_wait3A_99 = arith.constant 0 : i32
    %dma_wait3A_100 = tpu.memref_slice %arg5[%dma_wait3A_98, %dma_wait3A_99] : memref<512x64xf32, #tpu.memory_space<vmem_shared>> -> memref<512x64xf32, #tpu.memory_space<vmem_shared>>
    tpu.wait_indirect_dma semaphore(%arg9 : memref<!tpu.dma_semaphore, #tpu.memory_space<semaphore_mem>>) src(%dma_wait3A_100 : memref<512x64xf32, #tpu.memory_space<vmem_shared>>) dst(%dma_wait3A_95 : memref<128x64xf32, #tpu.memory_space<vmem>>)
    %dma_wait3A_101 = arith.constant 256 : i32
    %dma_wait3A_102 = arith.constant 0 : i32
    %dma_wait3A_103 = tpu.memref_slice %arg7[%dma_wait3A_101, %dma_wait3A_102] : memref<640x64xf32, #tpu.memory_space<vmem>> -> memref<128x64xf32, #tpu.memory_space<vmem>>
    %dma_wait3A_104 = arith.constant 256 : i32
    %dma_wait3A_105 = tpu.memref_slice %arg6[%dma_wait3A_104] : memref<6400xi32, #tpu.memory_space<vmem>> -> memref<128xi32, #tpu.memory_space<vmem>>
    %dma_wait3A_106 = arith.constant 0 : i32
    %dma_wait3A_107 = arith.constant 0 : i32
    %dma_wait3A_108 = tpu.memref_slice %arg5[%dma_wait3A_106, %dma_wait3A_107] : memref<512x64xf32, #tpu.memory_space<vmem_shared>> -> memref<512x64xf32, #tpu.memory_space<vmem_shared>>
    tpu.wait_indirect_dma semaphore(%arg9 : memref<!tpu.dma_semaphore, #tpu.memory_space<semaphore_mem>>) src(%dma_wait3A_108 : memref<512x64xf32, #tpu.memory_space<vmem_shared>>) dst(%dma_wait3A_103 : memref<128x64xf32, #tpu.memory_space<vmem>>)
    %dma_wait3A_109 = arith.constant 384 : i32
    %dma_wait3A_110 = arith.constant 0 : i32
    %dma_wait3A_111 = tpu.memref_slice %arg7[%dma_wait3A_109, %dma_wait3A_110] : memref<640x64xf32, #tpu.memory_space<vmem>> -> memref<128x64xf32, #tpu.memory_space<vmem>>
    %dma_wait3A_112 = arith.constant 384 : i32
    %dma_wait3A_113 = tpu.memref_slice %arg6[%dma_wait3A_112] : memref<6400xi32, #tpu.memory_space<vmem>> -> memref<128xi32, #tpu.memory_space<vmem>>
    %dma_wait3A_114 = arith.constant 0 : i32
    %dma_wait3A_115 = arith.constant 0 : i32
    %dma_wait3A_116 = tpu.memref_slice %arg5[%dma_wait3A_114, %dma_wait3A_115] : memref<512x64xf32, #tpu.memory_space<vmem_shared>> -> memref<512x64xf32, #tpu.memory_space<vmem_shared>>
    tpu.wait_indirect_dma semaphore(%arg9 : memref<!tpu.dma_semaphore, #tpu.memory_space<semaphore_mem>>) src(%dma_wait3A_116 : memref<512x64xf32, #tpu.memory_space<vmem_shared>>) dst(%dma_wait3A_111 : memref<128x64xf32, #tpu.memory_space<vmem>>)
    %dma_wait3A_117 = arith.constant 512 : i32
    %dma_wait3A_118 = arith.constant 0 : i32
    %dma_wait3A_119 = tpu.memref_slice %arg7[%dma_wait3A_117, %dma_wait3A_118] : memref<640x64xf32, #tpu.memory_space<vmem>> -> memref<128x64xf32, #tpu.memory_space<vmem>>
    %dma_wait3A_120 = arith.constant 512 : i32
    %dma_wait3A_121 = tpu.memref_slice %arg6[%dma_wait3A_120] : memref<6400xi32, #tpu.memory_space<vmem>> -> memref<128xi32, #tpu.memory_space<vmem>>
    %dma_wait3A_122 = arith.constant 0 : i32
    %dma_wait3A_123 = arith.constant 0 : i32
    %dma_wait3A_124 = tpu.memref_slice %arg5[%dma_wait3A_122, %dma_wait3A_123] : memref<512x64xf32, #tpu.memory_space<vmem_shared>> -> memref<512x64xf32, #tpu.memory_space<vmem_shared>>
    tpu.wait_indirect_dma semaphore(%arg9 : memref<!tpu.dma_semaphore, #tpu.memory_space<semaphore_mem>>) src(%dma_wait3A_124 : memref<512x64xf32, #tpu.memory_space<vmem_shared>>) dst(%dma_wait3A_119 : memref<128x64xf32, #tpu.memory_space<vmem>>)
    %add3A_125 = arith.constant 0 : i32
    %add3A_126 = arith.addi %mul3A_6, %add3A_125 : i32
    %dma_start3A_127 = arith.constant 64 : i32
    %dma_start3A_128 = tpu.memref_slice %arg4[%add3A_126, %dma_start3A_127] : memref<204800x128xf32, #tpu.memory_space<hbm>> -> memref<640x64xf32, #tpu.memory_space<hbm>>
    %dma_start3A_129 = arith.constant 64 : i32
    %dma_start3A_130 = tpu.memref_slice %arg4[%add3A_126, %dma_start3A_129] : memref<204800x128xf32, #tpu.memory_space<hbm>> -> memref<640x64xf32, #tpu.memory_space<hbm>>
    tpu.enqueue_dma source(%arg7 : memref<640x64xf32, #tpu.memory_space<vmem>>) target(%dma_start3A_130 : memref<640x64xf32, #tpu.memory_space<hbm>>) target_semaphore(%arg11 : memref<!tpu.dma_semaphore, #tpu.memory_space<semaphore_mem>>)
    %dma_wait3A_131 = arith.constant 64 : i32
    %dma_wait3A_132 = tpu.memref_slice %arg4[%add3A_126, %dma_wait3A_131] : memref<204800x128xf32, #tpu.memory_space<hbm>> -> memref<640x64xf32, #tpu.memory_space<hbm>>
    %dma_wait3A_133 = arith.constant 64 : i32
    %dma_wait3A_134 = tpu.memref_slice %arg4[%add3A_126, %dma_wait3A_133] : memref<204800x128xf32, #tpu.memory_space<hbm>> -> memref<640x64xf32, #tpu.memory_space<hbm>>
    tpu.wait_dma2 semaphore(%arg11 : memref<!tpu.dma_semaphore, #tpu.memory_space<semaphore_mem>>) src(%arg7 : memref<640x64xf32, #tpu.memory_space<vmem>>) dst(%dma_wait3A_134 : memref<640x64xf32, #tpu.memory_space<hbm>>)
    %dma_start3A_135 = arith.constant 0 : i32
    %dma_start3A_136 = arith.constant 0 : i32
    %dma_start3A_137 = tpu.memref_slice %arg7[%dma_start3A_135, %dma_start3A_136] : memref<640x64xf32, #tpu.memory_space<vmem>> -> memref<128x64xf32, #tpu.memory_space<vmem>>
    %dma_start3A_138 = arith.constant 1280 : i32
    %dma_start3A_139 = tpu.memref_slice %arg6[%dma_start3A_138] : memref<6400xi32, #tpu.memory_space<vmem>> -> memref<128xi32, #tpu.memory_space<vmem>>
    %dma_start3A_140 = arith.constant 0 : i32
    %dma_start3A_141 = arith.constant 0 : i32
    %dma_start3A_142 = tpu.memref_slice %arg5[%dma_start3A_140, %dma_start3A_141] : memref<512x64xf32, #tpu.memory_space<vmem_shared>> -> memref<512x64xf32, #tpu.memory_space<vmem_shared>>
    tpu.enqueue_indirect_dma source(%dma_start3A_142 : memref<512x64xf32, #tpu.memory_space<vmem_shared>>) target(%dma_start3A_137 : memref<128x64xf32, #tpu.memory_space<vmem>>) offsets(%dma_start3A_139 : memref<128xi32, #tpu.memory_space<vmem>>) semaphore(%arg9 : memref<!tpu.dma_semaphore, #tpu.memory_space<semaphore_mem>>)
    %dma_start3A_143 = arith.constant 128 : i32
    %dma_start3A_144 = arith.constant 0 : i32
    %dma_start3A_145 = tpu.memref_slice %arg7[%dma_start3A_143, %dma_start3A_144] : memref<640x64xf32, #tpu.memory_space<vmem>> -> memref<128x64xf32, #tpu.memory_space<vmem>>
    %dma_start3A_146 = arith.constant 1408 : i32
    %dma_start3A_147 = tpu.memref_slice %arg6[%dma_start3A_146] : memref<6400xi32, #tpu.memory_space<vmem>> -> memref<128xi32, #tpu.memory_space<vmem>>
    %dma_start3A_148 = arith.constant 0 : i32
    %dma_start3A_149 = arith.constant 0 : i32
    %dma_start3A_150 = tpu.memref_slice %arg5[%dma_start3A_148, %dma_start3A_149] : memref<512x64xf32, #tpu.memory_space<vmem_shared>> -> memref<512x64xf32, #tpu.memory_space<vmem_shared>>
    tpu.enqueue_indirect_dma source(%dma_start3A_150 : memref<512x64xf32, #tpu.memory_space<vmem_shared>>) target(%dma_start3A_145 : memref<128x64xf32, #tpu.memory_space<vmem>>) offsets(%dma_start3A_147 : memref<128xi32, #tpu.memory_space<vmem>>) semaphore(%arg9 : memref<!tpu.dma_semaphore, #tpu.memory_space<semaphore_mem>>)
    %dma_start3A_151 = arith.constant 256 : i32
    %dma_start3A_152 = arith.constant 0 : i32
    %dma_start3A_153 = tpu.memref_slice %arg7[%dma_start3A_151, %dma_start3A_152] : memref<640x64xf32, #tpu.memory_space<vmem>> -> memref<128x64xf32, #tpu.memory_space<vmem>>
    %dma_start3A_154 = arith.constant 1536 : i32
    %dma_start3A_155 = tpu.memref_slice %arg6[%dma_start3A_154] : memref<6400xi32, #tpu.memory_space<vmem>> -> memref<128xi32, #tpu.memory_space<vmem>>
    %dma_start3A_156 = arith.constant 0 : i32
    %dma_start3A_157 = arith.constant 0 : i32
    %dma_start3A_158 = tpu.memref_slice %arg5[%dma_start3A_156, %dma_start3A_157] : memref<512x64xf32, #tpu.memory_space<vmem_shared>> -> memref<512x64xf32, #tpu.memory_space<vmem_shared>>
    tpu.enqueue_indirect_dma source(%dma_start3A_158 : memref<512x64xf32, #tpu.memory_space<vmem_shared>>) target(%dma_start3A_153 : memref<128x64xf32, #tpu.memory_space<vmem>>) offsets(%dma_start3A_155 : memref<128xi32, #tpu.memory_space<vmem>>) semaphore(%arg9 : memref<!tpu.dma_semaphore, #tpu.memory_space<semaphore_mem>>)
    %dma_start3A_159 = arith.constant 384 : i32
    %dma_start3A_160 = arith.constant 0 : i32
    %dma_start3A_161 = tpu.memref_slice %arg7[%dma_start3A_159, %dma_start3A_160] : memref<640x64xf32, #tpu.memory_space<vmem>> -> memref<128x64xf32, #tpu.memory_space<vmem>>
    %dma_start3A_162 = arith.constant 1664 : i32
    %dma_start3A_163 = tpu.memref_slice %arg6[%dma_start3A_162] : memref<6400xi32, #tpu.memory_space<vmem>> -> memref<128xi32, #tpu.memory_space<vmem>>
    %dma_start3A_164 = arith.constant 0 : i32
    %dma_start3A_165 = arith.constant 0 : i32
    %dma_start3A_166 = tpu.memref_slice %arg5[%dma_start3A_164, %dma_start3A_165] : memref<512x64xf32, #tpu.memory_space<vmem_shared>> -> memref<512x64xf32, #tpu.memory_space<vmem_shared>>
    tpu.enqueue_indirect_dma source(%dma_start3A_166 : memref<512x64xf32, #tpu.memory_space<vmem_shared>>) target(%dma_start3A_161 : memref<128x64xf32, #tpu.memory_space<vmem>>) offsets(%dma_start3A_163 : memref<128xi32, #tpu.memory_space<vmem>>) semaphore(%arg9 : memref<!tpu.dma_semaphore, #tpu.memory_space<semaphore_mem>>)
    %dma_start3A_167 = arith.constant 512 : i32
    %dma_start3A_168 = arith.constant 0 : i32
    %dma_start3A_169 = tpu.memref_slice %arg7[%dma_start3A_167, %dma_start3A_168] : memref<640x64xf32, #tpu.memory_space<vmem>> -> memref<128x64xf32, #tpu.memory_space<vmem>>
    %dma_start3A_170 = arith.constant 1792 : i32
    %dma_start3A_171 = tpu.memref_slice %arg6[%dma_start3A_170] : memref<6400xi32, #tpu.memory_space<vmem>> -> memref<128xi32, #tpu.memory_space<vmem>>
    %dma_start3A_172 = arith.constant 0 : i32
    %dma_start3A_173 = arith.constant 0 : i32
    %dma_start3A_174 = tpu.memref_slice %arg5[%dma_start3A_172, %dma_start3A_173] : memref<512x64xf32, #tpu.memory_space<vmem_shared>> -> memref<512x64xf32, #tpu.memory_space<vmem_shared>>
    tpu.enqueue_indirect_dma source(%dma_start3A_174 : memref<512x64xf32, #tpu.memory_space<vmem_shared>>) target(%dma_start3A_169 : memref<128x64xf32, #tpu.memory_space<vmem>>) offsets(%dma_start3A_171 : memref<128xi32, #tpu.memory_space<vmem>>) semaphore(%arg9 : memref<!tpu.dma_semaphore, #tpu.memory_space<semaphore_mem>>)
    %dma_wait3A_175 = arith.constant 0 : i32
    %dma_wait3A_176 = arith.constant 0 : i32
    %dma_wait3A_177 = tpu.memref_slice %arg8[%dma_wait3A_175, %dma_wait3A_176] : memref<640x64xf32, #tpu.memory_space<vmem>> -> memref<128x64xf32, #tpu.memory_space<vmem>>
    %dma_wait3A_178 = arith.constant 640 : i32
    %dma_wait3A_179 = tpu.memref_slice %arg6[%dma_wait3A_178] : memref<6400xi32, #tpu.memory_space<vmem>> -> memref<128xi32, #tpu.memory_space<vmem>>
    %dma_wait3A_180 = arith.constant 0 : i32
    %dma_wait3A_181 = arith.constant 0 : i32
    %dma_wait3A_182 = tpu.memref_slice %arg5[%dma_wait3A_180, %dma_wait3A_181] : memref<512x64xf32, #tpu.memory_space<vmem_shared>> -> memref<512x64xf32, #tpu.memory_space<vmem_shared>>
    tpu.wait_indirect_dma semaphore(%arg10 : memref<!tpu.dma_semaphore, #tpu.memory_space<semaphore_mem>>) src(%dma_wait3A_182 : memref<512x64xf32, #tpu.memory_space<vmem_shared>>) dst(%dma_wait3A_177 : memref<128x64xf32, #tpu.memory_space<vmem>>)
    %dma_wait3A_183 = arith.constant 128 : i32
    %dma_wait3A_184 = arith.constant 0 : i32
    %dma_wait3A_185 = tpu.memref_slice %arg8[%dma_wait3A_183, %dma_wait3A_184] : memref<640x64xf32, #tpu.memory_space<vmem>> -> memref<128x64xf32, #tpu.memory_space<vmem>>
    %dma_wait3A_186 = arith.constant 768 : i32
    %dma_wait3A_187 = tpu.memref_slice %arg6[%dma_wait3A_186] : memref<6400xi32, #tpu.memory_space<vmem>> -> memref<128xi32, #tpu.memory_space<vmem>>
    %dma_wait3A_188 = arith.constant 0 : i32
    %dma_wait3A_189 = arith.constant 0 : i32
    %dma_wait3A_190 = tpu.memref_slice %arg5[%dma_wait3A_188, %dma_wait3A_189] : memref<512x64xf32, #tpu.memory_space<vmem_shared>> -> memref<512x64xf32, #tpu.memory_space<vmem_shared>>
    tpu.wait_indirect_dma semaphore(%arg10 : memref<!tpu.dma_semaphore, #tpu.memory_space<semaphore_mem>>) src(%dma_wait3A_190 : memref<512x64xf32, #tpu.memory_space<vmem_shared>>) dst(%dma_wait3A_185 : memref<128x64xf32, #tpu.memory_space<vmem>>)
    %dma_wait3A_191 = arith.constant 256 : i32
    %dma_wait3A_192 = arith.constant 0 : i32
    %dma_wait3A_193 = tpu.memref_slice %arg8[%dma_wait3A_191, %dma_wait3A_192] : memref<640x64xf32, #tpu.memory_space<vmem>> -> memref<128x64xf32, #tpu.memory_space<vmem>>
    %dma_wait3A_194 = arith.constant 896 : i32
    %dma_wait3A_195 = tpu.memref_slice %arg6[%dma_wait3A_194] : memref<6400xi32, #tpu.memory_space<vmem>> -> memref<128xi32, #tpu.memory_space<vmem>>
    %dma_wait3A_196 = arith.constant 0 : i32
    %dma_wait3A_197 = arith.constant 0 : i32
    %dma_wait3A_198 = tpu.memref_slice %arg5[%dma_wait3A_196, %dma_wait3A_197] : memref<512x64xf32, #tpu.memory_space<vmem_shared>> -> memref<512x64xf32, #tpu.memory_space<vmem_shared>>
    tpu.wait_indirect_dma semaphore(%arg10 : memref<!tpu.dma_semaphore, #tpu.memory_space<semaphore_mem>>) src(%dma_wait3A_198 : memref<512x64xf32, #tpu.memory_space<vmem_shared>>) dst(%dma_wait3A_193 : memref<128x64xf32, #tpu.memory_space<vmem>>)
    %dma_wait3A_199 = arith.constant 384 : i32
    %dma_wait3A_200 = arith.constant 0 : i32
    %dma_wait3A_201 = tpu.memref_slice %arg8[%dma_wait3A_199, %dma_wait3A_200] : memref<640x64xf32, #tpu.memory_space<vmem>> -> memref<128x64xf32, #tpu.memory_space<vmem>>
    %dma_wait3A_202 = arith.constant 1024 : i32
    %dma_wait3A_203 = tpu.memref_slice %arg6[%dma_wait3A_202] : memref<6400xi32, #tpu.memory_space<vmem>> -> memref<128xi32, #tpu.memory_space<vmem>>
    %dma_wait3A_204 = arith.constant 0 : i32
    %dma_wait3A_205 = arith.constant 0 : i32
    %dma_wait3A_206 = tpu.memref_slice %arg5[%dma_wait3A_204, %dma_wait3A_205] : memref<512x64xf32, #tpu.memory_space<vmem_shared>> -> memref<512x64xf32, #tpu.memory_space<vmem_shared>>
    tpu.wait_indirect_dma semaphore(%arg10 : memref<!tpu.dma_semaphore, #tpu.memory_space<semaphore_mem>>) src(%dma_wait3A_206 : memref<512x64xf32, #tpu.memory_space<vmem_shared>>) dst(%dma_wait3A_201 : memref<128x64xf32, #tpu.memory_space<vmem>>)
    %dma_wait3A_207 = arith.constant 512 : i32
    %dma_wait3A_208 = arith.constant 0 : i32
    %dma_wait3A_209 = tpu.memref_slice %arg8[%dma_wait3A_207, %dma_wait3A_208] : memref<640x64xf32, #tpu.memory_space<vmem>> -> memref<128x64xf32, #tpu.memory_space<vmem>>
    %dma_wait3A_210 = arith.constant 1152 : i32
    %dma_wait3A_211 = tpu.memref_slice %arg6[%dma_wait3A_210] : memref<6400xi32, #tpu.memory_space<vmem>> -> memref<128xi32, #tpu.memory_space<vmem>>
    %dma_wait3A_212 = arith.constant 0 : i32
    %dma_wait3A_213 = arith.constant 0 : i32
    %dma_wait3A_214 = tpu.memref_slice %arg5[%dma_wait3A_212, %dma_wait3A_213] : memref<512x64xf32, #tpu.memory_space<vmem_shared>> -> memref<512x64xf32, #tpu.memory_space<vmem_shared>>
    tpu.wait_indirect_dma semaphore(%arg10 : memref<!tpu.dma_semaphore, #tpu.memory_space<semaphore_mem>>) src(%dma_wait3A_214 : memref<512x64xf32, #tpu.memory_space<vmem_shared>>) dst(%dma_wait3A_209 : memref<128x64xf32, #tpu.memory_space<vmem>>)
    %add3A_215 = arith.constant 640 : i32
    %add3A_216 = arith.addi %mul3A_6, %add3A_215 : i32
    %dma_start3A_217 = arith.constant 64 : i32
    %dma_start3A_218 = tpu.memref_slice %arg4[%add3A_216, %dma_start3A_217] : memref<204800x128xf32, #tpu.memory_space<hbm>> -> memref<640x64xf32, #tpu.memory_space<hbm>>
    %dma_start3A_219 = arith.constant 64 : i32
    %dma_start3A_220 = tpu.memref_slice %arg4[%add3A_216, %dma_start3A_219] : memref<204800x128xf32, #tpu.memory_space<hbm>> -> memref<640x64xf32, #tpu.memory_space<hbm>>
    tpu.enqueue_dma source(%arg8 : memref<640x64xf32, #tpu.memory_space<vmem>>) target(%dma_start3A_220 : memref<640x64xf32, #tpu.memory_space<hbm>>) target_semaphore(%arg12 : memref<!tpu.dma_semaphore, #tpu.memory_space<semaphore_mem>>)
    %dma_wait3A_221 = arith.constant 64 : i32
    %dma_wait3A_222 = tpu.memref_slice %arg4[%add3A_216, %dma_wait3A_221] : memref<204800x128xf32, #tpu.memory_space<hbm>> -> memref<640x64xf32, #tpu.memory_space<hbm>>
    %dma_wait3A_223 = arith.constant 64 : i32
    %dma_wait3A_224 = tpu.memref_slice %arg4[%add3A_216, %dma_wait3A_223] : memref<204800x128xf32, #tpu.memory_space<hbm>> -> memref<640x64xf32, #tpu.memory_space<hbm>>
    tpu.wait_dma2 semaphore(%arg12 : memref<!tpu.dma_semaphore, #tpu.memory_space<semaphore_mem>>) src(%arg8 : memref<640x64xf32, #tpu.memory_space<vmem>>) dst(%dma_wait3A_224 : memref<640x64xf32, #tpu.memory_space<hbm>>)
    %dma_start3A_225 = arith.constant 0 : i32
    %dma_start3A_226 = arith.constant 0 : i32
    %dma_start3A_227 = tpu.memref_slice %arg8[%dma_start3A_225, %dma_start3A_226] : memref<640x64xf32, #tpu.memory_space<vmem>> -> memref<128x64xf32, #tpu.memory_space<vmem>>
    %dma_start3A_228 = arith.constant 1920 : i32
    %dma_start3A_229 = tpu.memref_slice %arg6[%dma_start3A_228] : memref<6400xi32, #tpu.memory_space<vmem>> -> memref<128xi32, #tpu.memory_space<vmem>>
    %dma_start3A_230 = arith.constant 0 : i32
    %dma_start3A_231 = arith.constant 0 : i32
    %dma_start3A_232 = tpu.memref_slice %arg5[%dma_start3A_230, %dma_start3A_231] : memref<512x64xf32, #tpu.memory_space<vmem_shared>> -> memref<512x64xf32, #tpu.memory_space<vmem_shared>>
    tpu.enqueue_indirect_dma source(%dma_start3A_232 : memref<512x64xf32, #tpu.memory_space<vmem_shared>>) target(%dma_start3A_227 : memref<128x64xf32, #tpu.memory_space<vmem>>) offsets(%dma_start3A_229 : memref<128xi32, #tpu.memory_space<vmem>>) semaphore(%arg10 : memref<!tpu.dma_semaphore, #tpu.memory_space<semaphore_mem>>)
    %dma_start3A_233 = arith.constant 128 : i32
    %dma_start3A_234 = arith.constant 0 : i32
    %dma_start3A_235 = tpu.memref_slice %arg8[%dma_start3A_233, %dma_start3A_234] : memref<640x64xf32, #tpu.memory_space<vmem>> -> memref<128x64xf32, #tpu.memory_space<vmem>>
    %dma_start3A_236 = arith.constant 2048 : i32
    %dma_start3A_237 = tpu.memref_slice %arg6[%dma_start3A_236] : memref<6400xi32, #tpu.memory_space<vmem>> -> memref<128xi32, #tpu.memory_space<vmem>>
    %dma_start3A_238 = arith.constant 0 : i32
    %dma_start3A_239 = arith.constant 0 : i32
    %dma_start3A_240 = tpu.memref_slice %arg5[%dma_start3A_238, %dma_start3A_239] : memref<512x64xf32, #tpu.memory_space<vmem_shared>> -> memref<512x64xf32, #tpu.memory_space<vmem_shared>>
    tpu.enqueue_indirect_dma source(%dma_start3A_240 : memref<512x64xf32, #tpu.memory_space<vmem_shared>>) target(%dma_start3A_235 : memref<128x64xf32, #tpu.memory_space<vmem>>) offsets(%dma_start3A_237 : memref<128xi32, #tpu.memory_space<vmem>>) semaphore(%arg10 : memref<!tpu.dma_semaphore, #tpu.memory_space<semaphore_mem>>)
    %dma_start3A_241 = arith.constant 256 : i32
    %dma_start3A_242 = arith.constant 0 : i32
    %dma_start3A_243 = tpu.memref_slice %arg8[%dma_start3A_241, %dma_start3A_242] : memref<640x64xf32, #tpu.memory_space<vmem>> -> memref<128x64xf32, #tpu.memory_space<vmem>>
    %dma_start3A_244 = arith.constant 2176 : i32
    %dma_start3A_245 = tpu.memref_slice %arg6[%dma_start3A_244] : memref<6400xi32, #tpu.memory_space<vmem>> -> memref<128xi32, #tpu.memory_space<vmem>>
    %dma_start3A_246 = arith.constant 0 : i32
    %dma_start3A_247 = arith.constant 0 : i32
    %dma_start3A_248 = tpu.memref_slice %arg5[%dma_start3A_246, %dma_start3A_247] : memref<512x64xf32, #tpu.memory_space<vmem_shared>> -> memref<512x64xf32, #tpu.memory_space<vmem_shared>>
    tpu.enqueue_indirect_dma source(%dma_start3A_248 : memref<512x64xf32, #tpu.memory_space<vmem_shared>>) target(%dma_start3A_243 : memref<128x64xf32, #tpu.memory_space<vmem>>) offsets(%dma_start3A_245 : memref<128xi32, #tpu.memory_space<vmem>>) semaphore(%arg10 : memref<!tpu.dma_semaphore, #tpu.memory_space<semaphore_mem>>)
    %dma_start3A_249 = arith.constant 384 : i32
    %dma_start3A_250 = arith.constant 0 : i32
    %dma_start3A_251 = tpu.memref_slice %arg8[%dma_start3A_249, %dma_start3A_250] : memref<640x64xf32, #tpu.memory_space<vmem>> -> memref<128x64xf32, #tpu.memory_space<vmem>>
    %dma_start3A_252 = arith.constant 2304 : i32
    %dma_start3A_253 = tpu.memref_slice %arg6[%dma_start3A_252] : memref<6400xi32, #tpu.memory_space<vmem>> -> memref<128xi32, #tpu.memory_space<vmem>>
    %dma_start3A_254 = arith.constant 0 : i32
    %dma_start3A_255 = arith.constant 0 : i32
    %dma_start3A_256 = tpu.memref_slice %arg5[%dma_start3A_254, %dma_start3A_255] : memref<512x64xf32, #tpu.memory_space<vmem_shared>> -> memref<512x64xf32, #tpu.memory_space<vmem_shared>>
    tpu.enqueue_indirect_dma source(%dma_start3A_256 : memref<512x64xf32, #tpu.memory_space<vmem_shared>>) target(%dma_start3A_251 : memref<128x64xf32, #tpu.memory_space<vmem>>) offsets(%dma_start3A_253 : memref<128xi32, #tpu.memory_space<vmem>>) semaphore(%arg10 : memref<!tpu.dma_semaphore, #tpu.memory_space<semaphore_mem>>)
    %dma_start3A_257 = arith.constant 512 : i32
    %dma_start3A_258 = arith.constant 0 : i32
    %dma_start3A_259 = tpu.memref_slice %arg8[%dma_start3A_257, %dma_start3A_258] : memref<640x64xf32, #tpu.memory_space<vmem>> -> memref<128x64xf32, #tpu.memory_space<vmem>>
    %dma_start3A_260 = arith.constant 2432 : i32
    %dma_start3A_261 = tpu.memref_slice %arg6[%dma_start3A_260] : memref<6400xi32, #tpu.memory_space<vmem>> -> memref<128xi32, #tpu.memory_space<vmem>>
    %dma_start3A_262 = arith.constant 0 : i32
    %dma_start3A_263 = arith.constant 0 : i32
    %dma_start3A_264 = tpu.memref_slice %arg5[%dma_start3A_262, %dma_start3A_263] : memref<512x64xf32, #tpu.memory_space<vmem_shared>> -> memref<512x64xf32, #tpu.memory_space<vmem_shared>>
    tpu.enqueue_indirect_dma source(%dma_start3A_264 : memref<512x64xf32, #tpu.memory_space<vmem_shared>>) target(%dma_start3A_259 : memref<128x64xf32, #tpu.memory_space<vmem>>) offsets(%dma_start3A_261 : memref<128xi32, #tpu.memory_space<vmem>>) semaphore(%arg10 : memref<!tpu.dma_semaphore, #tpu.memory_space<semaphore_mem>>)
    %dma_wait3A_265 = arith.constant 0 : i32
    %dma_wait3A_266 = arith.constant 0 : i32
    %dma_wait3A_267 = tpu.memref_slice %arg7[%dma_wait3A_265, %dma_wait3A_266] : memref<640x64xf32, #tpu.memory_space<vmem>> -> memref<128x64xf32, #tpu.memory_space<vmem>>
    %dma_wait3A_268 = arith.constant 1280 : i32
    %dma_wait3A_269 = tpu.memref_slice %arg6[%dma_wait3A_268] : memref<6400xi32, #tpu.memory_space<vmem>> -> memref<128xi32, #tpu.memory_space<vmem>>
    %dma_wait3A_270 = arith.constant 0 : i32
    %dma_wait3A_271 = arith.constant 0 : i32
    %dma_wait3A_272 = tpu.memref_slice %arg5[%dma_wait3A_270, %dma_wait3A_271] : memref<512x64xf32, #tpu.memory_space<vmem_shared>> -> memref<512x64xf32, #tpu.memory_space<vmem_shared>>
    tpu.wait_indirect_dma semaphore(%arg9 : memref<!tpu.dma_semaphore, #tpu.memory_space<semaphore_mem>>) src(%dma_wait3A_272 : memref<512x64xf32, #tpu.memory_space<vmem_shared>>) dst(%dma_wait3A_267 : memref<128x64xf32, #tpu.memory_space<vmem>>)
    %dma_wait3A_273 = arith.constant 128 : i32
    %dma_wait3A_274 = arith.constant 0 : i32
    %dma_wait3A_275 = tpu.memref_slice %arg7[%dma_wait3A_273, %dma_wait3A_274] : memref<640x64xf32, #tpu.memory_space<vmem>> -> memref<128x64xf32, #tpu.memory_space<vmem>>
    %dma_wait3A_276 = arith.constant 1408 : i32
    %dma_wait3A_277 = tpu.memref_slice %arg6[%dma_wait3A_276] : memref<6400xi32, #tpu.memory_space<vmem>> -> memref<128xi32, #tpu.memory_space<vmem>>
    %dma_wait3A_278 = arith.constant 0 : i32
    %dma_wait3A_279 = arith.constant 0 : i32
    %dma_wait3A_280 = tpu.memref_slice %arg5[%dma_wait3A_278, %dma_wait3A_279] : memref<512x64xf32, #tpu.memory_space<vmem_shared>> -> memref<512x64xf32, #tpu.memory_space<vmem_shared>>
    tpu.wait_indirect_dma semaphore(%arg9 : memref<!tpu.dma_semaphore, #tpu.memory_space<semaphore_mem>>) src(%dma_wait3A_280 : memref<512x64xf32, #tpu.memory_space<vmem_shared>>) dst(%dma_wait3A_275 : memref<128x64xf32, #tpu.memory_space<vmem>>)
    %dma_wait3A_281 = arith.constant 256 : i32
    %dma_wait3A_282 = arith.constant 0 : i32
    %dma_wait3A_283 = tpu.memref_slice %arg7[%dma_wait3A_281, %dma_wait3A_282] : memref<640x64xf32, #tpu.memory_space<vmem>> -> memref<128x64xf32, #tpu.memory_space<vmem>>
    %dma_wait3A_284 = arith.constant 1536 : i32
    %dma_wait3A_285 = tpu.memref_slice %arg6[%dma_wait3A_284] : memref<6400xi32, #tpu.memory_space<vmem>> -> memref<128xi32, #tpu.memory_space<vmem>>
    %dma_wait3A_286 = arith.constant 0 : i32
    %dma_wait3A_287 = arith.constant 0 : i32
    %dma_wait3A_288 = tpu.memref_slice %arg5[%dma_wait3A_286, %dma_wait3A_287] : memref<512x64xf32, #tpu.memory_space<vmem_shared>> -> memref<512x64xf32, #tpu.memory_space<vmem_shared>>
    tpu.wait_indirect_dma semaphore(%arg9 : memref<!tpu.dma_semaphore, #tpu.memory_space<semaphore_mem>>) src(%dma_wait3A_288 : memref<512x64xf32, #tpu.memory_space<vmem_shared>>) dst(%dma_wait3A_283 : memref<128x64xf32, #tpu.memory_space<vmem>>)
    %dma_wait3A_289 = arith.constant 384 : i32
    %dma_wait3A_290 = arith.constant 0 : i32
    %dma_wait3A_291 = tpu.memref_slice %arg7[%dma_wait3A_289, %dma_wait3A_290] : memref<640x64xf32, #tpu.memory_space<vmem>> -> memref<128x64xf32, #tpu.memory_space<vmem>>
    %dma_wait3A_292 = arith.constant 1664 : i32
    %dma_wait3A_293 = tpu.memref_slice %arg6[%dma_wait3A_292] : memref<6400xi32, #tpu.memory_space<vmem>> -> memref<128xi32, #tpu.memory_space<vmem>>
    %dma_wait3A_294 = arith.constant 0 : i32
    %dma_wait3A_295 = arith.constant 0 : i32
    %dma_wait3A_296 = tpu.memref_slice %arg5[%dma_wait3A_294, %dma_wait3A_295] : memref<512x64xf32, #tpu.memory_space<vmem_shared>> -> memref<512x64xf32, #tpu.memory_space<vmem_shared>>
    tpu.wait_indirect_dma semaphore(%arg9 : memref<!tpu.dma_semaphore, #tpu.memory_space<semaphore_mem>>) src(%dma_wait3A_296 : memref<512x64xf32, #tpu.memory_space<vmem_shared>>) dst(%dma_wait3A_291 : memref<128x64xf32, #tpu.memory_space<vmem>>)
    %dma_wait3A_297 = arith.constant 512 : i32
    %dma_wait3A_298 = arith.constant 0 : i32
    %dma_wait3A_299 = tpu.memref_slice %arg7[%dma_wait3A_297, %dma_wait3A_298] : memref<640x64xf32, #tpu.memory_space<vmem>> -> memref<128x64xf32, #tpu.memory_space<vmem>>
    %dma_wait3A_300 = arith.constant 1792 : i32
    %dma_wait3A_301 = tpu.memref_slice %arg6[%dma_wait3A_300] : memref<6400xi32, #tpu.memory_space<vmem>> -> memref<128xi32, #tpu.memory_space<vmem>>
    %dma_wait3A_302 = arith.constant 0 : i32
    %dma_wait3A_303 = arith.constant 0 : i32
    %dma_wait3A_304 = tpu.memref_slice %arg5[%dma_wait3A_302, %dma_wait3A_303] : memref<512x64xf32, #tpu.memory_space<vmem_shared>> -> memref<512x64xf32, #tpu.memory_space<vmem_shared>>
    tpu.wait_indirect_dma semaphore(%arg9 : memref<!tpu.dma_semaphore, #tpu.memory_space<semaphore_mem>>) src(%dma_wait3A_304 : memref<512x64xf32, #tpu.memory_space<vmem_shared>>) dst(%dma_wait3A_299 : memref<128x64xf32, #tpu.memory_space<vmem>>)
    %add3A_305 = arith.constant 1280 : i32
    %add3A_306 = arith.addi %mul3A_6, %add3A_305 : i32
    %dma_start3A_307 = arith.constant 64 : i32
    %dma_start3A_308 = tpu.memref_slice %arg4[%add3A_306, %dma_start3A_307] : memref<204800x128xf32, #tpu.memory_space<hbm>> -> memref<640x64xf32, #tpu.memory_space<hbm>>
    %dma_start3A_309 = arith.constant 64 : i32
    %dma_start3A_310 = tpu.memref_slice %arg4[%add3A_306, %dma_start3A_309] : memref<204800x128xf32, #tpu.memory_space<hbm>> -> memref<640x64xf32, #tpu.memory_space<hbm>>
    tpu.enqueue_dma source(%arg7 : memref<640x64xf32, #tpu.memory_space<vmem>>) target(%dma_start3A_310 : memref<640x64xf32, #tpu.memory_space<hbm>>) target_semaphore(%arg11 : memref<!tpu.dma_semaphore, #tpu.memory_space<semaphore_mem>>)
    %dma_wait3A_311 = arith.constant 64 : i32
    %dma_wait3A_312 = tpu.memref_slice %arg4[%add3A_306, %dma_wait3A_311] : memref<204800x128xf32, #tpu.memory_space<hbm>> -> memref<640x64xf32, #tpu.memory_space<hbm>>
    %dma_wait3A_313 = arith.constant 64 : i32
    %dma_wait3A_314 = tpu.memref_slice %arg4[%add3A_306, %dma_wait3A_313] : memref<204800x128xf32, #tpu.memory_space<hbm>> -> memref<640x64xf32, #tpu.memory_space<hbm>>
    tpu.wait_dma2 semaphore(%arg11 : memref<!tpu.dma_semaphore, #tpu.memory_space<semaphore_mem>>) src(%arg7 : memref<640x64xf32, #tpu.memory_space<vmem>>) dst(%dma_wait3A_314 : memref<640x64xf32, #tpu.memory_space<hbm>>)
    %dma_start3A_315 = arith.constant 0 : i32
    %dma_start3A_316 = arith.constant 0 : i32
    %dma_start3A_317 = tpu.memref_slice %arg7[%dma_start3A_315, %dma_start3A_316] : memref<640x64xf32, #tpu.memory_space<vmem>> -> memref<128x64xf32, #tpu.memory_space<vmem>>
    %dma_start3A_318 = arith.constant 2560 : i32
    %dma_start3A_319 = tpu.memref_slice %arg6[%dma_start3A_318] : memref<6400xi32, #tpu.memory_space<vmem>> -> memref<128xi32, #tpu.memory_space<vmem>>
    %dma_start3A_320 = arith.constant 0 : i32
    %dma_start3A_321 = arith.constant 0 : i32
    %dma_start3A_322 = tpu.memref_slice %arg5[%dma_start3A_320, %dma_start3A_321] : memref<512x64xf32, #tpu.memory_space<vmem_shared>> -> memref<512x64xf32, #tpu.memory_space<vmem_shared>>
    tpu.enqueue_indirect_dma source(%dma_start3A_322 : memref<512x64xf32, #tpu.memory_space<vmem_shared>>) target(%dma_start3A_317 : memref<128x64xf32, #tpu.memory_space<vmem>>) offsets(%dma_start3A_319 : memref<128xi32, #tpu.memory_space<vmem>>) semaphore(%arg9 : memref<!tpu.dma_semaphore, #tpu.memory_space<semaphore_mem>>)
    %dma_start3A_323 = arith.constant 128 : i32
    %dma_start3A_324 = arith.constant 0 : i32
    %dma_start3A_325 = tpu.memref_slice %arg7[%dma_start3A_323, %dma_start3A_324] : memref<640x64xf32, #tpu.memory_space<vmem>> -> memref<128x64xf32, #tpu.memory_space<vmem>>
    %dma_start3A_326 = arith.constant 2688 : i32
    %dma_start3A_327 = tpu.memref_slice %arg6[%dma_start3A_326] : memref<6400xi32, #tpu.memory_space<vmem>> -> memref<128xi32, #tpu.memory_space<vmem>>
    %dma_start3A_328 = arith.constant 0 : i32
    %dma_start3A_329 = arith.constant 0 : i32
    %dma_start3A_330 = tpu.memref_slice %arg5[%dma_start3A_328, %dma_start3A_329] : memref<512x64xf32, #tpu.memory_space<vmem_shared>> -> memref<512x64xf32, #tpu.memory_space<vmem_shared>>
    tpu.enqueue_indirect_dma source(%dma_start3A_330 : memref<512x64xf32, #tpu.memory_space<vmem_shared>>) target(%dma_start3A_325 : memref<128x64xf32, #tpu.memory_space<vmem>>) offsets(%dma_start3A_327 : memref<128xi32, #tpu.memory_space<vmem>>) semaphore(%arg9 : memref<!tpu.dma_semaphore, #tpu.memory_space<semaphore_mem>>)
    %dma_start3A_331 = arith.constant 256 : i32
    %dma_start3A_332 = arith.constant 0 : i32
    %dma_start3A_333 = tpu.memref_slice %arg7[%dma_start3A_331, %dma_start3A_332] : memref<640x64xf32, #tpu.memory_space<vmem>> -> memref<128x64xf32, #tpu.memory_space<vmem>>
    %dma_start3A_334 = arith.constant 2816 : i32
    %dma_start3A_335 = tpu.memref_slice %arg6[%dma_start3A_334] : memref<6400xi32, #tpu.memory_space<vmem>> -> memref<128xi32, #tpu.memory_space<vmem>>
    %dma_start3A_336 = arith.constant 0 : i32
    %dma_start3A_337 = arith.constant 0 : i32
    %dma_start3A_338 = tpu.memref_slice %arg5[%dma_start3A_336, %dma_start3A_337] : memref<512x64xf32, #tpu.memory_space<vmem_shared>> -> memref<512x64xf32, #tpu.memory_space<vmem_shared>>
    tpu.enqueue_indirect_dma source(%dma_start3A_338 : memref<512x64xf32, #tpu.memory_space<vmem_shared>>) target(%dma_start3A_333 : memref<128x64xf32, #tpu.memory_space<vmem>>) offsets(%dma_start3A_335 : memref<128xi32, #tpu.memory_space<vmem>>) semaphore(%arg9 : memref<!tpu.dma_semaphore, #tpu.memory_space<semaphore_mem>>)
    %dma_start3A_339 = arith.constant 384 : i32
    %dma_start3A_340 = arith.constant 0 : i32
    %dma_start3A_341 = tpu.memref_slice %arg7[%dma_start3A_339, %dma_start3A_340] : memref<640x64xf32, #tpu.memory_space<vmem>> -> memref<128x64xf32, #tpu.memory_space<vmem>>
    %dma_start3A_342 = arith.constant 2944 : i32
    %dma_start3A_343 = tpu.memref_slice %arg6[%dma_start3A_342] : memref<6400xi32, #tpu.memory_space<vmem>> -> memref<128xi32, #tpu.memory_space<vmem>>
    %dma_start3A_344 = arith.constant 0 : i32
    %dma_start3A_345 = arith.constant 0 : i32
    %dma_start3A_346 = tpu.memref_slice %arg5[%dma_start3A_344, %dma_start3A_345] : memref<512x64xf32, #tpu.memory_space<vmem_shared>> -> memref<512x64xf32, #tpu.memory_space<vmem_shared>>
    tpu.enqueue_indirect_dma source(%dma_start3A_346 : memref<512x64xf32, #tpu.memory_space<vmem_shared>>) target(%dma_start3A_341 : memref<128x64xf32, #tpu.memory_space<vmem>>) offsets(%dma_start3A_343 : memref<128xi32, #tpu.memory_space<vmem>>) semaphore(%arg9 : memref<!tpu.dma_semaphore, #tpu.memory_space<semaphore_mem>>)
    %dma_start3A_347 = arith.constant 512 : i32
    %dma_start3A_348 = arith.constant 0 : i32
    %dma_start3A_349 = tpu.memref_slice %arg7[%dma_start3A_347, %dma_start3A_348] : memref<640x64xf32, #tpu.memory_space<vmem>> -> memref<128x64xf32, #tpu.memory_space<vmem>>
    %dma_start3A_350 = arith.constant 3072 : i32
    %dma_start3A_351 = tpu.memref_slice %arg6[%dma_start3A_350] : memref<6400xi32, #tpu.memory_space<vmem>> -> memref<128xi32, #tpu.memory_space<vmem>>
    %dma_start3A_352 = arith.constant 0 : i32
    %dma_start3A_353 = arith.constant 0 : i32
    %dma_start3A_354 = tpu.memref_slice %arg5[%dma_start3A_352, %dma_start3A_353] : memref<512x64xf32, #tpu.memory_space<vmem_shared>> -> memref<512x64xf32, #tpu.memory_space<vmem_shared>>
    tpu.enqueue_indirect_dma source(%dma_start3A_354 : memref<512x64xf32, #tpu.memory_space<vmem_shared>>) target(%dma_start3A_349 : memref<128x64xf32, #tpu.memory_space<vmem>>) offsets(%dma_start3A_351 : memref<128xi32, #tpu.memory_space<vmem>>) semaphore(%arg9 : memref<!tpu.dma_semaphore, #tpu.memory_space<semaphore_mem>>)
    %dma_wait3A_355 = arith.constant 0 : i32
    %dma_wait3A_356 = arith.constant 0 : i32
    %dma_wait3A_357 = tpu.memref_slice %arg8[%dma_wait3A_355, %dma_wait3A_356] : memref<640x64xf32, #tpu.memory_space<vmem>> -> memref<128x64xf32, #tpu.memory_space<vmem>>
    %dma_wait3A_358 = arith.constant 1920 : i32
    %dma_wait3A_359 = tpu.memref_slice %arg6[%dma_wait3A_358] : memref<6400xi32, #tpu.memory_space<vmem>> -> memref<128xi32, #tpu.memory_space<vmem>>
    %dma_wait3A_360 = arith.constant 0 : i32
    %dma_wait3A_361 = arith.constant 0 : i32
    %dma_wait3A_362 = tpu.memref_slice %arg5[%dma_wait3A_360, %dma_wait3A_361] : memref<512x64xf32, #tpu.memory_space<vmem_shared>> -> memref<512x64xf32, #tpu.memory_space<vmem_shared>>
    tpu.wait_indirect_dma semaphore(%arg10 : memref<!tpu.dma_semaphore, #tpu.memory_space<semaphore_mem>>) src(%dma_wait3A_362 : memref<512x64xf32, #tpu.memory_space<vmem_shared>>) dst(%dma_wait3A_357 : memref<128x64xf32, #tpu.memory_space<vmem>>)
    %dma_wait3A_363 = arith.constant 128 : i32
    %dma_wait3A_364 = arith.constant 0 : i32
    %dma_wait3A_365 = tpu.memref_slice %arg8[%dma_wait3A_363, %dma_wait3A_364] : memref<640x64xf32, #tpu.memory_space<vmem>> -> memref<128x64xf32, #tpu.memory_space<vmem>>
    %dma_wait3A_366 = arith.constant 2048 : i32
    %dma_wait3A_367 = tpu.memref_slice %arg6[%dma_wait3A_366] : memref<6400xi32, #tpu.memory_space<vmem>> -> memref<128xi32, #tpu.memory_space<vmem>>
    %dma_wait3A_368 = arith.constant 0 : i32
    %dma_wait3A_369 = arith.constant 0 : i32
    %dma_wait3A_370 = tpu.memref_slice %arg5[%dma_wait3A_368, %dma_wait3A_369] : memref<512x64xf32, #tpu.memory_space<vmem_shared>> -> memref<512x64xf32, #tpu.memory_space<vmem_shared>>
    tpu.wait_indirect_dma semaphore(%arg10 : memref<!tpu.dma_semaphore, #tpu.memory_space<semaphore_mem>>) src(%dma_wait3A_370 : memref<512x64xf32, #tpu.memory_space<vmem_shared>>) dst(%dma_wait3A_365 : memref<128x64xf32, #tpu.memory_space<vmem>>)
    %dma_wait3A_371 = arith.constant 256 : i32
    %dma_wait3A_372 = arith.constant 0 : i32
    %dma_wait3A_373 = tpu.memref_slice %arg8[%dma_wait3A_371, %dma_wait3A_372] : memref<640x64xf32, #tpu.memory_space<vmem>> -> memref<128x64xf32, #tpu.memory_space<vmem>>
    %dma_wait3A_374 = arith.constant 2176 : i32
    %dma_wait3A_375 = tpu.memref_slice %arg6[%dma_wait3A_374] : memref<6400xi32, #tpu.memory_space<vmem>> -> memref<128xi32, #tpu.memory_space<vmem>>
    %dma_wait3A_376 = arith.constant 0 : i32
    %dma_wait3A_377 = arith.constant 0 : i32
    %dma_wait3A_378 = tpu.memref_slice %arg5[%dma_wait3A_376, %dma_wait3A_377] : memref<512x64xf32, #tpu.memory_space<vmem_shared>> -> memref<512x64xf32, #tpu.memory_space<vmem_shared>>
    tpu.wait_indirect_dma semaphore(%arg10 : memref<!tpu.dma_semaphore, #tpu.memory_space<semaphore_mem>>) src(%dma_wait3A_378 : memref<512x64xf32, #tpu.memory_space<vmem_shared>>) dst(%dma_wait3A_373 : memref<128x64xf32, #tpu.memory_space<vmem>>)
    %dma_wait3A_379 = arith.constant 384 : i32
    %dma_wait3A_380 = arith.constant 0 : i32
    %dma_wait3A_381 = tpu.memref_slice %arg8[%dma_wait3A_379, %dma_wait3A_380] : memref<640x64xf32, #tpu.memory_space<vmem>> -> memref<128x64xf32, #tpu.memory_space<vmem>>
    %dma_wait3A_382 = arith.constant 2304 : i32
    %dma_wait3A_383 = tpu.memref_slice %arg6[%dma_wait3A_382] : memref<6400xi32, #tpu.memory_space<vmem>> -> memref<128xi32, #tpu.memory_space<vmem>>
    %dma_wait3A_384 = arith.constant 0 : i32
    %dma_wait3A_385 = arith.constant 0 : i32
    %dma_wait3A_386 = tpu.memref_slice %arg5[%dma_wait3A_384, %dma_wait3A_385] : memref<512x64xf32, #tpu.memory_space<vmem_shared>> -> memref<512x64xf32, #tpu.memory_space<vmem_shared>>
    tpu.wait_indirect_dma semaphore(%arg10 : memref<!tpu.dma_semaphore, #tpu.memory_space<semaphore_mem>>) src(%dma_wait3A_386 : memref<512x64xf32, #tpu.memory_space<vmem_shared>>) dst(%dma_wait3A_381 : memref<128x64xf32, #tpu.memory_space<vmem>>)
    %dma_wait3A_387 = arith.constant 512 : i32
    %dma_wait3A_388 = arith.constant 0 : i32
    %dma_wait3A_389 = tpu.memref_slice %arg8[%dma_wait3A_387, %dma_wait3A_388] : memref<640x64xf32, #tpu.memory_space<vmem>> -> memref<128x64xf32, #tpu.memory_space<vmem>>
    %dma_wait3A_390 = arith.constant 2432 : i32
    %dma_wait3A_391 = tpu.memref_slice %arg6[%dma_wait3A_390] : memref<6400xi32, #tpu.memory_space<vmem>> -> memref<128xi32, #tpu.memory_space<vmem>>
    %dma_wait3A_392 = arith.constant 0 : i32
    %dma_wait3A_393 = arith.constant 0 : i32
    %dma_wait3A_394 = tpu.memref_slice %arg5[%dma_wait3A_392, %dma_wait3A_393] : memref<512x64xf32, #tpu.memory_space<vmem_shared>> -> memref<512x64xf32, #tpu.memory_space<vmem_shared>>
    tpu.wait_indirect_dma semaphore(%arg10 : memref<!tpu.dma_semaphore, #tpu.memory_space<semaphore_mem>>) src(%dma_wait3A_394 : memref<512x64xf32, #tpu.memory_space<vmem_shared>>) dst(%dma_wait3A_389 : memref<128x64xf32, #tpu.memory_space<vmem>>)
    %add3A_395 = arith.constant 1920 : i32
    %add3A_396 = arith.addi %mul3A_6, %add3A_395 : i32
    %dma_start3A_397 = arith.constant 64 : i32
    %dma_start3A_398 = tpu.memref_slice %arg4[%add3A_396, %dma_start3A_397] : memref<204800x128xf32, #tpu.memory_space<hbm>> -> memref<640x64xf32, #tpu.memory_space<hbm>>
    %dma_start3A_399 = arith.constant 64 : i32
    %dma_start3A_400 = tpu.memref_slice %arg4[%add3A_396, %dma_start3A_399] : memref<204800x128xf32, #tpu.memory_space<hbm>> -> memref<640x64xf32, #tpu.memory_space<hbm>>
    tpu.enqueue_dma source(%arg8 : memref<640x64xf32, #tpu.memory_space<vmem>>) target(%dma_start3A_400 : memref<640x64xf32, #tpu.memory_space<hbm>>) target_semaphore(%arg12 : memref<!tpu.dma_semaphore, #tpu.memory_space<semaphore_mem>>)
    %dma_wait3A_401 = arith.constant 64 : i32
    %dma_wait3A_402 = tpu.memref_slice %arg4[%add3A_396, %dma_wait3A_401] : memref<204800x128xf32, #tpu.memory_space<hbm>> -> memref<640x64xf32, #tpu.memory_space<hbm>>
    %dma_wait3A_403 = arith.constant 64 : i32
    %dma_wait3A_404 = tpu.memref_slice %arg4[%add3A_396, %dma_wait3A_403] : memref<204800x128xf32, #tpu.memory_space<hbm>> -> memref<640x64xf32, #tpu.memory_space<hbm>>
    tpu.wait_dma2 semaphore(%arg12 : memref<!tpu.dma_semaphore, #tpu.memory_space<semaphore_mem>>) src(%arg8 : memref<640x64xf32, #tpu.memory_space<vmem>>) dst(%dma_wait3A_404 : memref<640x64xf32, #tpu.memory_space<hbm>>)
    %dma_start3A_405 = arith.constant 0 : i32
    %dma_start3A_406 = arith.constant 0 : i32
    %dma_start3A_407 = tpu.memref_slice %arg8[%dma_start3A_405, %dma_start3A_406] : memref<640x64xf32, #tpu.memory_space<vmem>> -> memref<128x64xf32, #tpu.memory_space<vmem>>
    %dma_start3A_408 = arith.constant 3200 : i32
    %dma_start3A_409 = tpu.memref_slice %arg6[%dma_start3A_408] : memref<6400xi32, #tpu.memory_space<vmem>> -> memref<128xi32, #tpu.memory_space<vmem>>
    %dma_start3A_410 = arith.constant 0 : i32
    %dma_start3A_411 = arith.constant 0 : i32
    %dma_start3A_412 = tpu.memref_slice %arg5[%dma_start3A_410, %dma_start3A_411] : memref<512x64xf32, #tpu.memory_space<vmem_shared>> -> memref<512x64xf32, #tpu.memory_space<vmem_shared>>
    tpu.enqueue_indirect_dma source(%dma_start3A_412 : memref<512x64xf32, #tpu.memory_space<vmem_shared>>) target(%dma_start3A_407 : memref<128x64xf32, #tpu.memory_space<vmem>>) offsets(%dma_start3A_409 : memref<128xi32, #tpu.memory_space<vmem>>) semaphore(%arg10 : memref<!tpu.dma_semaphore, #tpu.memory_space<semaphore_mem>>)
    %dma_start3A_413 = arith.constant 128 : i32
    %dma_start3A_414 = arith.constant 0 : i32
    %dma_start3A_415 = tpu.memref_slice %arg8[%dma_start3A_413, %dma_start3A_414] : memref<640x64xf32, #tpu.memory_space<vmem>> -> memref<128x64xf32, #tpu.memory_space<vmem>>
    %dma_start3A_416 = arith.constant 3328 : i32
    %dma_start3A_417 = tpu.memref_slice %arg6[%dma_start3A_416] : memref<6400xi32, #tpu.memory_space<vmem>> -> memref<128xi32, #tpu.memory_space<vmem>>
    %dma_start3A_418 = arith.constant 0 : i32
    %dma_start3A_419 = arith.constant 0 : i32
    %dma_start3A_420 = tpu.memref_slice %arg5[%dma_start3A_418, %dma_start3A_419] : memref<512x64xf32, #tpu.memory_space<vmem_shared>> -> memref<512x64xf32, #tpu.memory_space<vmem_shared>>
    tpu.enqueue_indirect_dma source(%dma_start3A_420 : memref<512x64xf32, #tpu.memory_space<vmem_shared>>) target(%dma_start3A_415 : memref<128x64xf32, #tpu.memory_space<vmem>>) offsets(%dma_start3A_417 : memref<128xi32, #tpu.memory_space<vmem>>) semaphore(%arg10 : memref<!tpu.dma_semaphore, #tpu.memory_space<semaphore_mem>>)
    %dma_start3A_421 = arith.constant 256 : i32
    %dma_start3A_422 = arith.constant 0 : i32
    %dma_start3A_423 = tpu.memref_slice %arg8[%dma_start3A_421, %dma_start3A_422] : memref<640x64xf32, #tpu.memory_space<vmem>> -> memref<128x64xf32, #tpu.memory_space<vmem>>
    %dma_start3A_424 = arith.constant 3456 : i32
    %dma_start3A_425 = tpu.memref_slice %arg6[%dma_start3A_424] : memref<6400xi32, #tpu.memory_space<vmem>> -> memref<128xi32, #tpu.memory_space<vmem>>
    %dma_start3A_426 = arith.constant 0 : i32
    %dma_start3A_427 = arith.constant 0 : i32
    %dma_start3A_428 = tpu.memref_slice %arg5[%dma_start3A_426, %dma_start3A_427] : memref<512x64xf32, #tpu.memory_space<vmem_shared>> -> memref<512x64xf32, #tpu.memory_space<vmem_shared>>
    tpu.enqueue_indirect_dma source(%dma_start3A_428 : memref<512x64xf32, #tpu.memory_space<vmem_shared>>) target(%dma_start3A_423 : memref<128x64xf32, #tpu.memory_space<vmem>>) offsets(%dma_start3A_425 : memref<128xi32, #tpu.memory_space<vmem>>) semaphore(%arg10 : memref<!tpu.dma_semaphore, #tpu.memory_space<semaphore_mem>>)
    %dma_start3A_429 = arith.constant 384 : i32
    %dma_start3A_430 = arith.constant 0 : i32
    %dma_start3A_431 = tpu.memref_slice %arg8[%dma_start3A_429, %dma_start3A_430] : memref<640x64xf32, #tpu.memory_space<vmem>> -> memref<128x64xf32, #tpu.memory_space<vmem>>
    %dma_start3A_432 = arith.constant 3584 : i32
    %dma_start3A_433 = tpu.memref_slice %arg6[%dma_start3A_432] : memref<6400xi32, #tpu.memory_space<vmem>> -> memref<128xi32, #tpu.memory_space<vmem>>
    %dma_start3A_434 = arith.constant 0 : i32
    %dma_start3A_435 = arith.constant 0 : i32
    %dma_start3A_436 = tpu.memref_slice %arg5[%dma_start3A_434, %dma_start3A_435] : memref<512x64xf32, #tpu.memory_space<vmem_shared>> -> memref<512x64xf32, #tpu.memory_space<vmem_shared>>
    tpu.enqueue_indirect_dma source(%dma_start3A_436 : memref<512x64xf32, #tpu.memory_space<vmem_shared>>) target(%dma_start3A_431 : memref<128x64xf32, #tpu.memory_space<vmem>>) offsets(%dma_start3A_433 : memref<128xi32, #tpu.memory_space<vmem>>) semaphore(%arg10 : memref<!tpu.dma_semaphore, #tpu.memory_space<semaphore_mem>>)
    %dma_start3A_437 = arith.constant 512 : i32
    %dma_start3A_438 = arith.constant 0 : i32
    %dma_start3A_439 = tpu.memref_slice %arg8[%dma_start3A_437, %dma_start3A_438] : memref<640x64xf32, #tpu.memory_space<vmem>> -> memref<128x64xf32, #tpu.memory_space<vmem>>
    %dma_start3A_440 = arith.constant 3712 : i32
    %dma_start3A_441 = tpu.memref_slice %arg6[%dma_start3A_440] : memref<6400xi32, #tpu.memory_space<vmem>> -> memref<128xi32, #tpu.memory_space<vmem>>
    %dma_start3A_442 = arith.constant 0 : i32
    %dma_start3A_443 = arith.constant 0 : i32
    %dma_start3A_444 = tpu.memref_slice %arg5[%dma_start3A_442, %dma_start3A_443] : memref<512x64xf32, #tpu.memory_space<vmem_shared>> -> memref<512x64xf32, #tpu.memory_space<vmem_shared>>
    tpu.enqueue_indirect_dma source(%dma_start3A_444 : memref<512x64xf32, #tpu.memory_space<vmem_shared>>) target(%dma_start3A_439 : memref<128x64xf32, #tpu.memory_space<vmem>>) offsets(%dma_start3A_441 : memref<128xi32, #tpu.memory_space<vmem>>) semaphore(%arg10 : memref<!tpu.dma_semaphore, #tpu.memory_space<semaphore_mem>>)
    %dma_wait3A_445 = arith.constant 0 : i32
    %dma_wait3A_446 = arith.constant 0 : i32
    %dma_wait3A_447 = tpu.memref_slice %arg7[%dma_wait3A_445, %dma_wait3A_446] : memref<640x64xf32, #tpu.memory_space<vmem>> -> memref<128x64xf32, #tpu.memory_space<vmem>>
    %dma_wait3A_448 = arith.constant 2560 : i32
    %dma_wait3A_449 = tpu.memref_slice %arg6[%dma_wait3A_448] : memref<6400xi32, #tpu.memory_space<vmem>> -> memref<128xi32, #tpu.memory_space<vmem>>
    %dma_wait3A_450 = arith.constant 0 : i32
    %dma_wait3A_451 = arith.constant 0 : i32
    %dma_wait3A_452 = tpu.memref_slice %arg5[%dma_wait3A_450, %dma_wait3A_451] : memref<512x64xf32, #tpu.memory_space<vmem_shared>> -> memref<512x64xf32, #tpu.memory_space<vmem_shared>>
    tpu.wait_indirect_dma semaphore(%arg9 : memref<!tpu.dma_semaphore, #tpu.memory_space<semaphore_mem>>) src(%dma_wait3A_452 : memref<512x64xf32, #tpu.memory_space<vmem_shared>>) dst(%dma_wait3A_447 : memref<128x64xf32, #tpu.memory_space<vmem>>)
    %dma_wait3A_453 = arith.constant 128 : i32
    %dma_wait3A_454 = arith.constant 0 : i32
    %dma_wait3A_455 = tpu.memref_slice %arg7[%dma_wait3A_453, %dma_wait3A_454] : memref<640x64xf32, #tpu.memory_space<vmem>> -> memref<128x64xf32, #tpu.memory_space<vmem>>
    %dma_wait3A_456 = arith.constant 2688 : i32
    %dma_wait3A_457 = tpu.memref_slice %arg6[%dma_wait3A_456] : memref<6400xi32, #tpu.memory_space<vmem>> -> memref<128xi32, #tpu.memory_space<vmem>>
    %dma_wait3A_458 = arith.constant 0 : i32
    %dma_wait3A_459 = arith.constant 0 : i32
    %dma_wait3A_460 = tpu.memref_slice %arg5[%dma_wait3A_458, %dma_wait3A_459] : memref<512x64xf32, #tpu.memory_space<vmem_shared>> -> memref<512x64xf32, #tpu.memory_space<vmem_shared>>
    tpu.wait_indirect_dma semaphore(%arg9 : memref<!tpu.dma_semaphore, #tpu.memory_space<semaphore_mem>>) src(%dma_wait3A_460 : memref<512x64xf32, #tpu.memory_space<vmem_shared>>) dst(%dma_wait3A_455 : memref<128x64xf32, #tpu.memory_space<vmem>>)
    %dma_wait3A_461 = arith.constant 256 : i32
    %dma_wait3A_462 = arith.constant 0 : i32
    %dma_wait3A_463 = tpu.memref_slice %arg7[%dma_wait3A_461, %dma_wait3A_462] : memref<640x64xf32, #tpu.memory_space<vmem>> -> memref<128x64xf32, #tpu.memory_space<vmem>>
    %dma_wait3A_464 = arith.constant 2816 : i32
    %dma_wait3A_465 = tpu.memref_slice %arg6[%dma_wait3A_464] : memref<6400xi32, #tpu.memory_space<vmem>> -> memref<128xi32, #tpu.memory_space<vmem>>
    %dma_wait3A_466 = arith.constant 0 : i32
    %dma_wait3A_467 = arith.constant 0 : i32
    %dma_wait3A_468 = tpu.memref_slice %arg5[%dma_wait3A_466, %dma_wait3A_467] : memref<512x64xf32, #tpu.memory_space<vmem_shared>> -> memref<512x64xf32, #tpu.memory_space<vmem_shared>>
    tpu.wait_indirect_dma semaphore(%arg9 : memref<!tpu.dma_semaphore, #tpu.memory_space<semaphore_mem>>) src(%dma_wait3A_468 : memref<512x64xf32, #tpu.memory_space<vmem_shared>>) dst(%dma_wait3A_463 : memref<128x64xf32, #tpu.memory_space<vmem>>)
    %dma_wait3A_469 = arith.constant 384 : i32
    %dma_wait3A_470 = arith.constant 0 : i32
    %dma_wait3A_471 = tpu.memref_slice %arg7[%dma_wait3A_469, %dma_wait3A_470] : memref<640x64xf32, #tpu.memory_space<vmem>> -> memref<128x64xf32, #tpu.memory_space<vmem>>
    %dma_wait3A_472 = arith.constant 2944 : i32
    %dma_wait3A_473 = tpu.memref_slice %arg6[%dma_wait3A_472] : memref<6400xi32, #tpu.memory_space<vmem>> -> memref<128xi32, #tpu.memory_space<vmem>>
    %dma_wait3A_474 = arith.constant 0 : i32
    %dma_wait3A_475 = arith.constant 0 : i32
    %dma_wait3A_476 = tpu.memref_slice %arg5[%dma_wait3A_474, %dma_wait3A_475] : memref<512x64xf32, #tpu.memory_space<vmem_shared>> -> memref<512x64xf32, #tpu.memory_space<vmem_shared>>
    tpu.wait_indirect_dma semaphore(%arg9 : memref<!tpu.dma_semaphore, #tpu.memory_space<semaphore_mem>>) src(%dma_wait3A_476 : memref<512x64xf32, #tpu.memory_space<vmem_shared>>) dst(%dma_wait3A_471 : memref<128x64xf32, #tpu.memory_space<vmem>>)
    %dma_wait3A_477 = arith.constant 512 : i32
    %dma_wait3A_478 = arith.constant 0 : i32
    %dma_wait3A_479 = tpu.memref_slice %arg7[%dma_wait3A_477, %dma_wait3A_478] : memref<640x64xf32, #tpu.memory_space<vmem>> -> memref<128x64xf32, #tpu.memory_space<vmem>>
    %dma_wait3A_480 = arith.constant 3072 : i32
    %dma_wait3A_481 = tpu.memref_slice %arg6[%dma_wait3A_480] : memref<6400xi32, #tpu.memory_space<vmem>> -> memref<128xi32, #tpu.memory_space<vmem>>
    %dma_wait3A_482 = arith.constant 0 : i32
    %dma_wait3A_483 = arith.constant 0 : i32
    %dma_wait3A_484 = tpu.memref_slice %arg5[%dma_wait3A_482, %dma_wait3A_483] : memref<512x64xf32, #tpu.memory_space<vmem_shared>> -> memref<512x64xf32, #tpu.memory_space<vmem_shared>>
    tpu.wait_indirect_dma semaphore(%arg9 : memref<!tpu.dma_semaphore, #tpu.memory_space<semaphore_mem>>) src(%dma_wait3A_484 : memref<512x64xf32, #tpu.memory_space<vmem_shared>>) dst(%dma_wait3A_479 : memref<128x64xf32, #tpu.memory_space<vmem>>)
    %add3A_485 = arith.constant 2560 : i32
    %add3A_486 = arith.addi %mul3A_6, %add3A_485 : i32
    %dma_start3A_487 = arith.constant 64 : i32
    %dma_start3A_488 = tpu.memref_slice %arg4[%add3A_486, %dma_start3A_487] : memref<204800x128xf32, #tpu.memory_space<hbm>> -> memref<640x64xf32, #tpu.memory_space<hbm>>
    %dma_start3A_489 = arith.constant 64 : i32
    %dma_start3A_490 = tpu.memref_slice %arg4[%add3A_486, %dma_start3A_489] : memref<204800x128xf32, #tpu.memory_space<hbm>> -> memref<640x64xf32, #tpu.memory_space<hbm>>
    tpu.enqueue_dma source(%arg7 : memref<640x64xf32, #tpu.memory_space<vmem>>) target(%dma_start3A_490 : memref<640x64xf32, #tpu.memory_space<hbm>>) target_semaphore(%arg11 : memref<!tpu.dma_semaphore, #tpu.memory_space<semaphore_mem>>)
    %dma_wait3A_491 = arith.constant 64 : i32
    %dma_wait3A_492 = tpu.memref_slice %arg4[%add3A_486, %dma_wait3A_491] : memref<204800x128xf32, #tpu.memory_space<hbm>> -> memref<640x64xf32, #tpu.memory_space<hbm>>
    %dma_wait3A_493 = arith.constant 64 : i32
    %dma_wait3A_494 = tpu.memref_slice %arg4[%add3A_486, %dma_wait3A_493] : memref<204800x128xf32, #tpu.memory_space<hbm>> -> memref<640x64xf32, #tpu.memory_space<hbm>>
    tpu.wait_dma2 semaphore(%arg11 : memref<!tpu.dma_semaphore, #tpu.memory_space<semaphore_mem>>) src(%arg7 : memref<640x64xf32, #tpu.memory_space<vmem>>) dst(%dma_wait3A_494 : memref<640x64xf32, #tpu.memory_space<hbm>>)
    %dma_start3A_495 = arith.constant 0 : i32
    %dma_start3A_496 = arith.constant 0 : i32
    %dma_start3A_497 = tpu.memref_slice %arg7[%dma_start3A_495, %dma_start3A_496] : memref<640x64xf32, #tpu.memory_space<vmem>> -> memref<128x64xf32, #tpu.memory_space<vmem>>
    %dma_start3A_498 = arith.constant 3840 : i32
    %dma_start3A_499 = tpu.memref_slice %arg6[%dma_start3A_498] : memref<6400xi32, #tpu.memory_space<vmem>> -> memref<128xi32, #tpu.memory_space<vmem>>
    %dma_start3A_500 = arith.constant 0 : i32
    %dma_start3A_501 = arith.constant 0 : i32
    %dma_start3A_502 = tpu.memref_slice %arg5[%dma_start3A_500, %dma_start3A_501] : memref<512x64xf32, #tpu.memory_space<vmem_shared>> -> memref<512x64xf32, #tpu.memory_space<vmem_shared>>
    tpu.enqueue_indirect_dma source(%dma_start3A_502 : memref<512x64xf32, #tpu.memory_space<vmem_shared>>) target(%dma_start3A_497 : memref<128x64xf32, #tpu.memory_space<vmem>>) offsets(%dma_start3A_499 : memref<128xi32, #tpu.memory_space<vmem>>) semaphore(%arg9 : memref<!tpu.dma_semaphore, #tpu.memory_space<semaphore_mem>>)
    %dma_start3A_503 = arith.constant 128 : i32
    %dma_start3A_504 = arith.constant 0 : i32
    %dma_start3A_505 = tpu.memref_slice %arg7[%dma_start3A_503, %dma_start3A_504] : memref<640x64xf32, #tpu.memory_space<vmem>> -> memref<128x64xf32, #tpu.memory_space<vmem>>
    %dma_start3A_506 = arith.constant 3968 : i32
    %dma_start3A_507 = tpu.memref_slice %arg6[%dma_start3A_506] : memref<6400xi32, #tpu.memory_space<vmem>> -> memref<128xi32, #tpu.memory_space<vmem>>
    %dma_start3A_508 = arith.constant 0 : i32
    %dma_start3A_509 = arith.constant 0 : i32
    %dma_start3A_510 = tpu.memref_slice %arg5[%dma_start3A_508, %dma_start3A_509] : memref<512x64xf32, #tpu.memory_space<vmem_shared>> -> memref<512x64xf32, #tpu.memory_space<vmem_shared>>
    tpu.enqueue_indirect_dma source(%dma_start3A_510 : memref<512x64xf32, #tpu.memory_space<vmem_shared>>) target(%dma_start3A_505 : memref<128x64xf32, #tpu.memory_space<vmem>>) offsets(%dma_start3A_507 : memref<128xi32, #tpu.memory_space<vmem>>) semaphore(%arg9 : memref<!tpu.dma_semaphore, #tpu.memory_space<semaphore_mem>>)
    %dma_start3A_511 = arith.constant 256 : i32
    %dma_start3A_512 = arith.constant 0 : i32
    %dma_start3A_513 = tpu.memref_slice %arg7[%dma_start3A_511, %dma_start3A_512] : memref<640x64xf32, #tpu.memory_space<vmem>> -> memref<128x64xf32, #tpu.memory_space<vmem>>
    %dma_start3A_514 = arith.constant 4096 : i32
    %dma_start3A_515 = tpu.memref_slice %arg6[%dma_start3A_514] : memref<6400xi32, #tpu.memory_space<vmem>> -> memref<128xi32, #tpu.memory_space<vmem>>
    %dma_start3A_516 = arith.constant 0 : i32
    %dma_start3A_517 = arith.constant 0 : i32
    %dma_start3A_518 = tpu.memref_slice %arg5[%dma_start3A_516, %dma_start3A_517] : memref<512x64xf32, #tpu.memory_space<vmem_shared>> -> memref<512x64xf32, #tpu.memory_space<vmem_shared>>
    tpu.enqueue_indirect_dma source(%dma_start3A_518 : memref<512x64xf32, #tpu.memory_space<vmem_shared>>) target(%dma_start3A_513 : memref<128x64xf32, #tpu.memory_space<vmem>>) offsets(%dma_start3A_515 : memref<128xi32, #tpu.memory_space<vmem>>) semaphore(%arg9 : memref<!tpu.dma_semaphore, #tpu.memory_space<semaphore_mem>>)
    %dma_start3A_519 = arith.constant 384 : i32
    %dma_start3A_520 = arith.constant 0 : i32
    %dma_start3A_521 = tpu.memref_slice %arg7[%dma_start3A_519, %dma_start3A_520] : memref<640x64xf32, #tpu.memory_space<vmem>> -> memref<128x64xf32, #tpu.memory_space<vmem>>
    %dma_start3A_522 = arith.constant 4224 : i32
    %dma_start3A_523 = tpu.memref_slice %arg6[%dma_start3A_522] : memref<6400xi32, #tpu.memory_space<vmem>> -> memref<128xi32, #tpu.memory_space<vmem>>
    %dma_start3A_524 = arith.constant 0 : i32
    %dma_start3A_525 = arith.constant 0 : i32
    %dma_start3A_526 = tpu.memref_slice %arg5[%dma_start3A_524, %dma_start3A_525] : memref<512x64xf32, #tpu.memory_space<vmem_shared>> -> memref<512x64xf32, #tpu.memory_space<vmem_shared>>
    tpu.enqueue_indirect_dma source(%dma_start3A_526 : memref<512x64xf32, #tpu.memory_space<vmem_shared>>) target(%dma_start3A_521 : memref<128x64xf32, #tpu.memory_space<vmem>>) offsets(%dma_start3A_523 : memref<128xi32, #tpu.memory_space<vmem>>) semaphore(%arg9 : memref<!tpu.dma_semaphore, #tpu.memory_space<semaphore_mem>>)
    %dma_start3A_527 = arith.constant 512 : i32
    %dma_start3A_528 = arith.constant 0 : i32
    %dma_start3A_529 = tpu.memref_slice %arg7[%dma_start3A_527, %dma_start3A_528] : memref<640x64xf32, #tpu.memory_space<vmem>> -> memref<128x64xf32, #tpu.memory_space<vmem>>
    %dma_start3A_530 = arith.constant 4352 : i32
    %dma_start3A_531 = tpu.memref_slice %arg6[%dma_start3A_530] : memref<6400xi32, #tpu.memory_space<vmem>> -> memref<128xi32, #tpu.memory_space<vmem>>
    %dma_start3A_532 = arith.constant 0 : i32
    %dma_start3A_533 = arith.constant 0 : i32
    %dma_start3A_534 = tpu.memref_slice %arg5[%dma_start3A_532, %dma_start3A_533] : memref<512x64xf32, #tpu.memory_space<vmem_shared>> -> memref<512x64xf32, #tpu.memory_space<vmem_shared>>
    tpu.enqueue_indirect_dma source(%dma_start3A_534 : memref<512x64xf32, #tpu.memory_space<vmem_shared>>) target(%dma_start3A_529 : memref<128x64xf32, #tpu.memory_space<vmem>>) offsets(%dma_start3A_531 : memref<128xi32, #tpu.memory_space<vmem>>) semaphore(%arg9 : memref<!tpu.dma_semaphore, #tpu.memory_space<semaphore_mem>>)
    %dma_wait3A_535 = arith.constant 0 : i32
    %dma_wait3A_536 = arith.constant 0 : i32
    %dma_wait3A_537 = tpu.memref_slice %arg8[%dma_wait3A_535, %dma_wait3A_536] : memref<640x64xf32, #tpu.memory_space<vmem>> -> memref<128x64xf32, #tpu.memory_space<vmem>>
    %dma_wait3A_538 = arith.constant 3200 : i32
    %dma_wait3A_539 = tpu.memref_slice %arg6[%dma_wait3A_538] : memref<6400xi32, #tpu.memory_space<vmem>> -> memref<128xi32, #tpu.memory_space<vmem>>
    %dma_wait3A_540 = arith.constant 0 : i32
    %dma_wait3A_541 = arith.constant 0 : i32
    %dma_wait3A_542 = tpu.memref_slice %arg5[%dma_wait3A_540, %dma_wait3A_541] : memref<512x64xf32, #tpu.memory_space<vmem_shared>> -> memref<512x64xf32, #tpu.memory_space<vmem_shared>>
    tpu.wait_indirect_dma semaphore(%arg10 : memref<!tpu.dma_semaphore, #tpu.memory_space<semaphore_mem>>) src(%dma_wait3A_542 : memref<512x64xf32, #tpu.memory_space<vmem_shared>>) dst(%dma_wait3A_537 : memref<128x64xf32, #tpu.memory_space<vmem>>)
    %dma_wait3A_543 = arith.constant 128 : i32
    %dma_wait3A_544 = arith.constant 0 : i32
    %dma_wait3A_545 = tpu.memref_slice %arg8[%dma_wait3A_543, %dma_wait3A_544] : memref<640x64xf32, #tpu.memory_space<vmem>> -> memref<128x64xf32, #tpu.memory_space<vmem>>
    %dma_wait3A_546 = arith.constant 3328 : i32
    %dma_wait3A_547 = tpu.memref_slice %arg6[%dma_wait3A_546] : memref<6400xi32, #tpu.memory_space<vmem>> -> memref<128xi32, #tpu.memory_space<vmem>>
    %dma_wait3A_548 = arith.constant 0 : i32
    %dma_wait3A_549 = arith.constant 0 : i32
    %dma_wait3A_550 = tpu.memref_slice %arg5[%dma_wait3A_548, %dma_wait3A_549] : memref<512x64xf32, #tpu.memory_space<vmem_shared>> -> memref<512x64xf32, #tpu.memory_space<vmem_shared>>
    tpu.wait_indirect_dma semaphore(%arg10 : memref<!tpu.dma_semaphore, #tpu.memory_space<semaphore_mem>>) src(%dma_wait3A_550 : memref<512x64xf32, #tpu.memory_space<vmem_shared>>) dst(%dma_wait3A_545 : memref<128x64xf32, #tpu.memory_space<vmem>>)
    %dma_wait3A_551 = arith.constant 256 : i32
    %dma_wait3A_552 = arith.constant 0 : i32
    %dma_wait3A_553 = tpu.memref_slice %arg8[%dma_wait3A_551, %dma_wait3A_552] : memref<640x64xf32, #tpu.memory_space<vmem>> -> memref<128x64xf32, #tpu.memory_space<vmem>>
    %dma_wait3A_554 = arith.constant 3456 : i32
    %dma_wait3A_555 = tpu.memref_slice %arg6[%dma_wait3A_554] : memref<6400xi32, #tpu.memory_space<vmem>> -> memref<128xi32, #tpu.memory_space<vmem>>
    %dma_wait3A_556 = arith.constant 0 : i32
    %dma_wait3A_557 = arith.constant 0 : i32
    %dma_wait3A_558 = tpu.memref_slice %arg5[%dma_wait3A_556, %dma_wait3A_557] : memref<512x64xf32, #tpu.memory_space<vmem_shared>> -> memref<512x64xf32, #tpu.memory_space<vmem_shared>>
    tpu.wait_indirect_dma semaphore(%arg10 : memref<!tpu.dma_semaphore, #tpu.memory_space<semaphore_mem>>) src(%dma_wait3A_558 : memref<512x64xf32, #tpu.memory_space<vmem_shared>>) dst(%dma_wait3A_553 : memref<128x64xf32, #tpu.memory_space<vmem>>)
    %dma_wait3A_559 = arith.constant 384 : i32
    %dma_wait3A_560 = arith.constant 0 : i32
    %dma_wait3A_561 = tpu.memref_slice %arg8[%dma_wait3A_559, %dma_wait3A_560] : memref<640x64xf32, #tpu.memory_space<vmem>> -> memref<128x64xf32, #tpu.memory_space<vmem>>
    %dma_wait3A_562 = arith.constant 3584 : i32
    %dma_wait3A_563 = tpu.memref_slice %arg6[%dma_wait3A_562] : memref<6400xi32, #tpu.memory_space<vmem>> -> memref<128xi32, #tpu.memory_space<vmem>>
    %dma_wait3A_564 = arith.constant 0 : i32
    %dma_wait3A_565 = arith.constant 0 : i32
    %dma_wait3A_566 = tpu.memref_slice %arg5[%dma_wait3A_564, %dma_wait3A_565] : memref<512x64xf32, #tpu.memory_space<vmem_shared>> -> memref<512x64xf32, #tpu.memory_space<vmem_shared>>
    tpu.wait_indirect_dma semaphore(%arg10 : memref<!tpu.dma_semaphore, #tpu.memory_space<semaphore_mem>>) src(%dma_wait3A_566 : memref<512x64xf32, #tpu.memory_space<vmem_shared>>) dst(%dma_wait3A_561 : memref<128x64xf32, #tpu.memory_space<vmem>>)
    %dma_wait3A_567 = arith.constant 512 : i32
    %dma_wait3A_568 = arith.constant 0 : i32
    %dma_wait3A_569 = tpu.memref_slice %arg8[%dma_wait3A_567, %dma_wait3A_568] : memref<640x64xf32, #tpu.memory_space<vmem>> -> memref<128x64xf32, #tpu.memory_space<vmem>>
    %dma_wait3A_570 = arith.constant 3712 : i32
    %dma_wait3A_571 = tpu.memref_slice %arg6[%dma_wait3A_570] : memref<6400xi32, #tpu.memory_space<vmem>> -> memref<128xi32, #tpu.memory_space<vmem>>
    %dma_wait3A_572 = arith.constant 0 : i32
    %dma_wait3A_573 = arith.constant 0 : i32
    %dma_wait3A_574 = tpu.memref_slice %arg5[%dma_wait3A_572, %dma_wait3A_573] : memref<512x64xf32, #tpu.memory_space<vmem_shared>> -> memref<512x64xf32, #tpu.memory_space<vmem_shared>>
    tpu.wait_indirect_dma semaphore(%arg10 : memref<!tpu.dma_semaphore, #tpu.memory_space<semaphore_mem>>) src(%dma_wait3A_574 : memref<512x64xf32, #tpu.memory_space<vmem_shared>>) dst(%dma_wait3A_569 : memref<128x64xf32, #tpu.memory_space<vmem>>)
    %add3A_575 = arith.constant 3200 : i32
    %add3A_576 = arith.addi %mul3A_6, %add3A_575 : i32
    %dma_start3A_577 = arith.constant 64 : i32
    %dma_start3A_578 = tpu.memref_slice %arg4[%add3A_576, %dma_start3A_577] : memref<204800x128xf32, #tpu.memory_space<hbm>> -> memref<640x64xf32, #tpu.memory_space<hbm>>
    %dma_start3A_579 = arith.constant 64 : i32
    %dma_start3A_580 = tpu.memref_slice %arg4[%add3A_576, %dma_start3A_579] : memref<204800x128xf32, #tpu.memory_space<hbm>> -> memref<640x64xf32, #tpu.memory_space<hbm>>
    tpu.enqueue_dma source(%arg8 : memref<640x64xf32, #tpu.memory_space<vmem>>) target(%dma_start3A_580 : memref<640x64xf32, #tpu.memory_space<hbm>>) target_semaphore(%arg12 : memref<!tpu.dma_semaphore, #tpu.memory_space<semaphore_mem>>)
    %dma_wait3A_581 = arith.constant 64 : i32
    %dma_wait3A_582 = tpu.memref_slice %arg4[%add3A_576, %dma_wait3A_581] : memref<204800x128xf32, #tpu.memory_space<hbm>> -> memref<640x64xf32, #tpu.memory_space<hbm>>
    %dma_wait3A_583 = arith.constant 64 : i32
    %dma_wait3A_584 = tpu.memref_slice %arg4[%add3A_576, %dma_wait3A_583] : memref<204800x128xf32, #tpu.memory_space<hbm>> -> memref<640x64xf32, #tpu.memory_space<hbm>>
    tpu.wait_dma2 semaphore(%arg12 : memref<!tpu.dma_semaphore, #tpu.memory_space<semaphore_mem>>) src(%arg8 : memref<640x64xf32, #tpu.memory_space<vmem>>) dst(%dma_wait3A_584 : memref<640x64xf32, #tpu.memory_space<hbm>>)
    %dma_start3A_585 = arith.constant 0 : i32
    %dma_start3A_586 = arith.constant 0 : i32
    %dma_start3A_587 = tpu.memref_slice %arg8[%dma_start3A_585, %dma_start3A_586] : memref<640x64xf32, #tpu.memory_space<vmem>> -> memref<128x64xf32, #tpu.memory_space<vmem>>
    %dma_start3A_588 = arith.constant 4480 : i32
    %dma_start3A_589 = tpu.memref_slice %arg6[%dma_start3A_588] : memref<6400xi32, #tpu.memory_space<vmem>> -> memref<128xi32, #tpu.memory_space<vmem>>
    %dma_start3A_590 = arith.constant 0 : i32
    %dma_start3A_591 = arith.constant 0 : i32
    %dma_start3A_592 = tpu.memref_slice %arg5[%dma_start3A_590, %dma_start3A_591] : memref<512x64xf32, #tpu.memory_space<vmem_shared>> -> memref<512x64xf32, #tpu.memory_space<vmem_shared>>
    tpu.enqueue_indirect_dma source(%dma_start3A_592 : memref<512x64xf32, #tpu.memory_space<vmem_shared>>) target(%dma_start3A_587 : memref<128x64xf32, #tpu.memory_space<vmem>>) offsets(%dma_start3A_589 : memref<128xi32, #tpu.memory_space<vmem>>) semaphore(%arg10 : memref<!tpu.dma_semaphore, #tpu.memory_space<semaphore_mem>>)
    %dma_start3A_593 = arith.constant 128 : i32
    %dma_start3A_594 = arith.constant 0 : i32
    %dma_start3A_595 = tpu.memref_slice %arg8[%dma_start3A_593, %dma_start3A_594] : memref<640x64xf32, #tpu.memory_space<vmem>> -> memref<128x64xf32, #tpu.memory_space<vmem>>
    %dma_start3A_596 = arith.constant 4608 : i32
    %dma_start3A_597 = tpu.memref_slice %arg6[%dma_start3A_596] : memref<6400xi32, #tpu.memory_space<vmem>> -> memref<128xi32, #tpu.memory_space<vmem>>
    %dma_start3A_598 = arith.constant 0 : i32
    %dma_start3A_599 = arith.constant 0 : i32
    %dma_start3A_600 = tpu.memref_slice %arg5[%dma_start3A_598, %dma_start3A_599] : memref<512x64xf32, #tpu.memory_space<vmem_shared>> -> memref<512x64xf32, #tpu.memory_space<vmem_shared>>
    tpu.enqueue_indirect_dma source(%dma_start3A_600 : memref<512x64xf32, #tpu.memory_space<vmem_shared>>) target(%dma_start3A_595 : memref<128x64xf32, #tpu.memory_space<vmem>>) offsets(%dma_start3A_597 : memref<128xi32, #tpu.memory_space<vmem>>) semaphore(%arg10 : memref<!tpu.dma_semaphore, #tpu.memory_space<semaphore_mem>>)
    %dma_start3A_601 = arith.constant 256 : i32
    %dma_start3A_602 = arith.constant 0 : i32
    %dma_start3A_603 = tpu.memref_slice %arg8[%dma_start3A_601, %dma_start3A_602] : memref<640x64xf32, #tpu.memory_space<vmem>> -> memref<128x64xf32, #tpu.memory_space<vmem>>
    %dma_start3A_604 = arith.constant 4736 : i32
    %dma_start3A_605 = tpu.memref_slice %arg6[%dma_start3A_604] : memref<6400xi32, #tpu.memory_space<vmem>> -> memref<128xi32, #tpu.memory_space<vmem>>
    %dma_start3A_606 = arith.constant 0 : i32
    %dma_start3A_607 = arith.constant 0 : i32
    %dma_start3A_608 = tpu.memref_slice %arg5[%dma_start3A_606, %dma_start3A_607] : memref<512x64xf32, #tpu.memory_space<vmem_shared>> -> memref<512x64xf32, #tpu.memory_space<vmem_shared>>
    tpu.enqueue_indirect_dma source(%dma_start3A_608 : memref<512x64xf32, #tpu.memory_space<vmem_shared>>) target(%dma_start3A_603 : memref<128x64xf32, #tpu.memory_space<vmem>>) offsets(%dma_start3A_605 : memref<128xi32, #tpu.memory_space<vmem>>) semaphore(%arg10 : memref<!tpu.dma_semaphore, #tpu.memory_space<semaphore_mem>>)
    %dma_start3A_609 = arith.constant 384 : i32
    %dma_start3A_610 = arith.constant 0 : i32
    %dma_start3A_611 = tpu.memref_slice %arg8[%dma_start3A_609, %dma_start3A_610] : memref<640x64xf32, #tpu.memory_space<vmem>> -> memref<128x64xf32, #tpu.memory_space<vmem>>
    %dma_start3A_612 = arith.constant 4864 : i32
    %dma_start3A_613 = tpu.memref_slice %arg6[%dma_start3A_612] : memref<6400xi32, #tpu.memory_space<vmem>> -> memref<128xi32, #tpu.memory_space<vmem>>
    %dma_start3A_614 = arith.constant 0 : i32
    %dma_start3A_615 = arith.constant 0 : i32
    %dma_start3A_616 = tpu.memref_slice %arg5[%dma_start3A_614, %dma_start3A_615] : memref<512x64xf32, #tpu.memory_space<vmem_shared>> -> memref<512x64xf32, #tpu.memory_space<vmem_shared>>
    tpu.enqueue_indirect_dma source(%dma_start3A_616 : memref<512x64xf32, #tpu.memory_space<vmem_shared>>) target(%dma_start3A_611 : memref<128x64xf32, #tpu.memory_space<vmem>>) offsets(%dma_start3A_613 : memref<128xi32, #tpu.memory_space<vmem>>) semaphore(%arg10 : memref<!tpu.dma_semaphore, #tpu.memory_space<semaphore_mem>>)
    %dma_start3A_617 = arith.constant 512 : i32
    %dma_start3A_618 = arith.constant 0 : i32
    %dma_start3A_619 = tpu.memref_slice %arg8[%dma_start3A_617, %dma_start3A_618] : memref<640x64xf32, #tpu.memory_space<vmem>> -> memref<128x64xf32, #tpu.memory_space<vmem>>
    %dma_start3A_620 = arith.constant 4992 : i32
    %dma_start3A_621 = tpu.memref_slice %arg6[%dma_start3A_620] : memref<6400xi32, #tpu.memory_space<vmem>> -> memref<128xi32, #tpu.memory_space<vmem>>
    %dma_start3A_622 = arith.constant 0 : i32
    %dma_start3A_623 = arith.constant 0 : i32
    %dma_start3A_624 = tpu.memref_slice %arg5[%dma_start3A_622, %dma_start3A_623] : memref<512x64xf32, #tpu.memory_space<vmem_shared>> -> memref<512x64xf32, #tpu.memory_space<vmem_shared>>
    tpu.enqueue_indirect_dma source(%dma_start3A_624 : memref<512x64xf32, #tpu.memory_space<vmem_shared>>) target(%dma_start3A_619 : memref<128x64xf32, #tpu.memory_space<vmem>>) offsets(%dma_start3A_621 : memref<128xi32, #tpu.memory_space<vmem>>) semaphore(%arg10 : memref<!tpu.dma_semaphore, #tpu.memory_space<semaphore_mem>>)
    %dma_wait3A_625 = arith.constant 0 : i32
    %dma_wait3A_626 = arith.constant 0 : i32
    %dma_wait3A_627 = tpu.memref_slice %arg7[%dma_wait3A_625, %dma_wait3A_626] : memref<640x64xf32, #tpu.memory_space<vmem>> -> memref<128x64xf32, #tpu.memory_space<vmem>>
    %dma_wait3A_628 = arith.constant 3840 : i32
    %dma_wait3A_629 = tpu.memref_slice %arg6[%dma_wait3A_628] : memref<6400xi32, #tpu.memory_space<vmem>> -> memref<128xi32, #tpu.memory_space<vmem>>
    %dma_wait3A_630 = arith.constant 0 : i32
    %dma_wait3A_631 = arith.constant 0 : i32
    %dma_wait3A_632 = tpu.memref_slice %arg5[%dma_wait3A_630, %dma_wait3A_631] : memref<512x64xf32, #tpu.memory_space<vmem_shared>> -> memref<512x64xf32, #tpu.memory_space<vmem_shared>>
    tpu.wait_indirect_dma semaphore(%arg9 : memref<!tpu.dma_semaphore, #tpu.memory_space<semaphore_mem>>) src(%dma_wait3A_632 : memref<512x64xf32, #tpu.memory_space<vmem_shared>>) dst(%dma_wait3A_627 : memref<128x64xf32, #tpu.memory_space<vmem>>)
    %dma_wait3A_633 = arith.constant 128 : i32
    %dma_wait3A_634 = arith.constant 0 : i32
    %dma_wait3A_635 = tpu.memref_slice %arg7[%dma_wait3A_633, %dma_wait3A_634] : memref<640x64xf32, #tpu.memory_space<vmem>> -> memref<128x64xf32, #tpu.memory_space<vmem>>
    %dma_wait3A_636 = arith.constant 3968 : i32
    %dma_wait3A_637 = tpu.memref_slice %arg6[%dma_wait3A_636] : memref<6400xi32, #tpu.memory_space<vmem>> -> memref<128xi32, #tpu.memory_space<vmem>>
    %dma_wait3A_638 = arith.constant 0 : i32
    %dma_wait3A_639 = arith.constant 0 : i32
    %dma_wait3A_640 = tpu.memref_slice %arg5[%dma_wait3A_638, %dma_wait3A_639] : memref<512x64xf32, #tpu.memory_space<vmem_shared>> -> memref<512x64xf32, #tpu.memory_space<vmem_shared>>
    tpu.wait_indirect_dma semaphore(%arg9 : memref<!tpu.dma_semaphore, #tpu.memory_space<semaphore_mem>>) src(%dma_wait3A_640 : memref<512x64xf32, #tpu.memory_space<vmem_shared>>) dst(%dma_wait3A_635 : memref<128x64xf32, #tpu.memory_space<vmem>>)
    %dma_wait3A_641 = arith.constant 256 : i32
    %dma_wait3A_642 = arith.constant 0 : i32
    %dma_wait3A_643 = tpu.memref_slice %arg7[%dma_wait3A_641, %dma_wait3A_642] : memref<640x64xf32, #tpu.memory_space<vmem>> -> memref<128x64xf32, #tpu.memory_space<vmem>>
    %dma_wait3A_644 = arith.constant 4096 : i32
    %dma_wait3A_645 = tpu.memref_slice %arg6[%dma_wait3A_644] : memref<6400xi32, #tpu.memory_space<vmem>> -> memref<128xi32, #tpu.memory_space<vmem>>
    %dma_wait3A_646 = arith.constant 0 : i32
    %dma_wait3A_647 = arith.constant 0 : i32
    %dma_wait3A_648 = tpu.memref_slice %arg5[%dma_wait3A_646, %dma_wait3A_647] : memref<512x64xf32, #tpu.memory_space<vmem_shared>> -> memref<512x64xf32, #tpu.memory_space<vmem_shared>>
    tpu.wait_indirect_dma semaphore(%arg9 : memref<!tpu.dma_semaphore, #tpu.memory_space<semaphore_mem>>) src(%dma_wait3A_648 : memref<512x64xf32, #tpu.memory_space<vmem_shared>>) dst(%dma_wait3A_643 : memref<128x64xf32, #tpu.memory_space<vmem>>)
    %dma_wait3A_649 = arith.constant 384 : i32
    %dma_wait3A_650 = arith.constant 0 : i32
    %dma_wait3A_651 = tpu.memref_slice %arg7[%dma_wait3A_649, %dma_wait3A_650] : memref<640x64xf32, #tpu.memory_space<vmem>> -> memref<128x64xf32, #tpu.memory_space<vmem>>
    %dma_wait3A_652 = arith.constant 4224 : i32
    %dma_wait3A_653 = tpu.memref_slice %arg6[%dma_wait3A_652] : memref<6400xi32, #tpu.memory_space<vmem>> -> memref<128xi32, #tpu.memory_space<vmem>>
    %dma_wait3A_654 = arith.constant 0 : i32
    %dma_wait3A_655 = arith.constant 0 : i32
    %dma_wait3A_656 = tpu.memref_slice %arg5[%dma_wait3A_654, %dma_wait3A_655] : memref<512x64xf32, #tpu.memory_space<vmem_shared>> -> memref<512x64xf32, #tpu.memory_space<vmem_shared>>
    tpu.wait_indirect_dma semaphore(%arg9 : memref<!tpu.dma_semaphore, #tpu.memory_space<semaphore_mem>>) src(%dma_wait3A_656 : memref<512x64xf32, #tpu.memory_space<vmem_shared>>) dst(%dma_wait3A_651 : memref<128x64xf32, #tpu.memory_space<vmem>>)
    %dma_wait3A_657 = arith.constant 512 : i32
    %dma_wait3A_658 = arith.constant 0 : i32
    %dma_wait3A_659 = tpu.memref_slice %arg7[%dma_wait3A_657, %dma_wait3A_658] : memref<640x64xf32, #tpu.memory_space<vmem>> -> memref<128x64xf32, #tpu.memory_space<vmem>>
    %dma_wait3A_660 = arith.constant 4352 : i32
    %dma_wait3A_661 = tpu.memref_slice %arg6[%dma_wait3A_660] : memref<6400xi32, #tpu.memory_space<vmem>> -> memref<128xi32, #tpu.memory_space<vmem>>
    %dma_wait3A_662 = arith.constant 0 : i32
    %dma_wait3A_663 = arith.constant 0 : i32
    %dma_wait3A_664 = tpu.memref_slice %arg5[%dma_wait3A_662, %dma_wait3A_663] : memref<512x64xf32, #tpu.memory_space<vmem_shared>> -> memref<512x64xf32, #tpu.memory_space<vmem_shared>>
    tpu.wait_indirect_dma semaphore(%arg9 : memref<!tpu.dma_semaphore, #tpu.memory_space<semaphore_mem>>) src(%dma_wait3A_664 : memref<512x64xf32, #tpu.memory_space<vmem_shared>>) dst(%dma_wait3A_659 : memref<128x64xf32, #tpu.memory_space<vmem>>)
    %add3A_665 = arith.constant 3840 : i32
    %add3A_666 = arith.addi %mul3A_6, %add3A_665 : i32
    %dma_start3A_667 = arith.constant 64 : i32
    %dma_start3A_668 = tpu.memref_slice %arg4[%add3A_666, %dma_start3A_667] : memref<204800x128xf32, #tpu.memory_space<hbm>> -> memref<640x64xf32, #tpu.memory_space<hbm>>
    %dma_start3A_669 = arith.constant 64 : i32
    %dma_start3A_670 = tpu.memref_slice %arg4[%add3A_666, %dma_start3A_669] : memref<204800x128xf32, #tpu.memory_space<hbm>> -> memref<640x64xf32, #tpu.memory_space<hbm>>
    tpu.enqueue_dma source(%arg7 : memref<640x64xf32, #tpu.memory_space<vmem>>) target(%dma_start3A_670 : memref<640x64xf32, #tpu.memory_space<hbm>>) target_semaphore(%arg11 : memref<!tpu.dma_semaphore, #tpu.memory_space<semaphore_mem>>)
    %dma_wait3A_671 = arith.constant 64 : i32
    %dma_wait3A_672 = tpu.memref_slice %arg4[%add3A_666, %dma_wait3A_671] : memref<204800x128xf32, #tpu.memory_space<hbm>> -> memref<640x64xf32, #tpu.memory_space<hbm>>
    %dma_wait3A_673 = arith.constant 64 : i32
    %dma_wait3A_674 = tpu.memref_slice %arg4[%add3A_666, %dma_wait3A_673] : memref<204800x128xf32, #tpu.memory_space<hbm>> -> memref<640x64xf32, #tpu.memory_space<hbm>>
    tpu.wait_dma2 semaphore(%arg11 : memref<!tpu.dma_semaphore, #tpu.memory_space<semaphore_mem>>) src(%arg7 : memref<640x64xf32, #tpu.memory_space<vmem>>) dst(%dma_wait3A_674 : memref<640x64xf32, #tpu.memory_space<hbm>>)
    %dma_start3A_675 = arith.constant 0 : i32
    %dma_start3A_676 = arith.constant 0 : i32
    %dma_start3A_677 = tpu.memref_slice %arg7[%dma_start3A_675, %dma_start3A_676] : memref<640x64xf32, #tpu.memory_space<vmem>> -> memref<128x64xf32, #tpu.memory_space<vmem>>
    %dma_start3A_678 = arith.constant 5120 : i32
    %dma_start3A_679 = tpu.memref_slice %arg6[%dma_start3A_678] : memref<6400xi32, #tpu.memory_space<vmem>> -> memref<128xi32, #tpu.memory_space<vmem>>
    %dma_start3A_680 = arith.constant 0 : i32
    %dma_start3A_681 = arith.constant 0 : i32
    %dma_start3A_682 = tpu.memref_slice %arg5[%dma_start3A_680, %dma_start3A_681] : memref<512x64xf32, #tpu.memory_space<vmem_shared>> -> memref<512x64xf32, #tpu.memory_space<vmem_shared>>
    tpu.enqueue_indirect_dma source(%dma_start3A_682 : memref<512x64xf32, #tpu.memory_space<vmem_shared>>) target(%dma_start3A_677 : memref<128x64xf32, #tpu.memory_space<vmem>>) offsets(%dma_start3A_679 : memref<128xi32, #tpu.memory_space<vmem>>) semaphore(%arg9 : memref<!tpu.dma_semaphore, #tpu.memory_space<semaphore_mem>>)
    %dma_start3A_683 = arith.constant 128 : i32
    %dma_start3A_684 = arith.constant 0 : i32
    %dma_start3A_685 = tpu.memref_slice %arg7[%dma_start3A_683, %dma_start3A_684] : memref<640x64xf32, #tpu.memory_space<vmem>> -> memref<128x64xf32, #tpu.memory_space<vmem>>
    %dma_start3A_686 = arith.constant 5248 : i32
    %dma_start3A_687 = tpu.memref_slice %arg6[%dma_start3A_686] : memref<6400xi32, #tpu.memory_space<vmem>> -> memref<128xi32, #tpu.memory_space<vmem>>
    %dma_start3A_688 = arith.constant 0 : i32
    %dma_start3A_689 = arith.constant 0 : i32
    %dma_start3A_690 = tpu.memref_slice %arg5[%dma_start3A_688, %dma_start3A_689] : memref<512x64xf32, #tpu.memory_space<vmem_shared>> -> memref<512x64xf32, #tpu.memory_space<vmem_shared>>
    tpu.enqueue_indirect_dma source(%dma_start3A_690 : memref<512x64xf32, #tpu.memory_space<vmem_shared>>) target(%dma_start3A_685 : memref<128x64xf32, #tpu.memory_space<vmem>>) offsets(%dma_start3A_687 : memref<128xi32, #tpu.memory_space<vmem>>) semaphore(%arg9 : memref<!tpu.dma_semaphore, #tpu.memory_space<semaphore_mem>>)
    %dma_start3A_691 = arith.constant 256 : i32
    %dma_start3A_692 = arith.constant 0 : i32
    %dma_start3A_693 = tpu.memref_slice %arg7[%dma_start3A_691, %dma_start3A_692] : memref<640x64xf32, #tpu.memory_space<vmem>> -> memref<128x64xf32, #tpu.memory_space<vmem>>
    %dma_start3A_694 = arith.constant 5376 : i32
    %dma_start3A_695 = tpu.memref_slice %arg6[%dma_start3A_694] : memref<6400xi32, #tpu.memory_space<vmem>> -> memref<128xi32, #tpu.memory_space<vmem>>
    %dma_start3A_696 = arith.constant 0 : i32
    %dma_start3A_697 = arith.constant 0 : i32
    %dma_start3A_698 = tpu.memref_slice %arg5[%dma_start3A_696, %dma_start3A_697] : memref<512x64xf32, #tpu.memory_space<vmem_shared>> -> memref<512x64xf32, #tpu.memory_space<vmem_shared>>
    tpu.enqueue_indirect_dma source(%dma_start3A_698 : memref<512x64xf32, #tpu.memory_space<vmem_shared>>) target(%dma_start3A_693 : memref<128x64xf32, #tpu.memory_space<vmem>>) offsets(%dma_start3A_695 : memref<128xi32, #tpu.memory_space<vmem>>) semaphore(%arg9 : memref<!tpu.dma_semaphore, #tpu.memory_space<semaphore_mem>>)
    %dma_start3A_699 = arith.constant 384 : i32
    %dma_start3A_700 = arith.constant 0 : i32
    %dma_start3A_701 = tpu.memref_slice %arg7[%dma_start3A_699, %dma_start3A_700] : memref<640x64xf32, #tpu.memory_space<vmem>> -> memref<128x64xf32, #tpu.memory_space<vmem>>
    %dma_start3A_702 = arith.constant 5504 : i32
    %dma_start3A_703 = tpu.memref_slice %arg6[%dma_start3A_702] : memref<6400xi32, #tpu.memory_space<vmem>> -> memref<128xi32, #tpu.memory_space<vmem>>
    %dma_start3A_704 = arith.constant 0 : i32
    %dma_start3A_705 = arith.constant 0 : i32
    %dma_start3A_706 = tpu.memref_slice %arg5[%dma_start3A_704, %dma_start3A_705] : memref<512x64xf32, #tpu.memory_space<vmem_shared>> -> memref<512x64xf32, #tpu.memory_space<vmem_shared>>
    tpu.enqueue_indirect_dma source(%dma_start3A_706 : memref<512x64xf32, #tpu.memory_space<vmem_shared>>) target(%dma_start3A_701 : memref<128x64xf32, #tpu.memory_space<vmem>>) offsets(%dma_start3A_703 : memref<128xi32, #tpu.memory_space<vmem>>) semaphore(%arg9 : memref<!tpu.dma_semaphore, #tpu.memory_space<semaphore_mem>>)
    %dma_start3A_707 = arith.constant 512 : i32
    %dma_start3A_708 = arith.constant 0 : i32
    %dma_start3A_709 = tpu.memref_slice %arg7[%dma_start3A_707, %dma_start3A_708] : memref<640x64xf32, #tpu.memory_space<vmem>> -> memref<128x64xf32, #tpu.memory_space<vmem>>
    %dma_start3A_710 = arith.constant 5632 : i32
    %dma_start3A_711 = tpu.memref_slice %arg6[%dma_start3A_710] : memref<6400xi32, #tpu.memory_space<vmem>> -> memref<128xi32, #tpu.memory_space<vmem>>
    %dma_start3A_712 = arith.constant 0 : i32
    %dma_start3A_713 = arith.constant 0 : i32
    %dma_start3A_714 = tpu.memref_slice %arg5[%dma_start3A_712, %dma_start3A_713] : memref<512x64xf32, #tpu.memory_space<vmem_shared>> -> memref<512x64xf32, #tpu.memory_space<vmem_shared>>
    tpu.enqueue_indirect_dma source(%dma_start3A_714 : memref<512x64xf32, #tpu.memory_space<vmem_shared>>) target(%dma_start3A_709 : memref<128x64xf32, #tpu.memory_space<vmem>>) offsets(%dma_start3A_711 : memref<128xi32, #tpu.memory_space<vmem>>) semaphore(%arg9 : memref<!tpu.dma_semaphore, #tpu.memory_space<semaphore_mem>>)
    %dma_wait3A_715 = arith.constant 0 : i32
    %dma_wait3A_716 = arith.constant 0 : i32
    %dma_wait3A_717 = tpu.memref_slice %arg8[%dma_wait3A_715, %dma_wait3A_716] : memref<640x64xf32, #tpu.memory_space<vmem>> -> memref<128x64xf32, #tpu.memory_space<vmem>>
    %dma_wait3A_718 = arith.constant 4480 : i32
    %dma_wait3A_719 = tpu.memref_slice %arg6[%dma_wait3A_718] : memref<6400xi32, #tpu.memory_space<vmem>> -> memref<128xi32, #tpu.memory_space<vmem>>
    %dma_wait3A_720 = arith.constant 0 : i32
    %dma_wait3A_721 = arith.constant 0 : i32
    %dma_wait3A_722 = tpu.memref_slice %arg5[%dma_wait3A_720, %dma_wait3A_721] : memref<512x64xf32, #tpu.memory_space<vmem_shared>> -> memref<512x64xf32, #tpu.memory_space<vmem_shared>>
    tpu.wait_indirect_dma semaphore(%arg10 : memref<!tpu.dma_semaphore, #tpu.memory_space<semaphore_mem>>) src(%dma_wait3A_722 : memref<512x64xf32, #tpu.memory_space<vmem_shared>>) dst(%dma_wait3A_717 : memref<128x64xf32, #tpu.memory_space<vmem>>)
    %dma_wait3A_723 = arith.constant 128 : i32
    %dma_wait3A_724 = arith.constant 0 : i32
    %dma_wait3A_725 = tpu.memref_slice %arg8[%dma_wait3A_723, %dma_wait3A_724] : memref<640x64xf32, #tpu.memory_space<vmem>> -> memref<128x64xf32, #tpu.memory_space<vmem>>
    %dma_wait3A_726 = arith.constant 4608 : i32
    %dma_wait3A_727 = tpu.memref_slice %arg6[%dma_wait3A_726] : memref<6400xi32, #tpu.memory_space<vmem>> -> memref<128xi32, #tpu.memory_space<vmem>>
    %dma_wait3A_728 = arith.constant 0 : i32
    %dma_wait3A_729 = arith.constant 0 : i32
    %dma_wait3A_730 = tpu.memref_slice %arg5[%dma_wait3A_728, %dma_wait3A_729] : memref<512x64xf32, #tpu.memory_space<vmem_shared>> -> memref<512x64xf32, #tpu.memory_space<vmem_shared>>
    tpu.wait_indirect_dma semaphore(%arg10 : memref<!tpu.dma_semaphore, #tpu.memory_space<semaphore_mem>>) src(%dma_wait3A_730 : memref<512x64xf32, #tpu.memory_space<vmem_shared>>) dst(%dma_wait3A_725 : memref<128x64xf32, #tpu.memory_space<vmem>>)
    %dma_wait3A_731 = arith.constant 256 : i32
    %dma_wait3A_732 = arith.constant 0 : i32
    %dma_wait3A_733 = tpu.memref_slice %arg8[%dma_wait3A_731, %dma_wait3A_732] : memref<640x64xf32, #tpu.memory_space<vmem>> -> memref<128x64xf32, #tpu.memory_space<vmem>>
    %dma_wait3A_734 = arith.constant 4736 : i32
    %dma_wait3A_735 = tpu.memref_slice %arg6[%dma_wait3A_734] : memref<6400xi32, #tpu.memory_space<vmem>> -> memref<128xi32, #tpu.memory_space<vmem>>
    %dma_wait3A_736 = arith.constant 0 : i32
    %dma_wait3A_737 = arith.constant 0 : i32
    %dma_wait3A_738 = tpu.memref_slice %arg5[%dma_wait3A_736, %dma_wait3A_737] : memref<512x64xf32, #tpu.memory_space<vmem_shared>> -> memref<512x64xf32, #tpu.memory_space<vmem_shared>>
    tpu.wait_indirect_dma semaphore(%arg10 : memref<!tpu.dma_semaphore, #tpu.memory_space<semaphore_mem>>) src(%dma_wait3A_738 : memref<512x64xf32, #tpu.memory_space<vmem_shared>>) dst(%dma_wait3A_733 : memref<128x64xf32, #tpu.memory_space<vmem>>)
    %dma_wait3A_739 = arith.constant 384 : i32
    %dma_wait3A_740 = arith.constant 0 : i32
    %dma_wait3A_741 = tpu.memref_slice %arg8[%dma_wait3A_739, %dma_wait3A_740] : memref<640x64xf32, #tpu.memory_space<vmem>> -> memref<128x64xf32, #tpu.memory_space<vmem>>
    %dma_wait3A_742 = arith.constant 4864 : i32
    %dma_wait3A_743 = tpu.memref_slice %arg6[%dma_wait3A_742] : memref<6400xi32, #tpu.memory_space<vmem>> -> memref<128xi32, #tpu.memory_space<vmem>>
    %dma_wait3A_744 = arith.constant 0 : i32
    %dma_wait3A_745 = arith.constant 0 : i32
    %dma_wait3A_746 = tpu.memref_slice %arg5[%dma_wait3A_744, %dma_wait3A_745] : memref<512x64xf32, #tpu.memory_space<vmem_shared>> -> memref<512x64xf32, #tpu.memory_space<vmem_shared>>
    tpu.wait_indirect_dma semaphore(%arg10 : memref<!tpu.dma_semaphore, #tpu.memory_space<semaphore_mem>>) src(%dma_wait3A_746 : memref<512x64xf32, #tpu.memory_space<vmem_shared>>) dst(%dma_wait3A_741 : memref<128x64xf32, #tpu.memory_space<vmem>>)
    %dma_wait3A_747 = arith.constant 512 : i32
    %dma_wait3A_748 = arith.constant 0 : i32
    %dma_wait3A_749 = tpu.memref_slice %arg8[%dma_wait3A_747, %dma_wait3A_748] : memref<640x64xf32, #tpu.memory_space<vmem>> -> memref<128x64xf32, #tpu.memory_space<vmem>>
    %dma_wait3A_750 = arith.constant 4992 : i32
    %dma_wait3A_751 = tpu.memref_slice %arg6[%dma_wait3A_750] : memref<6400xi32, #tpu.memory_space<vmem>> -> memref<128xi32, #tpu.memory_space<vmem>>
    %dma_wait3A_752 = arith.constant 0 : i32
    %dma_wait3A_753 = arith.constant 0 : i32
    %dma_wait3A_754 = tpu.memref_slice %arg5[%dma_wait3A_752, %dma_wait3A_753] : memref<512x64xf32, #tpu.memory_space<vmem_shared>> -> memref<512x64xf32, #tpu.memory_space<vmem_shared>>
    tpu.wait_indirect_dma semaphore(%arg10 : memref<!tpu.dma_semaphore, #tpu.memory_space<semaphore_mem>>) src(%dma_wait3A_754 : memref<512x64xf32, #tpu.memory_space<vmem_shared>>) dst(%dma_wait3A_749 : memref<128x64xf32, #tpu.memory_space<vmem>>)
    %add3A_755 = arith.constant 4480 : i32
    %add3A_756 = arith.addi %mul3A_6, %add3A_755 : i32
    %dma_start3A_757 = arith.constant 64 : i32
    %dma_start3A_758 = tpu.memref_slice %arg4[%add3A_756, %dma_start3A_757] : memref<204800x128xf32, #tpu.memory_space<hbm>> -> memref<640x64xf32, #tpu.memory_space<hbm>>
    %dma_start3A_759 = arith.constant 64 : i32
    %dma_start3A_760 = tpu.memref_slice %arg4[%add3A_756, %dma_start3A_759] : memref<204800x128xf32, #tpu.memory_space<hbm>> -> memref<640x64xf32, #tpu.memory_space<hbm>>
    tpu.enqueue_dma source(%arg8 : memref<640x64xf32, #tpu.memory_space<vmem>>) target(%dma_start3A_760 : memref<640x64xf32, #tpu.memory_space<hbm>>) target_semaphore(%arg12 : memref<!tpu.dma_semaphore, #tpu.memory_space<semaphore_mem>>)
    %dma_wait3A_761 = arith.constant 64 : i32
    %dma_wait3A_762 = tpu.memref_slice %arg4[%add3A_756, %dma_wait3A_761] : memref<204800x128xf32, #tpu.memory_space<hbm>> -> memref<640x64xf32, #tpu.memory_space<hbm>>
    %dma_wait3A_763 = arith.constant 64 : i32
    %dma_wait3A_764 = tpu.memref_slice %arg4[%add3A_756, %dma_wait3A_763] : memref<204800x128xf32, #tpu.memory_space<hbm>> -> memref<640x64xf32, #tpu.memory_space<hbm>>
    tpu.wait_dma2 semaphore(%arg12 : memref<!tpu.dma_semaphore, #tpu.memory_space<semaphore_mem>>) src(%arg8 : memref<640x64xf32, #tpu.memory_space<vmem>>) dst(%dma_wait3A_764 : memref<640x64xf32, #tpu.memory_space<hbm>>)
    %dma_start3A_765 = arith.constant 0 : i32
    %dma_start3A_766 = arith.constant 0 : i32
    %dma_start3A_767 = tpu.memref_slice %arg8[%dma_start3A_765, %dma_start3A_766] : memref<640x64xf32, #tpu.memory_space<vmem>> -> memref<128x64xf32, #tpu.memory_space<vmem>>
    %dma_start3A_768 = arith.constant 5760 : i32
    %dma_start3A_769 = tpu.memref_slice %arg6[%dma_start3A_768] : memref<6400xi32, #tpu.memory_space<vmem>> -> memref<128xi32, #tpu.memory_space<vmem>>
    %dma_start3A_770 = arith.constant 0 : i32
    %dma_start3A_771 = arith.constant 0 : i32
    %dma_start3A_772 = tpu.memref_slice %arg5[%dma_start3A_770, %dma_start3A_771] : memref<512x64xf32, #tpu.memory_space<vmem_shared>> -> memref<512x64xf32, #tpu.memory_space<vmem_shared>>
    tpu.enqueue_indirect_dma source(%dma_start3A_772 : memref<512x64xf32, #tpu.memory_space<vmem_shared>>) target(%dma_start3A_767 : memref<128x64xf32, #tpu.memory_space<vmem>>) offsets(%dma_start3A_769 : memref<128xi32, #tpu.memory_space<vmem>>) semaphore(%arg10 : memref<!tpu.dma_semaphore, #tpu.memory_space<semaphore_mem>>)
    %dma_start3A_773 = arith.constant 128 : i32
    %dma_start3A_774 = arith.constant 0 : i32
    %dma_start3A_775 = tpu.memref_slice %arg8[%dma_start3A_773, %dma_start3A_774] : memref<640x64xf32, #tpu.memory_space<vmem>> -> memref<128x64xf32, #tpu.memory_space<vmem>>
    %dma_start3A_776 = arith.constant 5888 : i32
    %dma_start3A_777 = tpu.memref_slice %arg6[%dma_start3A_776] : memref<6400xi32, #tpu.memory_space<vmem>> -> memref<128xi32, #tpu.memory_space<vmem>>
    %dma_start3A_778 = arith.constant 0 : i32
    %dma_start3A_779 = arith.constant 0 : i32
    %dma_start3A_780 = tpu.memref_slice %arg5[%dma_start3A_778, %dma_start3A_779] : memref<512x64xf32, #tpu.memory_space<vmem_shared>> -> memref<512x64xf32, #tpu.memory_space<vmem_shared>>
    tpu.enqueue_indirect_dma source(%dma_start3A_780 : memref<512x64xf32, #tpu.memory_space<vmem_shared>>) target(%dma_start3A_775 : memref<128x64xf32, #tpu.memory_space<vmem>>) offsets(%dma_start3A_777 : memref<128xi32, #tpu.memory_space<vmem>>) semaphore(%arg10 : memref<!tpu.dma_semaphore, #tpu.memory_space<semaphore_mem>>)
    %dma_start3A_781 = arith.constant 256 : i32
    %dma_start3A_782 = arith.constant 0 : i32
    %dma_start3A_783 = tpu.memref_slice %arg8[%dma_start3A_781, %dma_start3A_782] : memref<640x64xf32, #tpu.memory_space<vmem>> -> memref<128x64xf32, #tpu.memory_space<vmem>>
    %dma_start3A_784 = arith.constant 6016 : i32
    %dma_start3A_785 = tpu.memref_slice %arg6[%dma_start3A_784] : memref<6400xi32, #tpu.memory_space<vmem>> -> memref<128xi32, #tpu.memory_space<vmem>>
    %dma_start3A_786 = arith.constant 0 : i32
    %dma_start3A_787 = arith.constant 0 : i32
    %dma_start3A_788 = tpu.memref_slice %arg5[%dma_start3A_786, %dma_start3A_787] : memref<512x64xf32, #tpu.memory_space<vmem_shared>> -> memref<512x64xf32, #tpu.memory_space<vmem_shared>>
    tpu.enqueue_indirect_dma source(%dma_start3A_788 : memref<512x64xf32, #tpu.memory_space<vmem_shared>>) target(%dma_start3A_783 : memref<128x64xf32, #tpu.memory_space<vmem>>) offsets(%dma_start3A_785 : memref<128xi32, #tpu.memory_space<vmem>>) semaphore(%arg10 : memref<!tpu.dma_semaphore, #tpu.memory_space<semaphore_mem>>)
    %dma_start3A_789 = arith.constant 384 : i32
    %dma_start3A_790 = arith.constant 0 : i32
    %dma_start3A_791 = tpu.memref_slice %arg8[%dma_start3A_789, %dma_start3A_790] : memref<640x64xf32, #tpu.memory_space<vmem>> -> memref<128x64xf32, #tpu.memory_space<vmem>>
    %dma_start3A_792 = arith.constant 6144 : i32
    %dma_start3A_793 = tpu.memref_slice %arg6[%dma_start3A_792] : memref<6400xi32, #tpu.memory_space<vmem>> -> memref<128xi32, #tpu.memory_space<vmem>>
    %dma_start3A_794 = arith.constant 0 : i32
    %dma_start3A_795 = arith.constant 0 : i32
    %dma_start3A_796 = tpu.memref_slice %arg5[%dma_start3A_794, %dma_start3A_795] : memref<512x64xf32, #tpu.memory_space<vmem_shared>> -> memref<512x64xf32, #tpu.memory_space<vmem_shared>>
    tpu.enqueue_indirect_dma source(%dma_start3A_796 : memref<512x64xf32, #tpu.memory_space<vmem_shared>>) target(%dma_start3A_791 : memref<128x64xf32, #tpu.memory_space<vmem>>) offsets(%dma_start3A_793 : memref<128xi32, #tpu.memory_space<vmem>>) semaphore(%arg10 : memref<!tpu.dma_semaphore, #tpu.memory_space<semaphore_mem>>)
    %dma_start3A_797 = arith.constant 512 : i32
    %dma_start3A_798 = arith.constant 0 : i32
    %dma_start3A_799 = tpu.memref_slice %arg8[%dma_start3A_797, %dma_start3A_798] : memref<640x64xf32, #tpu.memory_space<vmem>> -> memref<128x64xf32, #tpu.memory_space<vmem>>
    %dma_start3A_800 = arith.constant 6272 : i32
    %dma_start3A_801 = tpu.memref_slice %arg6[%dma_start3A_800] : memref<6400xi32, #tpu.memory_space<vmem>> -> memref<128xi32, #tpu.memory_space<vmem>>
    %dma_start3A_802 = arith.constant 0 : i32
    %dma_start3A_803 = arith.constant 0 : i32
    %dma_start3A_804 = tpu.memref_slice %arg5[%dma_start3A_802, %dma_start3A_803] : memref<512x64xf32, #tpu.memory_space<vmem_shared>> -> memref<512x64xf32, #tpu.memory_space<vmem_shared>>
    tpu.enqueue_indirect_dma source(%dma_start3A_804 : memref<512x64xf32, #tpu.memory_space<vmem_shared>>) target(%dma_start3A_799 : memref<128x64xf32, #tpu.memory_space<vmem>>) offsets(%dma_start3A_801 : memref<128xi32, #tpu.memory_space<vmem>>) semaphore(%arg10 : memref<!tpu.dma_semaphore, #tpu.memory_space<semaphore_mem>>)
    %dma_wait3A_805 = arith.constant 0 : i32
    %dma_wait3A_806 = arith.constant 0 : i32
    %dma_wait3A_807 = tpu.memref_slice %arg7[%dma_wait3A_805, %dma_wait3A_806] : memref<640x64xf32, #tpu.memory_space<vmem>> -> memref<128x64xf32, #tpu.memory_space<vmem>>
    %dma_wait3A_808 = arith.constant 5120 : i32
    %dma_wait3A_809 = tpu.memref_slice %arg6[%dma_wait3A_808] : memref<6400xi32, #tpu.memory_space<vmem>> -> memref<128xi32, #tpu.memory_space<vmem>>
    %dma_wait3A_810 = arith.constant 0 : i32
    %dma_wait3A_811 = arith.constant 0 : i32
    %dma_wait3A_812 = tpu.memref_slice %arg5[%dma_wait3A_810, %dma_wait3A_811] : memref<512x64xf32, #tpu.memory_space<vmem_shared>> -> memref<512x64xf32, #tpu.memory_space<vmem_shared>>
    tpu.wait_indirect_dma semaphore(%arg9 : memref<!tpu.dma_semaphore, #tpu.memory_space<semaphore_mem>>) src(%dma_wait3A_812 : memref<512x64xf32, #tpu.memory_space<vmem_shared>>) dst(%dma_wait3A_807 : memref<128x64xf32, #tpu.memory_space<vmem>>)
    %dma_wait3A_813 = arith.constant 128 : i32
    %dma_wait3A_814 = arith.constant 0 : i32
    %dma_wait3A_815 = tpu.memref_slice %arg7[%dma_wait3A_813, %dma_wait3A_814] : memref<640x64xf32, #tpu.memory_space<vmem>> -> memref<128x64xf32, #tpu.memory_space<vmem>>
    %dma_wait3A_816 = arith.constant 5248 : i32
    %dma_wait3A_817 = tpu.memref_slice %arg6[%dma_wait3A_816] : memref<6400xi32, #tpu.memory_space<vmem>> -> memref<128xi32, #tpu.memory_space<vmem>>
    %dma_wait3A_818 = arith.constant 0 : i32
    %dma_wait3A_819 = arith.constant 0 : i32
    %dma_wait3A_820 = tpu.memref_slice %arg5[%dma_wait3A_818, %dma_wait3A_819] : memref<512x64xf32, #tpu.memory_space<vmem_shared>> -> memref<512x64xf32, #tpu.memory_space<vmem_shared>>
    tpu.wait_indirect_dma semaphore(%arg9 : memref<!tpu.dma_semaphore, #tpu.memory_space<semaphore_mem>>) src(%dma_wait3A_820 : memref<512x64xf32, #tpu.memory_space<vmem_shared>>) dst(%dma_wait3A_815 : memref<128x64xf32, #tpu.memory_space<vmem>>)
    %dma_wait3A_821 = arith.constant 256 : i32
    %dma_wait3A_822 = arith.constant 0 : i32
    %dma_wait3A_823 = tpu.memref_slice %arg7[%dma_wait3A_821, %dma_wait3A_822] : memref<640x64xf32, #tpu.memory_space<vmem>> -> memref<128x64xf32, #tpu.memory_space<vmem>>
    %dma_wait3A_824 = arith.constant 5376 : i32
    %dma_wait3A_825 = tpu.memref_slice %arg6[%dma_wait3A_824] : memref<6400xi32, #tpu.memory_space<vmem>> -> memref<128xi32, #tpu.memory_space<vmem>>
    %dma_wait3A_826 = arith.constant 0 : i32
    %dma_wait3A_827 = arith.constant 0 : i32
    %dma_wait3A_828 = tpu.memref_slice %arg5[%dma_wait3A_826, %dma_wait3A_827] : memref<512x64xf32, #tpu.memory_space<vmem_shared>> -> memref<512x64xf32, #tpu.memory_space<vmem_shared>>
    tpu.wait_indirect_dma semaphore(%arg9 : memref<!tpu.dma_semaphore, #tpu.memory_space<semaphore_mem>>) src(%dma_wait3A_828 : memref<512x64xf32, #tpu.memory_space<vmem_shared>>) dst(%dma_wait3A_823 : memref<128x64xf32, #tpu.memory_space<vmem>>)
    %dma_wait3A_829 = arith.constant 384 : i32
    %dma_wait3A_830 = arith.constant 0 : i32
    %dma_wait3A_831 = tpu.memref_slice %arg7[%dma_wait3A_829, %dma_wait3A_830] : memref<640x64xf32, #tpu.memory_space<vmem>> -> memref<128x64xf32, #tpu.memory_space<vmem>>
    %dma_wait3A_832 = arith.constant 5504 : i32
    %dma_wait3A_833 = tpu.memref_slice %arg6[%dma_wait3A_832] : memref<6400xi32, #tpu.memory_space<vmem>> -> memref<128xi32, #tpu.memory_space<vmem>>
    %dma_wait3A_834 = arith.constant 0 : i32
    %dma_wait3A_835 = arith.constant 0 : i32
    %dma_wait3A_836 = tpu.memref_slice %arg5[%dma_wait3A_834, %dma_wait3A_835] : memref<512x64xf32, #tpu.memory_space<vmem_shared>> -> memref<512x64xf32, #tpu.memory_space<vmem_shared>>
    tpu.wait_indirect_dma semaphore(%arg9 : memref<!tpu.dma_semaphore, #tpu.memory_space<semaphore_mem>>) src(%dma_wait3A_836 : memref<512x64xf32, #tpu.memory_space<vmem_shared>>) dst(%dma_wait3A_831 : memref<128x64xf32, #tpu.memory_space<vmem>>)
    %dma_wait3A_837 = arith.constant 512 : i32
    %dma_wait3A_838 = arith.constant 0 : i32
    %dma_wait3A_839 = tpu.memref_slice %arg7[%dma_wait3A_837, %dma_wait3A_838] : memref<640x64xf32, #tpu.memory_space<vmem>> -> memref<128x64xf32, #tpu.memory_space<vmem>>
    %dma_wait3A_840 = arith.constant 5632 : i32
    %dma_wait3A_841 = tpu.memref_slice %arg6[%dma_wait3A_840] : memref<6400xi32, #tpu.memory_space<vmem>> -> memref<128xi32, #tpu.memory_space<vmem>>
    %dma_wait3A_842 = arith.constant 0 : i32
    %dma_wait3A_843 = arith.constant 0 : i32
    %dma_wait3A_844 = tpu.memref_slice %arg5[%dma_wait3A_842, %dma_wait3A_843] : memref<512x64xf32, #tpu.memory_space<vmem_shared>> -> memref<512x64xf32, #tpu.memory_space<vmem_shared>>
    tpu.wait_indirect_dma semaphore(%arg9 : memref<!tpu.dma_semaphore, #tpu.memory_space<semaphore_mem>>) src(%dma_wait3A_844 : memref<512x64xf32, #tpu.memory_space<vmem_shared>>) dst(%dma_wait3A_839 : memref<128x64xf32, #tpu.memory_space<vmem>>)
    %add3A_845 = arith.constant 5120 : i32
    %add3A_846 = arith.addi %mul3A_6, %add3A_845 : i32
    %dma_start3A_847 = arith.constant 64 : i32
    %dma_start3A_848 = tpu.memref_slice %arg4[%add3A_846, %dma_start3A_847] : memref<204800x128xf32, #tpu.memory_space<hbm>> -> memref<640x64xf32, #tpu.memory_space<hbm>>
    %dma_start3A_849 = arith.constant 64 : i32
    %dma_start3A_850 = tpu.memref_slice %arg4[%add3A_846, %dma_start3A_849] : memref<204800x128xf32, #tpu.memory_space<hbm>> -> memref<640x64xf32, #tpu.memory_space<hbm>>
    tpu.enqueue_dma source(%arg7 : memref<640x64xf32, #tpu.memory_space<vmem>>) target(%dma_start3A_850 : memref<640x64xf32, #tpu.memory_space<hbm>>) target_semaphore(%arg11 : memref<!tpu.dma_semaphore, #tpu.memory_space<semaphore_mem>>)
    %dma_wait3A_851 = arith.constant 0 : i32
    %dma_wait3A_852 = arith.constant 0 : i32
    %dma_wait3A_853 = tpu.memref_slice %arg8[%dma_wait3A_851, %dma_wait3A_852] : memref<640x64xf32, #tpu.memory_space<vmem>> -> memref<128x64xf32, #tpu.memory_space<vmem>>
    %dma_wait3A_854 = arith.constant 5760 : i32
    %dma_wait3A_855 = tpu.memref_slice %arg6[%dma_wait3A_854] : memref<6400xi32, #tpu.memory_space<vmem>> -> memref<128xi32, #tpu.memory_space<vmem>>
    %dma_wait3A_856 = arith.constant 0 : i32
    %dma_wait3A_857 = arith.constant 0 : i32
    %dma_wait3A_858 = tpu.memref_slice %arg5[%dma_wait3A_856, %dma_wait3A_857] : memref<512x64xf32, #tpu.memory_space<vmem_shared>> -> memref<512x64xf32, #tpu.memory_space<vmem_shared>>
    tpu.wait_indirect_dma semaphore(%arg10 : memref<!tpu.dma_semaphore, #tpu.memory_space<semaphore_mem>>) src(%dma_wait3A_858 : memref<512x64xf32, #tpu.memory_space<vmem_shared>>) dst(%dma_wait3A_853 : memref<128x64xf32, #tpu.memory_space<vmem>>)
    %dma_wait3A_859 = arith.constant 128 : i32
    %dma_wait3A_860 = arith.constant 0 : i32
    %dma_wait3A_861 = tpu.memref_slice %arg8[%dma_wait3A_859, %dma_wait3A_860] : memref<640x64xf32, #tpu.memory_space<vmem>> -> memref<128x64xf32, #tpu.memory_space<vmem>>
    %dma_wait3A_862 = arith.constant 5888 : i32
    %dma_wait3A_863 = tpu.memref_slice %arg6[%dma_wait3A_862] : memref<6400xi32, #tpu.memory_space<vmem>> -> memref<128xi32, #tpu.memory_space<vmem>>
    %dma_wait3A_864 = arith.constant 0 : i32
    %dma_wait3A_865 = arith.constant 0 : i32
    %dma_wait3A_866 = tpu.memref_slice %arg5[%dma_wait3A_864, %dma_wait3A_865] : memref<512x64xf32, #tpu.memory_space<vmem_shared>> -> memref<512x64xf32, #tpu.memory_space<vmem_shared>>
    tpu.wait_indirect_dma semaphore(%arg10 : memref<!tpu.dma_semaphore, #tpu.memory_space<semaphore_mem>>) src(%dma_wait3A_866 : memref<512x64xf32, #tpu.memory_space<vmem_shared>>) dst(%dma_wait3A_861 : memref<128x64xf32, #tpu.memory_space<vmem>>)
    %dma_wait3A_867 = arith.constant 256 : i32
    %dma_wait3A_868 = arith.constant 0 : i32
    %dma_wait3A_869 = tpu.memref_slice %arg8[%dma_wait3A_867, %dma_wait3A_868] : memref<640x64xf32, #tpu.memory_space<vmem>> -> memref<128x64xf32, #tpu.memory_space<vmem>>
    %dma_wait3A_870 = arith.constant 6016 : i32
    %dma_wait3A_871 = tpu.memref_slice %arg6[%dma_wait3A_870] : memref<6400xi32, #tpu.memory_space<vmem>> -> memref<128xi32, #tpu.memory_space<vmem>>
    %dma_wait3A_872 = arith.constant 0 : i32
    %dma_wait3A_873 = arith.constant 0 : i32
    %dma_wait3A_874 = tpu.memref_slice %arg5[%dma_wait3A_872, %dma_wait3A_873] : memref<512x64xf32, #tpu.memory_space<vmem_shared>> -> memref<512x64xf32, #tpu.memory_space<vmem_shared>>
    tpu.wait_indirect_dma semaphore(%arg10 : memref<!tpu.dma_semaphore, #tpu.memory_space<semaphore_mem>>) src(%dma_wait3A_874 : memref<512x64xf32, #tpu.memory_space<vmem_shared>>) dst(%dma_wait3A_869 : memref<128x64xf32, #tpu.memory_space<vmem>>)
    %dma_wait3A_875 = arith.constant 384 : i32
    %dma_wait3A_876 = arith.constant 0 : i32
    %dma_wait3A_877 = tpu.memref_slice %arg8[%dma_wait3A_875, %dma_wait3A_876] : memref<640x64xf32, #tpu.memory_space<vmem>> -> memref<128x64xf32, #tpu.memory_space<vmem>>
    %dma_wait3A_878 = arith.constant 6144 : i32
    %dma_wait3A_879 = tpu.memref_slice %arg6[%dma_wait3A_878] : memref<6400xi32, #tpu.memory_space<vmem>> -> memref<128xi32, #tpu.memory_space<vmem>>
    %dma_wait3A_880 = arith.constant 0 : i32
    %dma_wait3A_881 = arith.constant 0 : i32
    %dma_wait3A_882 = tpu.memref_slice %arg5[%dma_wait3A_880, %dma_wait3A_881] : memref<512x64xf32, #tpu.memory_space<vmem_shared>> -> memref<512x64xf32, #tpu.memory_space<vmem_shared>>
    tpu.wait_indirect_dma semaphore(%arg10 : memref<!tpu.dma_semaphore, #tpu.memory_space<semaphore_mem>>) src(%dma_wait3A_882 : memref<512x64xf32, #tpu.memory_space<vmem_shared>>) dst(%dma_wait3A_877 : memref<128x64xf32, #tpu.memory_space<vmem>>)
    %dma_wait3A_883 = arith.constant 512 : i32
    %dma_wait3A_884 = arith.constant 0 : i32
    %dma_wait3A_885 = tpu.memref_slice %arg8[%dma_wait3A_883, %dma_wait3A_884] : memref<640x64xf32, #tpu.memory_space<vmem>> -> memref<128x64xf32, #tpu.memory_space<vmem>>
    %dma_wait3A_886 = arith.constant 6272 : i32
    %dma_wait3A_887 = tpu.memref_slice %arg6[%dma_wait3A_886] : memref<6400xi32, #tpu.memory_space<vmem>> -> memref<128xi32, #tpu.memory_space<vmem>>
    %dma_wait3A_888 = arith.constant 0 : i32
    %dma_wait3A_889 = arith.constant 0 : i32
    %dma_wait3A_890 = tpu.memref_slice %arg5[%dma_wait3A_888, %dma_wait3A_889] : memref<512x64xf32, #tpu.memory_space<vmem_shared>> -> memref<512x64xf32, #tpu.memory_space<vmem_shared>>
    tpu.wait_indirect_dma semaphore(%arg10 : memref<!tpu.dma_semaphore, #tpu.memory_space<semaphore_mem>>) src(%dma_wait3A_890 : memref<512x64xf32, #tpu.memory_space<vmem_shared>>) dst(%dma_wait3A_885 : memref<128x64xf32, #tpu.memory_space<vmem>>)
    %add3A_891 = arith.constant 5760 : i32
    %add3A_892 = arith.addi %mul3A_6, %add3A_891 : i32
    %dma_start3A_893 = arith.constant 64 : i32
    %dma_start3A_894 = tpu.memref_slice %arg4[%add3A_892, %dma_start3A_893] : memref<204800x128xf32, #tpu.memory_space<hbm>> -> memref<640x64xf32, #tpu.memory_space<hbm>>
    %dma_start3A_895 = arith.constant 64 : i32
    %dma_start3A_896 = tpu.memref_slice %arg4[%add3A_892, %dma_start3A_895] : memref<204800x128xf32, #tpu.memory_space<hbm>> -> memref<640x64xf32, #tpu.memory_space<hbm>>
    tpu.enqueue_dma source(%arg8 : memref<640x64xf32, #tpu.memory_space<vmem>>) target(%dma_start3A_896 : memref<640x64xf32, #tpu.memory_space<hbm>>) target_semaphore(%arg12 : memref<!tpu.dma_semaphore, #tpu.memory_space<semaphore_mem>>)
    %dma_wait3A_897 = arith.constant 64 : i32
    %dma_wait3A_898 = tpu.memref_slice %arg4[%add3A_846, %dma_wait3A_897] : memref<204800x128xf32, #tpu.memory_space<hbm>> -> memref<640x64xf32, #tpu.memory_space<hbm>>
    %dma_wait3A_899 = arith.constant 64 : i32
    %dma_wait3A_900 = tpu.memref_slice %arg4[%add3A_846, %dma_wait3A_899] : memref<204800x128xf32, #tpu.memory_space<hbm>> -> memref<640x64xf32, #tpu.memory_space<hbm>>
    tpu.wait_dma2 semaphore(%arg11 : memref<!tpu.dma_semaphore, #tpu.memory_space<semaphore_mem>>) src(%arg7 : memref<640x64xf32, #tpu.memory_space<vmem>>) dst(%dma_wait3A_900 : memref<640x64xf32, #tpu.memory_space<hbm>>)
    %dma_wait3A_901 = arith.constant 64 : i32
    %dma_wait3A_902 = tpu.memref_slice %arg4[%add3A_892, %dma_wait3A_901] : memref<204800x128xf32, #tpu.memory_space<hbm>> -> memref<640x64xf32, #tpu.memory_space<hbm>>
    %dma_wait3A_903 = arith.constant 64 : i32
    %dma_wait3A_904 = tpu.memref_slice %arg4[%add3A_892, %dma_wait3A_903] : memref<204800x128xf32, #tpu.memory_space<hbm>> -> memref<640x64xf32, #tpu.memory_space<hbm>>
    tpu.wait_dma2 semaphore(%arg12 : memref<!tpu.dma_semaphore, #tpu.memory_space<semaphore_mem>>) src(%arg8 : memref<640x64xf32, #tpu.memory_space<vmem>>) dst(%dma_wait3A_904 : memref<640x64xf32, #tpu.memory_space<hbm>>)
    return
  }
}

</mosaic_0001>

<sc_bundles>
// kernel: kernel.3.cloned.1.call-start
scs
__scs_entry_jumppad:
0x0: {  	(pc) =	sbr.rel $0x88, $3  }
0x1: {  	(tag) =	ssettag $0x0;
	lr =	simm.s32 $0x1  }
0x2: {  	[smem:$0x3F9D] =	sst lr;
	_ =	strace $0xD0000000  }
0x3: {  	_ = 	snop  }
0x4: {  	_ = 	snop  }
0x5: {  	_ = 	snop  }
0x6: {  	_ = 	snop  }
0x7: {  	_ = 	snop  }
__scs_overlays_trampoline_lowered:
0x8: {  	[smem:$0x3FAC] =	sst s0  }
0x9: {  	[smem:$0x3FAD] =	sst s1  }
0xa: {  	[smem:$0x3FAE] =	sst s2  }
0xb: {  	[smem:$0x3FAF] =	sst s3  }
0xc: {  	[smem:$0x3FB0] =	sst s4  }
0xd: {  	[smem:$0x3FB1] =	sst s5  }
0xe: {  	[smem:$0x3FB2] =	sst s6  }
0xf: {  	[smem:$0x3FB3] =	sst s7  }
0x10: {  	[smem:$0x3FB4] =	sst s8  }
0x11: {  	[smem:$0x3FB5] =	sst s9;
	s0 =	simm.s32 @!p0 $0x0  }
0x12: {  	s1 =	sld [smem:$0x3F9B];
	s0 =	simm.s32 @p0 $0x1  }
0x13: {  	[smem:$0x3FB6] =	sst s0;
	s0 =	simm.s32 @!p1 $0x0  }
0x14: {  	s2 =	sld [smem:$0x3F9A];
	s0 =	simm.s32 @p1 $0x1  }
0x15: {  	[smem:$0x3FB7] =	sst s0;
	s0 =	simm.s32 @!p2 $0x0  }
0x16: {  	s3 =	sld [smem:$0x3FDB];
	s0 =	simm.s32 @p2 $0x1  }
0x17: {  	s4 =	simm.s32 $0x1BF5;
	[smem:$0x3FB9] =	sst s0  }
0x18: {  	s0 =	sld [smem:$0x3F9C];
	_ =	swait.ge [sflag:s4], $0x0  }
0x19: {  	s7 =	sld [smem:$0x3F9D]  }
0x1a: {  	s8 =	sadd.s32 $0xFFFFE003, lr  }
0x1b: {  	s9 =	sadd.s32 $0xFFFFFEF7, lr;
	s5 =	simm.s32 $0xFFFFFFFF;
	p2 =	slt.u32 s8, $0xFFFFF086  }
0x1c: {  	p1 =	slt.u32 s9, $0xF7A;
	s5 =	simm.s32 @!p2 $0x0  }
0x1d: {  	s5 =	simm.s32 @p1 $0x1;
	p0 =	seq.s32 s7, s2  }
0x1e: {  	s7 =	smul.u32 @!p0 $0xF7A, s2;
	p2 =	seq.s32 @!p0 s5, $0x0  }
0x1f: {  	s9 =	smul.u32 $0xF7A, s1;
	s8 =	simm.s32 @!p0 $0x1BF5;
	p2 =	por !p2, p0  }
0x20: {  	[sflag:s8] =	ssyncset.s32 @!p0 $0xFFFFF086;
	s6 =	sadd.s32 @!p0 s3, s7;
	s7 =	simm.s32 @!p0 $0x108  }
0x21: {  	s3 =	sadd.s32 s3, s9;
	s6 =	sadd.s32 @!p0 $0x88, s6;
	s7 =	simm.s32 @p2 $0x1082  }
0x22: {  	[simem:s7], [sflag:s8] =	dma.local @!p0 [hbm:s6], $0xF7A  }
0x23: {  	s9 =	sor.u32 $0xD0000000, s2;
	s6 =	simm.s32 $0x108;
	_ =	swait.ge @!p0 [sflag:s8], $0x0  }
0x24: {  	s3 =	sadd.s32 $0x88, s3;
	s6 =	simm.s32 @!p1 $0x1082;
	[sflag:s4] =	ssyncset.s32 $0xFFFFF086  }
0x25: {  	[simem:s6], [sflag:s4] =	dma.local [hbm:s3], $0xF7A  }
0x26: {  	[smem:$0x3F9D] =	sst s1;
	(tag) =	ssettag s2;
	_ =	strace s9  }
0x27: {  	s1 =	sld [smem:$0x3FAD]  }
0x28: {  	s2 =	sld [smem:$0x3FAE]  }
0x29: {  	s4 =	sld [smem:$0x3FB0]  }
0x2a: {  	p0 =	seq.s32 s5, $0x0;
	s5 =	sld [smem:$0x3FB1]  }
0x2b: {  	s6 =	sld [smem:$0x3FB2]  }
0x2c: {  	s7 =	sld [smem:$0x3FB3]  }
0x2d: {  	s3 =	simm.s32 $0x108;
	s8 =	sld [smem:$0x3FB4]  }
0x2e: {  	s3 =	simm.s32 @!p0 $0x1082;
	s9 =	sld [smem:$0x3FB5]  }
0x2f: {  	lr =	sadd.s32 s0, s3;
	s0 =	sld [smem:$0x3FAC]  }
0x30: {  	s3 =	sld [smem:$0x3FAF]  }
0x31: {  	[smem:$0x3FB8] =	sst s10  }
0x32: {  	s10 =	sld [smem:$0x3FB6];
	_ =	sdelay $0x3  }
0x33: {  	p0 =	seq.s32 s10, $0x1;
	s10 =	sld [smem:$0x3FB8];
	_ =	sdelay $0x3  }
0x34: {  	[smem:$0x3FB8] =	sst s10  }
0x35: {  	s10 =	sld [smem:$0x3FB7];
	_ =	sdelay $0x3  }
0x36: {  	p1 =	seq.s32 s10, $0x1;
	s10 =	sld [smem:$0x3FB8];
	_ =	sdelay $0x3  }
0x37: {  	[smem:$0x3FB8] =	sst s10  }
0x38: {  	s10 =	sld [smem:$0x3FB9]  }
0x39: {  	_ = 	snop;
	(pc) =	sbr.ind lr, $3  }
0x3a: {  	_ = 	snop  }
0x3b: {  	_ = 	snop  }
0x3c: {  	p2 =	seq.s32 s10, $0x1;
	s10 =	sld [smem:$0x3FB8]  }
0x3d: {  	_ =	shalt  }
0x3e: {  	_ =	shalt  }
0x3f: {  	_ =	shalt  }
0x40: {  	_ =	shalt  }
0x41: {  	_ =	shalt  }
0x42: {  	_ =	shalt  }
0x43: {  	_ =	shalt  }
0x44: {  	_ =	shalt  }
0x45: {  	_ =	shalt  }
0x46: {  	_ =	shalt  }
0x47: {  	_ =	shalt  }
0x48: {  	_ =	shalt  }
0x49: {  	_ =	shalt  }
0x4a: {  	_ =	shalt  }
0x4b: {  	_ =	shalt  }
0x4c: {  	_ =	shalt  }
0x4d: {  	_ =	shalt  }
0x4e: {  	_ =	shalt  }
0x4f: {  	_ =	shalt  }
0x50: {  	_ =	shalt  }
0x51: {  	_ =	shalt  }
0x52: {  	_ =	shalt  }
0x53: {  	_ =	shalt  }
0x54: {  	_ =	shalt  }
0x55: {  	_ =	shalt  }
0x56: {  	_ =	shalt  }
0x57: {  	_ =	shalt  }
0x58: {  	_ =	shalt  }
0x59: {  	_ =	shalt  }
0x5a: {  	_ =	shalt  }
0x5b: {  	_ =	shalt  }
0x5c: {  	_ =	shalt  }
0x5d: {  	_ =	shalt  }
0x5e: {  	_ =	shalt  }
0x5f: {  	_ =	shalt  }
0x60: {  	_ =	shalt  }
0x61: {  	_ =	shalt  }
0x62: {  	_ =	shalt  }
0x63: {  	_ =	shalt  }
0x64: {  	_ =	shalt  }
0x65: {  	_ =	shalt  }
0x66: {  	_ =	shalt  }
0x67: {  	_ =	shalt  }
0x68: {  	_ =	shalt  }
0x69: {  	_ =	shalt  }
0x6a: {  	_ =	shalt  }
0x6b: {  	_ =	shalt  }
0x6c: {  	_ =	shalt  }
0x6d: {  	_ =	shalt  }
0x6e: {  	_ =	shalt  }
0x6f: {  	_ =	shalt  }
0x70: {  	_ =	shalt  }
0x71: {  	_ =	shalt  }
0x72: {  	_ =	shalt  }
0x73: {  	_ =	shalt  }
0x74: {  	_ =	shalt  }
0x75: {  	_ =	shalt  }
0x76: {  	_ =	shalt  }
0x77: {  	_ =	shalt  }
0x78: {  	_ =	shalt  }
0x79: {  	_ =	shalt  }
0x7a: {  	_ =	shalt  }
0x7b: {  	_ =	shalt  }
0x7c: {  	_ =	shalt  }
0x7d: {  	_ =	shalt  }
0x7e: {  	_ =	shalt  }
0x7f: {  	_ =	shalt  }
0x80: {  	_ =	shalt  }
0x81: {  	_ =	shalt  }
0x82: {  	_ =	shalt  }
0x83: {  	_ =	shalt  }
0x84: {  	_ =	shalt  }
0x85: {  	_ =	shalt  }
0x86: {  	_ =	shalt  }
0x87: {  	_ =	shalt  }
.Lfunc_end0:
.L_simem_size_0:
called_computation_lowered:
.L_overlay_start_0:
0x88: {  	s2 =	sld [smem:$0x3FD9]  }
0x89: {  	s3 =	sld [smem:$0x3FFE];
	_ =	sdelay $0x1  }
0x8a: {  	s1 =	srdreg.scid  }
0x8b: {  	s0 =	sand.u32 $0x1, s1  }
0x8c: {  	s17 =	sshll.u32 s0, $0xA;
	s2 =	sadd.s32 s3, s2  }
0x8d: {  	s2 =	sadd.s32 s2, s17  }
0x8e: {  	[smem:$0x3FC4] =	sst s2  }
0x8f: {  	_ = 	snop  }
0x90: {  	s2 =	sld [smem:$0x3FD0];
	(tm) =	ssettm $0x1  }
0x91: {  	s18 =	sld [smem:$0x3FFB];
	_ =	sdelay $0x3  }
0x92: {  	_ =	strace s18  }
0x93: {  	s3 =	sld [smem:$0x3FFC];
	_ =	sdelay $0x3  }
0x94: {  	_ =	strace s3  }
0x95: {  	s3 =	sld [smem:$0x3FFD];
	_ =	sdelay $0x3  }
0x96: {  	_ =	strace s3  }
0x97: {  	_ =	strace $0x8FFFFFFF  }
0x98: {  	s19 =	sld [smem:$0x3FDB];
	_ =	sdelay $0x1  }
0x99: {  	s4 =	simm.s32 $_scs_section_size  }
0x9a: {  	s5 =	simm.s32 $_size__tile_overlayer_lowered;
	s6 =	simm.s32 $_tile_overlayer_lowered  }
0x9b: {  	s22 =	simm.s32 $0x1BFF;
	s21 =	sshll.u32 s6, $0x1;
	s3 =	sadd.s32 s4, s19  }
0x9c: {  	s7 =	simm.s32 $0x0;
	s20 =	sshll.u32 s5, $0x1;
	s5 =	sadd.s32 s21, s3  }
0x9d: {  	[timem:s7], [sflag:s22] =	dma.local [hbm:s5], s20  }
0x9e: {  	_ =	swait.ge [sflag:s22], s20  }
0x9f: {  	s4 =	ssub.s32 $0x0, s20;
	[sflag:s22] =	ssyncset.done $0x0  }
0xa0: {  	[sflag:s22] =	ssyncadd.s32 s4;
	_ =	sdelay $0x1  }
0xa1: {  	s23 =	simm.s32 $0x1B8B  }
0xa2: {  	_ =	swait.ge [sflag:s23], $0x1  }
0xa3: {  	[sflag:s23] =	ssyncset.done $0x0  }
0xa4: {  	s25 =	simm.s32 $0x1B8E;
	s24 =	sld [smem:$0x3FFE];
	[sflag:s23] =	ssyncadd.s32 $0xFFFFFFFF  }
0xa5: {  	s26 =	simm.s32 $execute0_lowered;
	[smem:$0x3FD2] =	sst s25  }
0xa6: {  	s5 =	sshll.u32 s26, $0x1;
	_ =	strace $0x80000046;
	[dreg:$0x1] =	wrdreg $0xFFFFFFFF  }
0xa7: {  	s28 =	simm.s32 $_size_execute0_lowered;
	s3 =	sadd.s32 s3, s5;
	[dreg:$0x0] =	wrdreg $0x0  }
0xa8: {  	s5 =	sshll.u32 s28, $0x1;
	[dreg:$0x2] =	wrdreg s3  }
0xa9: {  	[dreg:$0x3] =	wrdreg s5  }
0xaa: {  	[dreg:$0x4] =	wrdreg $0xC0  }
0xab: {  	_ =	task [dreg:s7], $0x5FFFF  }
0xac: {  	[dreg:$0x1] =	wrdreg $0xFFFFFFFF  }
0xad: {  	[dreg:$0x0] =	wrdreg $0x60  }
0xae: {  	[dreg:$0x2] =	wrdreg s24  }
0xaf: {  	[dreg:$0x3] =	wrdreg s2  }
0xb0: {  	[dreg:$0x4] =	wrdreg $0x0  }
0xb1: {  	[dreg:$0x5] =	wrdreg $0x9  }
0xb2: {  	_ =	task.clear_ibuf [dreg:s7], $0x6FFFF;
	_ =	strace $0x90000046  }
0xb3: {  	s29 =	simm.s32 $0x9;
	_ =	strace $0x80000048  }
0xb4: {  	_ =	swait.ge [sflag:s29], $0x1  }
0xb5: {  	[sflag:s29] =	ssyncadd.s32 $0xFFFFFFFF  }
0xb6: {  	_ =	strace $0x90000048  }
0xb7: {  	_ =	sfence  }
0xb8: {  	s30 =	sld [smem:$0x0];
	_ =	sdelay $0x2  }
0xb9: {  	s31 =	sshll.u32 s1, $0xD;
	s1 =	sshrl.u32 s1, $0x2  }
0xba: {  	s3 =	sand.u32 $0x4000, s31;
	s1 =	sadd.s32 s1, s30  }
0xbb: {  	s0 =	sor.u32 s3, s0;
	s1 =	sshll.u32 s1, $0x11  }
0xbc: {  	s0 =	sor.u32 s1, s0  }
0xbd: {  	s0 =	sadd.s32 $0x8F2B, s0  }
0xbe: {  	[sflag:s0] =	ssyncadd.remote.s32 $0x1  }
0xbf: {  	_ =	sfence.sel $0xFFFF  }
0xc0: {  	[dreg:$0x0] =	wrdreg $0xFFFFFFFF;
	(pc) =	sbr.abs _section_cstart, $3  }
0xc1: {  	[dreg:$0x1] =	wrdreg $0xFFFFFFFF  }
0xc2: {  	_ =	task.clear_ibuf [dreg:s7], $0x2FFFF;
	_ =	strace $0x9FFFFFFF  }
0xc3: {  	(tm) =	ssettm $0x7FFFFFFF  }
tec
execute0_lowered:
.L_overlay_start_1:
0x0: {  	(tag) =	ssettag $0x1  }
0x1: {  	s0 =	rddreg [dreg:$0x0]  }
0x2: {  	s4 =	rddreg [dreg:$0x1]  }
0x3: {  	s1 =	srdreg.scid;
	s30 =	rddreg [dreg:$0x3]  }
0x4: {  	s25 =	simm.s32 $0x0;
	s2 =	sand.u32 $0x1, s1;
	s1 =	rddreg [dreg:$0x2]  }
0x5: {  	[smem:$0x7FF] =	sst s25;
	s8 =	sadd.s32 $0xA00, s0  }
0x6: {  	s9 =	simm.s32 $0xB00;
	_ =	strace $0x80000047;
	[dreg:$0x4] =	wrdreg s8  }
0x7: {  	s10 =	simm.s32 $0xB80;
	[dreg:$0x16] =	wrdreg s9  }
0x8: {  	s11 =	simm.s32 $0xC00;
	[dreg:$0x17] =	wrdreg s10  }
0x9: {  	s12 =	simm.s32 $0xC80;
	[dreg:$0x18] =	wrdreg s11  }
0xa: {  	s13 =	simm.s32 $0xD00;
	[dreg:$0x19] =	wrdreg s12  }
0xb: {  	s14 =	simm.s32 $0xD80;
	[dreg:$0x1a] =	wrdreg s13  }
0xc: {  	s3 =	stileid.u32;
	s15 =	simm.s32 $0xE00;
	[dreg:$0x1b] =	wrdreg s14  }
0xd: {  	s16 =	simm.s32 $0xE80;
	s5 =	sshll.u32 s3, $0x1;
	[dreg:$0x1c] =	wrdreg s15  }
0xe: {  	p0 =	sne.s32 s3, $0x0;
	s3 =	simm.s32 $0x1400;
	[dreg:$0x1d] =	wrdreg s16  }
0xf: {  	s8 =	simm.s32 $0xA80;
	[smem:$0x7EB] =	sst s3  }
0x10: {  	s9 =	simm.s32 $0x1700;
	[dreg:$0x15] =	wrdreg s8  }
0x11: {  	s10 =	simm.s32 $0x1780;
	[smem:$0x7F1] =	sst s9  }
0x12: {  	s5 =	sor.u32 s2, s5;
	s11 =	simm.s32 $0x1800;
	[smem:$0x7F2] =	sst s10  }
0x13: {  	s12 =	simm.s32 $0x1880;
	s6 =	smul.u32 $0x320, s5;
	[smem:$0x7F3] =	sst s11  }
0x14: {  	s13 =	simm.s32 $0x1900;
	s7 =	smul.u32 $0x19000, s5;
	[smem:$0x7F4] =	sst s12  }
0x15: {  	s5 =	smul.u32 $0xC8000, s5;
	s8 =	simm.s32 $0x1680;
	[smem:$0x7F5] =	sst s13  }
0x16: {  	[smem:$0x7F0] =	sst s8;
	s0 =	sadd.s32 s6, s0;
	s6 =	simm.s32 $0x980  }
0x17: {  	s17 =	sadd.s32 s7, s4;
	s7 =	simm.s32 $0xA00;
	[dreg:$0x13] =	wrdreg s6  }
0x18: {  	s0 =	sadd.s32 $0x1A00, s0;
	[dreg:$0x14] =	wrdreg s7  }
0x19: {  	s5 =	sshrl.u32 s5, $0x3;
	s18 =	sadd.s32 $0x8, s17;
	[dreg:$0x5] =	wrdreg s0  }
0x1a: {  	s4 =	sadd.s32 s4, s5;
	s5 =	simm.s32 $0x900;
	[dreg:$0x6] =	wrdreg s18  }
0x1b: {  	s17 =	simm.s32 $0xF00;
	[dreg:$0x12] =	wrdreg s5  }
0x1c: {  	s6 =	simm.s32 $0x1580;
	[dreg:$0x1e] =	wrdreg s17  }
0x1d: {  	s7 =	simm.s32 $0x1600;
	[smem:$0x7EE] =	sst s6  }
0x1e: {  	s19 =	sadd.s32 $0x2808, s4;
	[smem:$0x7EF] =	sst s7  }
0x1f: {  	s20 =	sadd.s32 $0x5008, s4;
	[dreg:$0x7] =	wrdreg s19  }
0x20: {  	s21 =	sadd.s32 $0x7808, s4;
	[dreg:$0x8] =	wrdreg s20  }
0x21: {  	s22 =	sadd.s32 $0xA008, s4;
	[dreg:$0x9] =	wrdreg s21  }
0x22: {  	s23 =	sadd.s32 $0xC808, s4;
	[dreg:$0xa] =	wrdreg s22  }
0x23: {  	s24 =	sadd.s32 $0xF008, s4;
	[dreg:$0xb] =	wrdreg s23  }
0x24: {  	s26 =	sadd.s32 $0x11808, s4;
	[dreg:$0xc] =	wrdreg s24  }
0x25: {  	s29 =	sadd.s32 $0x14008, s4;
	[dreg:$0xd] =	wrdreg s26  }
0x26: {  	s28 =	simm.s32 $0x5;
	s31 =	sadd.s32 $0x16808, s4;
	[dreg:$0xe] =	wrdreg s29  }
0x27: {  	p1 =	por $0x0, $0x0;
	s0 =	sshrl.u32 @!p0 s1, $0x3;
	[dreg:$0xf] =	wrdreg s31  }
0x28: {  	s2 =	ssub.s32 $0x2, s2;
	s4 =	simm.s32 $0x880;
	[dreg:$0x10] =	wrdreg s0  }
0x29: {  	s14 =	simm.s32 $0x4100;
	s18 =	simm.s32 $0xF80;
	[dreg:$0x11] =	wrdreg s4  }
0x2a: {  	s15 =	simm.s32 $0x6100;
	s5 =	simm.s32 $0x1500;
	[dreg:$0x1f] =	wrdreg s18  }
0x2b: {  	s16 =	simm.s32 $0x8100;
	s19 =	simm.s32 $0x1000;
	[smem:$0x7ED] =	sst s5  }
0x2c: {  	s3 =	simm.s32 $0xC100;
	s20 =	simm.s32 $0x1080;
	[smem:$0x7E3] =	sst s19  }
0x2d: {  	s10 =	simm.s32 $0xE100;
	s21 =	simm.s32 $0x1100;
	[smem:$0x7E4] =	sst s20  }
0x2e: {  	s11 =	simm.s32 $0x10100;
	s22 =	simm.s32 $0x1180;
	[smem:$0x7E5] =	sst s21  }
0x2f: {  	s12 =	simm.s32 $0x12100;
	s23 =	simm.s32 $0x1200;
	[smem:$0x7E6] =	sst s22  }
0x30: {  	s13 =	simm.s32 $0x14100;
	s24 =	simm.s32 $0x1280;
	[smem:$0x7E7] =	sst s23  }
0x31: {  	s9 =	simm.s32 $0x1;
	s29 =	simm.s32 $0x1300;
	[smem:$0x7E8] =	sst s24  }
0x32: {  	s8 =	simm.s32 $0x2;
	s31 =	simm.s32 $0x1380;
	[smem:$0x7E9] =	sst s29  }
0x33: {  	s17 =	simm.s32 $0xA100;
	s4 =	simm.s32 $0x1480;
	[smem:$0x7EA] =	sst s31  }
0x34: {  	s6 =	simm.s32 $0x3;
	s18 =	simm.s32 $0x1980;
	[smem:$0x7EC] =	sst s4  }
0x35: {  	s7 =	simm.s32 $0x4;
	s26 =	sshrl.u32 s2, $0x1;
	[smem:$0x7F6] =	sst s18  }
0x36: {  	s5 =	simm.s32 $0x40;
	s19 =	simm.s32 $0x1A00;
	s0 =	rddreg [dreg:$0x10]  }
0x37: {  	s2 =	ssub.s32 s2, s26;
	s21 =	simm.s32 $0x1A80;
	[smem:$0x7F7] =	sst s19  }
0x38: {  	s22 =	simm.s32 $0x1B00;
	s20 =	smax.u32 s2, $0x1;
	[smem:$0x7F8] =	sst s21  }
0x39: {  	s23 =	simm.s32 $0x1B80;
	[smem:$0x7F9] =	sst s22;
	s18 =	sadd.s32 $0xFFFFFFFF, s20  }
0x3a: {  	s24 =	simm.s32 $0x1C00;
	[smem:$0x7FA] =	sst s23;
	p2 =	sne.s32 s18, $0x0  }
.Ltmp0:
0x3b: {  	s29 =	simm.s32 $0x1C80;
	[smem:$0x7FB] =	sst s24;
	(pc) =	sbr.rel @!p2 .LBB2_1-.Ltmp0, $4  }
0x3c: {  	s26 =	simm.s32 $0x800;
	s31 =	simm.s32 $0x1D00;
	[smem:$0x7FC] =	sst s29  }
0x3d: {  	s4 =	simm.s32 $0x2100;
	s2 =	simm.s32 $0x80;
	[smem:$0x7FD] =	sst s31  }
0x3e: {  	s23 =	simm.s32 $0x1D80;
	s24 =	simm.s32 $0x1E00;
	s19 =	simm.s32 $0x1F00  }
0x3f: {  	s21 =	simm.s32 $0x2000;
	s22 =	simm.s32 $0x2080;
	s20 =	simm.s32 $0x1F80  }
0x40: {  	s31 =	rddreg [dreg:$0x4];
	s29 =	simm.s32 @!p0 $0x1C05;
	s30 =	simm.s32 @!p0 $0x5  }
0x41: {  	[spmem:s0], [sflag:s29] =	dma.local @!p0 [hbm:s31], $0x1000  }
0x42: {  	_ =	swait.ge @!p0 [sflag:s30], $0x1000  }
0x43: {  	[sflag:s30] =	ssyncset.done @!p0 $0x0  }
0x44: {  	[sflag:s30] =	ssyncadd.s32 @!p0 $0xFFFFF000  }
0x45: {  	[bflag:$0x0] =	sbarrier.arrive $0xFFFF  }
0x46: {  	s0 =	rddreg [dreg:$0x5]  }
0x47: {  	[tilespmem:s26], [sflag:$0x5] =	stream.linear.gather [hbm4b:s0+s25], $0x1900, $0x38;
	[tilespmem:$0x16100] =	vst v63  }
0x48: {  	_ =	swait.ge [sflag:s28], $0x1900  }
0x49: {  	[sflag:s28] =	ssyncset.done $0x0  }
0x4a: {  	[sflag:s28] =	ssyncadd.s32 $0xFFFFE700  }
0x4b: {  	[tilespmem:s4], [sflag:$0x1] =	stream.indirect.gather [spmem:s1], $0x40, s26, s2, $0xb8;
	[tilespmem:$0x16100] =	vst v63  }
0x4c: {  	s0 =	rddreg [dreg:$0x11]  }
0x4d: {  	[tilespmem:s14], [sflag:$0x1] =	stream.indirect.gather [spmem:s1], $0x40, s0, s2, $0xb8;
	[tilespmem:$0x16100] =	vst v63  }
0x4e: {  	s31 =	rddreg [dreg:$0x12]  }
0x4f: {  	[tilespmem:s15], [sflag:$0x1] =	stream.indirect.gather [spmem:s1], $0x40, s31, s2, $0xb8;
	[tilespmem:$0x16100] =	vst v63  }
0x50: {  	s0 =	rddreg [dreg:$0x13]  }
0x51: {  	[tilespmem:s16], [sflag:$0x1] =	stream.indirect.gather [spmem:s1], $0x40, s0, s2, $0xb8;
	[tilespmem:$0x16100] =	vst v63  }
0x52: {  	s31 =	rddreg [dreg:$0x14]  }
0x53: {  	[tilespmem:s17], [sflag:$0x1] =	stream.indirect.gather [spmem:s1], $0x40, s31, s2, $0xb8;
	[tilespmem:$0x16100] =	vst v63  }
0x54: {  	s0 =	rddreg [dreg:$0x15]  }
0x55: {  	[tilespmem:s3], [sflag:$0x2] =	stream.indirect.gather [spmem:s1], $0x40, s0, s2, $0xb8;
	[tilespmem:$0x16100] =	vst v63  }
0x56: {  	s31 =	rddreg [dreg:$0x16]  }
0x57: {  	[tilespmem:s10], [sflag:$0x2] =	stream.indirect.gather [spmem:s1], $0x40, s31, s2, $0xb8;
	[tilespmem:$0x16100] =	vst v63  }
0x58: {  	s0 =	rddreg [dreg:$0x17]  }
0x59: {  	[tilespmem:s11], [sflag:$0x2] =	stream.indirect.gather [spmem:s1], $0x40, s0, s2, $0xb8;
	[tilespmem:$0x16100] =	vst v63  }
0x5a: {  	s31 =	rddreg [dreg:$0x18]  }
0x5b: {  	[tilespmem:s12], [sflag:$0x2] =	stream.indirect.gather [spmem:s1], $0x40, s31, s2, $0xb8;
	[tilespmem:$0x16100] =	vst v63  }
0x5c: {  	s0 =	rddreg [dreg:$0x19]  }
0x5d: {  	[tilespmem:s13], [sflag:$0x2] =	stream.indirect.gather [spmem:s1], $0x40, s0, s2, $0xb8;
	[tilespmem:$0x16100] =	vst v63  }
0x5e: {  	_ =	swait.ge [sflag:s9], $0x2000  }
0x5f: {  	[sflag:s9] =	ssyncset.done $0x0  }
0x60: {  	[sflag:s9] =	ssyncadd.s32 $0xFFFFE000  }
0x61: {  	_ =	swait.ge [sflag:s9], $0x2000  }
0x62: {  	[sflag:s9] =	ssyncset.done $0x0  }
0x63: {  	[sflag:s9] =	ssyncadd.s32 $0xFFFFE000  }
0x64: {  	_ =	swait.ge [sflag:s9], $0x2000  }
0x65: {  	[sflag:s9] =	ssyncset.done $0x0  }
0x66: {  	[sflag:s9] =	ssyncadd.s32 $0xFFFFE000  }
0x67: {  	_ =	swait.ge [sflag:s9], $0x2000  }
0x68: {  	[sflag:s9] =	ssyncset.done $0x0  }
0x69: {  	[sflag:s9] =	ssyncadd.s32 $0xFFFFE000  }
0x6a: {  	_ =	swait.ge [sflag:s9], $0x2000  }
0x6b: {  	[sflag:s9] =	ssyncset.done $0x0  }
0x6c: {  	s0 =	rddreg [dreg:$0x6];
	[sflag:s9] =	ssyncadd.s32 $0xFFFFE000  }
0x6d: {  	[hbm4b:s0+s5] =	stream.strided.scatter [tilespmem:s4], [sflag:$0x3], $0xA000, s2, s5, $0x38;
	[tilespmem:$0x16100] =	vst v63  }
0x6e: {  	_ =	swait.ge [sflag:s6], $0xA000  }
0x6f: {  	[sflag:s6] =	ssyncset.done $0x0  }
0x70: {  	s0 =	rddreg [dreg:$0x1a];
	[sflag:s6] =	ssyncadd.s32 $0xFFFF6000  }
0x71: {  	[tilespmem:s4], [sflag:$0x1] =	stream.indirect.gather [spmem:s1], $0x40, s0, s2, $0xb8;
	[tilespmem:$0x16100] =	vst v63  }
0x72: {  	s31 =	rddreg [dreg:$0x1b]  }
0x73: {  	[tilespmem:s14], [sflag:$0x1] =	stream.indirect.gather [spmem:s1], $0x40, s31, s2, $0xb8;
	[tilespmem:$0x16100] =	vst v63  }
0x74: {  	s0 =	rddreg [dreg:$0x1c]  }
0x75: {  	[tilespmem:s15], [sflag:$0x1] =	stream.indirect.gather [spmem:s1], $0x40, s0, s2, $0xb8;
	[tilespmem:$0x16100] =	vst v63  }
0x76: {  	s31 =	rddreg [dreg:$0x1d]  }
0x77: {  	[tilespmem:s16], [sflag:$0x1] =	stream.indirect.gather [spmem:s1], $0x40, s31, s2, $0xb8;
	[tilespmem:$0x16100] =	vst v63  }
0x78: {  	s0 =	rddreg [dreg:$0x1e]  }
0x79: {  	[tilespmem:s17], [sflag:$0x1] =	stream.indirect.gather [spmem:s1], $0x40, s0, s2, $0xb8;
	[tilespmem:$0x16100] =	vst v63  }
0x7a: {  	_ =	swait.ge [sflag:s8], $0x2000  }
0x7b: {  	[sflag:s8] =	ssyncset.done $0x0  }
0x7c: {  	[sflag:s8] =	ssyncadd.s32 $0xFFFFE000  }
0x7d: {  	_ =	swait.ge [sflag:s8], $0x2000  }
0x7e: {  	[sflag:s8] =	ssyncset.done $0x0  }
0x7f: {  	[sflag:s8] =	ssyncadd.s32 $0xFFFFE000  }
0x80: {  	_ =	swait.ge [sflag:s8], $0x2000  }
0x81: {  	[sflag:s8] =	ssyncset.done $0x0  }
0x82: {  	[sflag:s8] =	ssyncadd.s32 $0xFFFFE000  }
0x83: {  	_ =	swait.ge [sflag:s8], $0x2000  }
0x84: {  	[sflag:s8] =	ssyncset.done $0x0  }
0x85: {  	[sflag:s8] =	ssyncadd.s32 $0xFFFFE000  }
0x86: {  	_ =	swait.ge [sflag:s8], $0x2000  }
0x87: {  	[sflag:s8] =	ssyncset.done $0x0  }
0x88: {  	s0 =	rddreg [dreg:$0x7];
	[sflag:s8] =	ssyncadd.s32 $0xFFFFE000  }
0x89: {  	[hbm4b:s0+s5] =	stream.strided.scatter [tilespmem:s3], [sflag:$0x4], $0xA000, s2, s5, $0x38;
	[tilespmem:$0x16100] =	vst v63  }
0x8a: {  	_ =	swait.ge [sflag:s7], $0xA000  }
0x8b: {  	s0 =	rddreg [dreg:$0x1f];
	[sflag:s7] =	ssyncset.done $0x0  }
0x8c: {  	s31 =	sld [smem:$0x7E3];
	[sflag:s7] =	ssyncadd.s32 $0xFFFF6000  }
0x8d: {  	[tilespmem:s3], [sflag:$0x2] =	stream.indirect.gather [spmem:s1], $0x40, s0, s2, $0xb8;
	[tilespmem:$0x16100] =	vst v63  }
0x8e: {  	s0 =	sld [smem:$0x7E4]  }
0x8f: {  	[tilespmem:s10], [sflag:$0x2] =	stream.indirect.gather [spmem:s1], $0x40, s31, s2, $0xb8;
	[tilespmem:$0x16100] =	vst v63  }
0x90: {  	s31 =	sld [smem:$0x7E5]  }
0x91: {  	[tilespmem:s11], [sflag:$0x2] =	stream.indirect.gather [spmem:s1], $0x40, s0, s2, $0xb8;
	[tilespmem:$0x16100] =	vst v63  }
0x92: {  	s0 =	sld [smem:$0x7E6]  }
0x93: {  	[tilespmem:s12], [sflag:$0x2] =	stream.indirect.gather [spmem:s1], $0x40, s31, s2, $0xb8;
	[tilespmem:$0x16100] =	vst v63  }
0x94: {  	_ = 	snop  }
0x95: {  	[tilespmem:s13], [sflag:$0x2] =	stream.indirect.gather [spmem:s1], $0x40, s0, s2, $0xb8;
	[tilespmem:$0x16100] =	vst v63  }
0x96: {  	_ =	swait.ge [sflag:s9], $0x2000  }
0x97: {  	[sflag:s9] =	ssyncset.done $0x0  }
0x98: {  	[sflag:s9] =	ssyncadd.s32 $0xFFFFE000  }
0x99: {  	_ =	swait.ge [sflag:s9], $0x2000  }
0x9a: {  	[sflag:s9] =	ssyncset.done $0x0  }
0x9b: {  	[sflag:s9] =	ssyncadd.s32 $0xFFFFE000  }
0x9c: {  	_ =	swait.ge [sflag:s9], $0x2000  }
0x9d: {  	[sflag:s9] =	ssyncset.done $0x0  }
0x9e: {  	[sflag:s9] =	ssyncadd.s32 $0xFFFFE000  }
0x9f: {  	_ =	swait.ge [sflag:s9], $0x2000  }
0xa0: {  	[sflag:s9] =	ssyncset.done $0x0  }
0xa1: {  	[sflag:s9] =	ssyncadd.s32 $0xFFFFE000  }
0xa2: {  	_ =	swait.ge [sflag:s9], $0x2000  }
0xa3: {  	[sflag:s9] =	ssyncset.done $0x0  }
0xa4: {  	s0 =	rddreg [dreg:$0x8];
	[sflag:s9] =	ssyncadd.s32 $0xFFFFE000  }
0xa5: {  	[hbm4b:s0+s5] =	stream.strided.scatter [tilespmem:s4], [sflag:$0x3], $0xA000, s2, s5, $0x38;
	[tilespmem:$0x16100] =	vst v63  }
0xa6: {  	_ =	swait.ge [sflag:s6], $0xA000  }
0xa7: {  	s0 =	sld [smem:$0x7E7]  }
0xa8: {  	[sflag:s6] =	ssyncset.done $0x0  }
0xa9: {  	s31 =	sld [smem:$0x7E8];
	[sflag:s6] =	ssyncadd.s32 $0xFFFF6000  }
0xaa: {  	[tilespmem:s4], [sflag:$0x1] =	stream.indirect.gather [spmem:s1], $0x40, s0, s2, $0xb8;
	[tilespmem:$0x16100] =	vst v63  }
0xab: {  	s0 =	sld [smem:$0x7E9]  }
0xac: {  	[tilespmem:s14], [sflag:$0x1] =	stream.indirect.gather [spmem:s1], $0x40, s31, s2, $0xb8;
	[tilespmem:$0x16100] =	vst v63  }
0xad: {  	s31 =	sld [smem:$0x7EA]  }
0xae: {  	[tilespmem:s15], [sflag:$0x1] =	stream.indirect.gather [spmem:s1], $0x40, s0, s2, $0xb8;
	[tilespmem:$0x16100] =	vst v63  }
0xaf: {  	s0 =	sld [smem:$0x7EB]  }
0xb0: {  	[tilespmem:s16], [sflag:$0x1] =	stream.indirect.gather [spmem:s1], $0x40, s31, s2, $0xb8;
	[tilespmem:$0x16100] =	vst v63  }
0xb1: {  	_ = 	snop  }
0xb2: {  	[tilespmem:s17], [sflag:$0x1] =	stream.indirect.gather [spmem:s1], $0x40, s0, s2, $0xb8;
	[tilespmem:$0x16100] =	vst v63  }
0xb3: {  	_ =	swait.ge [sflag:s8], $0x2000  }
0xb4: {  	[sflag:s8] =	ssyncset.done $0x0  }
0xb5: {  	[sflag:s8] =	ssyncadd.s32 $0xFFFFE000  }
0xb6: {  	_ =	swait.ge [sflag:s8], $0x2000  }
0xb7: {  	[sflag:s8] =	ssyncset.done $0x0  }
0xb8: {  	[sflag:s8] =	ssyncadd.s32 $0xFFFFE000  }
0xb9: {  	_ =	swait.ge [sflag:s8], $0x2000  }
0xba: {  	[sflag:s8] =	ssyncset.done $0x0  }
0xbb: {  	[sflag:s8] =	ssyncadd.s32 $0xFFFFE000  }
0xbc: {  	_ =	swait.ge [sflag:s8], $0x2000  }
0xbd: {  	[sflag:s8] =	ssyncset.done $0x0  }
0xbe: {  	[sflag:s8] =	ssyncadd.s32 $0xFFFFE000  }
0xbf: {  	_ =	swait.ge [sflag:s8], $0x2000  }
0xc0: {  	[sflag:s8] =	ssyncset.done $0x0  }
0xc1: {  	s0 =	rddreg [dreg:$0x9];
	[sflag:s8] =	ssyncadd.s32 $0xFFFFE000  }
0xc2: {  	[hbm4b:s0+s5] =	stream.strided.scatter [tilespmem:s3], [sflag:$0x4], $0xA000, s2, s5, $0x38;
	[tilespmem:$0x16100] =	vst v63  }
0xc3: {  	_ =	swait.ge [sflag:s7], $0xA000  }
0xc4: {  	s0 =	sld [smem:$0x7EC]  }
0xc5: {  	[sflag:s7] =	ssyncset.done $0x0  }
0xc6: {  	s31 =	sld [smem:$0x7ED];
	[sflag:s7] =	ssyncadd.s32 $0xFFFF6000  }
0xc7: {  	[tilespmem:s3], [sflag:$0x2] =	stream.indirect.gather [spmem:s1], $0x40, s0, s2, $0xb8;
	[tilespmem:$0x16100] =	vst v63  }
0xc8: {  	s0 =	sld [smem:$0x7EE]  }
0xc9: {  	[tilespmem:s10], [sflag:$0x2] =	stream.indirect.gather [spmem:s1], $0x40, s31, s2, $0xb8;
	[tilespmem:$0x16100] =	vst v63  }
0xca: {  	s31 =	sld [smem:$0x7EF]  }
0xcb: {  	[tilespmem:s11], [sflag:$0x2] =	stream.indirect.gather [spmem:s1], $0x40, s0, s2, $0xb8;
	[tilespmem:$0x16100] =	vst v63  }
0xcc: {  	s0 =	sld [smem:$0x7F0]  }
0xcd: {  	[tilespmem:s12], [sflag:$0x2] =	stream.indirect.gather [spmem:s1], $0x40, s31, s2, $0xb8;
	[tilespmem:$0x16100] =	vst v63  }
0xce: {  	_ = 	snop  }
0xcf: {  	[tilespmem:s13], [sflag:$0x2] =	stream.indirect.gather [spmem:s1], $0x40, s0, s2, $0xb8;
	[tilespmem:$0x16100] =	vst v63  }
0xd0: {  	_ =	swait.ge [sflag:s9], $0x2000  }
0xd1: {  	[sflag:s9] =	ssyncset.done $0x0  }
0xd2: {  	[sflag:s9] =	ssyncadd.s32 $0xFFFFE000  }
0xd3: {  	_ =	swait.ge [sflag:s9], $0x2000  }
0xd4: {  	[sflag:s9] =	ssyncset.done $0x0  }
0xd5: {  	[sflag:s9] =	ssyncadd.s32 $0xFFFFE000  }
0xd6: {  	_ =	swait.ge [sflag:s9], $0x2000  }
0xd7: {  	[sflag:s9] =	ssyncset.done $0x0  }
0xd8: {  	[sflag:s9] =	ssyncadd.s32 $0xFFFFE000  }
0xd9: {  	_ =	swait.ge [sflag:s9], $0x2000  }
0xda: {  	[sflag:s9] =	ssyncset.done $0x0  }
0xdb: {  	[sflag:s9] =	ssyncadd.s32 $0xFFFFE000  }
0xdc: {  	_ =	swait.ge [sflag:s9], $0x2000  }
0xdd: {  	[sflag:s9] =	ssyncset.done $0x0  }
0xde: {  	s0 =	rddreg [dreg:$0xa];
	[sflag:s9] =	ssyncadd.s32 $0xFFFFE000  }
0xdf: {  	[hbm4b:s0+s5] =	stream.strided.scatter [tilespmem:s4], [sflag:$0x3], $0xA000, s2, s5, $0x38;
	[tilespmem:$0x16100] =	vst v63  }
0xe0: {  	_ =	swait.ge [sflag:s6], $0xA000  }
0xe1: {  	s0 =	sld [smem:$0x7F1]  }
0xe2: {  	[sflag:s6] =	ssyncset.done $0x0  }
0xe3: {  	s31 =	sld [smem:$0x7F2];
	[sflag:s6] =	ssyncadd.s32 $0xFFFF6000  }
0xe4: {  	[tilespmem:s4], [sflag:$0x1] =	stream.indirect.gather [spmem:s1], $0x40, s0, s2, $0xb8;
	[tilespmem:$0x16100] =	vst v63  }
0xe5: {  	s0 =	sld [smem:$0x7F3]  }
0xe6: {  	[tilespmem:s14], [sflag:$0x1] =	stream.indirect.gather [spmem:s1], $0x40, s31, s2, $0xb8;
	[tilespmem:$0x16100] =	vst v63  }
0xe7: {  	s31 =	sld [smem:$0x7F4]  }
0xe8: {  	[tilespmem:s15], [sflag:$0x1] =	stream.indirect.gather [spmem:s1], $0x40, s0, s2, $0xb8;
	[tilespmem:$0x16100] =	vst v63  }
0xe9: {  	s0 =	sld [smem:$0x7F5]  }
0xea: {  	[tilespmem:s16], [sflag:$0x1] =	stream.indirect.gather [spmem:s1], $0x40, s31, s2, $0xb8;
	[tilespmem:$0x16100] =	vst v63  }
0xeb: {  	_ = 	snop  }
0xec: {  	[tilespmem:s17], [sflag:$0x1] =	stream.indirect.gather [spmem:s1], $0x40, s0, s2, $0xb8;
	[tilespmem:$0x16100] =	vst v63  }
0xed: {  	_ =	swait.ge [sflag:s8], $0x2000  }
0xee: {  	[sflag:s8] =	ssyncset.done $0x0  }
0xef: {  	[sflag:s8] =	ssyncadd.s32 $0xFFFFE000  }
0xf0: {  	_ =	swait.ge [sflag:s8], $0x2000  }
0xf1: {  	[sflag:s8] =	ssyncset.done $0x0  }
0xf2: {  	[sflag:s8] =	ssyncadd.s32 $0xFFFFE000  }
0xf3: {  	_ =	swait.ge [sflag:s8], $0x2000  }
0xf4: {  	[sflag:s8] =	ssyncset.done $0x0  }
0xf5: {  	[sflag:s8] =	ssyncadd.s32 $0xFFFFE000  }
0xf6: {  	_ =	swait.ge [sflag:s8], $0x2000  }
0xf7: {  	[sflag:s8] =	ssyncset.done $0x0  }
0xf8: {  	[sflag:s8] =	ssyncadd.s32 $0xFFFFE000  }
0xf9: {  	_ =	swait.ge [sflag:s8], $0x2000  }
0xfa: {  	[sflag:s8] =	ssyncset.done $0x0  }
0xfb: {  	s0 =	rddreg [dreg:$0xb];
	[sflag:s8] =	ssyncadd.s32 $0xFFFFE000  }
0xfc: {  	[hbm4b:s0+s5] =	stream.strided.scatter [tilespmem:s3], [sflag:$0x4], $0xA000, s2, s5, $0x38;
	[tilespmem:$0x16100] =	vst v63  }
0xfd: {  	_ =	swait.ge [sflag:s7], $0xA000  }
0xfe: {  	s0 =	sld [smem:$0x7F6]  }
0xff: {  	[sflag:s7] =	ssyncset.done $0x0  }
0x100: {  	s31 =	sld [smem:$0x7F7];
	[sflag:s7] =	ssyncadd.s32 $0xFFFF6000  }
0x101: {  	[tilespmem:s3], [sflag:$0x2] =	stream.indirect.gather [spmem:s1], $0x40, s0, s2, $0xb8;
	[tilespmem:$0x16100] =	vst v63  }
0x102: {  	s0 =	sld [smem:$0x7F8]  }
0x103: {  	[tilespmem:s10], [sflag:$0x2] =	stream.indirect.gather [spmem:s1], $0x40, s31, s2, $0xb8;
	[tilespmem:$0x16100] =	vst v63  }
0x104: {  	s31 =	sld [smem:$0x7F9]  }
0x105: {  	[tilespmem:s11], [sflag:$0x2] =	stream.indirect.gather [spmem:s1], $0x40, s0, s2, $0xb8;
	[tilespmem:$0x16100] =	vst v63  }
0x106: {  	s0 =	sld [smem:$0x7FA]  }
0x107: {  	[tilespmem:s12], [sflag:$0x2] =	stream.indirect.gather [spmem:s1], $0x40, s31, s2, $0xb8;
	[tilespmem:$0x16100] =	vst v63  }
0x108: {  	_ = 	snop  }
0x109: {  	[tilespmem:s13], [sflag:$0x2] =	stream.indirect.gather [spmem:s1], $0x40, s0, s2, $0xb8;
	[tilespmem:$0x16100] =	vst v63  }
0x10a: {  	_ =	swait.ge [sflag:s9], $0x2000  }
0x10b: {  	[sflag:s9] =	ssyncset.done $0x0  }
0x10c: {  	[sflag:s9] =	ssyncadd.s32 $0xFFFFE000  }
0x10d: {  	_ =	swait.ge [sflag:s9], $0x2000  }
0x10e: {  	[sflag:s9] =	ssyncset.done $0x0  }
0x10f: {  	[sflag:s9] =	ssyncadd.s32 $0xFFFFE000  }
0x110: {  	_ =	swait.ge [sflag:s9], $0x2000  }
0x111: {  	[sflag:s9] =	ssyncset.done $0x0  }
0x112: {  	[sflag:s9] =	ssyncadd.s32 $0xFFFFE000  }
0x113: {  	_ =	swait.ge [sflag:s9], $0x2000  }
0x114: {  	[sflag:s9] =	ssyncset.done $0x0  }
0x115: {  	[sflag:s9] =	ssyncadd.s32 $0xFFFFE000  }
0x116: {  	_ =	swait.ge [sflag:s9], $0x2000  }
0x117: {  	[sflag:s9] =	ssyncset.done $0x0  }
0x118: {  	s0 =	rddreg [dreg:$0xc];
	[sflag:s9] =	ssyncadd.s32 $0xFFFFE000  }
0x119: {  	[hbm4b:s0+s5] =	stream.strided.scatter [tilespmem:s4], [sflag:$0x3], $0xA000, s2, s5, $0x38;
	[tilespmem:$0x16100] =	vst v63  }
0x11a: {  	_ =	swait.ge [sflag:s6], $0xA000  }
0x11b: {  	s0 =	sld [smem:$0x7FB]  }
0x11c: {  	[sflag:s6] =	ssyncset.done $0x0  }
0x11d: {  	s31 =	sld [smem:$0x7FC];
	[sflag:s6] =	ssyncadd.s32 $0xFFFF6000  }
0x11e: {  	[tilespmem:s4], [sflag:$0x1] =	stream.indirect.gather [spmem:s1], $0x40, s0, s2, $0xb8;
	[tilespmem:$0x16100] =	vst v63  }
0x11f: {  	s0 =	sld [smem:$0x7FD]  }
0x120: {  	[tilespmem:s14], [sflag:$0x1] =	stream.indirect.gather [spmem:s1], $0x40, s31, s2, $0xb8;
	[tilespmem:$0x16100] =	vst v63  }
0x121: {  	_ = 	snop  }
0x122: {  	[tilespmem:s15], [sflag:$0x1] =	stream.indirect.gather [spmem:s1], $0x40, s0, s2, $0xb8;
	[tilespmem:$0x16100] =	vst v63  }
0x123: {  	_ = 	snop  }
0x124: {  	[tilespmem:s16], [sflag:$0x1] =	stream.indirect.gather [spmem:s1], $0x40, s23, s2, $0xb8;
	[tilespmem:$0x16100] =	vst v63  }
0x125: {  	_ = 	snop  }
0x126: {  	[tilespmem:s17], [sflag:$0x1] =	stream.indirect.gather [spmem:s1], $0x40, s24, s2, $0xb8;
	[tilespmem:$0x16100] =	vst v63  }
0x127: {  	_ =	swait.ge [sflag:s8], $0x2000  }
0x128: {  	[sflag:s8] =	ssyncset.done $0x0  }
0x129: {  	[sflag:s8] =	ssyncadd.s32 $0xFFFFE000  }
0x12a: {  	_ =	swait.ge [sflag:s8], $0x2000  }
0x12b: {  	[sflag:s8] =	ssyncset.done $0x0  }
0x12c: {  	[sflag:s8] =	ssyncadd.s32 $0xFFFFE000  }
0x12d: {  	_ =	swait.ge [sflag:s8], $0x2000  }
0x12e: {  	[sflag:s8] =	ssyncset.done $0x0  }
0x12f: {  	[sflag:s8] =	ssyncadd.s32 $0xFFFFE000  }
0x130: {  	_ =	swait.ge [sflag:s8], $0x2000  }
0x131: {  	[sflag:s8] =	ssyncset.done $0x0  }
0x132: {  	[sflag:s8] =	ssyncadd.s32 $0xFFFFE000  }
0x133: {  	_ =	swait.ge [sflag:s8], $0x2000  }
0x134: {  	[sflag:s8] =	ssyncset.done $0x0  }
0x135: {  	s0 =	rddreg [dreg:$0xd];
	[sflag:s8] =	ssyncadd.s32 $0xFFFFE000  }
0x136: {  	[hbm4b:s0+s5] =	stream.strided.scatter [tilespmem:s3], [sflag:$0x4], $0xA000, s2, s5, $0x38;
	[tilespmem:$0x16100] =	vst v63  }
0x137: {  	_ =	swait.ge [sflag:s7], $0xA000  }
0x138: {  	[sflag:s7] =	ssyncset.done $0x0  }
0x139: {  	s0 =	simm.s32 $0x1E80;
	[sflag:s7] =	ssyncadd.s32 $0xFFFF6000  }
0x13a: {  	[tilespmem:s3], [sflag:$0x2] =	stream.indirect.gather [spmem:s1], $0x40, s0, s2, $0xb8;
	[tilespmem:$0x16100] =	vst v63  }
0x13b: {  	_ = 	snop  }
0x13c: {  	[tilespmem:s10], [sflag:$0x2] =	stream.indirect.gather [spmem:s1], $0x40, s19, s2, $0xb8;
	[tilespmem:$0x16100] =	vst v63  }
0x13d: {  	_ = 	snop  }
0x13e: {  	[tilespmem:s11], [sflag:$0x2] =	stream.indirect.gather [spmem:s1], $0x40, s20, s2, $0xb8;
	[tilespmem:$0x16100] =	vst v63  }
0x13f: {  	_ = 	snop  }
0x140: {  	[tilespmem:s12], [sflag:$0x2] =	stream.indirect.gather [spmem:s1], $0x40, s21, s2, $0xb8;
	[tilespmem:$0x16100] =	vst v63  }
0x141: {  	_ = 	snop  }
0x142: {  	[tilespmem:s13], [sflag:$0x2] =	stream.indirect.gather [spmem:s1], $0x40, s22, s2, $0xb8;
	[tilespmem:$0x16100] =	vst v63  }
0x143: {  	_ =	swait.ge [sflag:s9], $0x2000  }
0x144: {  	[sflag:s9] =	ssyncset.done $0x0  }
0x145: {  	[sflag:s9] =	ssyncadd.s32 $0xFFFFE000  }
0x146: {  	_ =	swait.ge [sflag:s9], $0x2000  }
0x147: {  	[sflag:s9] =	ssyncset.done $0x0  }
0x148: {  	[sflag:s9] =	ssyncadd.s32 $0xFFFFE000  }
0x149: {  	_ =	swait.ge [sflag:s9], $0x2000  }
0x14a: {  	[sflag:s9] =	ssyncset.done $0x0  }
0x14b: {  	[sflag:s9] =	ssyncadd.s32 $0xFFFFE000  }
0x14c: {  	_ =	swait.ge [sflag:s9], $0x2000  }
0x14d: {  	[sflag:s9] =	ssyncset.done $0x0  }
0x14e: {  	[sflag:s9] =	ssyncadd.s32 $0xFFFFE000  }
0x14f: {  	_ =	swait.ge [sflag:s9], $0x2000  }
0x150: {  	[sflag:s9] =	ssyncset.done $0x0  }
0x151: {  	s0 =	rddreg [dreg:$0xe];
	[sflag:s9] =	ssyncadd.s32 $0xFFFFE000  }
0x152: {  	[hbm4b:s0+s5] =	stream.strided.scatter [tilespmem:s4], [sflag:$0x3], $0xA000, s2, s5, $0x38;
	[tilespmem:$0x16100] =	vst v63  }
0x153: {  	_ =	swait.ge [sflag:s8], $0x2000  }
0x154: {  	[sflag:s8] =	ssyncset.done $0x0  }
0x155: {  	[sflag:s8] =	ssyncadd.s32 $0xFFFFE000  }
0x156: {  	_ =	swait.ge [sflag:s8], $0x2000  }
0x157: {  	[sflag:s8] =	ssyncset.done $0x0  }
0x158: {  	[sflag:s8] =	ssyncadd.s32 $0xFFFFE000  }
0x159: {  	_ =	swait.ge [sflag:s8], $0x2000  }
0x15a: {  	[sflag:s8] =	ssyncset.done $0x0  }
0x15b: {  	[sflag:s8] =	ssyncadd.s32 $0xFFFFE000  }
0x15c: {  	_ =	swait.ge [sflag:s8], $0x2000  }
0x15d: {  	[sflag:s8] =	ssyncset.done $0x0  }
0x15e: {  	[sflag:s8] =	ssyncadd.s32 $0xFFFFE000  }
0x15f: {  	_ =	swait.ge [sflag:s8], $0x2000  }
0x160: {  	s31 =	sadd.s32 $0xFFFFFFFF, s18;
	[sflag:s8] =	ssyncset.done $0x0  }
0x161: {  	p2 =	sne.s32 s31, $0x0;
	s0 =	rddreg [dreg:$0xf];
	[sflag:s8] =	ssyncadd.s32 $0xFFFFE000  }
0x162: {  	[hbm4b:s0+s5] =	stream.strided.scatter [tilespmem:s3], [sflag:$0x4], $0xA000, s2, s5, $0x38;
	[tilespmem:$0x16100] =	vst v63  }
.Ltmp1:
0x163: {  	_ =	swait.ge [sflag:s6], $0xA000;
	(pc) =	sbr.rel @!p2 .LBB2_3-.Ltmp1, $4  }
0x164: {  	[sflag:s6] =	ssyncset.done $0x0  }
0x165: {  	[sflag:s6] =	ssyncadd.s32 $0xFFFF6000  }
0x166: {  	_ =	swait.ge [sflag:s7], $0xA000  }
0x167: {  	p1 =	por $0x1, $0x1;
	s0 =	rddreg [dreg:$0x10];
	[sflag:s7] =	ssyncset.done $0x0  }
.LBB2_4:
0x168: {  	s18 =	rddreg [dreg:$0x4];
	[sflag:s7] =	ssyncadd.s32 $0xFFFF6000  }
0x169: {  	[spmem:s0], [sflag:s29] =	dma.local @!p0 [hbm:s18], $0x1000  }
0x16a: {  	_ =	swait.ge @!p0 [sflag:s30], $0x1000  }
0x16b: {  	[sflag:s30] =	ssyncset.done @!p0 $0x0  }
0x16c: {  	[sflag:s30] =	ssyncadd.s32 @!p0 $0xFFFFF000  }
0x16d: {  	[bflag:$0x0] =	sbarrier.arrive $0xFFFF  }
0x16e: {  	s18 =	rddreg [dreg:$0x5]  }
0x16f: {  	[tilespmem:s26], [sflag:$0x5] =	stream.linear.gather [hbm4b:s18+s25], $0x1900, $0x38;
	[tilespmem:$0x16100] =	vst v63  }
0x170: {  	_ =	swait.ge [sflag:s28], $0x1900  }
0x171: {  	[sflag:s28] =	ssyncset.done $0x0  }
0x172: {  	[sflag:s28] =	ssyncadd.s32 $0xFFFFE700  }
0x173: {  	[tilespmem:s4], [sflag:$0x1] =	stream.indirect.gather [spmem:s1], $0x40, s26, s2, $0xb8;
	[tilespmem:$0x16100] =	vst v63  }
0x174: {  	s0 =	rddreg [dreg:$0x11]  }
0x175: {  	[tilespmem:s14], [sflag:$0x1] =	stream.indirect.gather [spmem:s1], $0x40, s0, s2, $0xb8;
	[tilespmem:$0x16100] =	vst v63  }
0x176: {  	s18 =	rddreg [dreg:$0x12]  }
0x177: {  	[tilespmem:s15], [sflag:$0x1] =	stream.indirect.gather [spmem:s1], $0x40, s18, s2, $0xb8;
	[tilespmem:$0x16100] =	vst v63  }
0x178: {  	s0 =	rddreg [dreg:$0x13]  }
0x179: {  	[tilespmem:s16], [sflag:$0x1] =	stream.indirect.gather [spmem:s1], $0x40, s0, s2, $0xb8;
	[tilespmem:$0x16100] =	vst v63  }
0x17a: {  	s18 =	rddreg [dreg:$0x14]  }
0x17b: {  	[tilespmem:s17], [sflag:$0x1] =	stream.indirect.gather [spmem:s1], $0x40, s18, s2, $0xb8;
	[tilespmem:$0x16100] =	vst v63  }
0x17c: {  	s0 =	rddreg [dreg:$0x15]  }
0x17d: {  	[tilespmem:s3], [sflag:$0x2] =	stream.indirect.gather [spmem:s1], $0x40, s0, s2, $0xb8;
	[tilespmem:$0x16100] =	vst v63  }
0x17e: {  	s18 =	rddreg [dreg:$0x16]  }
0x17f: {  	[tilespmem:s10], [sflag:$0x2] =	stream.indirect.gather [spmem:s1], $0x40, s18, s2, $0xb8;
	[tilespmem:$0x16100] =	vst v63  }
0x180: {  	s0 =	rddreg [dreg:$0x17]  }
0x181: {  	[tilespmem:s11], [sflag:$0x2] =	stream.indirect.gather [spmem:s1], $0x40, s0, s2, $0xb8;
	[tilespmem:$0x16100] =	vst v63  }
0x182: {  	s18 =	rddreg [dreg:$0x18]  }
0x183: {  	[tilespmem:s12], [sflag:$0x2] =	stream.indirect.gather [spmem:s1], $0x40, s18, s2, $0xb8;
	[tilespmem:$0x16100] =	vst v63  }
0x184: {  	s0 =	rddreg [dreg:$0x19]  }
0x185: {  	[tilespmem:s13], [sflag:$0x2] =	stream.indirect.gather [spmem:s1], $0x40, s0, s2, $0xb8;
	[tilespmem:$0x16100] =	vst v63  }
0x186: {  	_ =	swait.ge [sflag:s9], $0x2000  }
0x187: {  	[sflag:s9] =	ssyncset.done $0x0  }
0x188: {  	[sflag:s9] =	ssyncadd.s32 $0xFFFFE000  }
0x189: {  	_ =	swait.ge [sflag:s9], $0x2000  }
0x18a: {  	[sflag:s9] =	ssyncset.done $0x0  }
0x18b: {  	[sflag:s9] =	ssyncadd.s32 $0xFFFFE000  }
0x18c: {  	_ =	swait.ge [sflag:s9], $0x2000  }
0x18d: {  	[sflag:s9] =	ssyncset.done $0x0  }
0x18e: {  	[sflag:s9] =	ssyncadd.s32 $0xFFFFE000  }
0x18f: {  	_ =	swait.ge [sflag:s9], $0x2000  }
0x190: {  	[sflag:s9] =	ssyncset.done $0x0  }
0x191: {  	[sflag:s9] =	ssyncadd.s32 $0xFFFFE000  }
0x192: {  	_ =	swait.ge [sflag:s9], $0x2000  }
0x193: {  	[sflag:s9] =	ssyncset.done $0x0  }
0x194: {  	s18 =	rddreg [dreg:$0x6];
	[sflag:s9] =	ssyncadd.s32 $0xFFFFE000  }
0x195: {  	[hbm4b:s18+s5] =	stream.strided.scatter [tilespmem:s4], [sflag:$0x3], $0xA000, s2, s5, $0x38;
	[tilespmem:$0x16100] =	vst v63  }
0x196: {  	_ =	swait.ge [sflag:s6], $0xA000  }
0x197: {  	[sflag:s6] =	ssyncset.done $0x0  }
0x198: {  	s0 =	rddreg [dreg:$0x1a];
	[sflag:s6] =	ssyncadd.s32 $0xFFFF6000  }
0x199: {  	[tilespmem:s4], [sflag:$0x1] =	stream.indirect.gather [spmem:s1], $0x40, s0, s2, $0xb8;
	[tilespmem:$0x16100] =	vst v63  }
0x19a: {  	s18 =	rddreg [dreg:$0x1b]  }
0x19b: {  	[tilespmem:s14], [sflag:$0x1] =	stream.indirect.gather [spmem:s1], $0x40, s18, s2, $0xb8;
	[tilespmem:$0x16100] =	vst v63  }
0x19c: {  	s0 =	rddreg [dreg:$0x1c]  }
0x19d: {  	[tilespmem:s15], [sflag:$0x1] =	stream.indirect.gather [spmem:s1], $0x40, s0, s2, $0xb8;
	[tilespmem:$0x16100] =	vst v63  }
0x19e: {  	s18 =	rddreg [dreg:$0x1d]  }
0x19f: {  	[tilespmem:s16], [sflag:$0x1] =	stream.indirect.gather [spmem:s1], $0x40, s18, s2, $0xb8;
	[tilespmem:$0x16100] =	vst v63  }
0x1a0: {  	s0 =	rddreg [dreg:$0x1e]  }
0x1a1: {  	[tilespmem:s17], [sflag:$0x1] =	stream.indirect.gather [spmem:s1], $0x40, s0, s2, $0xb8;
	[tilespmem:$0x16100] =	vst v63  }
0x1a2: {  	_ =	swait.ge [sflag:s8], $0x2000  }
0x1a3: {  	[sflag:s8] =	ssyncset.done $0x0  }
0x1a4: {  	[sflag:s8] =	ssyncadd.s32 $0xFFFFE000  }
0x1a5: {  	_ =	swait.ge [sflag:s8], $0x2000  }
0x1a6: {  	[sflag:s8] =	ssyncset.done $0x0  }
0x1a7: {  	[sflag:s8] =	ssyncadd.s32 $0xFFFFE000  }
0x1a8: {  	_ =	swait.ge [sflag:s8], $0x2000  }
0x1a9: {  	[sflag:s8] =	ssyncset.done $0x0  }
0x1aa: {  	[sflag:s8] =	ssyncadd.s32 $0xFFFFE000  }
0x1ab: {  	_ =	swait.ge [sflag:s8], $0x2000  }
0x1ac: {  	[sflag:s8] =	ssyncset.done $0x0  }
0x1ad: {  	[sflag:s8] =	ssyncadd.s32 $0xFFFFE000  }
0x1ae: {  	_ =	swait.ge [sflag:s8], $0x2000  }
0x1af: {  	[sflag:s8] =	ssyncset.done $0x0  }
0x1b0: {  	s18 =	rddreg [dreg:$0x7];
	[sflag:s8] =	ssyncadd.s32 $0xFFFFE000  }
0x1b1: {  	[hbm4b:s18+s5] =	stream.strided.scatter [tilespmem:s3], [sflag:$0x4], $0xA000, s2, s5, $0x38;
	[tilespmem:$0x16100] =	vst v63  }
0x1b2: {  	_ =	swait.ge [sflag:s7], $0xA000  }
0x1b3: {  	s0 =	rddreg [dreg:$0x1f];
	[sflag:s7] =	ssyncset.done $0x0  }
0x1b4: {  	s18 =	sld [smem:$0x7E3];
	[sflag:s7] =	ssyncadd.s32 $0xFFFF6000  }
0x1b5: {  	[tilespmem:s3], [sflag:$0x2] =	stream.indirect.gather [spmem:s1], $0x40, s0, s2, $0xb8;
	[tilespmem:$0x16100] =	vst v63  }
0x1b6: {  	s0 =	sld [smem:$0x7E4]  }
0x1b7: {  	[tilespmem:s10], [sflag:$0x2] =	stream.indirect.gather [spmem:s1], $0x40, s18, s2, $0xb8;
	[tilespmem:$0x16100] =	vst v63  }
0x1b8: {  	s18 =	sld [smem:$0x7E5]  }
0x1b9: {  	[tilespmem:s11], [sflag:$0x2] =	stream.indirect.gather [spmem:s1], $0x40, s0, s2, $0xb8;
	[tilespmem:$0x16100] =	vst v63  }
0x1ba: {  	s0 =	sld [smem:$0x7E6]  }
0x1bb: {  	[tilespmem:s12], [sflag:$0x2] =	stream.indirect.gather [spmem:s1], $0x40, s18, s2, $0xb8;
	[tilespmem:$0x16100] =	vst v63  }
0x1bc: {  	_ = 	snop  }
0x1bd: {  	[tilespmem:s13], [sflag:$0x2] =	stream.indirect.gather [spmem:s1], $0x40, s0, s2, $0xb8;
	[tilespmem:$0x16100] =	vst v63  }
0x1be: {  	_ =	swait.ge [sflag:s9], $0x2000  }
0x1bf: {  	[sflag:s9] =	ssyncset.done $0x0  }
0x1c0: {  	[sflag:s9] =	ssyncadd.s32 $0xFFFFE000  }
0x1c1: {  	_ =	swait.ge [sflag:s9], $0x2000  }
0x1c2: {  	[sflag:s9] =	ssyncset.done $0x0  }
0x1c3: {  	[sflag:s9] =	ssyncadd.s32 $0xFFFFE000  }
0x1c4: {  	_ =	swait.ge [sflag:s9], $0x2000  }
0x1c5: {  	[sflag:s9] =	ssyncset.done $0x0  }
0x1c6: {  	[sflag:s9] =	ssyncadd.s32 $0xFFFFE000  }
0x1c7: {  	_ =	swait.ge [sflag:s9], $0x2000  }
0x1c8: {  	[sflag:s9] =	ssyncset.done $0x0  }
0x1c9: {  	[sflag:s9] =	ssyncadd.s32 $0xFFFFE000  }
0x1ca: {  	_ =	swait.ge [sflag:s9], $0x2000  }
0x1cb: {  	[sflag:s9] =	ssyncset.done $0x0  }
0x1cc: {  	s18 =	rddreg [dreg:$0x8];
	[sflag:s9] =	ssyncadd.s32 $0xFFFFE000  }
0x1cd: {  	[hbm4b:s18+s5] =	stream.strided.scatter [tilespmem:s4], [sflag:$0x3], $0xA000, s2, s5, $0x38;
	[tilespmem:$0x16100] =	vst v63  }
0x1ce: {  	_ =	swait.ge [sflag:s6], $0xA000  }
0x1cf: {  	s0 =	sld [smem:$0x7E7]  }
0x1d0: {  	[sflag:s6] =	ssyncset.done $0x0  }
0x1d1: {  	s18 =	sld [smem:$0x7E8];
	[sflag:s6] =	ssyncadd.s32 $0xFFFF6000  }
0x1d2: {  	[tilespmem:s4], [sflag:$0x1] =	stream.indirect.gather [spmem:s1], $0x40, s0, s2, $0xb8;
	[tilespmem:$0x16100] =	vst v63  }
0x1d3: {  	s0 =	sld [smem:$0x7E9]  }
0x1d4: {  	[tilespmem:s14], [sflag:$0x1] =	stream.indirect.gather [spmem:s1], $0x40, s18, s2, $0xb8;
	[tilespmem:$0x16100] =	vst v63  }
0x1d5: {  	s18 =	sld [smem:$0x7EA]  }
0x1d6: {  	[tilespmem:s15], [sflag:$0x1] =	stream.indirect.gather [spmem:s1], $0x40, s0, s2, $0xb8;
	[tilespmem:$0x16100] =	vst v63  }
0x1d7: {  	s0 =	sld [smem:$0x7EB]  }
0x1d8: {  	[tilespmem:s16], [sflag:$0x1] =	stream.indirect.gather [spmem:s1], $0x40, s18, s2, $0xb8;
	[tilespmem:$0x16100] =	vst v63  }
0x1d9: {  	_ = 	snop  }
0x1da: {  	[tilespmem:s17], [sflag:$0x1] =	stream.indirect.gather [spmem:s1], $0x40, s0, s2, $0xb8;
	[tilespmem:$0x16100] =	vst v63  }
0x1db: {  	_ =	swait.ge [sflag:s8], $0x2000  }
0x1dc: {  	[sflag:s8] =	ssyncset.done $0x0  }
0x1dd: {  	[sflag:s8] =	ssyncadd.s32 $0xFFFFE000  }
0x1de: {  	_ =	swait.ge [sflag:s8], $0x2000  }
0x1df: {  	[sflag:s8] =	ssyncset.done $0x0  }
0x1e0: {  	[sflag:s8] =	ssyncadd.s32 $0xFFFFE000  }
0x1e1: {  	_ =	swait.ge [sflag:s8], $0x2000  }
0x1e2: {  	[sflag:s8] =	ssyncset.done $0x0  }
0x1e3: {  	[sflag:s8] =	ssyncadd.s32 $0xFFFFE000  }
0x1e4: {  	_ =	swait.ge [sflag:s8], $0x2000  }
0x1e5: {  	[sflag:s8] =	ssyncset.done $0x0  }
0x1e6: {  	[sflag:s8] =	ssyncadd.s32 $0xFFFFE000  }
0x1e7: {  	_ =	swait.ge [sflag:s8], $0x2000  }
0x1e8: {  	[sflag:s8] =	ssyncset.done $0x0  }
0x1e9: {  	s18 =	rddreg [dreg:$0x9];
	[sflag:s8] =	ssyncadd.s32 $0xFFFFE000  }
0x1ea: {  	[hbm4b:s18+s5] =	stream.strided.scatter [tilespmem:s3], [sflag:$0x4], $0xA000, s2, s5, $0x38;
	[tilespmem:$0x16100] =	vst v63  }
0x1eb: {  	_ =	swait.ge [sflag:s7], $0xA000  }
0x1ec: {  	s0 =	sld [smem:$0x7EC]  }
0x1ed: {  	[sflag:s7] =	ssyncset.done $0x0  }
0x1ee: {  	s18 =	sld [smem:$0x7ED];
	[sflag:s7] =	ssyncadd.s32 $0xFFFF6000  }
0x1ef: {  	[tilespmem:s3], [sflag:$0x2] =	stream.indirect.gather [spmem:s1], $0x40, s0, s2, $0xb8;
	[tilespmem:$0x16100] =	vst v63  }
0x1f0: {  	s0 =	sld [smem:$0x7EE]  }
0x1f1: {  	[tilespmem:s10], [sflag:$0x2] =	stream.indirect.gather [spmem:s1], $0x40, s18, s2, $0xb8;
	[tilespmem:$0x16100] =	vst v63  }
0x1f2: {  	s18 =	sld [smem:$0x7EF]  }
0x1f3: {  	[tilespmem:s11], [sflag:$0x2] =	stream.indirect.gather [spmem:s1], $0x40, s0, s2, $0xb8;
	[tilespmem:$0x16100] =	vst v63  }
0x1f4: {  	s0 =	sld [smem:$0x7F0]  }
0x1f5: {  	[tilespmem:s12], [sflag:$0x2] =	stream.indirect.gather [spmem:s1], $0x40, s18, s2, $0xb8;
	[tilespmem:$0x16100] =	vst v63  }
0x1f6: {  	_ = 	snop  }
0x1f7: {  	[tilespmem:s13], [sflag:$0x2] =	stream.indirect.gather [spmem:s1], $0x40, s0, s2, $0xb8;
	[tilespmem:$0x16100] =	vst v63  }
0x1f8: {  	_ =	swait.ge [sflag:s9], $0x2000  }
0x1f9: {  	[sflag:s9] =	ssyncset.done $0x0  }
0x1fa: {  	[sflag:s9] =	ssyncadd.s32 $0xFFFFE000  }
0x1fb: {  	_ =	swait.ge [sflag:s9], $0x2000  }
0x1fc: {  	[sflag:s9] =	ssyncset.done $0x0  }
0x1fd: {  	[sflag:s9] =	ssyncadd.s32 $0xFFFFE000  }
0x1fe: {  	_ =	swait.ge [sflag:s9], $0x2000  }
0x1ff: {  	[sflag:s9] =	ssyncset.done $0x0  }
0x200: {  	[sflag:s9] =	ssyncadd.s32 $0xFFFFE000  }
0x201: {  	_ =	swait.ge [sflag:s9], $0x2000  }
0x202: {  	[sflag:s9] =	ssyncset.done $0x0  }
0x203: {  	[sflag:s9] =	ssyncadd.s32 $0xFFFFE000  }
0x204: {  	_ =	swait.ge [sflag:s9], $0x2000  }
0x205: {  	[sflag:s9] =	ssyncset.done $0x0  }
0x206: {  	s18 =	rddreg [dreg:$0xa];
	[sflag:s9] =	ssyncadd.s32 $0xFFFFE000  }
0x207: {  	[hbm4b:s18+s5] =	stream.strided.scatter [tilespmem:s4], [sflag:$0x3], $0xA000, s2, s5, $0x38;
	[tilespmem:$0x16100] =	vst v63  }
0x208: {  	_ =	swait.ge [sflag:s6], $0xA000  }
0x209: {  	s0 =	sld [smem:$0x7F1]  }
0x20a: {  	[sflag:s6] =	ssyncset.done $0x0  }
0x20b: {  	s18 =	sld [smem:$0x7F2];
	[sflag:s6] =	ssyncadd.s32 $0xFFFF6000  }
0x20c: {  	[tilespmem:s4], [sflag:$0x1] =	stream.indirect.gather [spmem:s1], $0x40, s0, s2, $0xb8;
	[tilespmem:$0x16100] =	vst v63  }
0x20d: {  	s0 =	sld [smem:$0x7F3]  }
0x20e: {  	[tilespmem:s14], [sflag:$0x1] =	stream.indirect.gather [spmem:s1], $0x40, s18, s2, $0xb8;
	[tilespmem:$0x16100] =	vst v63  }
0x20f: {  	s18 =	sld [smem:$0x7F4]  }
0x210: {  	[tilespmem:s15], [sflag:$0x1] =	stream.indirect.gather [spmem:s1], $0x40, s0, s2, $0xb8;
	[tilespmem:$0x16100] =	vst v63  }
0x211: {  	s0 =	sld [smem:$0x7F5]  }
0x212: {  	[tilespmem:s16], [sflag:$0x1] =	stream.indirect.gather [spmem:s1], $0x40, s18, s2, $0xb8;
	[tilespmem:$0x16100] =	vst v63  }
0x213: {  	_ = 	snop  }
0x214: {  	[tilespmem:s17], [sflag:$0x1] =	stream.indirect.gather [spmem:s1], $0x40, s0, s2, $0xb8;
	[tilespmem:$0x16100] =	vst v63  }
0x215: {  	_ =	swait.ge [sflag:s8], $0x2000  }
0x216: {  	[sflag:s8] =	ssyncset.done $0x0  }
0x217: {  	[sflag:s8] =	ssyncadd.s32 $0xFFFFE000  }
0x218: {  	_ =	swait.ge [sflag:s8], $0x2000  }
0x219: {  	[sflag:s8] =	ssyncset.done $0x0  }
0x21a: {  	[sflag:s8] =	ssyncadd.s32 $0xFFFFE000  }
0x21b: {  	_ =	swait.ge [sflag:s8], $0x2000  }
0x21c: {  	[sflag:s8] =	ssyncset.done $0x0  }
0x21d: {  	[sflag:s8] =	ssyncadd.s32 $0xFFFFE000  }
0x21e: {  	_ =	swait.ge [sflag:s8], $0x2000  }
0x21f: {  	[sflag:s8] =	ssyncset.done $0x0  }
0x220: {  	[sflag:s8] =	ssyncadd.s32 $0xFFFFE000  }
0x221: {  	_ =	swait.ge [sflag:s8], $0x2000  }
0x222: {  	[sflag:s8] =	ssyncset.done $0x0  }
0x223: {  	s18 =	rddreg [dreg:$0xb];
	[sflag:s8] =	ssyncadd.s32 $0xFFFFE000  }
0x224: {  	[hbm4b:s18+s5] =	stream.strided.scatter [tilespmem:s3], [sflag:$0x4], $0xA000, s2, s5, $0x38;
	[tilespmem:$0x16100] =	vst v63  }
0x225: {  	_ =	swait.ge [sflag:s7], $0xA000  }
0x226: {  	s0 =	sld [smem:$0x7F6]  }
0x227: {  	[sflag:s7] =	ssyncset.done $0x0  }
0x228: {  	s18 =	sld [smem:$0x7F7];
	[sflag:s7] =	ssyncadd.s32 $0xFFFF6000  }
0x229: {  	[tilespmem:s3], [sflag:$0x2] =	stream.indirect.gather [spmem:s1], $0x40, s0, s2, $0xb8;
	[tilespmem:$0x16100] =	vst v63  }
0x22a: {  	s0 =	sld [smem:$0x7F8]  }
0x22b: {  	[tilespmem:s10], [sflag:$0x2] =	stream.indirect.gather [spmem:s1], $0x40, s18, s2, $0xb8;
	[tilespmem:$0x16100] =	vst v63  }
0x22c: {  	s18 =	sld [smem:$0x7F9]  }
0x22d: {  	[tilespmem:s11], [sflag:$0x2] =	stream.indirect.gather [spmem:s1], $0x40, s0, s2, $0xb8;
	[tilespmem:$0x16100] =	vst v63  }
0x22e: {  	s0 =	sld [smem:$0x7FA]  }
0x22f: {  	[tilespmem:s12], [sflag:$0x2] =	stream.indirect.gather [spmem:s1], $0x40, s18, s2, $0xb8;
	[tilespmem:$0x16100] =	vst v63  }
0x230: {  	_ = 	snop  }
0x231: {  	[tilespmem:s13], [sflag:$0x2] =	stream.indirect.gather [spmem:s1], $0x40, s0, s2, $0xb8;
	[tilespmem:$0x16100] =	vst v63  }
0x232: {  	_ =	swait.ge [sflag:s9], $0x2000  }
0x233: {  	[sflag:s9] =	ssyncset.done $0x0  }
0x234: {  	[sflag:s9] =	ssyncadd.s32 $0xFFFFE000  }
0x235: {  	_ =	swait.ge [sflag:s9], $0x2000  }
0x236: {  	[sflag:s9] =	ssyncset.done $0x0  }
0x237: {  	[sflag:s9] =	ssyncadd.s32 $0xFFFFE000  }
0x238: {  	_ =	swait.ge [sflag:s9], $0x2000  }
0x239: {  	[sflag:s9] =	ssyncset.done $0x0  }
0x23a: {  	[sflag:s9] =	ssyncadd.s32 $0xFFFFE000  }
0x23b: {  	_ =	swait.ge [sflag:s9], $0x2000  }
0x23c: {  	[sflag:s9] =	ssyncset.done $0x0  }
0x23d: {  	[sflag:s9] =	ssyncadd.s32 $0xFFFFE000  }
0x23e: {  	_ =	swait.ge [sflag:s9], $0x2000  }
0x23f: {  	[sflag:s9] =	ssyncset.done $0x0  }
0x240: {  	s18 =	rddreg [dreg:$0xc];
	[sflag:s9] =	ssyncadd.s32 $0xFFFFE000  }
0x241: {  	[hbm4b:s18+s5] =	stream.strided.scatter [tilespmem:s4], [sflag:$0x3], $0xA000, s2, s5, $0x38;
	[tilespmem:$0x16100] =	vst v63  }
0x242: {  	_ =	swait.ge [sflag:s6], $0xA000  }
0x243: {  	s0 =	sld [smem:$0x7FB]  }
0x244: {  	[sflag:s6] =	ssyncset.done $0x0  }
0x245: {  	s18 =	sld [smem:$0x7FC];
	[sflag:s6] =	ssyncadd.s32 $0xFFFF6000  }
0x246: {  	[tilespmem:s4], [sflag:$0x1] =	stream.indirect.gather [spmem:s1], $0x40, s0, s2, $0xb8;
	[tilespmem:$0x16100] =	vst v63  }
0x247: {  	s0 =	sld [smem:$0x7FD]  }
0x248: {  	[tilespmem:s14], [sflag:$0x1] =	stream.indirect.gather [spmem:s1], $0x40, s18, s2, $0xb8;
	[tilespmem:$0x16100] =	vst v63  }
0x249: {  	_ = 	snop  }
0x24a: {  	[tilespmem:s15], [sflag:$0x1] =	stream.indirect.gather [spmem:s1], $0x40, s0, s2, $0xb8;
	[tilespmem:$0x16100] =	vst v63  }
0x24b: {  	_ = 	snop  }
0x24c: {  	[tilespmem:s16], [sflag:$0x1] =	stream.indirect.gather [spmem:s1], $0x40, s23, s2, $0xb8;
	[tilespmem:$0x16100] =	vst v63  }
0x24d: {  	_ = 	snop  }
0x24e: {  	[tilespmem:s17], [sflag:$0x1] =	stream.indirect.gather [spmem:s1], $0x40, s24, s2, $0xb8;
	[tilespmem:$0x16100] =	vst v63  }
0x24f: {  	_ =	swait.ge [sflag:s8], $0x2000  }
0x250: {  	[sflag:s8] =	ssyncset.done $0x0  }
0x251: {  	[sflag:s8] =	ssyncadd.s32 $0xFFFFE000  }
0x252: {  	_ =	swait.ge [sflag:s8], $0x2000  }
0x253: {  	[sflag:s8] =	ssyncset.done $0x0  }
0x254: {  	[sflag:s8] =	ssyncadd.s32 $0xFFFFE000  }
0x255: {  	_ =	swait.ge [sflag:s8], $0x2000  }
0x256: {  	[sflag:s8] =	ssyncset.done $0x0  }
0x257: {  	[sflag:s8] =	ssyncadd.s32 $0xFFFFE000  }
0x258: {  	_ =	swait.ge [sflag:s8], $0x2000  }
0x259: {  	[sflag:s8] =	ssyncset.done $0x0  }
0x25a: {  	[sflag:s8] =	ssyncadd.s32 $0xFFFFE000  }
0x25b: {  	_ =	swait.ge [sflag:s8], $0x2000  }
0x25c: {  	[sflag:s8] =	ssyncset.done $0x0  }
0x25d: {  	s0 =	rddreg [dreg:$0xd];
	[sflag:s8] =	ssyncadd.s32 $0xFFFFE000  }
0x25e: {  	[hbm4b:s0+s5] =	stream.strided.scatter [tilespmem:s3], [sflag:$0x4], $0xA000, s2, s5, $0x38;
	[tilespmem:$0x16100] =	vst v63  }
0x25f: {  	_ =	swait.ge [sflag:s7], $0xA000  }
0x260: {  	[sflag:s7] =	ssyncset.done $0x0  }
0x261: {  	s18 =	simm.s32 $0x1E80;
	[sflag:s7] =	ssyncadd.s32 $0xFFFF6000  }
0x262: {  	[tilespmem:s3], [sflag:$0x2] =	stream.indirect.gather [spmem:s1], $0x40, s18, s2, $0xb8;
	[tilespmem:$0x16100] =	vst v63  }
0x263: {  	_ = 	snop  }
0x264: {  	[tilespmem:s10], [sflag:$0x2] =	stream.indirect.gather [spmem:s1], $0x40, s19, s2, $0xb8;
	[tilespmem:$0x16100] =	vst v63  }
0x265: {  	_ = 	snop  }
0x266: {  	[tilespmem:s11], [sflag:$0x2] =	stream.indirect.gather [spmem:s1], $0x40, s20, s2, $0xb8;
	[tilespmem:$0x16100] =	vst v63  }
0x267: {  	_ = 	snop  }
0x268: {  	[tilespmem:s12], [sflag:$0x2] =	stream.indirect.gather [spmem:s1], $0x40, s21, s2, $0xb8;
	[tilespmem:$0x16100] =	vst v63  }
0x269: {  	_ = 	snop  }
0x26a: {  	[tilespmem:s13], [sflag:$0x2] =	stream.indirect.gather [spmem:s1], $0x40, s22, s2, $0xb8;
	[tilespmem:$0x16100] =	vst v63  }
0x26b: {  	_ =	swait.ge [sflag:s9], $0x2000  }
0x26c: {  	[sflag:s9] =	ssyncset.done $0x0  }
0x26d: {  	[sflag:s9] =	ssyncadd.s32 $0xFFFFE000  }
0x26e: {  	_ =	swait.ge [sflag:s9], $0x2000  }
0x26f: {  	[sflag:s9] =	ssyncset.done $0x0  }
0x270: {  	[sflag:s9] =	ssyncadd.s32 $0xFFFFE000  }
0x271: {  	_ =	swait.ge [sflag:s9], $0x2000  }
0x272: {  	[sflag:s9] =	ssyncset.done $0x0  }
0x273: {  	[sflag:s9] =	ssyncadd.s32 $0xFFFFE000  }
0x274: {  	_ =	swait.ge [sflag:s9], $0x2000  }
0x275: {  	[sflag:s9] =	ssyncset.done $0x0  }
0x276: {  	[sflag:s9] =	ssyncadd.s32 $0xFFFFE000  }
0x277: {  	_ =	swait.ge [sflag:s9], $0x2000  }
0x278: {  	[sflag:s9] =	ssyncset.done $0x0  }
0x279: {  	s18 =	rddreg [dreg:$0xe];
	[sflag:s9] =	ssyncadd.s32 $0xFFFFE000  }
0x27a: {  	[hbm4b:s18+s5] =	stream.strided.scatter [tilespmem:s4], [sflag:$0x3], $0xA000, s2, s5, $0x38;
	[tilespmem:$0x16100] =	vst v63  }
0x27b: {  	_ =	swait.ge [sflag:s8], $0x2000  }
0x27c: {  	[sflag:s8] =	ssyncset.done $0x0  }
0x27d: {  	[sflag:s8] =	ssyncadd.s32 $0xFFFFE000  }
0x27e: {  	_ =	swait.ge [sflag:s8], $0x2000  }
0x27f: {  	[sflag:s8] =	ssyncset.done $0x0  }
0x280: {  	[sflag:s8] =	ssyncadd.s32 $0xFFFFE000  }
0x281: {  	_ =	swait.ge [sflag:s8], $0x2000  }
0x282: {  	[sflag:s8] =	ssyncset.done $0x0  }
0x283: {  	[sflag:s8] =	ssyncadd.s32 $0xFFFFE000  }
0x284: {  	_ =	swait.ge [sflag:s8], $0x2000  }
0x285: {  	[sflag:s8] =	ssyncset.done $0x0  }
0x286: {  	[sflag:s8] =	ssyncadd.s32 $0xFFFFE000  }
0x287: {  	_ =	swait.ge [sflag:s8], $0x2000  }
0x288: {  	s31 =	sadd.s32 $0xFFFFFFFF, s31;
	[sflag:s8] =	ssyncset.done $0x0  }
0x289: {  	p2 =	sne.s32 s31, $0x0;
	s18 =	rddreg [dreg:$0xf];
	[sflag:s8] =	ssyncadd.s32 $0xFFFFE000  }
0x28a: {  	[hbm4b:s18+s5] =	stream.strided.scatter [tilespmem:s3], [sflag:$0x4], $0xA000, s2, s5, $0x38;
	[tilespmem:$0x16100] =	vst v63  }
.Ltmp2:
0x28b: {  	_ =	swait.ge [sflag:s6], $0xA000;
	(pc) =	sbr.rel @p2 .LBB2_4-.Ltmp2, $4  }
0x28c: {  	[sflag:s6] =	ssyncset.done $0x0  }
0x28d: {  	[sflag:s6] =	ssyncadd.s32 $0xFFFF6000  }
0x28e: {  	_ =	swait.ge [sflag:s7], $0xA000  }
0x28f: {  	s0 =	rddreg [dreg:$0x10];
	[sflag:s7] =	ssyncset.done $0x0  }
0x290: {  	s31 =	simm.s32 $0x1E80;
	s30 =	rddreg [dreg:$0x3]  }
.LBB2_6:
0x291: {  	s18 =	rddreg [dreg:$0x4];
	[sflag:s7] =	ssyncadd.s32 @p1 $0xFFFF6000;
	s29 =	simm.s32 @!p0 $0x1C05  }
0x292: {  	[spmem:s0], [sflag:s29] =	dma.local @!p0 [hbm:s18], $0x1000  }
0x293: {  	s0 =	simm.s32 @!p0 $0x5  }
0x294: {  	_ =	swait.ge @!p0 [sflag:s0], $0x1000  }
0x295: {  	[sflag:s0] =	ssyncset.done @!p0 $0x0  }
0x296: {  	[sflag:s0] =	ssyncadd.s32 @!p0 $0xFFFFF000  }
0x297: {  	[bflag:$0x0] =	sbarrier.arrive $0xFFFF  }
0x298: {  	s18 =	rddreg [dreg:$0x5]  }
0x299: {  	[tilespmem:s26], [sflag:$0x5] =	stream.linear.gather [hbm4b:s18+s25], $0x1900, $0x38;
	[tilespmem:$0x16100] =	vst v63  }
0x29a: {  	_ =	swait.ge [sflag:s28], $0x1900  }
0x29b: {  	[sflag:s28] =	ssyncset.done $0x0  }
0x29c: {  	[sflag:s28] =	ssyncadd.s32 $0xFFFFE700  }
0x29d: {  	[tilespmem:s4], [sflag:$0x1] =	stream.indirect.gather [spmem:s1], $0x40, s26, s2, $0xb8;
	[tilespmem:$0x16100] =	vst v63  }
0x29e: {  	s28 =	rddreg [dreg:$0x11]  }
0x29f: {  	[tilespmem:s14], [sflag:$0x1] =	stream.indirect.gather [spmem:s1], $0x40, s28, s2, $0xb8;
	[tilespmem:$0x16100] =	vst v63  }
0x2a0: {  	s29 =	rddreg [dreg:$0x12]  }
0x2a1: {  	[tilespmem:s15], [sflag:$0x1] =	stream.indirect.gather [spmem:s1], $0x40, s29, s2, $0xb8;
	[tilespmem:$0x16100] =	vst v63  }
0x2a2: {  	s25 =	rddreg [dreg:$0x13]  }
0x2a3: {  	[tilespmem:s16], [sflag:$0x1] =	stream.indirect.gather [spmem:s1], $0x40, s25, s2, $0xb8;
	[tilespmem:$0x16100] =	vst v63  }
0x2a4: {  	s26 =	rddreg [dreg:$0x14]  }
0x2a5: {  	[tilespmem:s17], [sflag:$0x1] =	stream.indirect.gather [spmem:s1], $0x40, s26, s2, $0xb8;
	[tilespmem:$0x16100] =	vst v63  }
0x2a6: {  	s28 =	rddreg [dreg:$0x15]  }
0x2a7: {  	[tilespmem:s3], [sflag:$0x2] =	stream.indirect.gather [spmem:s1], $0x40, s28, s2, $0xb8;
	[tilespmem:$0x16100] =	vst v63  }
0x2a8: {  	s29 =	rddreg [dreg:$0x16]  }
0x2a9: {  	[tilespmem:s10], [sflag:$0x2] =	stream.indirect.gather [spmem:s1], $0x40, s29, s2, $0xb8;
	[tilespmem:$0x16100] =	vst v63  }
0x2aa: {  	s25 =	rddreg [dreg:$0x17]  }
0x2ab: {  	[tilespmem:s11], [sflag:$0x2] =	stream.indirect.gather [spmem:s1], $0x40, s25, s2, $0xb8;
	[tilespmem:$0x16100] =	vst v63  }
0x2ac: {  	s26 =	rddreg [dreg:$0x18]  }
0x2ad: {  	[tilespmem:s12], [sflag:$0x2] =	stream.indirect.gather [spmem:s1], $0x40, s26, s2, $0xb8;
	[tilespmem:$0x16100] =	vst v63  }
0x2ae: {  	s28 =	rddreg [dreg:$0x19]  }
0x2af: {  	[tilespmem:s13], [sflag:$0x2] =	stream.indirect.gather [spmem:s1], $0x40, s28, s2, $0xb8;
	[tilespmem:$0x16100] =	vst v63  }
0x2b0: {  	_ =	swait.ge [sflag:s9], $0x2000  }
0x2b1: {  	[sflag:s9] =	ssyncset.done $0x0  }
0x2b2: {  	[sflag:s9] =	ssyncadd.s32 $0xFFFFE000  }
0x2b3: {  	_ =	swait.ge [sflag:s9], $0x2000  }
0x2b4: {  	[sflag:s9] =	ssyncset.done $0x0  }
0x2b5: {  	[sflag:s9] =	ssyncadd.s32 $0xFFFFE000  }
0x2b6: {  	_ =	swait.ge [sflag:s9], $0x2000  }
0x2b7: {  	[sflag:s9] =	ssyncset.done $0x0  }
0x2b8: {  	[sflag:s9] =	ssyncadd.s32 $0xFFFFE000  }
0x2b9: {  	_ =	swait.ge [sflag:s9], $0x2000  }
0x2ba: {  	[sflag:s9] =	ssyncset.done $0x0  }
0x2bb: {  	[sflag:s9] =	ssyncadd.s32 $0xFFFFE000  }
0x2bc: {  	_ =	swait.ge [sflag:s9], $0x2000  }
0x2bd: {  	[sflag:s9] =	ssyncset.done $0x0  }
0x2be: {  	s29 =	rddreg [dreg:$0x6];
	[sflag:s9] =	ssyncadd.s32 $0xFFFFE000  }
0x2bf: {  	[hbm4b:s29+s5] =	stream.strided.scatter [tilespmem:s4], [sflag:$0x3], $0xA000, s2, s5, $0x38;
	[tilespmem:$0x16100] =	vst v63  }
0x2c0: {  	_ =	swait.ge [sflag:s6], $0xA000  }
0x2c1: {  	[sflag:s6] =	ssyncset.done $0x0  }
0x2c2: {  	s18 =	rddreg [dreg:$0x1a];
	[sflag:s6] =	ssyncadd.s32 $0xFFFF6000  }
0x2c3: {  	[tilespmem:s4], [sflag:$0x1] =	stream.indirect.gather [spmem:s1], $0x40, s18, s2, $0xb8;
	[tilespmem:$0x16100] =	vst v63  }
0x2c4: {  	s25 =	rddreg [dreg:$0x1b]  }
0x2c5: {  	[tilespmem:s14], [sflag:$0x1] =	stream.indirect.gather [spmem:s1], $0x40, s25, s2, $0xb8;
	[tilespmem:$0x16100] =	vst v63  }
0x2c6: {  	s26 =	rddreg [dreg:$0x1c]  }
0x2c7: {  	[tilespmem:s15], [sflag:$0x1] =	stream.indirect.gather [spmem:s1], $0x40, s26, s2, $0xb8;
	[tilespmem:$0x16100] =	vst v63  }
0x2c8: {  	s28 =	rddreg [dreg:$0x1d]  }
0x2c9: {  	[tilespmem:s16], [sflag:$0x1] =	stream.indirect.gather [spmem:s1], $0x40, s28, s2, $0xb8;
	[tilespmem:$0x16100] =	vst v63  }
0x2ca: {  	s29 =	rddreg [dreg:$0x1e]  }
0x2cb: {  	[tilespmem:s17], [sflag:$0x1] =	stream.indirect.gather [spmem:s1], $0x40, s29, s2, $0xb8;
	[tilespmem:$0x16100] =	vst v63  }
0x2cc: {  	_ =	swait.ge [sflag:s8], $0x2000  }
0x2cd: {  	[sflag:s8] =	ssyncset.done $0x0  }
0x2ce: {  	[sflag:s8] =	ssyncadd.s32 $0xFFFFE000  }
0x2cf: {  	_ =	swait.ge [sflag:s8], $0x2000  }
0x2d0: {  	[sflag:s8] =	ssyncset.done $0x0  }
0x2d1: {  	[sflag:s8] =	ssyncadd.s32 $0xFFFFE000  }
0x2d2: {  	_ =	swait.ge [sflag:s8], $0x2000  }
0x2d3: {  	[sflag:s8] =	ssyncset.done $0x0  }
0x2d4: {  	[sflag:s8] =	ssyncadd.s32 $0xFFFFE000  }
0x2d5: {  	_ =	swait.ge [sflag:s8], $0x2000  }
0x2d6: {  	[sflag:s8] =	ssyncset.done $0x0  }
0x2d7: {  	[sflag:s8] =	ssyncadd.s32 $0xFFFFE000  }
0x2d8: {  	_ =	swait.ge [sflag:s8], $0x2000  }
0x2d9: {  	[sflag:s8] =	ssyncset.done $0x0  }
0x2da: {  	s18 =	rddreg [dreg:$0x7];
	[sflag:s8] =	ssyncadd.s32 $0xFFFFE000  }
0x2db: {  	[hbm4b:s18+s5] =	stream.strided.scatter [tilespmem:s3], [sflag:$0x4], $0xA000, s2, s5, $0x38;
	[tilespmem:$0x16100] =	vst v63  }
0x2dc: {  	_ =	swait.ge [sflag:s7], $0xA000  }
0x2dd: {  	s25 =	rddreg [dreg:$0x1f];
	[sflag:s7] =	ssyncset.done $0x0  }
0x2de: {  	s26 =	sld [smem:$0x7E3];
	[sflag:s7] =	ssyncadd.s32 $0xFFFF6000  }
0x2df: {  	[tilespmem:s3], [sflag:$0x2] =	stream.indirect.gather [spmem:s1], $0x40, s25, s2, $0xb8;
	[tilespmem:$0x16100] =	vst v63  }
0x2e0: {  	s28 =	sld [smem:$0x7E4]  }
0x2e1: {  	[tilespmem:s10], [sflag:$0x2] =	stream.indirect.gather [spmem:s1], $0x40, s26, s2, $0xb8;
	[tilespmem:$0x16100] =	vst v63  }
0x2e2: {  	s29 =	sld [smem:$0x7E5]  }
0x2e3: {  	[tilespmem:s11], [sflag:$0x2] =	stream.indirect.gather [spmem:s1], $0x40, s28, s2, $0xb8;
	[tilespmem:$0x16100] =	vst v63  }
0x2e4: {  	s25 =	sld [smem:$0x7E6]  }
0x2e5: {  	[tilespmem:s12], [sflag:$0x2] =	stream.indirect.gather [spmem:s1], $0x40, s29, s2, $0xb8;
	[tilespmem:$0x16100] =	vst v63  }
0x2e6: {  	_ = 	snop  }
0x2e7: {  	[tilespmem:s13], [sflag:$0x2] =	stream.indirect.gather [spmem:s1], $0x40, s25, s2, $0xb8;
	[tilespmem:$0x16100] =	vst v63  }
0x2e8: {  	_ =	swait.ge [sflag:s9], $0x2000  }
0x2e9: {  	[sflag:s9] =	ssyncset.done $0x0  }
0x2ea: {  	[sflag:s9] =	ssyncadd.s32 $0xFFFFE000  }
0x2eb: {  	_ =	swait.ge [sflag:s9], $0x2000  }
0x2ec: {  	[sflag:s9] =	ssyncset.done $0x0  }
0x2ed: {  	[sflag:s9] =	ssyncadd.s32 $0xFFFFE000  }
0x2ee: {  	_ =	swait.ge [sflag:s9], $0x2000  }
0x2ef: {  	[sflag:s9] =	ssyncset.done $0x0  }
0x2f0: {  	[sflag:s9] =	ssyncadd.s32 $0xFFFFE000  }
0x2f1: {  	_ =	swait.ge [sflag:s9], $0x2000  }
0x2f2: {  	[sflag:s9] =	ssyncset.done $0x0  }
0x2f3: {  	[sflag:s9] =	ssyncadd.s32 $0xFFFFE000  }
0x2f4: {  	_ =	swait.ge [sflag:s9], $0x2000  }
0x2f5: {  	[sflag:s9] =	ssyncset.done $0x0  }
0x2f6: {  	s26 =	rddreg [dreg:$0x8];
	[sflag:s9] =	ssyncadd.s32 $0xFFFFE000  }
0x2f7: {  	[hbm4b:s26+s5] =	stream.strided.scatter [tilespmem:s4], [sflag:$0x3], $0xA000, s2, s5, $0x38;
	[tilespmem:$0x16100] =	vst v63  }
0x2f8: {  	_ =	swait.ge [sflag:s6], $0xA000  }
0x2f9: {  	s28 =	sld [smem:$0x7E7]  }
0x2fa: {  	[sflag:s6] =	ssyncset.done $0x0  }
0x2fb: {  	s29 =	sld [smem:$0x7E8];
	[sflag:s6] =	ssyncadd.s32 $0xFFFF6000  }
0x2fc: {  	[tilespmem:s4], [sflag:$0x1] =	stream.indirect.gather [spmem:s1], $0x40, s28, s2, $0xb8;
	[tilespmem:$0x16100] =	vst v63  }
0x2fd: {  	s25 =	sld [smem:$0x7E9]  }
0x2fe: {  	[tilespmem:s14], [sflag:$0x1] =	stream.indirect.gather [spmem:s1], $0x40, s29, s2, $0xb8;
	[tilespmem:$0x16100] =	vst v63  }
0x2ff: {  	s26 =	sld [smem:$0x7EA]  }
0x300: {  	[tilespmem:s15], [sflag:$0x1] =	stream.indirect.gather [spmem:s1], $0x40, s25, s2, $0xb8;
	[tilespmem:$0x16100] =	vst v63  }
0x301: {  	s28 =	sld [smem:$0x7EB]  }
0x302: {  	[tilespmem:s16], [sflag:$0x1] =	stream.indirect.gather [spmem:s1], $0x40, s26, s2, $0xb8;
	[tilespmem:$0x16100] =	vst v63  }
0x303: {  	_ = 	snop  }
0x304: {  	[tilespmem:s17], [sflag:$0x1] =	stream.indirect.gather [spmem:s1], $0x40, s28, s2, $0xb8;
	[tilespmem:$0x16100] =	vst v63  }
0x305: {  	_ =	swait.ge [sflag:s8], $0x2000  }
0x306: {  	[sflag:s8] =	ssyncset.done $0x0  }
0x307: {  	[sflag:s8] =	ssyncadd.s32 $0xFFFFE000  }
0x308: {  	_ =	swait.ge [sflag:s8], $0x2000  }
0x309: {  	[sflag:s8] =	ssyncset.done $0x0  }
0x30a: {  	[sflag:s8] =	ssyncadd.s32 $0xFFFFE000  }
0x30b: {  	_ =	swait.ge [sflag:s8], $0x2000  }
0x30c: {  	[sflag:s8] =	ssyncset.done $0x0  }
0x30d: {  	[sflag:s8] =	ssyncadd.s32 $0xFFFFE000  }
0x30e: {  	_ =	swait.ge [sflag:s8], $0x2000  }
0x30f: {  	[sflag:s8] =	ssyncset.done $0x0  }
0x310: {  	[sflag:s8] =	ssyncadd.s32 $0xFFFFE000  }
0x311: {  	_ =	swait.ge [sflag:s8], $0x2000  }
0x312: {  	[sflag:s8] =	ssyncset.done $0x0  }
0x313: {  	s29 =	rddreg [dreg:$0x9];
	[sflag:s8] =	ssyncadd.s32 $0xFFFFE000  }
0x314: {  	[hbm4b:s29+s5] =	stream.strided.scatter [tilespmem:s3], [sflag:$0x4], $0xA000, s2, s5, $0x38;
	[tilespmem:$0x16100] =	vst v63  }
0x315: {  	_ =	swait.ge [sflag:s7], $0xA000  }
0x316: {  	s18 =	sld [smem:$0x7EC]  }
0x317: {  	[sflag:s7] =	ssyncset.done $0x0  }
0x318: {  	s25 =	sld [smem:$0x7ED];
	[sflag:s7] =	ssyncadd.s32 $0xFFFF6000  }
0x319: {  	[tilespmem:s3], [sflag:$0x2] =	stream.indirect.gather [spmem:s1], $0x40, s18, s2, $0xb8;
	[tilespmem:$0x16100] =	vst v63  }
0x31a: {  	s26 =	sld [smem:$0x7EE]  }
0x31b: {  	[tilespmem:s10], [sflag:$0x2] =	stream.indirect.gather [spmem:s1], $0x40, s25, s2, $0xb8;
	[tilespmem:$0x16100] =	vst v63  }
0x31c: {  	s28 =	sld [smem:$0x7EF]  }
0x31d: {  	[tilespmem:s11], [sflag:$0x2] =	stream.indirect.gather [spmem:s1], $0x40, s26, s2, $0xb8;
	[tilespmem:$0x16100] =	vst v63  }
0x31e: {  	s29 =	sld [smem:$0x7F0]  }
0x31f: {  	[tilespmem:s12], [sflag:$0x2] =	stream.indirect.gather [spmem:s1], $0x40, s28, s2, $0xb8;
	[tilespmem:$0x16100] =	vst v63  }
0x320: {  	_ = 	snop  }
0x321: {  	[tilespmem:s13], [sflag:$0x2] =	stream.indirect.gather [spmem:s1], $0x40, s29, s2, $0xb8;
	[tilespmem:$0x16100] =	vst v63  }
0x322: {  	_ =	swait.ge [sflag:s9], $0x2000  }
0x323: {  	[sflag:s9] =	ssyncset.done $0x0  }
0x324: {  	[sflag:s9] =	ssyncadd.s32 $0xFFFFE000  }
0x325: {  	_ =	swait.ge [sflag:s9], $0x2000  }
0x326: {  	[sflag:s9] =	ssyncset.done $0x0  }
0x327: {  	[sflag:s9] =	ssyncadd.s32 $0xFFFFE000  }
0x328: {  	_ =	swait.ge [sflag:s9], $0x2000  }
0x329: {  	[sflag:s9] =	ssyncset.done $0x0  }
0x32a: {  	[sflag:s9] =	ssyncadd.s32 $0xFFFFE000  }
0x32b: {  	_ =	swait.ge [sflag:s9], $0x2000  }
0x32c: {  	[sflag:s9] =	ssyncset.done $0x0  }
0x32d: {  	[sflag:s9] =	ssyncadd.s32 $0xFFFFE000  }
0x32e: {  	_ =	swait.ge [sflag:s9], $0x2000  }
0x32f: {  	[sflag:s9] =	ssyncset.done $0x0  }
0x330: {  	s18 =	rddreg [dreg:$0xa];
	[sflag:s9] =	ssyncadd.s32 $0xFFFFE000  }
0x331: {  	[hbm4b:s18+s5] =	stream.strided.scatter [tilespmem:s4], [sflag:$0x3], $0xA000, s2, s5, $0x38;
	[tilespmem:$0x16100] =	vst v63  }
0x332: {  	_ =	swait.ge [sflag:s6], $0xA000  }
0x333: {  	s25 =	sld [smem:$0x7F1]  }
0x334: {  	[sflag:s6] =	ssyncset.done $0x0  }
0x335: {  	s26 =	sld [smem:$0x7F2];
	[sflag:s6] =	ssyncadd.s32 $0xFFFF6000  }
0x336: {  	[tilespmem:s4], [sflag:$0x1] =	stream.indirect.gather [spmem:s1], $0x40, s25, s2, $0xb8;
	[tilespmem:$0x16100] =	vst v63  }
0x337: {  	s28 =	sld [smem:$0x7F3]  }
0x338: {  	[tilespmem:s14], [sflag:$0x1] =	stream.indirect.gather [spmem:s1], $0x40, s26, s2, $0xb8;
	[tilespmem:$0x16100] =	vst v63  }
0x339: {  	s29 =	sld [smem:$0x7F4]  }
0x33a: {  	[tilespmem:s15], [sflag:$0x1] =	stream.indirect.gather [spmem:s1], $0x40, s28, s2, $0xb8;
	[tilespmem:$0x16100] =	vst v63  }
0x33b: {  	s25 =	sld [smem:$0x7F5]  }
0x33c: {  	[tilespmem:s16], [sflag:$0x1] =	stream.indirect.gather [spmem:s1], $0x40, s29, s2, $0xb8;
	[tilespmem:$0x16100] =	vst v63  }
0x33d: {  	_ = 	snop  }
0x33e: {  	[tilespmem:s17], [sflag:$0x1] =	stream.indirect.gather [spmem:s1], $0x40, s25, s2, $0xb8;
	[tilespmem:$0x16100] =	vst v63  }
0x33f: {  	_ =	swait.ge [sflag:s8], $0x2000  }
0x340: {  	[sflag:s8] =	ssyncset.done $0x0  }
0x341: {  	[sflag:s8] =	ssyncadd.s32 $0xFFFFE000  }
0x342: {  	_ =	swait.ge [sflag:s8], $0x2000  }
0x343: {  	[sflag:s8] =	ssyncset.done $0x0  }
0x344: {  	[sflag:s8] =	ssyncadd.s32 $0xFFFFE000  }
0x345: {  	_ =	swait.ge [sflag:s8], $0x2000  }
0x346: {  	[sflag:s8] =	ssyncset.done $0x0  }
0x347: {  	[sflag:s8] =	ssyncadd.s32 $0xFFFFE000  }
0x348: {  	_ =	swait.ge [sflag:s8], $0x2000  }
0x349: {  	[sflag:s8] =	ssyncset.done $0x0  }
0x34a: {  	[sflag:s8] =	ssyncadd.s32 $0xFFFFE000  }
0x34b: {  	_ =	swait.ge [sflag:s8], $0x2000  }
0x34c: {  	[sflag:s8] =	ssyncset.done $0x0  }
0x34d: {  	s26 =	rddreg [dreg:$0xb];
	[sflag:s8] =	ssyncadd.s32 $0xFFFFE000  }
0x34e: {  	[hbm4b:s26+s5] =	stream.strided.scatter [tilespmem:s3], [sflag:$0x4], $0xA000, s2, s5, $0x38;
	[tilespmem:$0x16100] =	vst v63  }
0x34f: {  	_ =	swait.ge [sflag:s7], $0xA000  }
0x350: {  	s28 =	sld [smem:$0x7F6]  }
0x351: {  	[sflag:s7] =	ssyncset.done $0x0  }
0x352: {  	s29 =	sld [smem:$0x7F7];
	[sflag:s7] =	ssyncadd.s32 $0xFFFF6000  }
0x353: {  	[tilespmem:s3], [sflag:$0x2] =	stream.indirect.gather [spmem:s1], $0x40, s28, s2, $0xb8;
	[tilespmem:$0x16100] =	vst v63  }
0x354: {  	s25 =	sld [smem:$0x7F8]  }
0x355: {  	[tilespmem:s10], [sflag:$0x2] =	stream.indirect.gather [spmem:s1], $0x40, s29, s2, $0xb8;
	[tilespmem:$0x16100] =	vst v63  }
0x356: {  	s26 =	sld [smem:$0x7F9]  }
0x357: {  	[tilespmem:s11], [sflag:$0x2] =	stream.indirect.gather [spmem:s1], $0x40, s25, s2, $0xb8;
	[tilespmem:$0x16100] =	vst v63  }
0x358: {  	s28 =	sld [smem:$0x7FA]  }
0x359: {  	[tilespmem:s12], [sflag:$0x2] =	stream.indirect.gather [spmem:s1], $0x40, s26, s2, $0xb8;
	[tilespmem:$0x16100] =	vst v63  }
0x35a: {  	_ = 	snop  }
0x35b: {  	[tilespmem:s13], [sflag:$0x2] =	stream.indirect.gather [spmem:s1], $0x40, s28, s2, $0xb8;
	[tilespmem:$0x16100] =	vst v63  }
0x35c: {  	_ =	swait.ge [sflag:s9], $0x2000  }
0x35d: {  	[sflag:s9] =	ssyncset.done $0x0  }
0x35e: {  	[sflag:s9] =	ssyncadd.s32 $0xFFFFE000  }
0x35f: {  	_ =	swait.ge [sflag:s9], $0x2000  }
0x360: {  	[sflag:s9] =	ssyncset.done $0x0  }
0x361: {  	[sflag:s9] =	ssyncadd.s32 $0xFFFFE000  }
0x362: {  	_ =	swait.ge [sflag:s9], $0x2000  }
0x363: {  	[sflag:s9] =	ssyncset.done $0x0  }
0x364: {  	[sflag:s9] =	ssyncadd.s32 $0xFFFFE000  }
0x365: {  	_ =	swait.ge [sflag:s9], $0x2000  }
0x366: {  	[sflag:s9] =	ssyncset.done $0x0  }
0x367: {  	[sflag:s9] =	ssyncadd.s32 $0xFFFFE000  }
0x368: {  	_ =	swait.ge [sflag:s9], $0x2000  }
0x369: {  	[sflag:s9] =	ssyncset.done $0x0  }
0x36a: {  	s29 =	rddreg [dreg:$0xc];
	[sflag:s9] =	ssyncadd.s32 $0xFFFFE000  }
0x36b: {  	[hbm4b:s29+s5] =	stream.strided.scatter [tilespmem:s4], [sflag:$0x3], $0xA000, s2, s5, $0x38;
	[tilespmem:$0x16100] =	vst v63  }
0x36c: {  	_ =	swait.ge [sflag:s6], $0xA000  }
0x36d: {  	s18 =	sld [smem:$0x7FB]  }
0x36e: {  	[sflag:s6] =	ssyncset.done $0x0  }
0x36f: {  	s25 =	sld [smem:$0x7FC];
	[sflag:s6] =	ssyncadd.s32 $0xFFFF6000  }
0x370: {  	[tilespmem:s4], [sflag:$0x1] =	stream.indirect.gather [spmem:s1], $0x40, s18, s2, $0xb8;
	[tilespmem:$0x16100] =	vst v63  }
0x371: {  	s26 =	sld [smem:$0x7FD]  }
0x372: {  	[tilespmem:s14], [sflag:$0x1] =	stream.indirect.gather [spmem:s1], $0x40, s25, s2, $0xb8;
	[tilespmem:$0x16100] =	vst v63  }
0x373: {  	_ = 	snop  }
0x374: {  	[tilespmem:s15], [sflag:$0x1] =	stream.indirect.gather [spmem:s1], $0x40, s26, s2, $0xb8;
	[tilespmem:$0x16100] =	vst v63  }
0x375: {  	_ = 	snop  }
0x376: {  	[tilespmem:s16], [sflag:$0x1] =	stream.indirect.gather [spmem:s1], $0x40, s23, s2, $0xb8;
	[tilespmem:$0x16100] =	vst v63  }
0x377: {  	_ = 	snop  }
0x378: {  	[tilespmem:s17], [sflag:$0x1] =	stream.indirect.gather [spmem:s1], $0x40, s24, s2, $0xb8;
	[tilespmem:$0x16100] =	vst v63  }
0x379: {  	_ =	swait.ge [sflag:s8], $0x2000  }
0x37a: {  	[sflag:s8] =	ssyncset.done $0x0  }
0x37b: {  	[sflag:s8] =	ssyncadd.s32 $0xFFFFE000  }
0x37c: {  	_ =	swait.ge [sflag:s8], $0x2000  }
0x37d: {  	[sflag:s8] =	ssyncset.done $0x0  }
0x37e: {  	[sflag:s8] =	ssyncadd.s32 $0xFFFFE000  }
0x37f: {  	_ =	swait.ge [sflag:s8], $0x2000  }
0x380: {  	[sflag:s8] =	ssyncset.done $0x0  }
0x381: {  	[sflag:s8] =	ssyncadd.s32 $0xFFFFE000  }
0x382: {  	_ =	swait.ge [sflag:s8], $0x2000  }
0x383: {  	[sflag:s8] =	ssyncset.done $0x0  }
0x384: {  	[sflag:s8] =	ssyncadd.s32 $0xFFFFE000  }
0x385: {  	_ =	swait.ge [sflag:s8], $0x2000  }
0x386: {  	[sflag:s8] =	ssyncset.done $0x0  }
0x387: {  	s28 =	rddreg [dreg:$0xd];
	[sflag:s8] =	ssyncadd.s32 $0xFFFFE000  }
0x388: {  	[hbm4b:s28+s5] =	stream.strided.scatter [tilespmem:s3], [sflag:$0x4], $0xA000, s2, s5, $0x38;
	[tilespmem:$0x16100] =	vst v63  }
0x389: {  	_ =	swait.ge [sflag:s7], $0xA000  }
0x38a: {  	[sflag:s7] =	ssyncset.done $0x0  }
0x38b: {  	[sflag:s7] =	ssyncadd.s32 $0xFFFF6000  }
0x38c: {  	[tilespmem:s3], [sflag:$0x2] =	stream.indirect.gather [spmem:s1], $0x40, s31, s2, $0xb8;
	[tilespmem:$0x16100] =	vst v63  }
0x38d: {  	_ = 	snop  }
0x38e: {  	[tilespmem:s10], [sflag:$0x2] =	stream.indirect.gather [spmem:s1], $0x40, s19, s2, $0xb8;
	[tilespmem:$0x16100] =	vst v63  }
0x38f: {  	_ = 	snop  }
0x390: {  	[tilespmem:s11], [sflag:$0x2] =	stream.indirect.gather [spmem:s1], $0x40, s20, s2, $0xb8;
	[tilespmem:$0x16100] =	vst v63  }
0x391: {  	_ = 	snop  }
0x392: {  	[tilespmem:s12], [sflag:$0x2] =	stream.indirect.gather [spmem:s1], $0x40, s21, s2, $0xb8;
	[tilespmem:$0x16100] =	vst v63  }
0x393: {  	_ = 	snop  }
0x394: {  	[tilespmem:s13], [sflag:$0x2] =	stream.indirect.gather [spmem:s1], $0x40, s22, s2, $0xb8;
	[tilespmem:$0x16100] =	vst v63  }
0x395: {  	_ =	swait.ge [sflag:s9], $0x2000  }
0x396: {  	[sflag:s9] =	ssyncset.done $0x0  }
0x397: {  	[sflag:s9] =	ssyncadd.s32 $0xFFFFE000  }
0x398: {  	_ =	swait.ge [sflag:s9], $0x2000  }
0x399: {  	[sflag:s9] =	ssyncset.done $0x0  }
0x39a: {  	[sflag:s9] =	ssyncadd.s32 $0xFFFFE000  }
0x39b: {  	_ =	swait.ge [sflag:s9], $0x2000  }
0x39c: {  	[sflag:s9] =	ssyncset.done $0x0  }
0x39d: {  	[sflag:s9] =	ssyncadd.s32 $0xFFFFE000  }
0x39e: {  	_ =	swait.ge [sflag:s9], $0x2000  }
0x39f: {  	[sflag:s9] =	ssyncset.done $0x0  }
0x3a0: {  	[sflag:s9] =	ssyncadd.s32 $0xFFFFE000  }
0x3a1: {  	_ =	swait.ge [sflag:s9], $0x2000  }
0x3a2: {  	[sflag:s9] =	ssyncset.done $0x0  }
0x3a3: {  	s29 =	rddreg [dreg:$0xe];
	[sflag:s9] =	ssyncadd.s32 $0xFFFFE000  }
0x3a4: {  	[hbm4b:s29+s5] =	stream.strided.scatter [tilespmem:s4], [sflag:$0x3], $0xA000, s2, s5, $0x38;
	[tilespmem:$0x16100] =	vst v63  }
0x3a5: {  	_ =	swait.ge [sflag:s8], $0x2000  }
0x3a6: {  	[sflag:s8] =	ssyncset.done $0x0  }
0x3a7: {  	[sflag:s8] =	ssyncadd.s32 $0xFFFFE000  }
0x3a8: {  	_ =	swait.ge [sflag:s8], $0x2000  }
0x3a9: {  	[sflag:s8] =	ssyncset.done $0x0  }
0x3aa: {  	[sflag:s8] =	ssyncadd.s32 $0xFFFFE000  }
0x3ab: {  	_ =	swait.ge [sflag:s8], $0x2000  }
0x3ac: {  	[sflag:s8] =	ssyncset.done $0x0  }
0x3ad: {  	[sflag:s8] =	ssyncadd.s32 $0xFFFFE000  }
0x3ae: {  	_ =	swait.ge [sflag:s8], $0x2000  }
0x3af: {  	[sflag:s8] =	ssyncset.done $0x0  }
0x3b0: {  	[sflag:s8] =	ssyncadd.s32 $0xFFFFE000  }
0x3b1: {  	_ =	swait.ge [sflag:s8], $0x2000  }
0x3b2: {  	[sflag:s8] =	ssyncset.done $0x0  }
0x3b3: {  	s31 =	rddreg [dreg:$0xf];
	[sflag:s8] =	ssyncadd.s32 $0xFFFFE000  }
0x3b4: {  	[hbm4b:s31+s5] =	stream.strided.scatter [tilespmem:s3], [sflag:$0x4], $0xA000, s2, s5, $0x38;
	[tilespmem:$0x16100] =	vst v63  }
0x3b5: {  	_ =	swait.ge [sflag:s6], $0xA000  }
0x3b6: {  	[sflag:s6] =	ssyncset.done $0x0  }
0x3b7: {  	[sflag:s6] =	ssyncadd.s32 $0xFFFF6000  }
0x3b8: {  	_ =	swait.ge [sflag:s7], $0xA000  }
0x3b9: {  	[sflag:s7] =	ssyncset.done $0x0  }
0x3ba: {  	[sflag:s7] =	ssyncadd.s32 $0xFFFF6000  }
0x3bb: {  	_ =	sfence.sel $0x180000  }
0x3bc: {  	[bflag:$0x0] =	sbarrier.arrive $0xFFFF  }
0x3bd: {  	_ =	strace $0x90000047  }
0x3be: {  	s0 =	sadd.s32 @!p0 $0x100000, s30;
	[bflag:$0x2] =	sbarrier.arrive $0xFFFF  }
0x3bf: {  	[sflag:s0] =	ssyncadd.tile.s32 @!p0 $0x1;
	_ =	shalt  }
.LBB2_1:
.Ltmp3:
0x3c0: {  	(pc) =	sbr.rel .LBB2_6-.Ltmp3, $2  }
0x3c1: {  	_ =	sdelay $0x2  }
0x3c2: {  	s31 =	simm.s32 $0x1E80  }
.LBB2_3:
.Ltmp4:
0x3c3: {  	(pc) =	sbr.rel .LBB2_6-.Ltmp4, $2  }
0x3c4: {  	_ =	sdelay $0x2  }
0x3c5: {  	s31 =	simm.s32 $0x1E80;
	s30 =	rddreg [dreg:$0x3]  }
.Lfunc_end2:
_tile_overlayer_lowered:
.L_overlay_start_2:
0x3c6: {  	(tag) =	ssettag $0x2  }
0x3c7: {  	s0 =	rddreg [dreg:$0x0];
	s2 =	stileid.u32  }
0x3c8: {  	s1 =	rddreg [dreg:$0x1];
	p0 =	sne.s32 s2, $0x0  }
0x3c9: {  	s3 =	rddreg [dreg:$0x2];
	[bflag:$0x3] =	sbarrier.arrive $0xFFFF;
	s2 =	simm.s32 @!p0 $0x1C05  }
0x3ca: {  	[timem:s3], [sflag:s2] =	dma.local @!p0 [hbm:s0], s1  }
0x3cb: {  	s0 =	simm.s32 @!p0 $0x5  }
0x3cc: {  	_ =	swait.ge @!p0 [sflag:s0], s1  }
0x3cd: {  	s1 =	ssub.s32 @!p0 $0x0, s1;
	[sflag:s0] =	ssyncset.done @!p0 $0x0  }
0x3ce: {  	[sflag:s0] =	ssyncadd.s32 @!p0 s1  }
0x3cf: {  	[bflag:$0x3] =	sbarrier.arrive $0xFFFF  }
0x3d0: {  	_ =	shalt  }

// kernel: word_half.3.cloned.1.call-start
scs
__scs_entry_jumppad:
0x0: {  	(pc) =	sbr.rel $0x88, $3  }
0x1: {  	(tag) =	ssettag $0x0;
	lr =	simm.s32 $0x1  }
0x2: {  	[smem:$0x3F9D] =	sst lr;
	_ =	strace $0xD0000000  }
0x3: {  	_ = 	snop  }
0x4: {  	_ = 	snop  }
0x5: {  	_ = 	snop  }
0x6: {  	_ = 	snop  }
0x7: {  	_ = 	snop  }
__scs_overlays_trampoline_lowered:
0x8: {  	[smem:$0x3FAC] =	sst s0  }
0x9: {  	[smem:$0x3FAD] =	sst s1  }
0xa: {  	[smem:$0x3FAE] =	sst s2  }
0xb: {  	[smem:$0x3FAF] =	sst s3  }
0xc: {  	[smem:$0x3FB0] =	sst s4  }
0xd: {  	[smem:$0x3FB1] =	sst s5  }
0xe: {  	[smem:$0x3FB2] =	sst s6  }
0xf: {  	[smem:$0x3FB3] =	sst s7  }
0x10: {  	[smem:$0x3FB4] =	sst s8  }
0x11: {  	[smem:$0x3FB5] =	sst s9;
	s0 =	simm.s32 @!p0 $0x0  }
0x12: {  	s1 =	sld [smem:$0x3F9B];
	s0 =	simm.s32 @p0 $0x1  }
0x13: {  	[smem:$0x3FB6] =	sst s0;
	s0 =	simm.s32 @!p1 $0x0  }
0x14: {  	s2 =	sld [smem:$0x3F9A];
	s0 =	simm.s32 @p1 $0x1  }
0x15: {  	[smem:$0x3FB7] =	sst s0;
	s0 =	simm.s32 @!p2 $0x0  }
0x16: {  	s3 =	sld [smem:$0x3FDB];
	s0 =	simm.s32 @p2 $0x1  }
0x17: {  	s4 =	simm.s32 $0x1BF5;
	[smem:$0x3FB9] =	sst s0  }
0x18: {  	s0 =	sld [smem:$0x3F9C];
	_ =	swait.ge [sflag:s4], $0x0  }
0x19: {  	s7 =	sld [smem:$0x3F9D]  }
0x1a: {  	s8 =	sadd.s32 $0xFFFFE003, lr  }
0x1b: {  	s9 =	sadd.s32 $0xFFFFFEF7, lr;
	s5 =	simm.s32 $0xFFFFFFFF;
	p2 =	slt.u32 s8, $0xFFFFF086  }
0x1c: {  	p1 =	slt.u32 s9, $0xF7A;
	s5 =	simm.s32 @!p2 $0x0  }
0x1d: {  	s5 =	simm.s32 @p1 $0x1;
	p0 =	seq.s32 s7, s2  }
0x1e: {  	s7 =	smul.u32 @!p0 $0xF7A, s2;
	p2 =	seq.s32 @!p0 s5, $0x0  }
0x1f: {  	s9 =	smul.u32 $0xF7A, s1;
	s8 =	simm.s32 @!p0 $0x1BF5;
	p2 =	por !p2, p0  }
0x20: {  	[sflag:s8] =	ssyncset.s32 @!p0 $0xFFFFF086;
	s6 =	sadd.s32 @!p0 s3, s7;
	s7 =	simm.s32 @!p0 $0x108  }
0x21: {  	s3 =	sadd.s32 s3, s9;
	s6 =	sadd.s32 @!p0 $0x88, s6;
	s7 =	simm.s32 @p2 $0x1082  }
0x22: {  	[simem:s7], [sflag:s8] =	dma.local @!p0 [hbm:s6], $0xF7A  }
0x23: {  	s9 =	sor.u32 $0xD0000000, s2;
	s6 =	simm.s32 $0x108;
	_ =	swait.ge @!p0 [sflag:s8], $0x0  }
0x24: {  	s3 =	sadd.s32 $0x88, s3;
	s6 =	simm.s32 @!p1 $0x1082;
	[sflag:s4] =	ssyncset.s32 $0xFFFFF086  }
0x25: {  	[simem:s6], [sflag:s4] =	dma.local [hbm:s3], $0xF7A  }
0x26: {  	[smem:$0x3F9D] =	sst s1;
	(tag) =	ssettag s2;
	_ =	strace s9  }
0x27: {  	s1 =	sld [smem:$0x3FAD]  }
0x28: {  	s2 =	sld [smem:$0x3FAE]  }
0x29: {  	s4 =	sld [smem:$0x3FB0]  }
0x2a: {  	p0 =	seq.s32 s5, $0x0;
	s5 =	sld [smem:$0x3FB1]  }
0x2b: {  	s6 =	sld [smem:$0x3FB2]  }
0x2c: {  	s7 =	sld [smem:$0x3FB3]  }
0x2d: {  	s3 =	simm.s32 $0x108;
	s8 =	sld [smem:$0x3FB4]  }
0x2e: {  	s3 =	simm.s32 @!p0 $0x1082;
	s9 =	sld [smem:$0x3FB5]  }
0x2f: {  	lr =	sadd.s32 s0, s3;
	s0 =	sld [smem:$0x3FAC]  }
0x30: {  	s3 =	sld [smem:$0x3FAF]  }
0x31: {  	[smem:$0x3FB8] =	sst s10  }
0x32: {  	s10 =	sld [smem:$0x3FB6];
	_ =	sdelay $0x3  }
0x33: {  	p0 =	seq.s32 s10, $0x1;
	s10 =	sld [smem:$0x3FB8];
	_ =	sdelay $0x3  }
0x34: {  	[smem:$0x3FB8] =	sst s10  }
0x35: {  	s10 =	sld [smem:$0x3FB7];
	_ =	sdelay $0x3  }
0x36: {  	p1 =	seq.s32 s10, $0x1;
	s10 =	sld [smem:$0x3FB8];
	_ =	sdelay $0x3  }
0x37: {  	[smem:$0x3FB8] =	sst s10  }
0x38: {  	s10 =	sld [smem:$0x3FB9]  }
0x39: {  	_ = 	snop;
	(pc) =	sbr.ind lr, $3  }
0x3a: {  	_ = 	snop  }
0x3b: {  	_ = 	snop  }
0x3c: {  	p2 =	seq.s32 s10, $0x1;
	s10 =	sld [smem:$0x3FB8]  }
0x3d: {  	_ =	shalt  }
0x3e: {  	_ =	shalt  }
0x3f: {  	_ =	shalt  }
0x40: {  	_ =	shalt  }
0x41: {  	_ =	shalt  }
0x42: {  	_ =	shalt  }
0x43: {  	_ =	shalt  }
0x44: {  	_ =	shalt  }
0x45: {  	_ =	shalt  }
0x46: {  	_ =	shalt  }
0x47: {  	_ =	shalt  }
0x48: {  	_ =	shalt  }
0x49: {  	_ =	shalt  }
0x4a: {  	_ =	shalt  }
0x4b: {  	_ =	shalt  }
0x4c: {  	_ =	shalt  }
0x4d: {  	_ =	shalt  }
0x4e: {  	_ =	shalt  }
0x4f: {  	_ =	shalt  }
0x50: {  	_ =	shalt  }
0x51: {  	_ =	shalt  }
0x52: {  	_ =	shalt  }
0x53: {  	_ =	shalt  }
0x54: {  	_ =	shalt  }
0x55: {  	_ =	shalt  }
0x56: {  	_ =	shalt  }
0x57: {  	_ =	shalt  }
0x58: {  	_ =	shalt  }
0x59: {  	_ =	shalt  }
0x5a: {  	_ =	shalt  }
0x5b: {  	_ =	shalt  }
0x5c: {  	_ =	shalt  }
0x5d: {  	_ =	shalt  }
0x5e: {  	_ =	shalt  }
0x5f: {  	_ =	shalt  }
0x60: {  	_ =	shalt  }
0x61: {  	_ =	shalt  }
0x62: {  	_ =	shalt  }
0x63: {  	_ =	shalt  }
0x64: {  	_ =	shalt  }
0x65: {  	_ =	shalt  }
0x66: {  	_ =	shalt  }
0x67: {  	_ =	shalt  }
0x68: {  	_ =	shalt  }
0x69: {  	_ =	shalt  }
0x6a: {  	_ =	shalt  }
0x6b: {  	_ =	shalt  }
0x6c: {  	_ =	shalt  }
0x6d: {  	_ =	shalt  }
0x6e: {  	_ =	shalt  }
0x6f: {  	_ =	shalt  }
0x70: {  	_ =	shalt  }
0x71: {  	_ =	shalt  }
0x72: {  	_ =	shalt  }
0x73: {  	_ =	shalt  }
0x74: {  	_ =	shalt  }
0x75: {  	_ =	shalt  }
0x76: {  	_ =	shalt  }
0x77: {  	_ =	shalt  }
0x78: {  	_ =	shalt  }
0x79: {  	_ =	shalt  }
0x7a: {  	_ =	shalt  }
0x7b: {  	_ =	shalt  }
0x7c: {  	_ =	shalt  }
0x7d: {  	_ =	shalt  }
0x7e: {  	_ =	shalt  }
0x7f: {  	_ =	shalt  }
0x80: {  	_ =	shalt  }
0x81: {  	_ =	shalt  }
0x82: {  	_ =	shalt  }
0x83: {  	_ =	shalt  }
0x84: {  	_ =	shalt  }
0x85: {  	_ =	shalt  }
0x86: {  	_ =	shalt  }
0x87: {  	_ =	shalt  }
.Lfunc_end0:
.L_simem_size_0:
called_computation.1_lowered:
.L_overlay_start_0:
0x88: {  	s2 =	sld [smem:$0x3FD9]  }
0x89: {  	s3 =	sld [smem:$0x3FFE];
	_ =	sdelay $0x1  }
0x8a: {  	s1 =	srdreg.scid  }
0x8b: {  	s0 =	sand.u32 $0x1, s1  }
0x8c: {  	s17 =	sshll.u32 s0, $0xA;
	s2 =	sadd.s32 s3, s2  }
0x8d: {  	s2 =	sadd.s32 s2, s17  }
0x8e: {  	[smem:$0x3FC4] =	sst s2  }
0x8f: {  	_ = 	snop  }
0x90: {  	s2 =	sld [smem:$0x3FD0];
	(tm) =	ssettm $0x1  }
0x91: {  	s18 =	sld [smem:$0x3FFB];
	_ =	sdelay $0x3  }
0x92: {  	_ =	strace s18  }
0x93: {  	s3 =	sld [smem:$0x3FFC];
	_ =	sdelay $0x3  }
0x94: {  	_ =	strace s3  }
0x95: {  	s3 =	sld [smem:$0x3FFD];
	_ =	sdelay $0x3  }
0x96: {  	_ =	strace s3  }
0x97: {  	_ =	strace $0x8FFFFFFF  }
0x98: {  	s19 =	sld [smem:$0x3FDB];
	_ =	sdelay $0x1  }
0x99: {  	s4 =	simm.s32 $_scs_section_size  }
0x9a: {  	s5 =	simm.s32 $_size__tile_overlayer_lowered;
	s6 =	simm.s32 $_tile_overlayer_lowered  }
0x9b: {  	s22 =	simm.s32 $0x1BFF;
	s21 =	sshll.u32 s6, $0x1;
	s3 =	sadd.s32 s4, s19  }
0x9c: {  	s7 =	simm.s32 $0x0;
	s20 =	sshll.u32 s5, $0x1;
	s5 =	sadd.s32 s21, s3  }
0x9d: {  	[timem:s7], [sflag:s22] =	dma.local [hbm:s5], s20  }
0x9e: {  	_ =	swait.ge [sflag:s22], s20  }
0x9f: {  	s4 =	ssub.s32 $0x0, s20;
	[sflag:s22] =	ssyncset.done $0x0  }
0xa0: {  	[sflag:s22] =	ssyncadd.s32 s4;
	_ =	sdelay $0x1  }
0xa1: {  	s23 =	simm.s32 $0x1B8B  }
0xa2: {  	_ =	swait.ge [sflag:s23], $0x1  }
0xa3: {  	[sflag:s23] =	ssyncset.done $0x0  }
0xa4: {  	s25 =	simm.s32 $0x1B8E;
	s24 =	sld [smem:$0x3FFE];
	[sflag:s23] =	ssyncadd.s32 $0xFFFFFFFF  }
0xa5: {  	s26 =	simm.s32 $execute0_lowered;
	[smem:$0x3FD2] =	sst s25  }
0xa6: {  	s5 =	sshll.u32 s26, $0x1;
	_ =	strace $0x80000049;
	[dreg:$0x1] =	wrdreg $0xFFFFFFFF  }
0xa7: {  	s28 =	simm.s32 $_size_execute0_lowered;
	s3 =	sadd.s32 s3, s5;
	[dreg:$0x0] =	wrdreg $0x0  }
0xa8: {  	s5 =	sshll.u32 s28, $0x1;
	[dreg:$0x2] =	wrdreg s3  }
0xa9: {  	[dreg:$0x3] =	wrdreg s5  }
0xaa: {  	[dreg:$0x4] =	wrdreg $0xC0  }
0xab: {  	_ =	task [dreg:s7], $0x5FFFF  }
0xac: {  	[dreg:$0x1] =	wrdreg $0xFFFFFFFF  }
0xad: {  	[dreg:$0x0] =	wrdreg $0x60  }
0xae: {  	[dreg:$0x2] =	wrdreg s24  }
0xaf: {  	[dreg:$0x3] =	wrdreg s2  }
0xb0: {  	[dreg:$0x4] =	wrdreg $0x9  }
0xb1: {  	_ =	task.clear_ibuf [dreg:s7], $0x5FFFF;
	_ =	strace $0x90000049  }
0xb2: {  	s29 =	simm.s32 $0x9;
	_ =	strace $0x8000004B  }
0xb3: {  	_ =	swait.ge [sflag:s29], $0x1  }
0xb4: {  	[sflag:s29] =	ssyncadd.s32 $0xFFFFFFFF  }
0xb5: {  	_ =	strace $0x9000004B  }
0xb6: {  	_ =	sfence  }
0xb7: {  	s30 =	sld [smem:$0x0];
	_ =	sdelay $0x2  }
0xb8: {  	s31 =	sshll.u32 s1, $0xD;
	s1 =	sshrl.u32 s1, $0x2  }
0xb9: {  	s3 =	sand.u32 $0x4000, s31;
	s1 =	sadd.s32 s1, s30  }
0xba: {  	s0 =	sor.u32 s3, s0;
	s1 =	sshll.u32 s1, $0x11  }
0xbb: {  	s0 =	sor.u32 s1, s0  }
0xbc: {  	s0 =	sadd.s32 $0x8F2B, s0  }
0xbd: {  	[sflag:s0] =	ssyncadd.remote.s32 $0x1  }
0xbe: {  	_ =	sfence.sel $0xFFFF  }
0xbf: {  	[dreg:$0x0] =	wrdreg $0xFFFFFFFF;
	(pc) =	sbr.abs _section_cstart, $3  }
0xc0: {  	[dreg:$0x1] =	wrdreg $0xFFFFFFFF  }
0xc1: {  	_ =	task.clear_ibuf [dreg:s7], $0x2FFFF;
	_ =	strace $0x9FFFFFFF  }
0xc2: {  	(tm) =	ssettm $0x7FFFFFFF  }
0xc3: {  	_ =	shalt  }
tec
execute0_lowered:
.L_overlay_start_1:
0x0: {  	(tag) =	ssettag $0x1  }
0x1: {  	s2 =	rddreg [dreg:$0x0]  }
0x2: {  	s3 =	rddreg [dreg:$0x1];
	s30 =	simm.s32 $0x0  }
0x3: {  	s6 =	simm.s32 $0x100;
	[smem:$0x7FF] =	sst s30  }
0x4: {  	s7 =	simm.s32 $0x180;
	_ =	strace $0x8000004A;
	[dreg:$0xe] =	wrdreg s6  }
0x5: {  	s8 =	simm.s32 $0x200;
	[dreg:$0xf] =	wrdreg s7  }
0x6: {  	s9 =	simm.s32 $0x280;
	[dreg:$0x10] =	wrdreg s8  }
0x7: {  	s10 =	simm.s32 $0x300;
	[dreg:$0x11] =	wrdreg s9  }
0x8: {  	s11 =	simm.s32 $0x380;
	[dreg:$0x12] =	wrdreg s10  }
0x9: {  	s12 =	simm.s32 $0x400;
	[dreg:$0x13] =	wrdreg s11  }
0xa: {  	s13 =	simm.s32 $0x480;
	[dreg:$0x14] =	wrdreg s12  }
0xb: {  	s0 =	srdreg.scid;
	s14 =	simm.s32 $0x500;
	[dreg:$0x15] =	wrdreg s13  }
0xc: {  	s19 =	stileid.u32;
	s15 =	simm.s32 $0x580;
	[dreg:$0x16] =	wrdreg s14  }
0xd: {  	s16 =	simm.s32 $0x600;
	s17 =	simm.s32 $0x680;
	[dreg:$0x17] =	wrdreg s15  }
0xe: {  	s1 =	sand.u32 $0x1, s0;
	s18 =	sshll.u32 s19, $0x1;
	[dreg:$0x18] =	wrdreg s16  }
0xf: {  	s0 =	sor.u32 s1, s18;
	[dreg:$0x19] =	wrdreg s17;
	s18 =	simm.s32 $0x700  }
0x10: {  	s6 =	simm.s32 $0xC00;
	[dreg:$0x1a] =	wrdreg s18  }
0x11: {  	s7 =	simm.s32 $0xC80;
	[smem:$0x7EE] =	sst s6  }
0x12: {  	s8 =	simm.s32 $0xD00;
	[smem:$0x7EF] =	sst s7  }
0x13: {  	s9 =	simm.s32 $0xD80;
	[smem:$0x7F0] =	sst s8  }
0x14: {  	s10 =	simm.s32 $0xE00;
	[smem:$0x7F1] =	sst s9  }
0x15: {  	s11 =	simm.s32 $0xE80;
	[smem:$0x7F2] =	sst s10  }
0x16: {  	s12 =	simm.s32 $0xF00;
	s4 =	smul.u32 $0x320, s0;
	[smem:$0x7F3] =	sst s11  }
0x17: {  	s13 =	simm.s32 $0xF80;
	s5 =	smul.u32 $0xC8000, s0;
	[smem:$0x7F4] =	sst s12  }
0x18: {  	s14 =	simm.s32 $0x1000;
	s0 =	smul.u32 $0x19000, s0;
	[smem:$0x7F5] =	sst s13  }
0x19: {  	[smem:$0x7F6] =	sst s14  }
0x1a: {  	s4 =	sadd.s32 s4, s2;
	s5 =	sshrl.u32 s5, $0x3;
	s0 =	sadd.s32 s3, s0  }
0x1b: {  	s4 =	sadd.s32 $0x7E00, s4;
	s3 =	sadd.s32 s3, s5;
	[dreg:$0x4] =	wrdreg s0  }
0x1c: {  	s31 =	simm.s32 $0x5;
	[dreg:$0x3] =	wrdreg s4;
	s20 =	sadd.s32 $0x2800, s3  }
0x1d: {  	s28 =	simm.s32 $0x1500;
	s21 =	sadd.s32 $0x5000, s3;
	[dreg:$0x5] =	wrdreg s20  }
0x1e: {  	s29 =	simm.s32 $0x1580;
	s22 =	sadd.s32 $0x7800, s3;
	[dreg:$0x6] =	wrdreg s21  }
0x1f: {  	p0 =	por $0x0, $0x0;
	s23 =	sadd.s32 $0xA000, s3;
	[dreg:$0x7] =	wrdreg s22  }
0x20: {  	s1 =	ssub.s32 $0x2, s1;
	s24 =	sadd.s32 $0xC800, s3;
	[dreg:$0x8] =	wrdreg s23  }
0x21: {  	s15 =	simm.s32 $0x3900;
	s25 =	sadd.s32 $0xF000, s3;
	[dreg:$0x9] =	wrdreg s24  }
0x22: {  	s16 =	simm.s32 $0x5900;
	s26 =	sadd.s32 $0x11800, s3;
	[dreg:$0xa] =	wrdreg s25  }
0x23: {  	s17 =	simm.s32 $0x7900;
	s4 =	sadd.s32 $0x14000, s3;
	[dreg:$0xb] =	wrdreg s26  }
0x24: {  	s18 =	simm.s32 $0x9900;
	s5 =	sadd.s32 $0x16800, s3;
	[dreg:$0xc] =	wrdreg s4  }
0x25: {  	s3 =	sadd.s32 $0xE200, s2;
	s2 =	simm.s32 $0xA80;
	[dreg:$0xd] =	wrdreg s5  }
0x26: {  	s11 =	simm.s32 $0xD900;
	s12 =	simm.s32 $0xF900;
	[smem:$0x7EB] =	sst s2  }
0x27: {  	s13 =	simm.s32 $0x11900;
	s20 =	simm.s32 $0x780;
	s0 =	rddreg [dreg:$0x3]  }
0x28: {  	s14 =	simm.s32 $0x13900;
	s21 =	simm.s32 $0x800;
	[dreg:$0x1b] =	wrdreg s20  }
0x29: {  	s10 =	simm.s32 $0x1;
	s22 =	simm.s32 $0x880;
	[dreg:$0x1c] =	wrdreg s21  }
0x2a: {  	s6 =	simm.s32 $0x40;
	s23 =	simm.s32 $0x900;
	[dreg:$0x1d] =	wrdreg s22  }
0x2b: {  	s7 =	simm.s32 $0x3;
	s24 =	simm.s32 $0x980;
	[dreg:$0x1e] =	wrdreg s23  }
0x2c: {  	s9 =	simm.s32 $0x2;
	s26 =	simm.s32 $0xA00;
	[dreg:$0x1f] =	wrdreg s24  }
0x2d: {  	s8 =	simm.s32 $0x4;
	s4 =	simm.s32 $0xB00;
	[smem:$0x7EA] =	sst s26  }
0x2e: {  	s25 =	sshrl.u32 s1, $0x1;
	s5 =	simm.s32 $0xB80;
	[smem:$0x7EC] =	sst s4  }
0x2f: {  	s2 =	simm.s32 $0x80;
	[smem:$0x7ED] =	sst s5;
	s20 =	simm.s32 $0x1080  }
0x30: {  	s1 =	ssub.s32 s1, s25;
	s21 =	simm.s32 $0x1100;
	[smem:$0x7F7] =	sst s20  }
0x31: {  	s5 =	simm.s32 $0x1900;
	s22 =	simm.s32 $0x1180;
	[smem:$0x7F8] =	sst s21  }
0x32: {  	s23 =	simm.s32 $0x1200;
	s1 =	smax.u32 s1, $0x1;
	[smem:$0x7F9] =	sst s22  }
0x33: {  	s24 =	simm.s32 $0x1280;
	[smem:$0x7FA] =	sst s23;
	p1 =	sne.s32 s1, $0x1  }
.Ltmp0:
0x34: {  	s25 =	simm.s32 $0x1300;
	[smem:$0x7FB] =	sst s24;
	(pc) =	sbr.rel @!p1 .LBB2_1-.Ltmp0, $4  }
0x35: {  	s4 =	simm.s32 $0xB900;
	s26 =	simm.s32 $0x1380;
	[smem:$0x7FC] =	sst s25  }
0x36: {  	[smem:$0x7FD] =	sst s26;
	s26 =	simm.s32 $0x1480;
	s25 =	simm.s32 $0x1600  }
0x37: {  	s20 =	simm.s32 $0x1680;
	s21 =	simm.s32 $0x1700;
	s22 =	simm.s32 $0x1780  }
0x38: {  	s23 =	simm.s32 $0x1800;
	s24 =	simm.s32 $0x1880;
	s1 =	sadd.s32 $0xFFFFFFFF, s1  }
0x39: {  	[tilespmem:s30], [sflag:$0x5] =	stream.linear.gather [hbm4b:s0+s30], $0x1900, $0x38;
	[tilespmem:$0x15900] =	vst v63  }
0x3a: {  	_ =	swait.ge [sflag:s31], $0x1900  }
0x3b: {  	[sflag:s31] =	ssyncset.done $0x0  }
0x3c: {  	[sflag:s31] =	ssyncadd.s32 $0xFFFFE700  }
0x3d: {  	[tilespmem:s5], [sflag:$0x1] =	stream.indirect.gather [hbm4b:s3+s2], $0x40, s30, s2, $0xb8;
	[tilespmem:$0x15900] =	vst v63  }
0x3e: {  	_ = 	snop  }
0x3f: {  	[tilespmem:s15], [sflag:$0x1] =	stream.indirect.gather [hbm4b:s3+s2], $0x40, s2, s2, $0xb8;
	[tilespmem:$0x15900] =	vst v63  }
0x40: {  	s0 =	rddreg [dreg:$0xe]  }
0x41: {  	[tilespmem:s16], [sflag:$0x1] =	stream.indirect.gather [hbm4b:s3+s2], $0x40, s0, s2, $0xb8;
	[tilespmem:$0x15900] =	vst v63  }
0x42: {  	s19 =	smov.u32 s1;
	s1 =	rddreg [dreg:$0xf]  }
0x43: {  	[tilespmem:s17], [sflag:$0x1] =	stream.indirect.gather [hbm4b:s3+s2], $0x40, s1, s2, $0xb8;
	[tilespmem:$0x15900] =	vst v63  }
0x44: {  	s0 =	rddreg [dreg:$0x10]  }
0x45: {  	[tilespmem:s18], [sflag:$0x1] =	stream.indirect.gather [hbm4b:s3+s2], $0x40, s0, s2, $0xb8;
	[tilespmem:$0x15900] =	vst v63  }
0x46: {  	s1 =	rddreg [dreg:$0x11]  }
0x47: {  	[tilespmem:s4], [sflag:$0x2] =	stream.indirect.gather [hbm4b:s3+s2], $0x40, s1, s2, $0xb8;
	[tilespmem:$0x15900] =	vst v63  }
0x48: {  	s0 =	rddreg [dreg:$0x12]  }
0x49: {  	[tilespmem:s11], [sflag:$0x2] =	stream.indirect.gather [hbm4b:s3+s2], $0x40, s0, s2, $0xb8;
	[tilespmem:$0x15900] =	vst v63  }
0x4a: {  	s1 =	rddreg [dreg:$0x13]  }
0x4b: {  	[tilespmem:s12], [sflag:$0x2] =	stream.indirect.gather [hbm4b:s3+s2], $0x40, s1, s2, $0xb8;
	[tilespmem:$0x15900] =	vst v63  }
0x4c: {  	s0 =	rddreg [dreg:$0x14]  }
0x4d: {  	[tilespmem:s13], [sflag:$0x2] =	stream.indirect.gather [hbm4b:s3+s2], $0x40, s0, s2, $0xb8;
	[tilespmem:$0x15900] =	vst v63  }
0x4e: {  	s1 =	rddreg [dreg:$0x15]  }
0x4f: {  	[tilespmem:s14], [sflag:$0x2] =	stream.indirect.gather [hbm4b:s3+s2], $0x40, s1, s2, $0xb8;
	[tilespmem:$0x15900] =	vst v63  }
0x50: {  	_ =	swait.ge [sflag:s10], $0x2000  }
0x51: {  	[sflag:s10] =	ssyncset.done $0x0  }
0x52: {  	[sflag:s10] =	ssyncadd.s32 $0xFFFFE000  }
0x53: {  	_ =	swait.ge [sflag:s10], $0x2000  }
0x54: {  	[sflag:s10] =	ssyncset.done $0x0  }
0x55: {  	[sflag:s10] =	ssyncadd.s32 $0xFFFFE000  }
0x56: {  	_ =	swait.ge [sflag:s10], $0x2000  }
0x57: {  	[sflag:s10] =	ssyncset.done $0x0  }
0x58: {  	[sflag:s10] =	ssyncadd.s32 $0xFFFFE000  }
0x59: {  	_ =	swait.ge [sflag:s10], $0x2000  }
0x5a: {  	[sflag:s10] =	ssyncset.done $0x0  }
0x5b: {  	[sflag:s10] =	ssyncadd.s32 $0xFFFFE000  }
0x5c: {  	_ =	swait.ge [sflag:s10], $0x2000  }
0x5d: {  	[sflag:s10] =	ssyncset.done $0x0  }
0x5e: {  	s1 =	rddreg [dreg:$0x4];
	[sflag:s10] =	ssyncadd.s32 $0xFFFFE000  }
0x5f: {  	[hbm4b:s1+s6] =	stream.strided.scatter [tilespmem:s5], [sflag:$0x3], $0xA000, s2, s6, $0x38;
	[tilespmem:$0x15900] =	vst v63  }
0x60: {  	_ =	swait.ge [sflag:s7], $0xA000  }
0x61: {  	[sflag:s7] =	ssyncset.done $0x0  }
0x62: {  	s0 =	rddreg [dreg:$0x16];
	[sflag:s7] =	ssyncadd.s32 $0xFFFF6000  }
0x63: {  	[tilespmem:s5], [sflag:$0x1] =	stream.indirect.gather [hbm4b:s3+s2], $0x40, s0, s2, $0xb8;
	[tilespmem:$0x15900] =	vst v63  }
0x64: {  	s1 =	rddreg [dreg:$0x17]  }
0x65: {  	[tilespmem:s15], [sflag:$0x1] =	stream.indirect.gather [hbm4b:s3+s2], $0x40, s1, s2, $0xb8;
	[tilespmem:$0x15900] =	vst v63  }
0x66: {  	s0 =	rddreg [dreg:$0x18]  }
0x67: {  	[tilespmem:s16], [sflag:$0x1] =	stream.indirect.gather [hbm4b:s3+s2], $0x40, s0, s2, $0xb8;
	[tilespmem:$0x15900] =	vst v63  }
0x68: {  	s1 =	rddreg [dreg:$0x19]  }
0x69: {  	[tilespmem:s17], [sflag:$0x1] =	stream.indirect.gather [hbm4b:s3+s2], $0x40, s1, s2, $0xb8;
	[tilespmem:$0x15900] =	vst v63  }
0x6a: {  	s0 =	rddreg [dreg:$0x1a]  }
0x6b: {  	[tilespmem:s18], [sflag:$0x1] =	stream.indirect.gather [hbm4b:s3+s2], $0x40, s0, s2, $0xb8;
	[tilespmem:$0x15900] =	vst v63  }
0x6c: {  	_ =	swait.ge [sflag:s9], $0x2000  }
0x6d: {  	[sflag:s9] =	ssyncset.done $0x0  }
0x6e: {  	[sflag:s9] =	ssyncadd.s32 $0xFFFFE000  }
0x6f: {  	_ =	swait.ge [sflag:s9], $0x2000  }
0x70: {  	[sflag:s9] =	ssyncset.done $0x0  }
0x71: {  	[sflag:s9] =	ssyncadd.s32 $0xFFFFE000  }
0x72: {  	_ =	swait.ge [sflag:s9], $0x2000  }
0x73: {  	[sflag:s9] =	ssyncset.done $0x0  }
0x74: {  	[sflag:s9] =	ssyncadd.s32 $0xFFFFE000  }
0x75: {  	_ =	swait.ge [sflag:s9], $0x2000  }
0x76: {  	[sflag:s9] =	ssyncset.done $0x0  }
0x77: {  	[sflag:s9] =	ssyncadd.s32 $0xFFFFE000  }
0x78: {  	_ =	swait.ge [sflag:s9], $0x2000  }
0x79: {  	[sflag:s9] =	ssyncset.done $0x0  }
0x7a: {  	s1 =	rddreg [dreg:$0x5];
	[sflag:s9] =	ssyncadd.s32 $0xFFFFE000  }
0x7b: {  	[hbm4b:s1+s6] =	stream.strided.scatter [tilespmem:s4], [sflag:$0x4], $0xA000, s2, s6, $0x38;
	[tilespmem:$0x15900] =	vst v63  }
0x7c: {  	_ =	swait.ge [sflag:s8], $0xA000  }
0x7d: {  	[sflag:s8] =	ssyncset.done $0x0  }
0x7e: {  	s0 =	rddreg [dreg:$0x1b];
	[sflag:s8] =	ssyncadd.s32 $0xFFFF6000  }
0x7f: {  	[tilespmem:s4], [sflag:$0x2] =	stream.indirect.gather [hbm4b:s3+s2], $0x40, s0, s2, $0xb8;
	[tilespmem:$0x15900] =	vst v63  }
0x80: {  	s1 =	rddreg [dreg:$0x1c]  }
0x81: {  	[tilespmem:s11], [sflag:$0x2] =	stream.indirect.gather [hbm4b:s3+s2], $0x40, s1, s2, $0xb8;
	[tilespmem:$0x15900] =	vst v63  }
0x82: {  	s0 =	rddreg [dreg:$0x1d]  }
0x83: {  	[tilespmem:s12], [sflag:$0x2] =	stream.indirect.gather [hbm4b:s3+s2], $0x40, s0, s2, $0xb8;
	[tilespmem:$0x15900] =	vst v63  }
0x84: {  	s1 =	rddreg [dreg:$0x1e]  }
0x85: {  	[tilespmem:s13], [sflag:$0x2] =	stream.indirect.gather [hbm4b:s3+s2], $0x40, s1, s2, $0xb8;
	[tilespmem:$0x15900] =	vst v63  }
0x86: {  	s0 =	rddreg [dreg:$0x1f]  }
0x87: {  	[tilespmem:s14], [sflag:$0x2] =	stream.indirect.gather [hbm4b:s3+s2], $0x40, s0, s2, $0xb8;
	[tilespmem:$0x15900] =	vst v63  }
0x88: {  	_ =	swait.ge [sflag:s10], $0x2000  }
0x89: {  	[sflag:s10] =	ssyncset.done $0x0  }
0x8a: {  	[sflag:s10] =	ssyncadd.s32 $0xFFFFE000  }
0x8b: {  	_ =	swait.ge [sflag:s10], $0x2000  }
0x8c: {  	[sflag:s10] =	ssyncset.done $0x0  }
0x8d: {  	[sflag:s10] =	ssyncadd.s32 $0xFFFFE000  }
0x8e: {  	_ =	swait.ge [sflag:s10], $0x2000  }
0x8f: {  	[sflag:s10] =	ssyncset.done $0x0  }
0x90: {  	[sflag:s10] =	ssyncadd.s32 $0xFFFFE000  }
0x91: {  	_ =	swait.ge [sflag:s10], $0x2000  }
0x92: {  	[sflag:s10] =	ssyncset.done $0x0  }
0x93: {  	[sflag:s10] =	ssyncadd.s32 $0xFFFFE000  }
0x94: {  	_ =	swait.ge [sflag:s10], $0x2000  }
0x95: {  	[sflag:s10] =	ssyncset.done $0x0  }
0x96: {  	s1 =	rddreg [dreg:$0x6];
	[sflag:s10] =	ssyncadd.s32 $0xFFFFE000  }
0x97: {  	[hbm4b:s1+s6] =	stream.strided.scatter [tilespmem:s5], [sflag:$0x3], $0xA000, s2, s6, $0x38;
	[tilespmem:$0x15900] =	vst v63  }
0x98: {  	_ =	swait.ge [sflag:s7], $0xA000  }
0x99: {  	s0 =	sld [smem:$0x7EA]  }
0x9a: {  	[sflag:s7] =	ssyncset.done $0x0  }
0x9b: {  	s1 =	sld [smem:$0x7EB];
	[sflag:s7] =	ssyncadd.s32 $0xFFFF6000  }
0x9c: {  	[tilespmem:s5], [sflag:$0x1] =	stream.indirect.gather [hbm4b:s3+s2], $0x40, s0, s2, $0xb8;
	[tilespmem:$0x15900] =	vst v63  }
0x9d: {  	s0 =	sld [smem:$0x7EC]  }
0x9e: {  	[tilespmem:s15], [sflag:$0x1] =	stream.indirect.gather [hbm4b:s3+s2], $0x40, s1, s2, $0xb8;
	[tilespmem:$0x15900] =	vst v63  }
0x9f: {  	s1 =	sld [smem:$0x7ED]  }
0xa0: {  	[tilespmem:s16], [sflag:$0x1] =	stream.indirect.gather [hbm4b:s3+s2], $0x40, s0, s2, $0xb8;
	[tilespmem:$0x15900] =	vst v63  }
0xa1: {  	s0 =	sld [smem:$0x7EE]  }
0xa2: {  	[tilespmem:s17], [sflag:$0x1] =	stream.indirect.gather [hbm4b:s3+s2], $0x40, s1, s2, $0xb8;
	[tilespmem:$0x15900] =	vst v63  }
0xa3: {  	_ = 	snop  }
0xa4: {  	[tilespmem:s18], [sflag:$0x1] =	stream.indirect.gather [hbm4b:s3+s2], $0x40, s0, s2, $0xb8;
	[tilespmem:$0x15900] =	vst v63  }
0xa5: {  	_ =	swait.ge [sflag:s9], $0x2000  }
0xa6: {  	[sflag:s9] =	ssyncset.done $0x0  }
0xa7: {  	[sflag:s9] =	ssyncadd.s32 $0xFFFFE000  }
0xa8: {  	_ =	swait.ge [sflag:s9], $0x2000  }
0xa9: {  	[sflag:s9] =	ssyncset.done $0x0  }
0xaa: {  	[sflag:s9] =	ssyncadd.s32 $0xFFFFE000  }
0xab: {  	_ =	swait.ge [sflag:s9], $0x2000  }
0xac: {  	[sflag:s9] =	ssyncset.done $0x0  }
0xad: {  	[sflag:s9] =	ssyncadd.s32 $0xFFFFE000  }
0xae: {  	_ =	swait.ge [sflag:s9], $0x2000  }
0xaf: {  	[sflag:s9] =	ssyncset.done $0x0  }
0xb0: {  	[sflag:s9] =	ssyncadd.s32 $0xFFFFE000  }
0xb1: {  	_ =	swait.ge [sflag:s9], $0x2000  }
0xb2: {  	[sflag:s9] =	ssyncset.done $0x0  }
0xb3: {  	s1 =	rddreg [dreg:$0x7];
	[sflag:s9] =	ssyncadd.s32 $0xFFFFE000  }
0xb4: {  	[hbm4b:s1+s6] =	stream.strided.scatter [tilespmem:s4], [sflag:$0x4], $0xA000, s2, s6, $0x38;
	[tilespmem:$0x15900] =	vst v63  }
0xb5: {  	_ =	swait.ge [sflag:s8], $0xA000  }
0xb6: {  	s0 =	sld [smem:$0x7EF]  }
0xb7: {  	[sflag:s8] =	ssyncset.done $0x0  }
0xb8: {  	s1 =	sld [smem:$0x7F0];
	[sflag:s8] =	ssyncadd.s32 $0xFFFF6000  }
0xb9: {  	[tilespmem:s4], [sflag:$0x2] =	stream.indirect.gather [hbm4b:s3+s2], $0x40, s0, s2, $0xb8;
	[tilespmem:$0x15900] =	vst v63  }
0xba: {  	s0 =	sld [smem:$0x7F1]  }
0xbb: {  	[tilespmem:s11], [sflag:$0x2] =	stream.indirect.gather [hbm4b:s3+s2], $0x40, s1, s2, $0xb8;
	[tilespmem:$0x15900] =	vst v63  }
0xbc: {  	s1 =	sld [smem:$0x7F2]  }
0xbd: {  	[tilespmem:s12], [sflag:$0x2] =	stream.indirect.gather [hbm4b:s3+s2], $0x40, s0, s2, $0xb8;
	[tilespmem:$0x15900] =	vst v63  }
0xbe: {  	s0 =	sld [smem:$0x7F3]  }
0xbf: {  	[tilespmem:s13], [sflag:$0x2] =	stream.indirect.gather [hbm4b:s3+s2], $0x40, s1, s2, $0xb8;
	[tilespmem:$0x15900] =	vst v63  }
0xc0: {  	_ = 	snop  }
0xc1: {  	[tilespmem:s14], [sflag:$0x2] =	stream.indirect.gather [hbm4b:s3+s2], $0x40, s0, s2, $0xb8;
	[tilespmem:$0x15900] =	vst v63  }
0xc2: {  	_ =	swait.ge [sflag:s10], $0x2000  }
0xc3: {  	[sflag:s10] =	ssyncset.done $0x0  }
0xc4: {  	[sflag:s10] =	ssyncadd.s32 $0xFFFFE000  }
0xc5: {  	_ =	swait.ge [sflag:s10], $0x2000  }
0xc6: {  	[sflag:s10] =	ssyncset.done $0x0  }
0xc7: {  	[sflag:s10] =	ssyncadd.s32 $0xFFFFE000  }
0xc8: {  	_ =	swait.ge [sflag:s10], $0x2000  }
0xc9: {  	[sflag:s10] =	ssyncset.done $0x0  }
0xca: {  	[sflag:s10] =	ssyncadd.s32 $0xFFFFE000  }
0xcb: {  	_ =	swait.ge [sflag:s10], $0x2000  }
0xcc: {  	[sflag:s10] =	ssyncset.done $0x0  }
0xcd: {  	[sflag:s10] =	ssyncadd.s32 $0xFFFFE000  }
0xce: {  	_ =	swait.ge [sflag:s10], $0x2000  }
0xcf: {  	[sflag:s10] =	ssyncset.done $0x0  }
0xd0: {  	s1 =	rddreg [dreg:$0x8];
	[sflag:s10] =	ssyncadd.s32 $0xFFFFE000  }
0xd1: {  	[hbm4b:s1+s6] =	stream.strided.scatter [tilespmem:s5], [sflag:$0x3], $0xA000, s2, s6, $0x38;
	[tilespmem:$0x15900] =	vst v63  }
0xd2: {  	_ =	swait.ge [sflag:s7], $0xA000  }
0xd3: {  	s0 =	sld [smem:$0x7F4]  }
0xd4: {  	[sflag:s7] =	ssyncset.done $0x0  }
0xd5: {  	s1 =	sld [smem:$0x7F5];
	[sflag:s7] =	ssyncadd.s32 $0xFFFF6000  }
0xd6: {  	[tilespmem:s5], [sflag:$0x1] =	stream.indirect.gather [hbm4b:s3+s2], $0x40, s0, s2, $0xb8;
	[tilespmem:$0x15900] =	vst v63  }
0xd7: {  	s0 =	sld [smem:$0x7F6]  }
0xd8: {  	[tilespmem:s15], [sflag:$0x1] =	stream.indirect.gather [hbm4b:s3+s2], $0x40, s1, s2, $0xb8;
	[tilespmem:$0x15900] =	vst v63  }
0xd9: {  	s1 =	sld [smem:$0x7F7]  }
0xda: {  	[tilespmem:s16], [sflag:$0x1] =	stream.indirect.gather [hbm4b:s3+s2], $0x40, s0, s2, $0xb8;
	[tilespmem:$0x15900] =	vst v63  }
0xdb: {  	s0 =	sld [smem:$0x7F8]  }
0xdc: {  	[tilespmem:s17], [sflag:$0x1] =	stream.indirect.gather [hbm4b:s3+s2], $0x40, s1, s2, $0xb8;
	[tilespmem:$0x15900] =	vst v63  }
0xdd: {  	_ = 	snop  }
0xde: {  	[tilespmem:s18], [sflag:$0x1] =	stream.indirect.gather [hbm4b:s3+s2], $0x40, s0, s2, $0xb8;
	[tilespmem:$0x15900] =	vst v63  }
0xdf: {  	_ =	swait.ge [sflag:s9], $0x2000  }
0xe0: {  	[sflag:s9] =	ssyncset.done $0x0  }
0xe1: {  	[sflag:s9] =	ssyncadd.s32 $0xFFFFE000  }
0xe2: {  	_ =	swait.ge [sflag:s9], $0x2000  }
0xe3: {  	[sflag:s9] =	ssyncset.done $0x0  }
0xe4: {  	[sflag:s9] =	ssyncadd.s32 $0xFFFFE000  }
0xe5: {  	_ =	swait.ge [sflag:s9], $0x2000  }
0xe6: {  	[sflag:s9] =	ssyncset.done $0x0  }
0xe7: {  	[sflag:s9] =	ssyncadd.s32 $0xFFFFE000  }
0xe8: {  	_ =	swait.ge [sflag:s9], $0x2000  }
0xe9: {  	[sflag:s9] =	ssyncset.done $0x0  }
0xea: {  	[sflag:s9] =	ssyncadd.s32 $0xFFFFE000  }
0xeb: {  	_ =	swait.ge [sflag:s9], $0x2000  }
0xec: {  	[sflag:s9] =	ssyncset.done $0x0  }
0xed: {  	s1 =	rddreg [dreg:$0x9];
	[sflag:s9] =	ssyncadd.s32 $0xFFFFE000  }
0xee: {  	[hbm4b:s1+s6] =	stream.strided.scatter [tilespmem:s4], [sflag:$0x4], $0xA000, s2, s6, $0x38;
	[tilespmem:$0x15900] =	vst v63  }
0xef: {  	_ =	swait.ge [sflag:s8], $0xA000  }
0xf0: {  	s0 =	sld [smem:$0x7F9]  }
0xf1: {  	[sflag:s8] =	ssyncset.done $0x0  }
0xf2: {  	s1 =	sld [smem:$0x7FA];
	[sflag:s8] =	ssyncadd.s32 $0xFFFF6000  }
0xf3: {  	[tilespmem:s4], [sflag:$0x2] =	stream.indirect.gather [hbm4b:s3+s2], $0x40, s0, s2, $0xb8;
	[tilespmem:$0x15900] =	vst v63  }
0xf4: {  	s0 =	sld [smem:$0x7FB]  }
0xf5: {  	[tilespmem:s11], [sflag:$0x2] =	stream.indirect.gather [hbm4b:s3+s2], $0x40, s1, s2, $0xb8;
	[tilespmem:$0x15900] =	vst v63  }
0xf6: {  	s1 =	sld [smem:$0x7FC]  }
0xf7: {  	[tilespmem:s12], [sflag:$0x2] =	stream.indirect.gather [hbm4b:s3+s2], $0x40, s0, s2, $0xb8;
	[tilespmem:$0x15900] =	vst v63  }
0xf8: {  	s0 =	sld [smem:$0x7FD]  }
0xf9: {  	[tilespmem:s13], [sflag:$0x2] =	stream.indirect.gather [hbm4b:s3+s2], $0x40, s1, s2, $0xb8;
	[tilespmem:$0x15900] =	vst v63  }
0xfa: {  	_ = 	snop  }
0xfb: {  	[tilespmem:s14], [sflag:$0x2] =	stream.indirect.gather [hbm4b:s3+s2], $0x40, s0, s2, $0xb8;
	[tilespmem:$0x15900] =	vst v63  }
0xfc: {  	_ =	swait.ge [sflag:s10], $0x2000  }
0xfd: {  	[sflag:s10] =	ssyncset.done $0x0  }
0xfe: {  	[sflag:s10] =	ssyncadd.s32 $0xFFFFE000  }
0xff: {  	_ =	swait.ge [sflag:s10], $0x2000  }
0x100: {  	[sflag:s10] =	ssyncset.done $0x0  }
0x101: {  	[sflag:s10] =	ssyncadd.s32 $0xFFFFE000  }
0x102: {  	_ =	swait.ge [sflag:s10], $0x2000  }
0x103: {  	[sflag:s10] =	ssyncset.done $0x0  }
0x104: {  	[sflag:s10] =	ssyncadd.s32 $0xFFFFE000  }
0x105: {  	_ =	swait.ge [sflag:s10], $0x2000  }
0x106: {  	[sflag:s10] =	ssyncset.done $0x0  }
0x107: {  	[sflag:s10] =	ssyncadd.s32 $0xFFFFE000  }
0x108: {  	_ =	swait.ge [sflag:s10], $0x2000  }
0x109: {  	[sflag:s10] =	ssyncset.done $0x0  }
0x10a: {  	s1 =	rddreg [dreg:$0xa];
	[sflag:s10] =	ssyncadd.s32 $0xFFFFE000  }
0x10b: {  	[hbm4b:s1+s6] =	stream.strided.scatter [tilespmem:s5], [sflag:$0x3], $0xA000, s2, s6, $0x38;
	[tilespmem:$0x15900] =	vst v63  }
0x10c: {  	_ =	swait.ge [sflag:s7], $0xA000  }
0x10d: {  	[sflag:s7] =	ssyncset.done $0x0  }
0x10e: {  	s1 =	simm.s32 $0x1400;
	[sflag:s7] =	ssyncadd.s32 $0xFFFF6000  }
0x10f: {  	[tilespmem:s5], [sflag:$0x1] =	stream.indirect.gather [hbm4b:s3+s2], $0x40, s1, s2, $0xb8;
	[tilespmem:$0x15900] =	vst v63  }
0x110: {  	_ = 	snop  }
0x111: {  	[tilespmem:s15], [sflag:$0x1] =	stream.indirect.gather [hbm4b:s3+s2], $0x40, s26, s2, $0xb8;
	[tilespmem:$0x15900] =	vst v63  }
0x112: {  	_ = 	snop  }
0x113: {  	[tilespmem:s16], [sflag:$0x1] =	stream.indirect.gather [hbm4b:s3+s2], $0x40, s28, s2, $0xb8;
	[tilespmem:$0x15900] =	vst v63  }
0x114: {  	_ = 	snop  }
0x115: {  	[tilespmem:s17], [sflag:$0x1] =	stream.indirect.gather [hbm4b:s3+s2], $0x40, s29, s2, $0xb8;
	[tilespmem:$0x15900] =	vst v63  }
0x116: {  	_ = 	snop  }
0x117: {  	[tilespmem:s18], [sflag:$0x1] =	stream.indirect.gather [hbm4b:s3+s2], $0x40, s25, s2, $0xb8;
	[tilespmem:$0x15900] =	vst v63  }
0x118: {  	_ =	swait.ge [sflag:s9], $0x2000  }
0x119: {  	[sflag:s9] =	ssyncset.done $0x0  }
0x11a: {  	[sflag:s9] =	ssyncadd.s32 $0xFFFFE000  }
0x11b: {  	_ =	swait.ge [sflag:s9], $0x2000  }
0x11c: {  	[sflag:s9] =	ssyncset.done $0x0  }
0x11d: {  	[sflag:s9] =	ssyncadd.s32 $0xFFFFE000  }
0x11e: {  	_ =	swait.ge [sflag:s9], $0x2000  }
0x11f: {  	[sflag:s9] =	ssyncset.done $0x0  }
0x120: {  	[sflag:s9] =	ssyncadd.s32 $0xFFFFE000  }
0x121: {  	_ =	swait.ge [sflag:s9], $0x2000  }
0x122: {  	[sflag:s9] =	ssyncset.done $0x0  }
0x123: {  	[sflag:s9] =	ssyncadd.s32 $0xFFFFE000  }
0x124: {  	_ =	swait.ge [sflag:s9], $0x2000  }
0x125: {  	[sflag:s9] =	ssyncset.done $0x0  }
0x126: {  	s1 =	rddreg [dreg:$0xb];
	[sflag:s9] =	ssyncadd.s32 $0xFFFFE000  }
0x127: {  	[hbm4b:s1+s6] =	stream.strided.scatter [tilespmem:s4], [sflag:$0x4], $0xA000, s2, s6, $0x38;
	[tilespmem:$0x15900] =	vst v63  }
0x128: {  	_ =	swait.ge [sflag:s8], $0xA000  }
0x129: {  	[sflag:s8] =	ssyncset.done $0x0  }
0x12a: {  	[sflag:s8] =	ssyncadd.s32 $0xFFFF6000  }
0x12b: {  	[tilespmem:s4], [sflag:$0x2] =	stream.indirect.gather [hbm4b:s3+s2], $0x40, s20, s2, $0xb8;
	[tilespmem:$0x15900] =	vst v63  }
0x12c: {  	_ = 	snop  }
0x12d: {  	[tilespmem:s11], [sflag:$0x2] =	stream.indirect.gather [hbm4b:s3+s2], $0x40, s21, s2, $0xb8;
	[tilespmem:$0x15900] =	vst v63  }
0x12e: {  	_ = 	snop  }
0x12f: {  	[tilespmem:s12], [sflag:$0x2] =	stream.indirect.gather [hbm4b:s3+s2], $0x40, s22, s2, $0xb8;
	[tilespmem:$0x15900] =	vst v63  }
0x130: {  	_ = 	snop  }
0x131: {  	[tilespmem:s13], [sflag:$0x2] =	stream.indirect.gather [hbm4b:s3+s2], $0x40, s23, s2, $0xb8;
	[tilespmem:$0x15900] =	vst v63  }
0x132: {  	_ = 	snop  }
0x133: {  	[tilespmem:s14], [sflag:$0x2] =	stream.indirect.gather [hbm4b:s3+s2], $0x40, s24, s2, $0xb8;
	[tilespmem:$0x15900] =	vst v63  }
0x134: {  	_ =	swait.ge [sflag:s10], $0x2000  }
0x135: {  	[sflag:s10] =	ssyncset.done $0x0  }
0x136: {  	[sflag:s10] =	ssyncadd.s32 $0xFFFFE000  }
0x137: {  	_ =	swait.ge [sflag:s10], $0x2000  }
0x138: {  	[sflag:s10] =	ssyncset.done $0x0  }
0x139: {  	[sflag:s10] =	ssyncadd.s32 $0xFFFFE000  }
0x13a: {  	_ =	swait.ge [sflag:s10], $0x2000  }
0x13b: {  	[sflag:s10] =	ssyncset.done $0x0  }
0x13c: {  	[sflag:s10] =	ssyncadd.s32 $0xFFFFE000  }
0x13d: {  	_ =	swait.ge [sflag:s10], $0x2000  }
0x13e: {  	[sflag:s10] =	ssyncset.done $0x0  }
0x13f: {  	[sflag:s10] =	ssyncadd.s32 $0xFFFFE000  }
0x140: {  	_ =	swait.ge [sflag:s10], $0x2000  }
0x141: {  	[sflag:s10] =	ssyncset.done $0x0  }
0x142: {  	s1 =	rddreg [dreg:$0xc];
	[sflag:s10] =	ssyncadd.s32 $0xFFFFE000  }
0x143: {  	[hbm4b:s1+s6] =	stream.strided.scatter [tilespmem:s5], [sflag:$0x3], $0xA000, s2, s6, $0x38;
	[tilespmem:$0x15900] =	vst v63  }
0x144: {  	_ =	swait.ge [sflag:s9], $0x2000  }
0x145: {  	[sflag:s9] =	ssyncset.done $0x0  }
0x146: {  	[sflag:s9] =	ssyncadd.s32 $0xFFFFE000  }
0x147: {  	_ =	swait.ge [sflag:s9], $0x2000  }
0x148: {  	[sflag:s9] =	ssyncset.done $0x0  }
0x149: {  	[sflag:s9] =	ssyncadd.s32 $0xFFFFE000  }
0x14a: {  	_ =	swait.ge [sflag:s9], $0x2000  }
0x14b: {  	[sflag:s9] =	ssyncset.done $0x0  }
0x14c: {  	[sflag:s9] =	ssyncadd.s32 $0xFFFFE000  }
0x14d: {  	_ =	swait.ge [sflag:s9], $0x2000  }
0x14e: {  	[sflag:s9] =	ssyncset.done $0x0  }
0x14f: {  	[sflag:s9] =	ssyncadd.s32 $0xFFFFE000  }
0x150: {  	_ =	swait.ge [sflag:s9], $0x2000  }
0x151: {  	[sflag:s9] =	ssyncset.done $0x0  }
0x152: {  	p1 =	sne.s32 s19, $0x1;
	s1 =	rddreg [dreg:$0xd];
	[sflag:s9] =	ssyncadd.s32 $0xFFFFE000  }
0x153: {  	[hbm4b:s1+s6] =	stream.strided.scatter [tilespmem:s4], [sflag:$0x4], $0xA000, s2, s6, $0x38;
	[tilespmem:$0x15900] =	vst v63  }
.Ltmp1:
0x154: {  	_ =	swait.ge [sflag:s7], $0xA000;
	(pc) =	sbr.rel @!p1 .LBB2_3-.Ltmp1, $4  }
0x155: {  	[sflag:s7] =	ssyncset.done $0x0  }
0x156: {  	[sflag:s7] =	ssyncadd.s32 $0xFFFF6000  }
0x157: {  	p0 =	por $0x1, $0x1;
	_ =	swait.ge [sflag:s8], $0xA000  }
0x158: {  	s1 =	sadd.s32 $0xFFFFFFFF, s19;
	s0 =	rddreg [dreg:$0x3];
	[sflag:s8] =	ssyncset.done $0x0  }
.LBB2_4:
0x159: {  	[sflag:s8] =	ssyncadd.s32 $0xFFFF6000  }
0x15a: {  	[tilespmem:s30], [sflag:$0x5] =	stream.linear.gather [hbm4b:s0+s30], $0x1900, $0x38;
	[tilespmem:$0x15900] =	vst v63  }
0x15b: {  	_ =	swait.ge [sflag:s31], $0x1900  }
0x15c: {  	[sflag:s31] =	ssyncset.done $0x0  }
0x15d: {  	[sflag:s31] =	ssyncadd.s32 $0xFFFFE700  }
0x15e: {  	[tilespmem:s5], [sflag:$0x1] =	stream.indirect.gather [hbm4b:s3+s2], $0x40, s30, s2, $0xb8;
	[tilespmem:$0x15900] =	vst v63  }
0x15f: {  	_ = 	snop  }
0x160: {  	[tilespmem:s15], [sflag:$0x1] =	stream.indirect.gather [hbm4b:s3+s2], $0x40, s2, s2, $0xb8;
	[tilespmem:$0x15900] =	vst v63  }
0x161: {  	s0 =	rddreg [dreg:$0xe]  }
0x162: {  	[tilespmem:s16], [sflag:$0x1] =	stream.indirect.gather [hbm4b:s3+s2], $0x40, s0, s2, $0xb8;
	[tilespmem:$0x15900] =	vst v63  }
0x163: {  	s19 =	rddreg [dreg:$0xf]  }
0x164: {  	[tilespmem:s17], [sflag:$0x1] =	stream.indirect.gather [hbm4b:s3+s2], $0x40, s19, s2, $0xb8;
	[tilespmem:$0x15900] =	vst v63  }
0x165: {  	s0 =	rddreg [dreg:$0x10]  }
0x166: {  	[tilespmem:s18], [sflag:$0x1] =	stream.indirect.gather [hbm4b:s3+s2], $0x40, s0, s2, $0xb8;
	[tilespmem:$0x15900] =	vst v63  }
0x167: {  	s19 =	rddreg [dreg:$0x11]  }
0x168: {  	[tilespmem:s4], [sflag:$0x2] =	stream.indirect.gather [hbm4b:s3+s2], $0x40, s19, s2, $0xb8;
	[tilespmem:$0x15900] =	vst v63  }
0x169: {  	s0 =	rddreg [dreg:$0x12]  }
0x16a: {  	[tilespmem:s11], [sflag:$0x2] =	stream.indirect.gather [hbm4b:s3+s2], $0x40, s0, s2, $0xb8;
	[tilespmem:$0x15900] =	vst v63  }
0x16b: {  	s19 =	rddreg [dreg:$0x13]  }
0x16c: {  	[tilespmem:s12], [sflag:$0x2] =	stream.indirect.gather [hbm4b:s3+s2], $0x40, s19, s2, $0xb8;
	[tilespmem:$0x15900] =	vst v63  }
0x16d: {  	s0 =	rddreg [dreg:$0x14]  }
0x16e: {  	[tilespmem:s13], [sflag:$0x2] =	stream.indirect.gather [hbm4b:s3+s2], $0x40, s0, s2, $0xb8;
	[tilespmem:$0x15900] =	vst v63  }
0x16f: {  	s19 =	rddreg [dreg:$0x15]  }
0x170: {  	[tilespmem:s14], [sflag:$0x2] =	stream.indirect.gather [hbm4b:s3+s2], $0x40, s19, s2, $0xb8;
	[tilespmem:$0x15900] =	vst v63  }
0x171: {  	_ =	swait.ge [sflag:s10], $0x2000  }
0x172: {  	[sflag:s10] =	ssyncset.done $0x0  }
0x173: {  	[sflag:s10] =	ssyncadd.s32 $0xFFFFE000  }
0x174: {  	_ =	swait.ge [sflag:s10], $0x2000  }
0x175: {  	[sflag:s10] =	ssyncset.done $0x0  }
0x176: {  	[sflag:s10] =	ssyncadd.s32 $0xFFFFE000  }
0x177: {  	_ =	swait.ge [sflag:s10], $0x2000  }
0x178: {  	[sflag:s10] =	ssyncset.done $0x0  }
0x179: {  	[sflag:s10] =	ssyncadd.s32 $0xFFFFE000  }
0x17a: {  	_ =	swait.ge [sflag:s10], $0x2000  }
0x17b: {  	[sflag:s10] =	ssyncset.done $0x0  }
0x17c: {  	[sflag:s10] =	ssyncadd.s32 $0xFFFFE000  }
0x17d: {  	_ =	swait.ge [sflag:s10], $0x2000  }
0x17e: {  	[sflag:s10] =	ssyncset.done $0x0  }
0x17f: {  	s19 =	rddreg [dreg:$0x4];
	[sflag:s10] =	ssyncadd.s32 $0xFFFFE000  }
0x180: {  	[hbm4b:s19+s6] =	stream.strided.scatter [tilespmem:s5], [sflag:$0x3], $0xA000, s2, s6, $0x38;
	[tilespmem:$0x15900] =	vst v63  }
0x181: {  	_ =	swait.ge [sflag:s7], $0xA000  }
0x182: {  	[sflag:s7] =	ssyncset.done $0x0  }
0x183: {  	s0 =	rddreg [dreg:$0x16];
	[sflag:s7] =	ssyncadd.s32 $0xFFFF6000  }
0x184: {  	[tilespmem:s5], [sflag:$0x1] =	stream.indirect.gather [hbm4b:s3+s2], $0x40, s0, s2, $0xb8;
	[tilespmem:$0x15900] =	vst v63  }
0x185: {  	s19 =	rddreg [dreg:$0x17]  }
0x186: {  	[tilespmem:s15], [sflag:$0x1] =	stream.indirect.gather [hbm4b:s3+s2], $0x40, s19, s2, $0xb8;
	[tilespmem:$0x15900] =	vst v63  }
0x187: {  	s0 =	rddreg [dreg:$0x18]  }
0x188: {  	[tilespmem:s16], [sflag:$0x1] =	stream.indirect.gather [hbm4b:s3+s2], $0x40, s0, s2, $0xb8;
	[tilespmem:$0x15900] =	vst v63  }
0x189: {  	s19 =	rddreg [dreg:$0x19]  }
0x18a: {  	[tilespmem:s17], [sflag:$0x1] =	stream.indirect.gather [hbm4b:s3+s2], $0x40, s19, s2, $0xb8;
	[tilespmem:$0x15900] =	vst v63  }
0x18b: {  	s0 =	rddreg [dreg:$0x1a]  }
0x18c: {  	[tilespmem:s18], [sflag:$0x1] =	stream.indirect.gather [hbm4b:s3+s2], $0x40, s0, s2, $0xb8;
	[tilespmem:$0x15900] =	vst v63  }
0x18d: {  	_ =	swait.ge [sflag:s9], $0x2000  }
0x18e: {  	[sflag:s9] =	ssyncset.done $0x0  }
0x18f: {  	[sflag:s9] =	ssyncadd.s32 $0xFFFFE000  }
0x190: {  	_ =	swait.ge [sflag:s9], $0x2000  }
0x191: {  	[sflag:s9] =	ssyncset.done $0x0  }
0x192: {  	[sflag:s9] =	ssyncadd.s32 $0xFFFFE000  }
0x193: {  	_ =	swait.ge [sflag:s9], $0x2000  }
0x194: {  	[sflag:s9] =	ssyncset.done $0x0  }
0x195: {  	[sflag:s9] =	ssyncadd.s32 $0xFFFFE000  }
0x196: {  	_ =	swait.ge [sflag:s9], $0x2000  }
0x197: {  	[sflag:s9] =	ssyncset.done $0x0  }
0x198: {  	[sflag:s9] =	ssyncadd.s32 $0xFFFFE000  }
0x199: {  	_ =	swait.ge [sflag:s9], $0x2000  }
0x19a: {  	[sflag:s9] =	ssyncset.done $0x0  }
0x19b: {  	s19 =	rddreg [dreg:$0x5];
	[sflag:s9] =	ssyncadd.s32 $0xFFFFE000  }
0x19c: {  	[hbm4b:s19+s6] =	stream.strided.scatter [tilespmem:s4], [sflag:$0x4], $0xA000, s2, s6, $0x38;
	[tilespmem:$0x15900] =	vst v63  }
0x19d: {  	_ =	swait.ge [sflag:s8], $0xA000  }
0x19e: {  	[sflag:s8] =	ssyncset.done $0x0  }
0x19f: {  	s0 =	rddreg [dreg:$0x1b];
	[sflag:s8] =	ssyncadd.s32 $0xFFFF6000  }
0x1a0: {  	[tilespmem:s4], [sflag:$0x2] =	stream.indirect.gather [hbm4b:s3+s2], $0x40, s0, s2, $0xb8;
	[tilespmem:$0x15900] =	vst v63  }
0x1a1: {  	s19 =	rddreg [dreg:$0x1c]  }
0x1a2: {  	[tilespmem:s11], [sflag:$0x2] =	stream.indirect.gather [hbm4b:s3+s2], $0x40, s19, s2, $0xb8;
	[tilespmem:$0x15900] =	vst v63  }
0x1a3: {  	s0 =	rddreg [dreg:$0x1d]  }
0x1a4: {  	[tilespmem:s12], [sflag:$0x2] =	stream.indirect.gather [hbm4b:s3+s2], $0x40, s0, s2, $0xb8;
	[tilespmem:$0x15900] =	vst v63  }
0x1a5: {  	s19 =	rddreg [dreg:$0x1e]  }
0x1a6: {  	[tilespmem:s13], [sflag:$0x2] =	stream.indirect.gather [hbm4b:s3+s2], $0x40, s19, s2, $0xb8;
	[tilespmem:$0x15900] =	vst v63  }
0x1a7: {  	s0 =	rddreg [dreg:$0x1f]  }
0x1a8: {  	[tilespmem:s14], [sflag:$0x2] =	stream.indirect.gather [hbm4b:s3+s2], $0x40, s0, s2, $0xb8;
	[tilespmem:$0x15900] =	vst v63  }
0x1a9: {  	_ =	swait.ge [sflag:s10], $0x2000  }
0x1aa: {  	[sflag:s10] =	ssyncset.done $0x0  }
0x1ab: {  	[sflag:s10] =	ssyncadd.s32 $0xFFFFE000  }
0x1ac: {  	_ =	swait.ge [sflag:s10], $0x2000  }
0x1ad: {  	[sflag:s10] =	ssyncset.done $0x0  }
0x1ae: {  	[sflag:s10] =	ssyncadd.s32 $0xFFFFE000  }
0x1af: {  	_ =	swait.ge [sflag:s10], $0x2000  }
0x1b0: {  	[sflag:s10] =	ssyncset.done $0x0  }
0x1b1: {  	[sflag:s10] =	ssyncadd.s32 $0xFFFFE000  }
0x1b2: {  	_ =	swait.ge [sflag:s10], $0x2000  }
0x1b3: {  	[sflag:s10] =	ssyncset.done $0x0  }
0x1b4: {  	[sflag:s10] =	ssyncadd.s32 $0xFFFFE000  }
0x1b5: {  	_ =	swait.ge [sflag:s10], $0x2000  }
0x1b6: {  	[sflag:s10] =	ssyncset.done $0x0  }
0x1b7: {  	s19 =	rddreg [dreg:$0x6];
	[sflag:s10] =	ssyncadd.s32 $0xFFFFE000  }
0x1b8: {  	[hbm4b:s19+s6] =	stream.strided.scatter [tilespmem:s5], [sflag:$0x3], $0xA000, s2, s6, $0x38;
	[tilespmem:$0x15900] =	vst v63  }
0x1b9: {  	_ =	swait.ge [sflag:s7], $0xA000  }
0x1ba: {  	s0 =	sld [smem:$0x7EA]  }
0x1bb: {  	[sflag:s7] =	ssyncset.done $0x0  }
0x1bc: {  	s19 =	sld [smem:$0x7EB];
	[sflag:s7] =	ssyncadd.s32 $0xFFFF6000  }
0x1bd: {  	[tilespmem:s5], [sflag:$0x1] =	stream.indirect.gather [hbm4b:s3+s2], $0x40, s0, s2, $0xb8;
	[tilespmem:$0x15900] =	vst v63  }
0x1be: {  	s0 =	sld [smem:$0x7EC]  }
0x1bf: {  	[tilespmem:s15], [sflag:$0x1] =	stream.indirect.gather [hbm4b:s3+s2], $0x40, s19, s2, $0xb8;
	[tilespmem:$0x15900] =	vst v63  }
0x1c0: {  	s19 =	sld [smem:$0x7ED]  }
0x1c1: {  	[tilespmem:s16], [sflag:$0x1] =	stream.indirect.gather [hbm4b:s3+s2], $0x40, s0, s2, $0xb8;
	[tilespmem:$0x15900] =	vst v63  }
0x1c2: {  	s0 =	sld [smem:$0x7EE]  }
0x1c3: {  	[tilespmem:s17], [sflag:$0x1] =	stream.indirect.gather [hbm4b:s3+s2], $0x40, s19, s2, $0xb8;
	[tilespmem:$0x15900] =	vst v63  }
0x1c4: {  	_ = 	snop  }
0x1c5: {  	[tilespmem:s18], [sflag:$0x1] =	stream.indirect.gather [hbm4b:s3+s2], $0x40, s0, s2, $0xb8;
	[tilespmem:$0x15900] =	vst v63  }
0x1c6: {  	_ =	swait.ge [sflag:s9], $0x2000  }
0x1c7: {  	[sflag:s9] =	ssyncset.done $0x0  }
0x1c8: {  	[sflag:s9] =	ssyncadd.s32 $0xFFFFE000  }
0x1c9: {  	_ =	swait.ge [sflag:s9], $0x2000  }
0x1ca: {  	[sflag:s9] =	ssyncset.done $0x0  }
0x1cb: {  	[sflag:s9] =	ssyncadd.s32 $0xFFFFE000  }
0x1cc: {  	_ =	swait.ge [sflag:s9], $0x2000  }
0x1cd: {  	[sflag:s9] =	ssyncset.done $0x0  }
0x1ce: {  	[sflag:s9] =	ssyncadd.s32 $0xFFFFE000  }
0x1cf: {  	_ =	swait.ge [sflag:s9], $0x2000  }
0x1d0: {  	[sflag:s9] =	ssyncset.done $0x0  }
0x1d1: {  	[sflag:s9] =	ssyncadd.s32 $0xFFFFE000  }
0x1d2: {  	_ =	swait.ge [sflag:s9], $0x2000  }
0x1d3: {  	[sflag:s9] =	ssyncset.done $0x0  }
0x1d4: {  	s19 =	rddreg [dreg:$0x7];
	[sflag:s9] =	ssyncadd.s32 $0xFFFFE000  }
0x1d5: {  	[hbm4b:s19+s6] =	stream.strided.scatter [tilespmem:s4], [sflag:$0x4], $0xA000, s2, s6, $0x38;
	[tilespmem:$0x15900] =	vst v63  }
0x1d6: {  	_ =	swait.ge [sflag:s8], $0xA000  }
0x1d7: {  	s0 =	sld [smem:$0x7EF]  }
0x1d8: {  	[sflag:s8] =	ssyncset.done $0x0  }
0x1d9: {  	s19 =	sld [smem:$0x7F0];
	[sflag:s8] =	ssyncadd.s32 $0xFFFF6000  }
0x1da: {  	[tilespmem:s4], [sflag:$0x2] =	stream.indirect.gather [hbm4b:s3+s2], $0x40, s0, s2, $0xb8;
	[tilespmem:$0x15900] =	vst v63  }
0x1db: {  	s0 =	sld [smem:$0x7F1]  }
0x1dc: {  	[tilespmem:s11], [sflag:$0x2] =	stream.indirect.gather [hbm4b:s3+s2], $0x40, s19, s2, $0xb8;
	[tilespmem:$0x15900] =	vst v63  }
0x1dd: {  	s19 =	sld [smem:$0x7F2]  }
0x1de: {  	[tilespmem:s12], [sflag:$0x2] =	stream.indirect.gather [hbm4b:s3+s2], $0x40, s0, s2, $0xb8;
	[tilespmem:$0x15900] =	vst v63  }
0x1df: {  	s0 =	sld [smem:$0x7F3]  }
0x1e0: {  	[tilespmem:s13], [sflag:$0x2] =	stream.indirect.gather [hbm4b:s3+s2], $0x40, s19, s2, $0xb8;
	[tilespmem:$0x15900] =	vst v63  }
0x1e1: {  	_ = 	snop  }
0x1e2: {  	[tilespmem:s14], [sflag:$0x2] =	stream.indirect.gather [hbm4b:s3+s2], $0x40, s0, s2, $0xb8;
	[tilespmem:$0x15900] =	vst v63  }
0x1e3: {  	_ =	swait.ge [sflag:s10], $0x2000  }
0x1e4: {  	[sflag:s10] =	ssyncset.done $0x0  }
0x1e5: {  	[sflag:s10] =	ssyncadd.s32 $0xFFFFE000  }
0x1e6: {  	_ =	swait.ge [sflag:s10], $0x2000  }
0x1e7: {  	[sflag:s10] =	ssyncset.done $0x0  }
0x1e8: {  	[sflag:s10] =	ssyncadd.s32 $0xFFFFE000  }
0x1e9: {  	_ =	swait.ge [sflag:s10], $0x2000  }
0x1ea: {  	[sflag:s10] =	ssyncset.done $0x0  }
0x1eb: {  	[sflag:s10] =	ssyncadd.s32 $0xFFFFE000  }
0x1ec: {  	_ =	swait.ge [sflag:s10], $0x2000  }
0x1ed: {  	[sflag:s10] =	ssyncset.done $0x0  }
0x1ee: {  	[sflag:s10] =	ssyncadd.s32 $0xFFFFE000  }
0x1ef: {  	_ =	swait.ge [sflag:s10], $0x2000  }
0x1f0: {  	[sflag:s10] =	ssyncset.done $0x0  }
0x1f1: {  	s19 =	rddreg [dreg:$0x8];
	[sflag:s10] =	ssyncadd.s32 $0xFFFFE000  }
0x1f2: {  	[hbm4b:s19+s6] =	stream.strided.scatter [tilespmem:s5], [sflag:$0x3], $0xA000, s2, s6, $0x38;
	[tilespmem:$0x15900] =	vst v63  }
0x1f3: {  	_ =	swait.ge [sflag:s7], $0xA000  }
0x1f4: {  	s0 =	sld [smem:$0x7F4]  }
0x1f5: {  	[sflag:s7] =	ssyncset.done $0x0  }
0x1f6: {  	s19 =	sld [smem:$0x7F5];
	[sflag:s7] =	ssyncadd.s32 $0xFFFF6000  }
0x1f7: {  	[tilespmem:s5], [sflag:$0x1] =	stream.indirect.gather [hbm4b:s3+s2], $0x40, s0, s2, $0xb8;
	[tilespmem:$0x15900] =	vst v63  }
0x1f8: {  	s0 =	sld [smem:$0x7F6]  }
0x1f9: {  	[tilespmem:s15], [sflag:$0x1] =	stream.indirect.gather [hbm4b:s3+s2], $0x40, s19, s2, $0xb8;
	[tilespmem:$0x15900] =	vst v63  }
0x1fa: {  	s19 =	sld [smem:$0x7F7]  }
0x1fb: {  	[tilespmem:s16], [sflag:$0x1] =	stream.indirect.gather [hbm4b:s3+s2], $0x40, s0, s2, $0xb8;
	[tilespmem:$0x15900] =	vst v63  }
0x1fc: {  	s0 =	sld [smem:$0x7F8]  }
0x1fd: {  	[tilespmem:s17], [sflag:$0x1] =	stream.indirect.gather [hbm4b:s3+s2], $0x40, s19, s2, $0xb8;
	[tilespmem:$0x15900] =	vst v63  }
0x1fe: {  	_ = 	snop  }
0x1ff: {  	[tilespmem:s18], [sflag:$0x1] =	stream.indirect.gather [hbm4b:s3+s2], $0x40, s0, s2, $0xb8;
	[tilespmem:$0x15900] =	vst v63  }
0x200: {  	_ =	swait.ge [sflag:s9], $0x2000  }
0x201: {  	[sflag:s9] =	ssyncset.done $0x0  }
0x202: {  	[sflag:s9] =	ssyncadd.s32 $0xFFFFE000  }
0x203: {  	_ =	swait.ge [sflag:s9], $0x2000  }
0x204: {  	[sflag:s9] =	ssyncset.done $0x0  }
0x205: {  	[sflag:s9] =	ssyncadd.s32 $0xFFFFE000  }
0x206: {  	_ =	swait.ge [sflag:s9], $0x2000  }
0x207: {  	[sflag:s9] =	ssyncset.done $0x0  }
0x208: {  	[sflag:s9] =	ssyncadd.s32 $0xFFFFE000  }
0x209: {  	_ =	swait.ge [sflag:s9], $0x2000  }
0x20a: {  	[sflag:s9] =	ssyncset.done $0x0  }
0x20b: {  	[sflag:s9] =	ssyncadd.s32 $0xFFFFE000  }
0x20c: {  	_ =	swait.ge [sflag:s9], $0x2000  }
0x20d: {  	[sflag:s9] =	ssyncset.done $0x0  }
0x20e: {  	s19 =	rddreg [dreg:$0x9];
	[sflag:s9] =	ssyncadd.s32 $0xFFFFE000  }
0x20f: {  	[hbm4b:s19+s6] =	stream.strided.scatter [tilespmem:s4], [sflag:$0x4], $0xA000, s2, s6, $0x38;
	[tilespmem:$0x15900] =	vst v63  }
0x210: {  	_ =	swait.ge [sflag:s8], $0xA000  }
0x211: {  	s0 =	sld [smem:$0x7F9]  }
0x212: {  	[sflag:s8] =	ssyncset.done $0x0  }
0x213: {  	s19 =	sld [smem:$0x7FA];
	[sflag:s8] =	ssyncadd.s32 $0xFFFF6000  }
0x214: {  	[tilespmem:s4], [sflag:$0x2] =	stream.indirect.gather [hbm4b:s3+s2], $0x40, s0, s2, $0xb8;
	[tilespmem:$0x15900] =	vst v63  }
0x215: {  	s0 =	sld [smem:$0x7FB]  }
0x216: {  	[tilespmem:s11], [sflag:$0x2] =	stream.indirect.gather [hbm4b:s3+s2], $0x40, s19, s2, $0xb8;
	[tilespmem:$0x15900] =	vst v63  }
0x217: {  	s19 =	sld [smem:$0x7FC]  }
0x218: {  	[tilespmem:s12], [sflag:$0x2] =	stream.indirect.gather [hbm4b:s3+s2], $0x40, s0, s2, $0xb8;
	[tilespmem:$0x15900] =	vst v63  }
0x219: {  	s0 =	sld [smem:$0x7FD]  }
0x21a: {  	[tilespmem:s13], [sflag:$0x2] =	stream.indirect.gather [hbm4b:s3+s2], $0x40, s19, s2, $0xb8;
	[tilespmem:$0x15900] =	vst v63  }
0x21b: {  	_ = 	snop  }
0x21c: {  	[tilespmem:s14], [sflag:$0x2] =	stream.indirect.gather [hbm4b:s3+s2], $0x40, s0, s2, $0xb8;
	[tilespmem:$0x15900] =	vst v63  }
0x21d: {  	_ =	swait.ge [sflag:s10], $0x2000  }
0x21e: {  	[sflag:s10] =	ssyncset.done $0x0  }
0x21f: {  	[sflag:s10] =	ssyncadd.s32 $0xFFFFE000  }
0x220: {  	_ =	swait.ge [sflag:s10], $0x2000  }
0x221: {  	[sflag:s10] =	ssyncset.done $0x0  }
0x222: {  	[sflag:s10] =	ssyncadd.s32 $0xFFFFE000  }
0x223: {  	_ =	swait.ge [sflag:s10], $0x2000  }
0x224: {  	[sflag:s10] =	ssyncset.done $0x0  }
0x225: {  	[sflag:s10] =	ssyncadd.s32 $0xFFFFE000  }
0x226: {  	_ =	swait.ge [sflag:s10], $0x2000  }
0x227: {  	[sflag:s10] =	ssyncset.done $0x0  }
0x228: {  	[sflag:s10] =	ssyncadd.s32 $0xFFFFE000  }
0x229: {  	_ =	swait.ge [sflag:s10], $0x2000  }
0x22a: {  	[sflag:s10] =	ssyncset.done $0x0  }
0x22b: {  	s19 =	rddreg [dreg:$0xa];
	[sflag:s10] =	ssyncadd.s32 $0xFFFFE000  }
0x22c: {  	[hbm4b:s19+s6] =	stream.strided.scatter [tilespmem:s5], [sflag:$0x3], $0xA000, s2, s6, $0x38;
	[tilespmem:$0x15900] =	vst v63  }
0x22d: {  	_ =	swait.ge [sflag:s7], $0xA000  }
0x22e: {  	[sflag:s7] =	ssyncset.done $0x0  }
0x22f: {  	s19 =	simm.s32 $0x1400;
	[sflag:s7] =	ssyncadd.s32 $0xFFFF6000  }
0x230: {  	[tilespmem:s5], [sflag:$0x1] =	stream.indirect.gather [hbm4b:s3+s2], $0x40, s19, s2, $0xb8;
	[tilespmem:$0x15900] =	vst v63  }
0x231: {  	_ = 	snop  }
0x232: {  	[tilespmem:s15], [sflag:$0x1] =	stream.indirect.gather [hbm4b:s3+s2], $0x40, s26, s2, $0xb8;
	[tilespmem:$0x15900] =	vst v63  }
0x233: {  	_ = 	snop  }
0x234: {  	[tilespmem:s16], [sflag:$0x1] =	stream.indirect.gather [hbm4b:s3+s2], $0x40, s28, s2, $0xb8;
	[tilespmem:$0x15900] =	vst v63  }
0x235: {  	_ = 	snop  }
0x236: {  	[tilespmem:s17], [sflag:$0x1] =	stream.indirect.gather [hbm4b:s3+s2], $0x40, s29, s2, $0xb8;
	[tilespmem:$0x15900] =	vst v63  }
0x237: {  	_ = 	snop  }
0x238: {  	[tilespmem:s18], [sflag:$0x1] =	stream.indirect.gather [hbm4b:s3+s2], $0x40, s25, s2, $0xb8;
	[tilespmem:$0x15900] =	vst v63  }
0x239: {  	_ =	swait.ge [sflag:s9], $0x2000  }
0x23a: {  	[sflag:s9] =	ssyncset.done $0x0  }
0x23b: {  	[sflag:s9] =	ssyncadd.s32 $0xFFFFE000  }
0x23c: {  	_ =	swait.ge [sflag:s9], $0x2000  }
0x23d: {  	[sflag:s9] =	ssyncset.done $0x0  }
0x23e: {  	[sflag:s9] =	ssyncadd.s32 $0xFFFFE000  }
0x23f: {  	_ =	swait.ge [sflag:s9], $0x2000  }
0x240: {  	[sflag:s9] =	ssyncset.done $0x0  }
0x241: {  	[sflag:s9] =	ssyncadd.s32 $0xFFFFE000  }
0x242: {  	_ =	swait.ge [sflag:s9], $0x2000  }
0x243: {  	[sflag:s9] =	ssyncset.done $0x0  }
0x244: {  	[sflag:s9] =	ssyncadd.s32 $0xFFFFE000  }
0x245: {  	_ =	swait.ge [sflag:s9], $0x2000  }
0x246: {  	[sflag:s9] =	ssyncset.done $0x0  }
0x247: {  	s19 =	rddreg [dreg:$0xb];
	[sflag:s9] =	ssyncadd.s32 $0xFFFFE000  }
0x248: {  	[hbm4b:s19+s6] =	stream.strided.scatter [tilespmem:s4], [sflag:$0x4], $0xA000, s2, s6, $0x38;
	[tilespmem:$0x15900] =	vst v63  }
0x249: {  	_ =	swait.ge [sflag:s8], $0xA000  }
0x24a: {  	[sflag:s8] =	ssyncset.done $0x0  }
0x24b: {  	[sflag:s8] =	ssyncadd.s32 $0xFFFF6000  }
0x24c: {  	[tilespmem:s4], [sflag:$0x2] =	stream.indirect.gather [hbm4b:s3+s2], $0x40, s20, s2, $0xb8;
	[tilespmem:$0x15900] =	vst v63  }
0x24d: {  	_ = 	snop  }
0x24e: {  	[tilespmem:s11], [sflag:$0x2] =	stream.indirect.gather [hbm4b:s3+s2], $0x40, s21, s2, $0xb8;
	[tilespmem:$0x15900] =	vst v63  }
0x24f: {  	_ = 	snop  }
0x250: {  	[tilespmem:s12], [sflag:$0x2] =	stream.indirect.gather [hbm4b:s3+s2], $0x40, s22, s2, $0xb8;
	[tilespmem:$0x15900] =	vst v63  }
0x251: {  	_ = 	snop  }
0x252: {  	[tilespmem:s13], [sflag:$0x2] =	stream.indirect.gather [hbm4b:s3+s2], $0x40, s23, s2, $0xb8;
	[tilespmem:$0x15900] =	vst v63  }
0x253: {  	_ = 	snop  }
0x254: {  	[tilespmem:s14], [sflag:$0x2] =	stream.indirect.gather [hbm4b:s3+s2], $0x40, s24, s2, $0xb8;
	[tilespmem:$0x15900] =	vst v63  }
0x255: {  	_ =	swait.ge [sflag:s10], $0x2000  }
0x256: {  	[sflag:s10] =	ssyncset.done $0x0  }
0x257: {  	[sflag:s10] =	ssyncadd.s32 $0xFFFFE000  }
0x258: {  	_ =	swait.ge [sflag:s10], $0x2000  }
0x259: {  	[sflag:s10] =	ssyncset.done $0x0  }
0x25a: {  	[sflag:s10] =	ssyncadd.s32 $0xFFFFE000  }
0x25b: {  	_ =	swait.ge [sflag:s10], $0x2000  }
0x25c: {  	[sflag:s10] =	ssyncset.done $0x0  }
0x25d: {  	[sflag:s10] =	ssyncadd.s32 $0xFFFFE000  }
0x25e: {  	_ =	swait.ge [sflag:s10], $0x2000  }
0x25f: {  	[sflag:s10] =	ssyncset.done $0x0  }
0x260: {  	[sflag:s10] =	ssyncadd.s32 $0xFFFFE000  }
0x261: {  	_ =	swait.ge [sflag:s10], $0x2000  }
0x262: {  	[sflag:s10] =	ssyncset.done $0x0  }
0x263: {  	s19 =	rddreg [dreg:$0xc];
	[sflag:s10] =	ssyncadd.s32 $0xFFFFE000  }
0x264: {  	[hbm4b:s19+s6] =	stream.strided.scatter [tilespmem:s5], [sflag:$0x3], $0xA000, s2, s6, $0x38;
	[tilespmem:$0x15900] =	vst v63  }
0x265: {  	_ =	swait.ge [sflag:s9], $0x2000  }
0x266: {  	[sflag:s9] =	ssyncset.done $0x0  }
0x267: {  	[sflag:s9] =	ssyncadd.s32 $0xFFFFE000  }
0x268: {  	_ =	swait.ge [sflag:s9], $0x2000  }
0x269: {  	[sflag:s9] =	ssyncset.done $0x0  }
0x26a: {  	[sflag:s9] =	ssyncadd.s32 $0xFFFFE000  }
0x26b: {  	_ =	swait.ge [sflag:s9], $0x2000  }
0x26c: {  	[sflag:s9] =	ssyncset.done $0x0  }
0x26d: {  	[sflag:s9] =	ssyncadd.s32 $0xFFFFE000  }
0x26e: {  	_ =	swait.ge [sflag:s9], $0x2000  }
0x26f: {  	[sflag:s9] =	ssyncset.done $0x0  }
0x270: {  	[sflag:s9] =	ssyncadd.s32 $0xFFFFE000  }
0x271: {  	_ =	swait.ge [sflag:s9], $0x2000  }
0x272: {  	[sflag:s9] =	ssyncset.done $0x0  }
0x273: {  	p1 =	sne.s32 s1, $0x1;
	s19 =	rddreg [dreg:$0xd];
	[sflag:s9] =	ssyncadd.s32 $0xFFFFE000  }
0x274: {  	[hbm4b:s19+s6] =	stream.strided.scatter [tilespmem:s4], [sflag:$0x4], $0xA000, s2, s6, $0x38;
	[tilespmem:$0x15900] =	vst v63  }
.Ltmp2:
0x275: {  	_ =	swait.ge [sflag:s7], $0xA000;
	(pc) =	sbr.rel @p1 .LBB2_4-.Ltmp2, $4  }
0x276: {  	[sflag:s7] =	ssyncset.done $0x0  }
0x277: {  	[sflag:s7] =	ssyncadd.s32 $0xFFFF6000  }
0x278: {  	_ =	swait.ge [sflag:s8], $0xA000  }
0x279: {  	s1 =	sadd.s32 $0xFFFFFFFF, s1;
	s0 =	rddreg [dreg:$0x3];
	[sflag:s8] =	ssyncset.done $0x0  }
0x27a: {  	s24 =	simm.s32 $0x1600  }
0x27b: {  	s29 =	simm.s32 $0x1580;
	s28 =	simm.s32 $0x1500;
	s26 =	simm.s32 $0x1480  }
0x27c: {  	s25 =	simm.s32 $0x1400;
	s23 =	simm.s32 $0x1800;
	s22 =	simm.s32 $0x1780  }
0x27d: {  	s21 =	simm.s32 $0x1700;
	s20 =	simm.s32 $0x1680;
	s19 =	stileid.u32  }
.LBB2_6:
0x27e: {  	[sflag:s8] =	ssyncadd.s32 @p0 $0xFFFF6000  }
0x27f: {  	[tilespmem:s30], [sflag:$0x5] =	stream.linear.gather [hbm4b:s0+s30], $0x1900, $0x38;
	[tilespmem:$0x15900] =	vst v63  }
0x280: {  	_ =	swait.ge [sflag:s31], $0x1900  }
0x281: {  	[sflag:s31] =	ssyncset.done $0x0  }
0x282: {  	[sflag:s31] =	ssyncadd.s32 $0xFFFFE700  }
0x283: {  	[tilespmem:s5], [sflag:$0x1] =	stream.indirect.gather [hbm4b:s3+s2], $0x40, s30, s2, $0xb8;
	[tilespmem:$0x15900] =	vst v63  }
0x284: {  	_ = 	snop  }
0x285: {  	[tilespmem:s15], [sflag:$0x1] =	stream.indirect.gather [hbm4b:s3+s2], $0x40, s2, s2, $0xb8;
	[tilespmem:$0x15900] =	vst v63  }
0x286: {  	s31 =	rddreg [dreg:$0xe]  }
0x287: {  	[tilespmem:s16], [sflag:$0x1] =	stream.indirect.gather [hbm4b:s3+s2], $0x40, s31, s2, $0xb8;
	[tilespmem:$0x15900] =	vst v63  }
0x288: {  	s1 =	rddreg [dreg:$0xf]  }
0x289: {  	[tilespmem:s17], [sflag:$0x1] =	stream.indirect.gather [hbm4b:s3+s2], $0x40, s1, s2, $0xb8;
	[tilespmem:$0x15900] =	vst v63  }
0x28a: {  	s30 =	rddreg [dreg:$0x10]  }
0x28b: {  	[tilespmem:s18], [sflag:$0x1] =	stream.indirect.gather [hbm4b:s3+s2], $0x40, s30, s2, $0xb8;
	[tilespmem:$0x15900] =	vst v63  }
0x28c: {  	s31 =	rddreg [dreg:$0x11]  }
0x28d: {  	[tilespmem:s4], [sflag:$0x2] =	stream.indirect.gather [hbm4b:s3+s2], $0x40, s31, s2, $0xb8;
	[tilespmem:$0x15900] =	vst v63  }
0x28e: {  	s30 =	rddreg [dreg:$0x12]  }
0x28f: {  	[tilespmem:s11], [sflag:$0x2] =	stream.indirect.gather [hbm4b:s3+s2], $0x40, s30, s2, $0xb8;
	[tilespmem:$0x15900] =	vst v63  }
0x290: {  	s31 =	rddreg [dreg:$0x13]  }
0x291: {  	[tilespmem:s12], [sflag:$0x2] =	stream.indirect.gather [hbm4b:s3+s2], $0x40, s31, s2, $0xb8;
	[tilespmem:$0x15900] =	vst v63  }
0x292: {  	s30 =	rddreg [dreg:$0x14]  }
0x293: {  	[tilespmem:s13], [sflag:$0x2] =	stream.indirect.gather [hbm4b:s3+s2], $0x40, s30, s2, $0xb8;
	[tilespmem:$0x15900] =	vst v63  }
0x294: {  	s31 =	rddreg [dreg:$0x15]  }
0x295: {  	[tilespmem:s14], [sflag:$0x2] =	stream.indirect.gather [hbm4b:s3+s2], $0x40, s31, s2, $0xb8;
	[tilespmem:$0x15900] =	vst v63  }
0x296: {  	_ =	swait.ge [sflag:s10], $0x2000  }
0x297: {  	[sflag:s10] =	ssyncset.done $0x0  }
0x298: {  	[sflag:s10] =	ssyncadd.s32 $0xFFFFE000  }
0x299: {  	_ =	swait.ge [sflag:s10], $0x2000  }
0x29a: {  	[sflag:s10] =	ssyncset.done $0x0  }
0x29b: {  	[sflag:s10] =	ssyncadd.s32 $0xFFFFE000  }
0x29c: {  	_ =	swait.ge [sflag:s10], $0x2000  }
0x29d: {  	[sflag:s10] =	ssyncset.done $0x0  }
0x29e: {  	[sflag:s10] =	ssyncadd.s32 $0xFFFFE000  }
0x29f: {  	_ =	swait.ge [sflag:s10], $0x2000  }
0x2a0: {  	[sflag:s10] =	ssyncset.done $0x0  }
0x2a1: {  	[sflag:s10] =	ssyncadd.s32 $0xFFFFE000  }
0x2a2: {  	_ =	swait.ge [sflag:s10], $0x2000  }
0x2a3: {  	[sflag:s10] =	ssyncset.done $0x0  }
0x2a4: {  	s1 =	rddreg [dreg:$0x4];
	[sflag:s10] =	ssyncadd.s32 $0xFFFFE000  }
0x2a5: {  	[hbm4b:s1+s6] =	stream.strided.scatter [tilespmem:s5], [sflag:$0x3], $0xA000, s2, s6, $0x38;
	[tilespmem:$0x15900] =	vst v63  }
0x2a6: {  	_ =	swait.ge [sflag:s7], $0xA000  }
0x2a7: {  	[sflag:s7] =	ssyncset.done $0x0  }
0x2a8: {  	s30 =	rddreg [dreg:$0x16];
	[sflag:s7] =	ssyncadd.s32 $0xFFFF6000  }
0x2a9: {  	[tilespmem:s5], [sflag:$0x1] =	stream.indirect.gather [hbm4b:s3+s2], $0x40, s30, s2, $0xb8;
	[tilespmem:$0x15900] =	vst v63  }
0x2aa: {  	s31 =	rddreg [dreg:$0x17]  }
0x2ab: {  	[tilespmem:s15], [sflag:$0x1] =	stream.indirect.gather [hbm4b:s3+s2], $0x40, s31, s2, $0xb8;
	[tilespmem:$0x15900] =	vst v63  }
0x2ac: {  	s30 =	rddreg [dreg:$0x18]  }
0x2ad: {  	[tilespmem:s16], [sflag:$0x1] =	stream.indirect.gather [hbm4b:s3+s2], $0x40, s30, s2, $0xb8;
	[tilespmem:$0x15900] =	vst v63  }
0x2ae: {  	s31 =	rddreg [dreg:$0x19]  }
0x2af: {  	[tilespmem:s17], [sflag:$0x1] =	stream.indirect.gather [hbm4b:s3+s2], $0x40, s31, s2, $0xb8;
	[tilespmem:$0x15900] =	vst v63  }
0x2b0: {  	s30 =	rddreg [dreg:$0x1a]  }
0x2b1: {  	[tilespmem:s18], [sflag:$0x1] =	stream.indirect.gather [hbm4b:s3+s2], $0x40, s30, s2, $0xb8;
	[tilespmem:$0x15900] =	vst v63  }
0x2b2: {  	_ =	swait.ge [sflag:s9], $0x2000  }
0x2b3: {  	[sflag:s9] =	ssyncset.done $0x0  }
0x2b4: {  	[sflag:s9] =	ssyncadd.s32 $0xFFFFE000  }
0x2b5: {  	_ =	swait.ge [sflag:s9], $0x2000  }
0x2b6: {  	[sflag:s9] =	ssyncset.done $0x0  }
0x2b7: {  	[sflag:s9] =	ssyncadd.s32 $0xFFFFE000  }
0x2b8: {  	_ =	swait.ge [sflag:s9], $0x2000  }
0x2b9: {  	[sflag:s9] =	ssyncset.done $0x0  }
0x2ba: {  	[sflag:s9] =	ssyncadd.s32 $0xFFFFE000  }
0x2bb: {  	_ =	swait.ge [sflag:s9], $0x2000  }
0x2bc: {  	[sflag:s9] =	ssyncset.done $0x0  }
0x2bd: {  	[sflag:s9] =	ssyncadd.s32 $0xFFFFE000  }
0x2be: {  	_ =	swait.ge [sflag:s9], $0x2000  }
0x2bf: {  	[sflag:s9] =	ssyncset.done $0x0  }
0x2c0: {  	s31 =	rddreg [dreg:$0x5];
	[sflag:s9] =	ssyncadd.s32 $0xFFFFE000  }
0x2c1: {  	[hbm4b:s31+s6] =	stream.strided.scatter [tilespmem:s4], [sflag:$0x4], $0xA000, s2, s6, $0x38;
	[tilespmem:$0x15900] =	vst v63  }
0x2c2: {  	_ =	swait.ge [sflag:s8], $0xA000  }
0x2c3: {  	[sflag:s8] =	ssyncset.done $0x0  }
0x2c4: {  	s1 =	rddreg [dreg:$0x1b];
	[sflag:s8] =	ssyncadd.s32 $0xFFFF6000  }
0x2c5: {  	[tilespmem:s4], [sflag:$0x2] =	stream.indirect.gather [hbm4b:s3+s2], $0x40, s1, s2, $0xb8;
	[tilespmem:$0x15900] =	vst v63  }
0x2c6: {  	s30 =	rddreg [dreg:$0x1c]  }
0x2c7: {  	[tilespmem:s11], [sflag:$0x2] =	stream.indirect.gather [hbm4b:s3+s2], $0x40, s30, s2, $0xb8;
	[tilespmem:$0x15900] =	vst v63  }
0x2c8: {  	s31 =	rddreg [dreg:$0x1d]  }
0x2c9: {  	[tilespmem:s12], [sflag:$0x2] =	stream.indirect.gather [hbm4b:s3+s2], $0x40, s31, s2, $0xb8;
	[tilespmem:$0x15900] =	vst v63  }
0x2ca: {  	s30 =	rddreg [dreg:$0x1e]  }
0x2cb: {  	[tilespmem:s13], [sflag:$0x2] =	stream.indirect.gather [hbm4b:s3+s2], $0x40, s30, s2, $0xb8;
	[tilespmem:$0x15900] =	vst v63  }
0x2cc: {  	s31 =	rddreg [dreg:$0x1f]  }
0x2cd: {  	[tilespmem:s14], [sflag:$0x2] =	stream.indirect.gather [hbm4b:s3+s2], $0x40, s31, s2, $0xb8;
	[tilespmem:$0x15900] =	vst v63  }
0x2ce: {  	_ =	swait.ge [sflag:s10], $0x2000  }
0x2cf: {  	[sflag:s10] =	ssyncset.done $0x0  }
0x2d0: {  	[sflag:s10] =	ssyncadd.s32 $0xFFFFE000  }
0x2d1: {  	_ =	swait.ge [sflag:s10], $0x2000  }
0x2d2: {  	[sflag:s10] =	ssyncset.done $0x0  }
0x2d3: {  	[sflag:s10] =	ssyncadd.s32 $0xFFFFE000  }
0x2d4: {  	_ =	swait.ge [sflag:s10], $0x2000  }
0x2d5: {  	[sflag:s10] =	ssyncset.done $0x0  }
0x2d6: {  	[sflag:s10] =	ssyncadd.s32 $0xFFFFE000  }
0x2d7: {  	_ =	swait.ge [sflag:s10], $0x2000  }
0x2d8: {  	[sflag:s10] =	ssyncset.done $0x0  }
0x2d9: {  	[sflag:s10] =	ssyncadd.s32 $0xFFFFE000  }
0x2da: {  	_ =	swait.ge [sflag:s10], $0x2000  }
0x2db: {  	[sflag:s10] =	ssyncset.done $0x0  }
0x2dc: {  	s1 =	rddreg [dreg:$0x6];
	[sflag:s10] =	ssyncadd.s32 $0xFFFFE000  }
0x2dd: {  	[hbm4b:s1+s6] =	stream.strided.scatter [tilespmem:s5], [sflag:$0x3], $0xA000, s2, s6, $0x38;
	[tilespmem:$0x15900] =	vst v63  }
0x2de: {  	_ =	swait.ge [sflag:s7], $0xA000  }
0x2df: {  	s30 =	sld [smem:$0x7EA]  }
0x2e0: {  	[sflag:s7] =	ssyncset.done $0x0  }
0x2e1: {  	s31 =	sld [smem:$0x7EB];
	[sflag:s7] =	ssyncadd.s32 $0xFFFF6000  }
0x2e2: {  	[tilespmem:s5], [sflag:$0x1] =	stream.indirect.gather [hbm4b:s3+s2], $0x40, s30, s2, $0xb8;
	[tilespmem:$0x15900] =	vst v63  }
0x2e3: {  	s30 =	sld [smem:$0x7EC]  }
0x2e4: {  	[tilespmem:s15], [sflag:$0x1] =	stream.indirect.gather [hbm4b:s3+s2], $0x40, s31, s2, $0xb8;
	[tilespmem:$0x15900] =	vst v63  }
0x2e5: {  	s31 =	sld [smem:$0x7ED]  }
0x2e6: {  	[tilespmem:s16], [sflag:$0x1] =	stream.indirect.gather [hbm4b:s3+s2], $0x40, s30, s2, $0xb8;
	[tilespmem:$0x15900] =	vst v63  }
0x2e7: {  	s30 =	sld [smem:$0x7EE]  }
0x2e8: {  	[tilespmem:s17], [sflag:$0x1] =	stream.indirect.gather [hbm4b:s3+s2], $0x40, s31, s2, $0xb8;
	[tilespmem:$0x15900] =	vst v63  }
0x2e9: {  	_ = 	snop  }
0x2ea: {  	[tilespmem:s18], [sflag:$0x1] =	stream.indirect.gather [hbm4b:s3+s2], $0x40, s30, s2, $0xb8;
	[tilespmem:$0x15900] =	vst v63  }
0x2eb: {  	_ =	swait.ge [sflag:s9], $0x2000  }
0x2ec: {  	[sflag:s9] =	ssyncset.done $0x0  }
0x2ed: {  	[sflag:s9] =	ssyncadd.s32 $0xFFFFE000  }
0x2ee: {  	_ =	swait.ge [sflag:s9], $0x2000  }
0x2ef: {  	[sflag:s9] =	ssyncset.done $0x0  }
0x2f0: {  	[sflag:s9] =	ssyncadd.s32 $0xFFFFE000  }
0x2f1: {  	_ =	swait.ge [sflag:s9], $0x2000  }
0x2f2: {  	[sflag:s9] =	ssyncset.done $0x0  }
0x2f3: {  	[sflag:s9] =	ssyncadd.s32 $0xFFFFE000  }
0x2f4: {  	_ =	swait.ge [sflag:s9], $0x2000  }
0x2f5: {  	[sflag:s9] =	ssyncset.done $0x0  }
0x2f6: {  	[sflag:s9] =	ssyncadd.s32 $0xFFFFE000  }
0x2f7: {  	_ =	swait.ge [sflag:s9], $0x2000  }
0x2f8: {  	[sflag:s9] =	ssyncset.done $0x0  }
0x2f9: {  	s31 =	rddreg [dreg:$0x7];
	[sflag:s9] =	ssyncadd.s32 $0xFFFFE000  }
0x2fa: {  	[hbm4b:s31+s6] =	stream.strided.scatter [tilespmem:s4], [sflag:$0x4], $0xA000, s2, s6, $0x38;
	[tilespmem:$0x15900] =	vst v63  }
0x2fb: {  	_ =	swait.ge [sflag:s8], $0xA000  }
0x2fc: {  	s1 =	sld [smem:$0x7EF]  }
0x2fd: {  	[sflag:s8] =	ssyncset.done $0x0  }
0x2fe: {  	s30 =	sld [smem:$0x7F0];
	[sflag:s8] =	ssyncadd.s32 $0xFFFF6000  }
0x2ff: {  	[tilespmem:s4], [sflag:$0x2] =	stream.indirect.gather [hbm4b:s3+s2], $0x40, s1, s2, $0xb8;
	[tilespmem:$0x15900] =	vst v63  }
0x300: {  	s31 =	sld [smem:$0x7F1]  }
0x301: {  	[tilespmem:s11], [sflag:$0x2] =	stream.indirect.gather [hbm4b:s3+s2], $0x40, s30, s2, $0xb8;
	[tilespmem:$0x15900] =	vst v63  }
0x302: {  	s30 =	sld [smem:$0x7F2]  }
0x303: {  	[tilespmem:s12], [sflag:$0x2] =	stream.indirect.gather [hbm4b:s3+s2], $0x40, s31, s2, $0xb8;
	[tilespmem:$0x15900] =	vst v63  }
0x304: {  	s31 =	sld [smem:$0x7F3]  }
0x305: {  	[tilespmem:s13], [sflag:$0x2] =	stream.indirect.gather [hbm4b:s3+s2], $0x40, s30, s2, $0xb8;
	[tilespmem:$0x15900] =	vst v63  }
0x306: {  	_ = 	snop  }
0x307: {  	[tilespmem:s14], [sflag:$0x2] =	stream.indirect.gather [hbm4b:s3+s2], $0x40, s31, s2, $0xb8;
	[tilespmem:$0x15900] =	vst v63  }
0x308: {  	_ =	swait.ge [sflag:s10], $0x2000  }
0x309: {  	[sflag:s10] =	ssyncset.done $0x0  }
0x30a: {  	[sflag:s10] =	ssyncadd.s32 $0xFFFFE000  }
0x30b: {  	_ =	swait.ge [sflag:s10], $0x2000  }
0x30c: {  	[sflag:s10] =	ssyncset.done $0x0  }
0x30d: {  	[sflag:s10] =	ssyncadd.s32 $0xFFFFE000  }
0x30e: {  	_ =	swait.ge [sflag:s10], $0x2000  }
0x30f: {  	[sflag:s10] =	ssyncset.done $0x0  }
0x310: {  	[sflag:s10] =	ssyncadd.s32 $0xFFFFE000  }
0x311: {  	_ =	swait.ge [sflag:s10], $0x2000  }
0x312: {  	[sflag:s10] =	ssyncset.done $0x0  }
0x313: {  	[sflag:s10] =	ssyncadd.s32 $0xFFFFE000  }
0x314: {  	_ =	swait.ge [sflag:s10], $0x2000  }
0x315: {  	[sflag:s10] =	ssyncset.done $0x0  }
0x316: {  	s1 =	rddreg [dreg:$0x8];
	[sflag:s10] =	ssyncadd.s32 $0xFFFFE000  }
0x317: {  	[hbm4b:s1+s6] =	stream.strided.scatter [tilespmem:s5], [sflag:$0x3], $0xA000, s2, s6, $0x38;
	[tilespmem:$0x15900] =	vst v63  }
0x318: {  	_ =	swait.ge [sflag:s7], $0xA000  }
0x319: {  	s30 =	sld [smem:$0x7F4]  }
0x31a: {  	[sflag:s7] =	ssyncset.done $0x0  }
0x31b: {  	s31 =	sld [smem:$0x7F5];
	[sflag:s7] =	ssyncadd.s32 $0xFFFF6000  }
0x31c: {  	[tilespmem:s5], [sflag:$0x1] =	stream.indirect.gather [hbm4b:s3+s2], $0x40, s30, s2, $0xb8;
	[tilespmem:$0x15900] =	vst v63  }
0x31d: {  	s30 =	sld [smem:$0x7F6]  }
0x31e: {  	[tilespmem:s15], [sflag:$0x1] =	stream.indirect.gather [hbm4b:s3+s2], $0x40, s31, s2, $0xb8;
	[tilespmem:$0x15900] =	vst v63  }
0x31f: {  	s31 =	sld [smem:$0x7F7]  }
0x320: {  	[tilespmem:s16], [sflag:$0x1] =	stream.indirect.gather [hbm4b:s3+s2], $0x40, s30, s2, $0xb8;
	[tilespmem:$0x15900] =	vst v63  }
0x321: {  	s30 =	sld [smem:$0x7F8]  }
0x322: {  	[tilespmem:s17], [sflag:$0x1] =	stream.indirect.gather [hbm4b:s3+s2], $0x40, s31, s2, $0xb8;
	[tilespmem:$0x15900] =	vst v63  }
0x323: {  	_ = 	snop  }
0x324: {  	[tilespmem:s18], [sflag:$0x1] =	stream.indirect.gather [hbm4b:s3+s2], $0x40, s30, s2, $0xb8;
	[tilespmem:$0x15900] =	vst v63  }
0x325: {  	_ =	swait.ge [sflag:s9], $0x2000  }
0x326: {  	[sflag:s9] =	ssyncset.done $0x0  }
0x327: {  	[sflag:s9] =	ssyncadd.s32 $0xFFFFE000  }
0x328: {  	_ =	swait.ge [sflag:s9], $0x2000  }
0x329: {  	[sflag:s9] =	ssyncset.done $0x0  }
0x32a: {  	[sflag:s9] =	ssyncadd.s32 $0xFFFFE000  }
0x32b: {  	_ =	swait.ge [sflag:s9], $0x2000  }
0x32c: {  	[sflag:s9] =	ssyncset.done $0x0  }
0x32d: {  	[sflag:s9] =	ssyncadd.s32 $0xFFFFE000  }
0x32e: {  	_ =	swait.ge [sflag:s9], $0x2000  }
0x32f: {  	[sflag:s9] =	ssyncset.done $0x0  }
0x330: {  	[sflag:s9] =	ssyncadd.s32 $0xFFFFE000  }
0x331: {  	_ =	swait.ge [sflag:s9], $0x2000  }
0x332: {  	[sflag:s9] =	ssyncset.done $0x0  }
0x333: {  	s31 =	rddreg [dreg:$0x9];
	[sflag:s9] =	ssyncadd.s32 $0xFFFFE000  }
0x334: {  	[hbm4b:s31+s6] =	stream.strided.scatter [tilespmem:s4], [sflag:$0x4], $0xA000, s2, s6, $0x38;
	[tilespmem:$0x15900] =	vst v63  }
0x335: {  	_ =	swait.ge [sflag:s8], $0xA000  }
0x336: {  	s1 =	sld [smem:$0x7F9]  }
0x337: {  	[sflag:s8] =	ssyncset.done $0x0  }
0x338: {  	s30 =	sld [smem:$0x7FA];
	[sflag:s8] =	ssyncadd.s32 $0xFFFF6000  }
0x339: {  	[tilespmem:s4], [sflag:$0x2] =	stream.indirect.gather [hbm4b:s3+s2], $0x40, s1, s2, $0xb8;
	[tilespmem:$0x15900] =	vst v63  }
0x33a: {  	s31 =	sld [smem:$0x7FB]  }
0x33b: {  	[tilespmem:s11], [sflag:$0x2] =	stream.indirect.gather [hbm4b:s3+s2], $0x40, s30, s2, $0xb8;
	[tilespmem:$0x15900] =	vst v63  }
0x33c: {  	s30 =	sld [smem:$0x7FC]  }
0x33d: {  	[tilespmem:s12], [sflag:$0x2] =	stream.indirect.gather [hbm4b:s3+s2], $0x40, s31, s2, $0xb8;
	[tilespmem:$0x15900] =	vst v63  }
0x33e: {  	s31 =	sld [smem:$0x7FD]  }
0x33f: {  	[tilespmem:s13], [sflag:$0x2] =	stream.indirect.gather [hbm4b:s3+s2], $0x40, s30, s2, $0xb8;
	[tilespmem:$0x15900] =	vst v63  }
0x340: {  	_ = 	snop  }
0x341: {  	[tilespmem:s14], [sflag:$0x2] =	stream.indirect.gather [hbm4b:s3+s2], $0x40, s31, s2, $0xb8;
	[tilespmem:$0x15900] =	vst v63  }
0x342: {  	_ =	swait.ge [sflag:s10], $0x2000  }
0x343: {  	[sflag:s10] =	ssyncset.done $0x0  }
0x344: {  	[sflag:s10] =	ssyncadd.s32 $0xFFFFE000  }
0x345: {  	_ =	swait.ge [sflag:s10], $0x2000  }
0x346: {  	[sflag:s10] =	ssyncset.done $0x0  }
0x347: {  	[sflag:s10] =	ssyncadd.s32 $0xFFFFE000  }
0x348: {  	_ =	swait.ge [sflag:s10], $0x2000  }
0x349: {  	[sflag:s10] =	ssyncset.done $0x0  }
0x34a: {  	[sflag:s10] =	ssyncadd.s32 $0xFFFFE000  }
0x34b: {  	_ =	swait.ge [sflag:s10], $0x2000  }
0x34c: {  	[sflag:s10] =	ssyncset.done $0x0  }
0x34d: {  	[sflag:s10] =	ssyncadd.s32 $0xFFFFE000  }
0x34e: {  	_ =	swait.ge [sflag:s10], $0x2000  }
0x34f: {  	[sflag:s10] =	ssyncset.done $0x0  }
0x350: {  	s1 =	rddreg [dreg:$0xa];
	[sflag:s10] =	ssyncadd.s32 $0xFFFFE000  }
0x351: {  	[hbm4b:s1+s6] =	stream.strided.scatter [tilespmem:s5], [sflag:$0x3], $0xA000, s2, s6, $0x38;
	[tilespmem:$0x15900] =	vst v63  }
0x352: {  	_ =	swait.ge [sflag:s7], $0xA000  }
0x353: {  	[sflag:s7] =	ssyncset.done $0x0  }
0x354: {  	[sflag:s7] =	ssyncadd.s32 $0xFFFF6000  }
0x355: {  	[tilespmem:s5], [sflag:$0x1] =	stream.indirect.gather [hbm4b:s3+s2], $0x40, s25, s2, $0xb8;
	[tilespmem:$0x15900] =	vst v63  }
0x356: {  	_ = 	snop  }
0x357: {  	[tilespmem:s15], [sflag:$0x1] =	stream.indirect.gather [hbm4b:s3+s2], $0x40, s26, s2, $0xb8;
	[tilespmem:$0x15900] =	vst v63  }
0x358: {  	_ = 	snop  }
0x359: {  	[tilespmem:s16], [sflag:$0x1] =	stream.indirect.gather [hbm4b:s3+s2], $0x40, s28, s2, $0xb8;
	[tilespmem:$0x15900] =	vst v63  }
0x35a: {  	_ = 	snop  }
0x35b: {  	[tilespmem:s17], [sflag:$0x1] =	stream.indirect.gather [hbm4b:s3+s2], $0x40, s29, s2, $0xb8;
	[tilespmem:$0x15900] =	vst v63  }
0x35c: {  	_ = 	snop  }
0x35d: {  	[tilespmem:s18], [sflag:$0x1] =	stream.indirect.gather [hbm4b:s3+s2], $0x40, s24, s2, $0xb8;
	[tilespmem:$0x15900] =	vst v63  }
0x35e: {  	_ =	swait.ge [sflag:s9], $0x2000  }
0x35f: {  	[sflag:s9] =	ssyncset.done $0x0  }
0x360: {  	[sflag:s9] =	ssyncadd.s32 $0xFFFFE000  }
0x361: {  	_ =	swait.ge [sflag:s9], $0x2000  }
0x362: {  	[sflag:s9] =	ssyncset.done $0x0  }
0x363: {  	[sflag:s9] =	ssyncadd.s32 $0xFFFFE000  }
0x364: {  	_ =	swait.ge [sflag:s9], $0x2000  }
0x365: {  	[sflag:s9] =	ssyncset.done $0x0  }
0x366: {  	[sflag:s9] =	ssyncadd.s32 $0xFFFFE000  }
0x367: {  	_ =	swait.ge [sflag:s9], $0x2000  }
0x368: {  	[sflag:s9] =	ssyncset.done $0x0  }
0x369: {  	[sflag:s9] =	ssyncadd.s32 $0xFFFFE000  }
0x36a: {  	_ =	swait.ge [sflag:s9], $0x2000  }
0x36b: {  	[sflag:s9] =	ssyncset.done $0x0  }
0x36c: {  	s28 =	rddreg [dreg:$0xb];
	[sflag:s9] =	ssyncadd.s32 $0xFFFFE000  }
0x36d: {  	[hbm4b:s28+s6] =	stream.strided.scatter [tilespmem:s4], [sflag:$0x4], $0xA000, s2, s6, $0x38;
	[tilespmem:$0x15900] =	vst v63  }
0x36e: {  	_ =	swait.ge [sflag:s8], $0xA000  }
0x36f: {  	[sflag:s8] =	ssyncset.done $0x0  }
0x370: {  	[sflag:s8] =	ssyncadd.s32 $0xFFFF6000  }
0x371: {  	[tilespmem:s4], [sflag:$0x2] =	stream.indirect.gather [hbm4b:s3+s2], $0x40, s20, s2, $0xb8;
	[tilespmem:$0x15900] =	vst v63  }
0x372: {  	_ = 	snop  }
0x373: {  	[tilespmem:s11], [sflag:$0x2] =	stream.indirect.gather [hbm4b:s3+s2], $0x40, s21, s2, $0xb8;
	[tilespmem:$0x15900] =	vst v63  }
0x374: {  	_ = 	snop  }
0x375: {  	[tilespmem:s12], [sflag:$0x2] =	stream.indirect.gather [hbm4b:s3+s2], $0x40, s22, s2, $0xb8;
	[tilespmem:$0x15900] =	vst v63  }
0x376: {  	_ = 	snop  }
0x377: {  	[tilespmem:s13], [sflag:$0x2] =	stream.indirect.gather [hbm4b:s3+s2], $0x40, s23, s2, $0xb8;
	[tilespmem:$0x15900] =	vst v63  }
0x378: {  	s29 =	simm.s32 $0x1880  }
0x379: {  	[tilespmem:s14], [sflag:$0x2] =	stream.indirect.gather [hbm4b:s3+s2], $0x40, s29, s2, $0xb8;
	[tilespmem:$0x15900] =	vst v63  }
0x37a: {  	_ =	swait.ge [sflag:s10], $0x2000  }
0x37b: {  	[sflag:s10] =	ssyncset.done $0x0  }
0x37c: {  	[sflag:s10] =	ssyncadd.s32 $0xFFFFE000  }
0x37d: {  	_ =	swait.ge [sflag:s10], $0x2000  }
0x37e: {  	[sflag:s10] =	ssyncset.done $0x0  }
0x37f: {  	[sflag:s10] =	ssyncadd.s32 $0xFFFFE000  }
0x380: {  	_ =	swait.ge [sflag:s10], $0x2000  }
0x381: {  	[sflag:s10] =	ssyncset.done $0x0  }
0x382: {  	[sflag:s10] =	ssyncadd.s32 $0xFFFFE000  }
0x383: {  	_ =	swait.ge [sflag:s10], $0x2000  }
0x384: {  	[sflag:s10] =	ssyncset.done $0x0  }
0x385: {  	[sflag:s10] =	ssyncadd.s32 $0xFFFFE000  }
0x386: {  	_ =	swait.ge [sflag:s10], $0x2000  }
0x387: {  	[sflag:s10] =	ssyncset.done $0x0  }
0x388: {  	s30 =	rddreg [dreg:$0xc];
	[sflag:s10] =	ssyncadd.s32 $0xFFFFE000  }
0x389: {  	[hbm4b:s30+s6] =	stream.strided.scatter [tilespmem:s5], [sflag:$0x3], $0xA000, s2, s6, $0x38;
	[tilespmem:$0x15900] =	vst v63  }
0x38a: {  	_ =	swait.ge [sflag:s9], $0x2000  }
0x38b: {  	[sflag:s9] =	ssyncset.done $0x0  }
0x38c: {  	[sflag:s9] =	ssyncadd.s32 $0xFFFFE000  }
0x38d: {  	_ =	swait.ge [sflag:s9], $0x2000  }
0x38e: {  	[sflag:s9] =	ssyncset.done $0x0  }
0x38f: {  	[sflag:s9] =	ssyncadd.s32 $0xFFFFE000  }
0x390: {  	_ =	swait.ge [sflag:s9], $0x2000  }
0x391: {  	[sflag:s9] =	ssyncset.done $0x0  }
0x392: {  	[sflag:s9] =	ssyncadd.s32 $0xFFFFE000  }
0x393: {  	_ =	swait.ge [sflag:s9], $0x2000  }
0x394: {  	[sflag:s9] =	ssyncset.done $0x0  }
0x395: {  	[sflag:s9] =	ssyncadd.s32 $0xFFFFE000  }
0x396: {  	_ =	swait.ge [sflag:s9], $0x2000  }
0x397: {  	[sflag:s9] =	ssyncset.done $0x0  }
0x398: {  	s31 =	rddreg [dreg:$0xd];
	[sflag:s9] =	ssyncadd.s32 $0xFFFFE000  }
0x399: {  	[hbm4b:s31+s6] =	stream.strided.scatter [tilespmem:s4], [sflag:$0x4], $0xA000, s2, s6, $0x38;
	[tilespmem:$0x15900] =	vst v63  }
0x39a: {  	_ =	swait.ge [sflag:s7], $0xA000  }
0x39b: {  	[sflag:s7] =	ssyncset.done $0x0  }
0x39c: {  	[sflag:s7] =	ssyncadd.s32 $0xFFFF6000  }
0x39d: {  	_ =	swait.ge [sflag:s8], $0xA000  }
0x39e: {  	[sflag:s8] =	ssyncset.done $0x0  }
0x39f: {  	[sflag:s8] =	ssyncadd.s32 $0xFFFF6000  }
0x3a0: {  	_ =	sfence.sel $0x180000  }
0x3a1: {  	[bflag:$0x0] =	sbarrier.arrive $0xFFFF  }
0x3a2: {  	_ =	strace $0x9000004A  }
0x3a3: {  	[bflag:$0x2] =	sbarrier.arrive $0xFFFF  }
0x3a4: {  	p0 =	sne.s32 s19, $0x0;
	s0 =	rddreg [dreg:$0x2]  }
0x3a5: {  	s0 =	sadd.s32 @!p0 $0x100000, s0  }
0x3a6: {  	[sflag:s0] =	ssyncadd.tile.s32 @!p0 $0x1;
	_ =	shalt  }
.LBB2_1:
.Ltmp3:
0x3a7: {  	(pc) =	sbr.rel .LBB2_6-.Ltmp3, $4  }
0x3a8: {  	_ = 	snop  }
0x3a9: {  	s24 =	simm.s32 $0x1600;
	s29 =	simm.s32 $0x1580;
	s28 =	simm.s32 $0x1500  }
0x3aa: {  	s26 =	simm.s32 $0x1480;
	s25 =	simm.s32 $0x1400;
	s23 =	simm.s32 $0x1800  }
0x3ab: {  	s22 =	simm.s32 $0x1780;
	s21 =	simm.s32 $0x1700;
	s20 =	simm.s32 $0x1680  }
.LBB2_3:
.Ltmp4:
0x3ac: {  	(pc) =	sbr.rel .LBB2_6-.Ltmp4, $4  }
0x3ad: {  	s24 =	simm.s32 $0x1600  }
0x3ae: {  	s29 =	simm.s32 $0x1580;
	s28 =	simm.s32 $0x1500;
	s26 =	simm.s32 $0x1480  }
0x3af: {  	s25 =	simm.s32 $0x1400;
	s23 =	simm.s32 $0x1800;
	s22 =	simm.s32 $0x1780  }
0x3b0: {  	s21 =	simm.s32 $0x1700;
	s20 =	simm.s32 $0x1680;
	s19 =	stileid.u32  }
.Lfunc_end2:
_tile_overlayer_lowered:
.L_overlay_start_2:
0x3b1: {  	(tag) =	ssettag $0x2  }
0x3b2: {  	s0 =	rddreg [dreg:$0x0];
	s2 =	stileid.u32  }
0x3b3: {  	s1 =	rddreg [dreg:$0x1];
	p0 =	sne.s32 s2, $0x0  }
0x3b4: {  	s3 =	rddreg [dreg:$0x2];
	[bflag:$0x3] =	sbarrier.arrive $0xFFFF;
	s2 =	simm.s32 @!p0 $0x1C05  }
0x3b5: {  	[timem:s3], [sflag:s2] =	dma.local @!p0 [hbm:s0], s1  }
0x3b6: {  	s0 =	simm.s32 @!p0 $0x5  }
0x3b7: {  	_ =	swait.ge @!p0 [sflag:s0], s1  }
0x3b8: {  	s1 =	ssub.s32 @!p0 $0x0, s1;
	[sflag:s0] =	ssyncset.done @!p0 $0x0  }
0x3b9: {  	[sflag:s0] =	ssyncadd.s32 @!p0 s1  }
0x3ba: {  	[bflag:$0x3] =	sbarrier.arrive $0xFFFF  }
0x3bb: {  	_ =	shalt  }

</sc_bundles>
